<compile_context>
chip_gen: v7x
topology: tpu7x:2x2x1
jax: 0.10.2.dev20260603
libtpu: 0.0.44.dev20260713+nightly
codegen_flags: <defaults>
</compile_context>

<pallas_src>
import functools

import jax
import jax.numpy as jnp
from jax import lax
from jax.experimental import pallas as pl
from jax.experimental.pallas import tpu as pltpu
from jax.experimental.pallas import tpu_sc as plsc

N = 10000
E = 320000
H = 128
ZW = 1024

NC = 2
NS = 16
NW = NC * NS
EPW = 10112
E_P = EPW * NW
RPB = 624
RPC = 640

_MESH = plsc.VectorSubcoreMesh(core_axis_name="c", subcore_axis_name="s")


def _unpack(p16):
    s16 = jnp.right_shift(p16, 17)
    d16 = jnp.bitwise_and(jnp.right_shift(p16, 3), 16383)
    e16 = jnp.bitwise_and(p16, 7)
    return s16, d16, e16


def _hist_body(pk_h, norm_h, ntype_h, zeros_h, out_h,
               pk_v, norm_v, nt_v, fidx_v, acc):
    c = lax.axis_index("c")
    s = lax.axis_index("s")
    wid = s * NC + c
    base = wid * EPW

    pltpu.sync_copy(pk_h.at[pl.ds(base, EPW)], pk_v)
    pltpu.sync_copy(norm_h.at[pl.ds(base, EPW)], norm_v)
    pltpu.sync_copy(ntype_h, nt_v)

    seg = (N * H) // NS
    pltpu.sync_copy(zeros_h.at[pl.ds(s * seg, seg)], acc.at[pl.ds(s * seg, seg)])
    plsc.subcore_barrier()

    def body(g, carry):
        o = g * 128
        for k in range(8):
            s16, d16, e16 = _unpack(pk_v[pl.ds(o + k * 16, 16)])
            nt16 = plsc.load_gather(nt_v, [s16])
            fidx_v[pl.ds(k * 16, 16)] = d16 * H + e16 * 16 + nt16
        pltpu.sync_copy(norm_v.at[pl.ds(o, 128)], acc.at[fidx_v], add=True)
        return carry

    lax.fori_loop(0, EPW // 128, body, 0)
    plsc.subcore_barrier()
    pltpu.sync_copy(acc.at[pl.ds(s * seg, seg)], out_h.at[c, pl.ds(s * seg, seg)])


_SC_PARAMS = pltpu.CompilerParams(needs_layout_passes=False)

_hist = pl.kernel(
    _hist_body,
    out_type=jax.ShapeDtypeStruct((NC, N * H), jnp.float32),
    mesh=_MESH,
    compiler_params=_SC_PARAMS,
    scratch_types=[
        pltpu.VMEM((EPW,), jnp.int32),
        pltpu.VMEM((EPW,), jnp.float32),
        pltpu.VMEM((N,), jnp.int32),
        pltpu.VMEM((128,), jnp.int32),
        pltpu.VMEM_SHARED((N * H,), jnp.float32),
    ],
)


def _bag_body(pk_h, norm_h, z_h, zeros_h, out_h,
              pk_v, norm_v, rows0, rows1, out0, out1,
              sem0, sem1, acc):
    c = lax.axis_index("c")
    s = lax.axis_index("s")
    wid = s * NC + c
    base = wid * EPW

    pltpu.sync_copy(pk_h.at[pl.ds(base, EPW)], pk_v)
    pltpu.sync_copy(norm_h.at[pl.ds(base, EPW)], norm_v)
    pltpu.sync_copy(zeros_h.at[pl.ds(s * RPB, RPC)], acc.at[pl.ds(s * RPB, RPC)])
    plsc.subcore_barrier()

    def gather(o, rows, sem):
        p16 = pk_v[pl.ds(o, 16)]
        idx = jnp.right_shift(p16, 17) * 8 + jnp.bitwise_and(p16, 7)
        pltpu.async_copy(z_h.at[idx], rows, sem)

    def wait(rows, sem):
        pltpu.make_async_copy(z_h.at[pl.ds(0, 16)], rows, sem).wait()

    def combine_scatter(o, rows, out_v):
        d16 = jnp.bitwise_and(jnp.right_shift(pk_v[pl.ds(o, 16)], 3), 16383)
        n16 = norm_v[pl.ds(o, 16)]
        for e in range(16):
            ne = n16[e]
            for j in range(8):
                jo = j * 16
                out_v[e, pl.ds(jo, 16)] = ne * rows[e, pl.ds(jo, 16)]
        pltpu.sync_copy(out_v, acc.at[d16], add=True)

    gather(0, rows0, sem0)

    def pair(i, carry):
        o0 = i * 32
        gather(o0 + 16, rows1, sem1)
        wait(rows0, sem0)
        combine_scatter(o0, rows0, out0)
        gather(jnp.minimum(o0 + 32, EPW - 32), rows0, sem0)
        wait(rows1, sem1)
        combine_scatter(o0 + 16, rows1, out1)
        return carry

    lax.fori_loop(0, EPW // 32, pair, 0)
    wait(rows0, sem0)

    plsc.subcore_barrier()
    pltpu.sync_copy(acc.at[pl.ds(s * RPB, RPC)], out_h.at[c, pl.ds(s * RPB, RPC)])


_bag = pl.kernel(
    _bag_body,
    out_type=jax.ShapeDtypeStruct((NC, N, H), jnp.float32),
    mesh=_MESH,
    compiler_params=_SC_PARAMS,
    scratch_types=[
        pltpu.VMEM((EPW,), jnp.int32),
        pltpu.VMEM((EPW,), jnp.float32),
        pltpu.VMEM((16, H), jnp.float32),
        pltpu.VMEM((16, H), jnp.float32),
        pltpu.VMEM((16, H), jnp.float32),
        pltpu.VMEM((16, H), jnp.float32),
        pltpu.SemaphoreType.DMA,
        pltpu.SemaphoreType.DMA,
        pltpu.VMEM_SHARED((N, H), jnp.float32),
    ],
)


NBLK = 10
BLK = N // NBLK


def _mid_body(w_ref, emb_ref, b0_ref, wc0_ref, b1_ref, wc1_ref, q_ref, m0, w1s):
    i = pl.program_id(0)

    @pl.when(i == 0)
    def _():
        for r in range(8):
            w0r = (wc0_ref[r, 0] * b0_ref[0] + wc0_ref[r, 1] * b0_ref[1]
                   + wc0_ref[r, 2] * b0_ref[2] + wc0_ref[r, 3] * b0_ref[3])
            m0[pl.ds(r * 16, 16), :] = jnp.dot(
                emb_ref[...], w0r, preferred_element_type=jnp.float32)
            w1s[r] = (wc1_ref[r, 0] * b1_ref[0] + wc1_ref[r, 1] * b1_ref[1]
                      + wc1_ref[r, 2] * b1_ref[2] + wc1_ref[r, 3] * b1_ref[3])

    h = jax.nn.relu(jnp.dot(w_ref[0] + w_ref[1], m0[...],
                            preferred_element_type=jnp.float32))
    for r in range(8):
        q_ref[:, pl.ds(r * H, H)] = jnp.dot(h, w1s[r],
                                            preferred_element_type=jnp.float32)


def _mid(wmat2, emb, b0, wc0, b1, wc1):
    return pl.pallas_call(
        _mid_body,
        grid=(NBLK,),
        in_specs=[
            pl.BlockSpec((NC, BLK, H), lambda i: (0, i, 0)),
            pl.BlockSpec((16, H), lambda i: (0, 0)),
            pl.BlockSpec((4, H, H), lambda i: (0, 0, 0)),
            pl.BlockSpec(memory_space=pltpu.SMEM),
            pl.BlockSpec((4, H, H), lambda i: (0, 0, 0)),
            pl.BlockSpec(memory_space=pltpu.SMEM),
        ],
        out_specs=pl.BlockSpec((BLK, ZW), lambda i: (i, 0)),
        out_shape=jax.ShapeDtypeStruct((N, ZW), jnp.float32),
        scratch_shapes=[pltpu.VMEM((H, H), jnp.float32),
                        pltpu.VMEM((8, H, H), jnp.float32)],
    )(wmat2, emb, b0, wc0, b1, wc1)


def _final_body(a_ref, sk_ref, wout_ref, bout_ref, o_ref, mx):
    i = pl.program_id(0)

    @pl.when(i == 0)
    def _():
        mx[...] = jnp.zeros_like(mx)

    h = jax.nn.relu(a_ref[0] + a_ref[1])
    part = jnp.max(h.reshape(BLK // 8, 8, H), axis=0)
    mx[...] = jnp.maximum(mx[...], part)

    @pl.when(i == NBLK - 1)
    def _():
        g = jnp.max(mx[...], axis=0, keepdims=True)
        colsum = jnp.sum(sk_ref[...], axis=0, keepdims=True)
        scores = lax.dot_general(
            g, colsum, (((0,), (0,)), ((), ())),
            preferred_element_type=jnp.float32) * (1.0 / (H ** 0.5))
        m_ = jnp.max(scores, axis=1, keepdims=True)
        ex = jnp.exp(scores - m_)
        p = ex / jnp.sum(ex, axis=1, keepdims=True)
        zcol = lax.dot_general(p, colsum, (((1,), (1,)), ((), ())),
                               preferred_element_type=jnp.float32)
        out = (jnp.dot(g, wout_ref[...], preferred_element_type=jnp.float32)
               + lax.dot_general(zcol, wout_ref[...], (((0,), (0,)), ((), ())),
                                 preferred_element_type=jnp.float32)
               + bout_ref[...])
        o_ref[...] = out


def _final(acc2, sk, wout, bout2d):
    return pl.pallas_call(
        _final_body,
        grid=(NBLK,),
        in_specs=[
            pl.BlockSpec((NC, BLK, H), lambda i: (0, i, 0)),
            pl.BlockSpec((8, H), lambda i: (0, 0)),
            pl.BlockSpec((H, H), lambda i: (0, 0)),
            pl.BlockSpec((1, H), lambda i: (0, 0)),
        ],
        out_specs=pl.BlockSpec((1, H), lambda i: (0, 0)),
        out_shape=jax.ShapeDtypeStruct((1, H), jnp.float32),
        scratch_shapes=[pltpu.VMEM((8, H), jnp.float32)],
    )(acc2, sk, wout, bout2d)


def kernel(node_type, edge_index, edge_type, norm, sketchs, emb_table,
           bases0, w_comp0, bases1, w_comp1, W_out, b_out):
    src = edge_index[0].astype(jnp.int32)
    dst = edge_index[1].astype(jnp.int32)
    et = edge_type.astype(jnp.int32)
    nt = node_type.astype(jnp.int32)
    nrm = norm.reshape(E)
    packed = jnp.bitwise_or(
        jnp.left_shift(src, 17),
        jnp.bitwise_or(jnp.left_shift(dst, 3), et))
    pad_idx = jnp.arange(E_P - E, dtype=jnp.int32) % N
    pad_packed = jnp.bitwise_or(jnp.left_shift(pad_idx, 17),
                                jnp.left_shift(pad_idx, 3))
    packed = jnp.concatenate([packed, pad_packed])
    nrm = jnp.concatenate([nrm, jnp.zeros((E_P - E,), jnp.float32)])

    zeros_flat = jnp.zeros((N * H,), jnp.float32)
    wmat2 = _hist(packed, nrm, nt, zeros_flat)
    wmat2 = wmat2.reshape(NC, N, H)

    z = _mid(wmat2, emb_table, bases0, w_comp0, bases1, w_comp1)
    z = z.reshape(N * 8, H)

    zeros2d = jnp.zeros((N, H), jnp.float32)
    acc2 = _bag(packed, nrm, z, zeros2d)

    return _final(acc2, sketchs, W_out, b_out.reshape(1, H))

# --- scband reference (transcript-rebuilt; emitter-appended) ---
"""Pipeline reference for scband-base-rgcn-2791728742873 (READ-ONLY COPY).

The authoritative reference and input builder live on the scoring server;
editing this copy changes nothing except your own understanding.
"""

import jax, jax.numpy as jnp
import numpy as np

N = 10000
E = 320000
NUM_NTYPES = 16
NUM_RELS = 8
NUM_BASES = 4
I_DIM = 128
H_DIM = 128
OUT_DIM = 128
S = 8


def setup_inputs(seed: int = 0) -> dict:
    key = jax.random.key(seed)
    ks = jax.random.split(key, 12)
    node_type = jax.random.randint(ks[0], (N,), 0, NUM_NTYPES)
    edge_index = jax.random.randint(ks[1], (2, E), 0, N)
    edge_type = jax.random.randint(ks[2], (E,), 0, NUM_RELS)
    norm = jax.random.uniform(ks[3], (E, 1), dtype=jnp.float32)
    sketchs = jax.random.normal(ks[4], (S, H_DIM), dtype=jnp.float32)
    # learned parameters
    emb_table = jax.random.normal(ks[5], (NUM_NTYPES, I_DIM), dtype=jnp.float32) * 0.02
    bases0 = jax.random.normal(ks[6], (NUM_BASES, I_DIM, H_DIM), dtype=jnp.float32) * (1.0 / np.sqrt(I_DIM))
    w_comp0 = jax.random.normal(ks[7], (NUM_RELS, NUM_BASES), dtype=jnp.float32) * (1.0 / np.sqrt(NUM_BASES))
    bases1 = jax.random.normal(ks[8], (NUM_BASES, H_DIM, H_DIM), dtype=jnp.float32) * (1.0 / np.sqrt(H_DIM))
    w_comp1 = jax.random.normal(ks[9], (NUM_RELS, NUM_BASES), dtype=jnp.float32) * (1.0 / np.sqrt(NUM_BASES))
    W_out = jax.random.normal(ks[10], (H_DIM, OUT_DIM), dtype=jnp.float32) * (1.0 / np.sqrt(H_DIM))
    b_out = jnp.zeros((OUT_DIM,), dtype=jnp.float32)
    return {
        "node_type": node_type, "edge_index": edge_index, "edge_type": edge_type,
        "norm": norm, "sketchs": sketchs, "emb_table": emb_table,
        "bases0": bases0, "w_comp0": w_comp0, "bases1": bases1, "w_comp1": w_comp1,
        "W_out": W_out, "b_out": b_out,
    }


def _rgcn_layer(h, src, dst, edge_type, norm, bases, w_comp, num_nodes):
    # basis-decomposition RelGraphConv (RGCN hidden layer)
    hb = jnp.einsum('ni,bio->nbo', h, bases)          # [N, B, out]
    coef = w_comp[edge_type]                           # [E, B] (gather)
    msg = jnp.einsum('eb,ebo->eo', coef, hb[src])      # [E, out] (gather + combine)
    msg = msg * norm                                   # edge norm
    agg = jax.ops.segment_sum(msg, dst, num_segments=num_nodes)  # scatter-add
    return jax.nn.relu(agg)


def reference(node_type, edge_index, edge_type, norm, sketchs, emb_table,
              bases0, w_comp0, bases1, w_comp1, W_out, b_out):
    src = edge_index[0]
    dst = edge_index[1]
    num_nodes = node_type.shape[0]
    # h = self.embedding(g.ndata['node_type'])
    h = jnp.take(emb_table, node_type, axis=0)
    # hidden RGCN layers: h = layer(g, h, type, norm)
    h = _rgcn_layer(h, src, dst, edge_type, norm, bases0, w_comp0, num_nodes)
    h = _rgcn_layer(h, src, dst, edge_type, norm, bases1, w_comp1, num_nodes)
    # graph_h, index = torch.max(h, 0, True)
    graph_h = jnp.max(h, axis=0, keepdims=True)        # [1, H]
    # sketchs_tensor = torch.stack(sketchs, dim=0) -> already stacked [S, H]
    sk = sketchs
    # graph_h_expanded = graph_h.unsqueeze(0).repeat(1, S, 1) -> [1, S, H]
    q = jnp.broadcast_to(graph_h[None, :, :], (1, sk.shape[0], graph_h.shape[-1]))
    # ScaledDotProductAttention
    scores = jnp.matmul(jnp.swapaxes(q, -1, -2), sk) / (q.shape[-1] ** 0.5)  # [1, H, H]
    attn = jax.nn.softmax(scores, axis=-1)
    attn_out = jnp.matmul(attn, jnp.swapaxes(sk, -2, -1))   # [1, H, S]
    attn_out = jnp.sum(attn_out, axis=0)                    # [H, S]
    final = jnp.concatenate([graph_h, attn_out.T], axis=0)  # [S+1, H]
    final = jnp.sum(final, axis=0)[None, :]                 # [1, H]
    # output layer (Linear h_dim -> out_dim)
    return final @ W_out + b_out

if __name__ == "__main__":
    import jax
    _d = setup_inputs()
    print(jax.jit(kernel)(*tuple(_d.values())))

</pallas_src>

<mosaic_0001>
#map = affine_map<(d0, d1) -> (0)>
#map1 = affine_map<(d0, d1) -> (0, 0)>
module attributes {stable_mosaic.version = 14 : i64} {
  func.func @_hist_body(%arg0: i32, %arg1: i32, %arg2: memref<323584xi32, #tpu.memory_space<hbm>>, %arg3: memref<323584xf32, #tpu.memory_space<hbm>>, %arg4: memref<10000xi32, #tpu.memory_space<hbm>>, %arg5: memref<1280000xf32, #tpu.memory_space<hbm>>, %arg6: memref<2x1280000xf32, #tpu.memory_space<hbm>>, %arg7: memref<10112xi32, #tpu.memory_space<vmem>>, %arg8: memref<10112xf32, #tpu.memory_space<vmem>>, %arg9: memref<10000xi32, #tpu.memory_space<vmem>>, %arg10: memref<128xi32, #tpu.memory_space<vmem>>, %arg11: memref<1280000xf32, #tpu.memory_space<vmem_shared>>) attributes {dimension_semantics = [#tpu.dimension_semantics<core_parallel>, #tpu.dimension_semantics<subcore_parallel>], iteration_bounds = array<i64: 2, 16>, scalar_prefetch = 0 : i64, scratch_operands = 5 : i64, tpu.core_type = #tpu.core_type<sc_vector_subcore>, window_params = [{transform_indices = #map}, {transform_indices = #map}, {transform_indices = #map}, {transform_indices = #map}, {transform_indices = #map1}]} {
    %mul3A = arith.constant 2 : i32
    %mul3A_0 = arith.muli %arg1, %mul3A : i32
    %add3A = arith.addi %mul3A_0, %arg0 : i32
    %mul3A_1 = arith.constant 10112 : i32
    %mul3A_2 = arith.muli %add3A, %mul3A_1 : i32
    "tpu.region"() ({
      %run_scoped3A = tpu.sem_alloc : memref<!tpu.dma_semaphore, #tpu.memory_space<semaphore_mem>>
      %dma_start3A = tpu.memref_slice %arg2[%mul3A_2] : memref<323584xi32, #tpu.memory_space<hbm>> -> memref<10112xi32, #tpu.memory_space<hbm>>
      %dma_start3A_17 = tpu.memref_slice %arg2[%mul3A_2] : memref<323584xi32, #tpu.memory_space<hbm>> -> memref<10112xi32, #tpu.memory_space<hbm>>
      tpu.enqueue_dma source(%dma_start3A_17 : memref<10112xi32, #tpu.memory_space<hbm>>) target(%arg7 : memref<10112xi32, #tpu.memory_space<vmem>>) target_semaphore(%run_scoped3A : memref<!tpu.dma_semaphore, #tpu.memory_space<semaphore_mem>>)
      %dma_wait3A = tpu.memref_slice %arg2[%mul3A_2] : memref<323584xi32, #tpu.memory_space<hbm>> -> memref<10112xi32, #tpu.memory_space<hbm>>
      %dma_wait3A_18 = tpu.memref_slice %arg2[%mul3A_2] : memref<323584xi32, #tpu.memory_space<hbm>> -> memref<10112xi32, #tpu.memory_space<hbm>>
      tpu.wait_dma2 semaphore(%run_scoped3A : memref<!tpu.dma_semaphore, #tpu.memory_space<semaphore_mem>>) src(%dma_wait3A_18 : memref<10112xi32, #tpu.memory_space<hbm>>) dst(%arg7 : memref<10112xi32, #tpu.memory_space<vmem>>)
      tpu.yield
    }) : () -> ()
    "tpu.region"() ({
      %run_scoped3A = tpu.sem_alloc : memref<!tpu.dma_semaphore, #tpu.memory_space<semaphore_mem>>
      %dma_start3A = tpu.memref_slice %arg3[%mul3A_2] : memref<323584xf32, #tpu.memory_space<hbm>> -> memref<10112xf32, #tpu.memory_space<hbm>>
      %dma_start3A_17 = tpu.memref_slice %arg3[%mul3A_2] : memref<323584xf32, #tpu.memory_space<hbm>> -> memref<10112xf32, #tpu.memory_space<hbm>>
      tpu.enqueue_dma source(%dma_start3A_17 : memref<10112xf32, #tpu.memory_space<hbm>>) target(%arg8 : memref<10112xf32, #tpu.memory_space<vmem>>) target_semaphore(%run_scoped3A : memref<!tpu.dma_semaphore, #tpu.memory_space<semaphore_mem>>)
      %dma_wait3A = tpu.memref_slice %arg3[%mul3A_2] : memref<323584xf32, #tpu.memory_space<hbm>> -> memref<10112xf32, #tpu.memory_space<hbm>>
      %dma_wait3A_18 = tpu.memref_slice %arg3[%mul3A_2] : memref<323584xf32, #tpu.memory_space<hbm>> -> memref<10112xf32, #tpu.memory_space<hbm>>
      tpu.wait_dma2 semaphore(%run_scoped3A : memref<!tpu.dma_semaphore, #tpu.memory_space<semaphore_mem>>) src(%dma_wait3A_18 : memref<10112xf32, #tpu.memory_space<hbm>>) dst(%arg8 : memref<10112xf32, #tpu.memory_space<vmem>>)
      tpu.yield
    }) : () -> ()
    "tpu.region"() ({
      %run_scoped3A = tpu.sem_alloc : memref<!tpu.dma_semaphore, #tpu.memory_space<semaphore_mem>>
      tpu.enqueue_dma source(%arg4 : memref<10000xi32, #tpu.memory_space<hbm>>) target(%arg9 : memref<10000xi32, #tpu.memory_space<vmem>>) target_semaphore(%run_scoped3A : memref<!tpu.dma_semaphore, #tpu.memory_space<semaphore_mem>>)
      tpu.wait_dma2 semaphore(%run_scoped3A : memref<!tpu.dma_semaphore, #tpu.memory_space<semaphore_mem>>) src(%arg4 : memref<10000xi32, #tpu.memory_space<hbm>>) dst(%arg9 : memref<10000xi32, #tpu.memory_space<vmem>>)
      tpu.yield
    }) : () -> ()
    %mul3A_3 = arith.constant 80000 : i32
    %mul3A_4 = arith.muli %arg1, %mul3A_3 : i32
    %mul3A_5 = arith.constant 80000 : i32
    %mul3A_6 = arith.muli %arg1, %mul3A_5 : i32
    "tpu.region"() ({
      %run_scoped3A = tpu.sem_alloc : memref<!tpu.dma_semaphore, #tpu.memory_space<semaphore_mem>>
      %dma_start3A = tpu.memref_slice %arg11[%mul3A_6] : memref<1280000xf32, #tpu.memory_space<vmem_shared>> -> memref<80000xf32, #tpu.memory_space<vmem_shared>>
      %dma_start3A_17 = tpu.memref_slice %arg5[%mul3A_4] : memref<1280000xf32, #tpu.memory_space<hbm>> -> memref<80000xf32, #tpu.memory_space<hbm>>
      tpu.enqueue_dma source(%dma_start3A_17 : memref<80000xf32, #tpu.memory_space<hbm>>) target(%dma_start3A : memref<80000xf32, #tpu.memory_space<vmem_shared>>) target_semaphore(%run_scoped3A : memref<!tpu.dma_semaphore, #tpu.memory_space<semaphore_mem>>)
      %dma_wait3A = tpu.memref_slice %arg11[%mul3A_6] : memref<1280000xf32, #tpu.memory_space<vmem_shared>> -> memref<80000xf32, #tpu.memory_space<vmem_shared>>
      %dma_wait3A_18 = tpu.memref_slice %arg5[%mul3A_4] : memref<1280000xf32, #tpu.memory_space<hbm>> -> memref<80000xf32, #tpu.memory_space<hbm>>
      tpu.wait_dma2 semaphore(%run_scoped3A : memref<!tpu.dma_semaphore, #tpu.memory_space<semaphore_mem>>) src(%dma_wait3A_18 : memref<80000xf32, #tpu.memory_space<hbm>>) dst(%dma_wait3A : memref<80000xf32, #tpu.memory_space<vmem_shared>>)
      tpu.yield
    }) : () -> ()
    %barrier3A = arith.constant 0 : index
    tpu.barrier barrier_id(%barrier3A)
    %scan3A = arith.constant 0 : i32
    %scan3A_7 = arith.constant 0 : i32
    %scan3A_8 = arith.constant 79 : i32
    %scan3A_9 = arith.addi %scan3A_7, %scan3A_8 : i32
    %scan3A_10 = arith.constant 1 : i32
    scf.for %scan3A_17 = %scan3A_7 to %scan3A_9 step %scan3A_10  : i32 {
      %mul3A_18 = arith.constant 128 : i32
      %mul3A_19 = arith.muli %scan3A_17, %mul3A_18 : i32
      %add3A_20 = arith.constant 0 : i32
      %add3A_21 = arith.addi %mul3A_19, %add3A_20 : i32
      %get3A = arith.index_cast %add3A_21 : i32 to index
      %get3A_22 = tpu.vector_load %arg7[%get3A] {strides = array<i32>} : memref<10112xi32, #tpu.memory_space<vmem>>, vector<16xi32>,
      %shift_right_arithmetic3A = arith.constant 17 : i32
      %shift_right_arithmetic3A_23 = vector.broadcast %shift_right_arithmetic3A : i32 to vector<16xi32>
      %shift_right_arithmetic3A_24 = arith.shrsi %get3A_22, %shift_right_arithmetic3A_23 : vector<16xi32>
      %shift_right_arithmetic3A_25 = arith.constant 3 : i32
      %shift_right_arithmetic3A_26 = vector.broadcast %shift_right_arithmetic3A_25 : i32 to vector<16xi32>
      %shift_right_arithmetic3A_27 = arith.shrsi %get3A_22, %shift_right_arithmetic3A_26 : vector<16xi32>
      %and3A = arith.constant 16383 : i32
      %and3A_28 = vector.broadcast %and3A : i32 to vector<16xi32>
      %and3A_29 = arith.andi %shift_right_arithmetic3A_27, %and3A_28 : vector<16xi32>
      %and3A_30 = arith.constant 7 : i32
      %and3A_31 = vector.broadcast %and3A_30 : i32 to vector<16xi32>
      %and3A_32 = arith.andi %get3A_22, %and3A_31 : vector<16xi32>
      %gather3A = tpu.vector_load_idx %arg9[%shift_right_arithmetic3A_24] : memref<10000xi32, #tpu.memory_space<vmem>>[vector<16xi32>], vector<16xi32>,
      %mul3A_33 = arith.constant 128 : i32
      %mul3A_34 = vector.broadcast %mul3A_33 : i32 to vector<16xi32>
      %mul3A_35 = arith.muli %and3A_29, %mul3A_34 : vector<16xi32>
      %mul3A_36 = arith.constant 16 : i32
      %mul3A_37 = vector.broadcast %mul3A_36 : i32 to vector<16xi32>
      %mul3A_38 = arith.muli %and3A_32, %mul3A_37 : vector<16xi32>
      %add3A_39 = arith.addi %mul3A_35, %mul3A_38 : vector<16xi32>
      %add3A_40 = arith.addi %add3A_39, %gather3A : vector<16xi32>
      %swap3A = arith.constant 0 : index
      %swap3A_41 = tpu.vector_load %arg10[%swap3A] {strides = array<i32>} : memref<128xi32, #tpu.memory_space<vmem>>, vector<16xi32>,
      tpu.vector_store %arg10[%swap3A], %add3A_40 {strides = array<i32>} : memref<128xi32, #tpu.memory_space<vmem>>, vector<16xi32>,
      %add3A_42 = arith.constant 16 : i32
      %add3A_43 = arith.addi %mul3A_19, %add3A_42 : i32
      %get3A_44 = arith.index_cast %add3A_43 : i32 to index
      %get3A_45 = tpu.vector_load %arg7[%get3A_44] {strides = array<i32>} : memref<10112xi32, #tpu.memory_space<vmem>>, vector<16xi32>,
      %shift_right_arithmetic3A_46 = arith.constant 17 : i32
      %shift_right_arithmetic3A_47 = vector.broadcast %shift_right_arithmetic3A_46 : i32 to vector<16xi32>
      %shift_right_arithmetic3A_48 = arith.shrsi %get3A_45, %shift_right_arithmetic3A_47 : vector<16xi32>
      %shift_right_arithmetic3A_49 = arith.constant 3 : i32
      %shift_right_arithmetic3A_50 = vector.broadcast %shift_right_arithmetic3A_49 : i32 to vector<16xi32>
      %shift_right_arithmetic3A_51 = arith.shrsi %get3A_45, %shift_right_arithmetic3A_50 : vector<16xi32>
      %and3A_52 = arith.constant 16383 : i32
      %and3A_53 = vector.broadcast %and3A_52 : i32 to vector<16xi32>
      %and3A_54 = arith.andi %shift_right_arithmetic3A_51, %and3A_53 : vector<16xi32>
      %and3A_55 = arith.constant 7 : i32
      %and3A_56 = vector.broadcast %and3A_55 : i32 to vector<16xi32>
      %and3A_57 = arith.andi %get3A_45, %and3A_56 : vector<16xi32>
      %gather3A_58 = tpu.vector_load_idx %arg9[%shift_right_arithmetic3A_48] : memref<10000xi32, #tpu.memory_space<vmem>>[vector<16xi32>], vector<16xi32>,
      %mul3A_59 = arith.constant 128 : i32
      %mul3A_60 = vector.broadcast %mul3A_59 : i32 to vector<16xi32>
      %mul3A_61 = arith.muli %and3A_54, %mul3A_60 : vector<16xi32>
      %mul3A_62 = arith.constant 16 : i32
      %mul3A_63 = vector.broadcast %mul3A_62 : i32 to vector<16xi32>
      %mul3A_64 = arith.muli %and3A_57, %mul3A_63 : vector<16xi32>
      %add3A_65 = arith.addi %mul3A_61, %mul3A_64 : vector<16xi32>
      %add3A_66 = arith.addi %add3A_65, %gather3A_58 : vector<16xi32>
      %swap3A_67 = arith.constant 16 : index
      %swap3A_68 = tpu.vector_load %arg10[%swap3A_67] {strides = array<i32>} : memref<128xi32, #tpu.memory_space<vmem>>, vector<16xi32>,
      tpu.vector_store %arg10[%swap3A_67], %add3A_66 {strides = array<i32>} : memref<128xi32, #tpu.memory_space<vmem>>, vector<16xi32>,
      %add3A_69 = arith.constant 32 : i32
      %add3A_70 = arith.addi %mul3A_19, %add3A_69 : i32
      %get3A_71 = arith.index_cast %add3A_70 : i32 to index
      %get3A_72 = tpu.vector_load %arg7[%get3A_71] {strides = array<i32>} : memref<10112xi32, #tpu.memory_space<vmem>>, vector<16xi32>,
      %shift_right_arithmetic3A_73 = arith.constant 17 : i32
      %shift_right_arithmetic3A_74 = vector.broadcast %shift_right_arithmetic3A_73 : i32 to vector<16xi32>
      %shift_right_arithmetic3A_75 = arith.shrsi %get3A_72, %shift_right_arithmetic3A_74 : vector<16xi32>
      %shift_right_arithmetic3A_76 = arith.constant 3 : i32
      %shift_right_arithmetic3A_77 = vector.broadcast %shift_right_arithmetic3A_76 : i32 to vector<16xi32>
      %shift_right_arithmetic3A_78 = arith.shrsi %get3A_72, %shift_right_arithmetic3A_77 : vector<16xi32>
      %and3A_79 = arith.constant 16383 : i32
      %and3A_80 = vector.broadcast %and3A_79 : i32 to vector<16xi32>
      %and3A_81 = arith.andi %shift_right_arithmetic3A_78, %and3A_80 : vector<16xi32>
      %and3A_82 = arith.constant 7 : i32
      %and3A_83 = vector.broadcast %and3A_82 : i32 to vector<16xi32>
      %and3A_84 = arith.andi %get3A_72, %and3A_83 : vector<16xi32>
      %gather3A_85 = tpu.vector_load_idx %arg9[%shift_right_arithmetic3A_75] : memref<10000xi32, #tpu.memory_space<vmem>>[vector<16xi32>], vector<16xi32>,
      %mul3A_86 = arith.constant 128 : i32
      %mul3A_87 = vector.broadcast %mul3A_86 : i32 to vector<16xi32>
      %mul3A_88 = arith.muli %and3A_81, %mul3A_87 : vector<16xi32>
      %mul3A_89 = arith.constant 16 : i32
      %mul3A_90 = vector.broadcast %mul3A_89 : i32 to vector<16xi32>
      %mul3A_91 = arith.muli %and3A_84, %mul3A_90 : vector<16xi32>
      %add3A_92 = arith.addi %mul3A_88, %mul3A_91 : vector<16xi32>
      %add3A_93 = arith.addi %add3A_92, %gather3A_85 : vector<16xi32>
      %swap3A_94 = arith.constant 32 : index
      %swap3A_95 = tpu.vector_load %arg10[%swap3A_94] {strides = array<i32>} : memref<128xi32, #tpu.memory_space<vmem>>, vector<16xi32>,
      tpu.vector_store %arg10[%swap3A_94], %add3A_93 {strides = array<i32>} : memref<128xi32, #tpu.memory_space<vmem>>, vector<16xi32>,
      %add3A_96 = arith.constant 48 : i32
      %add3A_97 = arith.addi %mul3A_19, %add3A_96 : i32
      %get3A_98 = arith.index_cast %add3A_97 : i32 to index
      %get3A_99 = tpu.vector_load %arg7[%get3A_98] {strides = array<i32>} : memref<10112xi32, #tpu.memory_space<vmem>>, vector<16xi32>,
      %shift_right_arithmetic3A_100 = arith.constant 17 : i32
      %shift_right_arithmetic3A_101 = vector.broadcast %shift_right_arithmetic3A_100 : i32 to vector<16xi32>
      %shift_right_arithmetic3A_102 = arith.shrsi %get3A_99, %shift_right_arithmetic3A_101 : vector<16xi32>
      %shift_right_arithmetic3A_103 = arith.constant 3 : i32
      %shift_right_arithmetic3A_104 = vector.broadcast %shift_right_arithmetic3A_103 : i32 to vector<16xi32>
      %shift_right_arithmetic3A_105 = arith.shrsi %get3A_99, %shift_right_arithmetic3A_104 : vector<16xi32>
      %and3A_106 = arith.constant 16383 : i32
      %and3A_107 = vector.broadcast %and3A_106 : i32 to vector<16xi32>
      %and3A_108 = arith.andi %shift_right_arithmetic3A_105, %and3A_107 : vector<16xi32>
      %and3A_109 = arith.constant 7 : i32
      %and3A_110 = vector.broadcast %and3A_109 : i32 to vector<16xi32>
      %and3A_111 = arith.andi %get3A_99, %and3A_110 : vector<16xi32>
      %gather3A_112 = tpu.vector_load_idx %arg9[%shift_right_arithmetic3A_102] : memref<10000xi32, #tpu.memory_space<vmem>>[vector<16xi32>], vector<16xi32>,
      %mul3A_113 = arith.constant 128 : i32
      %mul3A_114 = vector.broadcast %mul3A_113 : i32 to vector<16xi32>
      %mul3A_115 = arith.muli %and3A_108, %mul3A_114 : vector<16xi32>
      %mul3A_116 = arith.constant 16 : i32
      %mul3A_117 = vector.broadcast %mul3A_116 : i32 to vector<16xi32>
      %mul3A_118 = arith.muli %and3A_111, %mul3A_117 : vector<16xi32>
      %add3A_119 = arith.addi %mul3A_115, %mul3A_118 : vector<16xi32>
      %add3A_120 = arith.addi %add3A_119, %gather3A_112 : vector<16xi32>
      %swap3A_121 = arith.constant 48 : index
      %swap3A_122 = tpu.vector_load %arg10[%swap3A_121] {strides = array<i32>} : memref<128xi32, #tpu.memory_space<vmem>>, vector<16xi32>,
      tpu.vector_store %arg10[%swap3A_121], %add3A_120 {strides = array<i32>} : memref<128xi32, #tpu.memory_space<vmem>>, vector<16xi32>,
      %add3A_123 = arith.constant 64 : i32
      %add3A_124 = arith.addi %mul3A_19, %add3A_123 : i32
      %get3A_125 = arith.index_cast %add3A_124 : i32 to index
      %get3A_126 = tpu.vector_load %arg7[%get3A_125] {strides = array<i32>} : memref<10112xi32, #tpu.memory_space<vmem>>, vector<16xi32>,
      %shift_right_arithmetic3A_127 = arith.constant 17 : i32
      %shift_right_arithmetic3A_128 = vector.broadcast %shift_right_arithmetic3A_127 : i32 to vector<16xi32>
      %shift_right_arithmetic3A_129 = arith.shrsi %get3A_126, %shift_right_arithmetic3A_128 : vector<16xi32>
      %shift_right_arithmetic3A_130 = arith.constant 3 : i32
      %shift_right_arithmetic3A_131 = vector.broadcast %shift_right_arithmetic3A_130 : i32 to vector<16xi32>
      %shift_right_arithmetic3A_132 = arith.shrsi %get3A_126, %shift_right_arithmetic3A_131 : vector<16xi32>
      %and3A_133 = arith.constant 16383 : i32
      %and3A_134 = vector.broadcast %and3A_133 : i32 to vector<16xi32>
      %and3A_135 = arith.andi %shift_right_arithmetic3A_132, %and3A_134 : vector<16xi32>
      %and3A_136 = arith.constant 7 : i32
      %and3A_137 = vector.broadcast %and3A_136 : i32 to vector<16xi32>
      %and3A_138 = arith.andi %get3A_126, %and3A_137 : vector<16xi32>
      %gather3A_139 = tpu.vector_load_idx %arg9[%shift_right_arithmetic3A_129] : memref<10000xi32, #tpu.memory_space<vmem>>[vector<16xi32>], vector<16xi32>,
      %mul3A_140 = arith.constant 128 : i32
      %mul3A_141 = vector.broadcast %mul3A_140 : i32 to vector<16xi32>
      %mul3A_142 = arith.muli %and3A_135, %mul3A_141 : vector<16xi32>
      %mul3A_143 = arith.constant 16 : i32
      %mul3A_144 = vector.broadcast %mul3A_143 : i32 to vector<16xi32>
      %mul3A_145 = arith.muli %and3A_138, %mul3A_144 : vector<16xi32>
      %add3A_146 = arith.addi %mul3A_142, %mul3A_145 : vector<16xi32>
      %add3A_147 = arith.addi %add3A_146, %gather3A_139 : vector<16xi32>
      %swap3A_148 = arith.constant 64 : index
      %swap3A_149 = tpu.vector_load %arg10[%swap3A_148] {strides = array<i32>} : memref<128xi32, #tpu.memory_space<vmem>>, vector<16xi32>,
      tpu.vector_store %arg10[%swap3A_148], %add3A_147 {strides = array<i32>} : memref<128xi32, #tpu.memory_space<vmem>>, vector<16xi32>,
      %add3A_150 = arith.constant 80 : i32
      %add3A_151 = arith.addi %mul3A_19, %add3A_150 : i32
      %get3A_152 = arith.index_cast %add3A_151 : i32 to index
      %get3A_153 = tpu.vector_load %arg7[%get3A_152] {strides = array<i32>} : memref<10112xi32, #tpu.memory_space<vmem>>, vector<16xi32>,
      %shift_right_arithmetic3A_154 = arith.constant 17 : i32
      %shift_right_arithmetic3A_155 = vector.broadcast %shift_right_arithmetic3A_154 : i32 to vector<16xi32>
      %shift_right_arithmetic3A_156 = arith.shrsi %get3A_153, %shift_right_arithmetic3A_155 : vector<16xi32>
      %shift_right_arithmetic3A_157 = arith.constant 3 : i32
      %shift_right_arithmetic3A_158 = vector.broadcast %shift_right_arithmetic3A_157 : i32 to vector<16xi32>
      %shift_right_arithmetic3A_159 = arith.shrsi %get3A_153, %shift_right_arithmetic3A_158 : vector<16xi32>
      %and3A_160 = arith.constant 16383 : i32
      %and3A_161 = vector.broadcast %and3A_160 : i32 to vector<16xi32>
      %and3A_162 = arith.andi %shift_right_arithmetic3A_159, %and3A_161 : vector<16xi32>
      %and3A_163 = arith.constant 7 : i32
      %and3A_164 = vector.broadcast %and3A_163 : i32 to vector<16xi32>
      %and3A_165 = arith.andi %get3A_153, %and3A_164 : vector<16xi32>
      %gather3A_166 = tpu.vector_load_idx %arg9[%shift_right_arithmetic3A_156] : memref<10000xi32, #tpu.memory_space<vmem>>[vector<16xi32>], vector<16xi32>,
      %mul3A_167 = arith.constant 128 : i32
      %mul3A_168 = vector.broadcast %mul3A_167 : i32 to vector<16xi32>
      %mul3A_169 = arith.muli %and3A_162, %mul3A_168 : vector<16xi32>
      %mul3A_170 = arith.constant 16 : i32
      %mul3A_171 = vector.broadcast %mul3A_170 : i32 to vector<16xi32>
      %mul3A_172 = arith.muli %and3A_165, %mul3A_171 : vector<16xi32>
      %add3A_173 = arith.addi %mul3A_169, %mul3A_172 : vector<16xi32>
      %add3A_174 = arith.addi %add3A_173, %gather3A_166 : vector<16xi32>
      %swap3A_175 = arith.constant 80 : index
      %swap3A_176 = tpu.vector_load %arg10[%swap3A_175] {strides = array<i32>} : memref<128xi32, #tpu.memory_space<vmem>>, vector<16xi32>,
      tpu.vector_store %arg10[%swap3A_175], %add3A_174 {strides = array<i32>} : memref<128xi32, #tpu.memory_space<vmem>>, vector<16xi32>,
      %add3A_177 = arith.constant 96 : i32
      %add3A_178 = arith.addi %mul3A_19, %add3A_177 : i32
      %get3A_179 = arith.index_cast %add3A_178 : i32 to index
      %get3A_180 = tpu.vector_load %arg7[%get3A_179] {strides = array<i32>} : memref<10112xi32, #tpu.memory_space<vmem>>, vector<16xi32>,
      %shift_right_arithmetic3A_181 = arith.constant 17 : i32
      %shift_right_arithmetic3A_182 = vector.broadcast %shift_right_arithmetic3A_181 : i32 to vector<16xi32>
      %shift_right_arithmetic3A_183 = arith.shrsi %get3A_180, %shift_right_arithmetic3A_182 : vector<16xi32>
      %shift_right_arithmetic3A_184 = arith.constant 3 : i32
      %shift_right_arithmetic3A_185 = vector.broadcast %shift_right_arithmetic3A_184 : i32 to vector<16xi32>
      %shift_right_arithmetic3A_186 = arith.shrsi %get3A_180, %shift_right_arithmetic3A_185 : vector<16xi32>
      %and3A_187 = arith.constant 16383 : i32
      %and3A_188 = vector.broadcast %and3A_187 : i32 to vector<16xi32>
      %and3A_189 = arith.andi %shift_right_arithmetic3A_186, %and3A_188 : vector<16xi32>
      %and3A_190 = arith.constant 7 : i32
      %and3A_191 = vector.broadcast %and3A_190 : i32 to vector<16xi32>
      %and3A_192 = arith.andi %get3A_180, %and3A_191 : vector<16xi32>
      %gather3A_193 = tpu.vector_load_idx %arg9[%shift_right_arithmetic3A_183] : memref<10000xi32, #tpu.memory_space<vmem>>[vector<16xi32>], vector<16xi32>,
      %mul3A_194 = arith.constant 128 : i32
      %mul3A_195 = vector.broadcast %mul3A_194 : i32 to vector<16xi32>
      %mul3A_196 = arith.muli %and3A_189, %mul3A_195 : vector<16xi32>
      %mul3A_197 = arith.constant 16 : i32
      %mul3A_198 = vector.broadcast %mul3A_197 : i32 to vector<16xi32>
      %mul3A_199 = arith.muli %and3A_192, %mul3A_198 : vector<16xi32>
      %add3A_200 = arith.addi %mul3A_196, %mul3A_199 : vector<16xi32>
      %add3A_201 = arith.addi %add3A_200, %gather3A_193 : vector<16xi32>
      %swap3A_202 = arith.constant 96 : index
      %swap3A_203 = tpu.vector_load %arg10[%swap3A_202] {strides = array<i32>} : memref<128xi32, #tpu.memory_space<vmem>>, vector<16xi32>,
      tpu.vector_store %arg10[%swap3A_202], %add3A_201 {strides = array<i32>} : memref<128xi32, #tpu.memory_space<vmem>>, vector<16xi32>,
      %add3A_204 = arith.constant 112 : i32
      %add3A_205 = arith.addi %mul3A_19, %add3A_204 : i32
      %get3A_206 = arith.index_cast %add3A_205 : i32 to index
      %get3A_207 = tpu.vector_load %arg7[%get3A_206] {strides = array<i32>} : memref<10112xi32, #tpu.memory_space<vmem>>, vector<16xi32>,
      %shift_right_arithmetic3A_208 = arith.constant 17 : i32
      %shift_right_arithmetic3A_209 = vector.broadcast %shift_right_arithmetic3A_208 : i32 to vector<16xi32>
      %shift_right_arithmetic3A_210 = arith.shrsi %get3A_207, %shift_right_arithmetic3A_209 : vector<16xi32>
      %shift_right_arithmetic3A_211 = arith.constant 3 : i32
      %shift_right_arithmetic3A_212 = vector.broadcast %shift_right_arithmetic3A_211 : i32 to vector<16xi32>
      %shift_right_arithmetic3A_213 = arith.shrsi %get3A_207, %shift_right_arithmetic3A_212 : vector<16xi32>
      %and3A_214 = arith.constant 16383 : i32
      %and3A_215 = vector.broadcast %and3A_214 : i32 to vector<16xi32>
      %and3A_216 = arith.andi %shift_right_arithmetic3A_213, %and3A_215 : vector<16xi32>
      %and3A_217 = arith.constant 7 : i32
      %and3A_218 = vector.broadcast %and3A_217 : i32 to vector<16xi32>
      %and3A_219 = arith.andi %get3A_207, %and3A_218 : vector<16xi32>
      %gather3A_220 = tpu.vector_load_idx %arg9[%shift_right_arithmetic3A_210] : memref<10000xi32, #tpu.memory_space<vmem>>[vector<16xi32>], vector<16xi32>,
      %mul3A_221 = arith.constant 128 : i32
      %mul3A_222 = vector.broadcast %mul3A_221 : i32 to vector<16xi32>
      %mul3A_223 = arith.muli %and3A_216, %mul3A_222 : vector<16xi32>
      %mul3A_224 = arith.constant 16 : i32
      %mul3A_225 = vector.broadcast %mul3A_224 : i32 to vector<16xi32>
      %mul3A_226 = arith.muli %and3A_219, %mul3A_225 : vector<16xi32>
      %add3A_227 = arith.addi %mul3A_223, %mul3A_226 : vector<16xi32>
      %add3A_228 = arith.addi %add3A_227, %gather3A_220 : vector<16xi32>
      %swap3A_229 = arith.constant 112 : index
      %swap3A_230 = tpu.vector_load %arg10[%swap3A_229] {strides = array<i32>} : memref<128xi32, #tpu.memory_space<vmem>>, vector<16xi32>,
      tpu.vector_store %arg10[%swap3A_229], %add3A_228 {strides = array<i32>} : memref<128xi32, #tpu.memory_space<vmem>>, vector<16xi32>,
      "tpu.region"() ({
        %run_scoped3A = tpu.sem_alloc : memref<!tpu.dma_semaphore, #tpu.memory_space<semaphore_mem>>
        %dma_start3A = tpu.memref_slice %arg8[%mul3A_19] : memref<10112xf32, #tpu.memory_space<vmem>> -> memref<128xf32, #tpu.memory_space<vmem>>
        %dma_start3A_231 = arith.constant 0 : i32
        %dma_start3A_232 = tpu.memref_slice %arg11[%dma_start3A_231] : memref<1280000xf32, #tpu.memory_space<vmem_shared>> -> memref<1280000xf32, #tpu.memory_space<vmem_shared>>
        tpu.enqueue_indirect_dma source(%dma_start3A : memref<128xf32, #tpu.memory_space<vmem>>) target(%dma_start3A_232 : memref<1280000xf32, #tpu.memory_space<vmem_shared>>) offsets(%arg10 : memref<128xi32, #tpu.memory_space<vmem>>) semaphore(%run_scoped3A : memref<!tpu.dma_semaphore, #tpu.memory_space<semaphore_mem>>) {add = true}
        %dma_wait3A = tpu.memref_slice %arg8[%mul3A_19] : memref<10112xf32, #tpu.memory_space<vmem>> -> memref<128xf32, #tpu.memory_space<vmem>>
        %dma_wait3A_233 = arith.constant 0 : i32
        %dma_wait3A_234 = tpu.memref_slice %arg11[%dma_wait3A_233] : memref<1280000xf32, #tpu.memory_space<vmem_shared>> -> memref<1280000xf32, #tpu.memory_space<vmem_shared>>
        tpu.wait_indirect_dma semaphore(%run_scoped3A : memref<!tpu.dma_semaphore, #tpu.memory_space<semaphore_mem>>) src(%dma_wait3A : memref<128xf32, #tpu.memory_space<vmem>>) dst(%dma_wait3A_234 : memref<1280000xf32, #tpu.memory_space<vmem_shared>>)
        tpu.yield
      }) : () -> ()
    }
    %scan3A_11 = arith.constant 79 : i32
    %barrier3A_12 = arith.constant 0 : index
    tpu.barrier barrier_id(%barrier3A_12)
    %mul3A_13 = arith.constant 80000 : i32
    %mul3A_14 = arith.muli %arg1, %mul3A_13 : i32
    %mul3A_15 = arith.constant 80000 : i32
    %mul3A_16 = arith.muli %arg1, %mul3A_15 : i32
    "tpu.region"() ({
      %run_scoped3A = tpu.sem_alloc : memref<!tpu.dma_semaphore, #tpu.memory_space<semaphore_mem>>
      %dma_start3A = tpu.memref_slice %arg6[%arg0, %mul3A_16] : memref<2x1280000xf32, #tpu.memory_space<hbm>> -> memref<1x80000xf32, #tpu.memory_space<hbm>>
      %dma_start3A_17 = tpu.memref_squeeze %dma_start3A : memref<1x80000xf32, #tpu.memory_space<hbm>> -> memref<80000xf32, #tpu.memory_space<hbm>>
      %dma_start3A_18 = tpu.memref_slice %arg11[%mul3A_14] : memref<1280000xf32, #tpu.memory_space<vmem_shared>> -> memref<80000xf32, #tpu.memory_space<vmem_shared>>
      tpu.enqueue_dma source(%dma_start3A_18 : memref<80000xf32, #tpu.memory_space<vmem_shared>>) target(%dma_start3A_17 : memref<80000xf32, #tpu.memory_space<hbm>>) target_semaphore(%run_scoped3A : memref<!tpu.dma_semaphore, #tpu.memory_space<semaphore_mem>>)
      %dma_wait3A = tpu.memref_slice %arg6[%arg0, %mul3A_16] : memref<2x1280000xf32, #tpu.memory_space<hbm>> -> memref<1x80000xf32, #tpu.memory_space<hbm>>
      %dma_wait3A_19 = tpu.memref_squeeze %dma_wait3A : memref<1x80000xf32, #tpu.memory_space<hbm>> -> memref<80000xf32, #tpu.memory_space<hbm>>
      %dma_wait3A_20 = tpu.memref_slice %arg11[%mul3A_14] : memref<1280000xf32, #tpu.memory_space<vmem_shared>> -> memref<80000xf32, #tpu.memory_space<vmem_shared>>
      tpu.wait_dma2 semaphore(%run_scoped3A : memref<!tpu.dma_semaphore, #tpu.memory_space<semaphore_mem>>) src(%dma_wait3A_20 : memref<80000xf32, #tpu.memory_space<vmem_shared>>) dst(%dma_wait3A_19 : memref<80000xf32, #tpu.memory_space<hbm>>)
      tpu.yield
    }) : () -> ()
    return
  }
}

#map = affine_map<(d0, d1) -> (0)>
#map1 = affine_map<(d0, d1) -> (0, 0)>
#map2 = affine_map<(d0, d1) -> (0, 0, 0)>
module attributes {stable_mosaic.version = 14 : i64} {
  func.func @_bag_body(%arg0: i32, %arg1: i32, %arg2: memref<323584xi32, #tpu.memory_space<hbm>>, %arg3: memref<323584xf32, #tpu.memory_space<hbm>>, %arg4: memref<80000x128xf32, #tpu.memory_space<hbm>>, %arg5: memref<10000x128xf32, #tpu.memory_space<hbm>>, %arg6: memref<2x10000x128xf32, #tpu.memory_space<hbm>>, %arg7: memref<10112xi32, #tpu.memory_space<vmem>>, %arg8: memref<10112xf32, #tpu.memory_space<vmem>>, %arg9: memref<16x128xf32, #tpu.memory_space<vmem>>, %arg10: memref<16x128xf32, #tpu.memory_space<vmem>>, %arg11: memref<16x128xf32, #tpu.memory_space<vmem>>, %arg12: memref<16x128xf32, #tpu.memory_space<vmem>>, %arg13: memref<!tpu.dma_semaphore, #tpu.memory_space<semaphore_mem>>, %arg14: memref<!tpu.dma_semaphore, #tpu.memory_space<semaphore_mem>>, %arg15: memref<10000x128xf32, #tpu.memory_space<vmem_shared>>) attributes {dimension_semantics = [#tpu.dimension_semantics<core_parallel>, #tpu.dimension_semantics<subcore_parallel>], iteration_bounds = array<i64: 2, 16>, scalar_prefetch = 0 : i64, scratch_operands = 9 : i64, tpu.core_type = #tpu.core_type<sc_vector_subcore>, window_params = [{transform_indices = #map}, {transform_indices = #map}, {transform_indices = #map1}, {transform_indices = #map1}, {transform_indices = #map2}]} {
    %mul3A = arith.constant 2 : i32
    %mul3A_0 = arith.muli %arg1, %mul3A : i32
    %add3A = arith.addi %mul3A_0, %arg0 : i32
    %mul3A_1 = arith.constant 10112 : i32
    %mul3A_2 = arith.muli %add3A, %mul3A_1 : i32
    "tpu.region"() ({
      %run_scoped3A = tpu.sem_alloc : memref<!tpu.dma_semaphore, #tpu.memory_space<semaphore_mem>>
      %dma_start3A_33 = tpu.memref_slice %arg2[%mul3A_2] : memref<323584xi32, #tpu.memory_space<hbm>> -> memref<10112xi32, #tpu.memory_space<hbm>>
      %dma_start3A_34 = tpu.memref_slice %arg2[%mul3A_2] : memref<323584xi32, #tpu.memory_space<hbm>> -> memref<10112xi32, #tpu.memory_space<hbm>>
      tpu.enqueue_dma source(%dma_start3A_34 : memref<10112xi32, #tpu.memory_space<hbm>>) target(%arg7 : memref<10112xi32, #tpu.memory_space<vmem>>) target_semaphore(%run_scoped3A : memref<!tpu.dma_semaphore, #tpu.memory_space<semaphore_mem>>)
      %dma_wait3A_35 = tpu.memref_slice %arg2[%mul3A_2] : memref<323584xi32, #tpu.memory_space<hbm>> -> memref<10112xi32, #tpu.memory_space<hbm>>
      %dma_wait3A_36 = tpu.memref_slice %arg2[%mul3A_2] : memref<323584xi32, #tpu.memory_space<hbm>> -> memref<10112xi32, #tpu.memory_space<hbm>>
      tpu.wait_dma2 semaphore(%run_scoped3A : memref<!tpu.dma_semaphore, #tpu.memory_space<semaphore_mem>>) src(%dma_wait3A_36 : memref<10112xi32, #tpu.memory_space<hbm>>) dst(%arg7 : memref<10112xi32, #tpu.memory_space<vmem>>)
      tpu.yield
    }) : () -> ()
    "tpu.region"() ({
      %run_scoped3A = tpu.sem_alloc : memref<!tpu.dma_semaphore, #tpu.memory_space<semaphore_mem>>
      %dma_start3A_33 = tpu.memref_slice %arg3[%mul3A_2] : memref<323584xf32, #tpu.memory_space<hbm>> -> memref<10112xf32, #tpu.memory_space<hbm>>
      %dma_start3A_34 = tpu.memref_slice %arg3[%mul3A_2] : memref<323584xf32, #tpu.memory_space<hbm>> -> memref<10112xf32, #tpu.memory_space<hbm>>
      tpu.enqueue_dma source(%dma_start3A_34 : memref<10112xf32, #tpu.memory_space<hbm>>) target(%arg8 : memref<10112xf32, #tpu.memory_space<vmem>>) target_semaphore(%run_scoped3A : memref<!tpu.dma_semaphore, #tpu.memory_space<semaphore_mem>>)
      %dma_wait3A_35 = tpu.memref_slice %arg3[%mul3A_2] : memref<323584xf32, #tpu.memory_space<hbm>> -> memref<10112xf32, #tpu.memory_space<hbm>>
      %dma_wait3A_36 = tpu.memref_slice %arg3[%mul3A_2] : memref<323584xf32, #tpu.memory_space<hbm>> -> memref<10112xf32, #tpu.memory_space<hbm>>
      tpu.wait_dma2 semaphore(%run_scoped3A : memref<!tpu.dma_semaphore, #tpu.memory_space<semaphore_mem>>) src(%dma_wait3A_36 : memref<10112xf32, #tpu.memory_space<hbm>>) dst(%arg8 : memref<10112xf32, #tpu.memory_space<vmem>>)
      tpu.yield
    }) : () -> ()
    %mul3A_3 = arith.constant 624 : i32
    %mul3A_4 = arith.muli %arg1, %mul3A_3 : i32
    %mul3A_5 = arith.constant 624 : i32
    %mul3A_6 = arith.muli %arg1, %mul3A_5 : i32
    "tpu.region"() ({
      %run_scoped3A = tpu.sem_alloc : memref<!tpu.dma_semaphore, #tpu.memory_space<semaphore_mem>>
      %dma_start3A_33 = arith.constant 0 : i32
      %dma_start3A_34 = tpu.memref_slice %arg15[%mul3A_6, %dma_start3A_33] : memref<10000x128xf32, #tpu.memory_space<vmem_shared>> -> memref<640x128xf32, #tpu.memory_space<vmem_shared>>
      %dma_start3A_35 = arith.constant 0 : i32
      %dma_start3A_36 = tpu.memref_slice %arg5[%mul3A_4, %dma_start3A_35] : memref<10000x128xf32, #tpu.memory_space<hbm>> -> memref<640x128xf32, #tpu.memory_space<hbm>>
      tpu.enqueue_dma source(%dma_start3A_36 : memref<640x128xf32, #tpu.memory_space<hbm>>) target(%dma_start3A_34 : memref<640x128xf32, #tpu.memory_space<vmem_shared>>) target_semaphore(%run_scoped3A : memref<!tpu.dma_semaphore, #tpu.memory_space<semaphore_mem>>)
      %dma_wait3A_37 = arith.constant 0 : i32
      %dma_wait3A_38 = tpu.memref_slice %arg15[%mul3A_6, %dma_wait3A_37] : memref<10000x128xf32, #tpu.memory_space<vmem_shared>> -> memref<640x128xf32, #tpu.memory_space<vmem_shared>>
      %dma_wait3A_39 = arith.constant 0 : i32
      %dma_wait3A_40 = tpu.memref_slice %arg5[%mul3A_4, %dma_wait3A_39] : memref<10000x128xf32, #tpu.memory_space<hbm>> -> memref<640x128xf32, #tpu.memory_space<hbm>>
      tpu.wait_dma2 semaphore(%run_scoped3A : memref<!tpu.dma_semaphore, #tpu.memory_space<semaphore_mem>>) src(%dma_wait3A_40 : memref<640x128xf32, #tpu.memory_space<hbm>>) dst(%dma_wait3A_38 : memref<640x128xf32, #tpu.memory_space<vmem_shared>>)
      tpu.yield
    }) : () -> ()
    %barrier3A = arith.constant 0 : index
    tpu.barrier barrier_id(%barrier3A)
    %get3A = arith.constant 0 : index
    %get3A_7 = tpu.vector_load %arg7[%get3A] {strides = array<i32>} : memref<10112xi32, #tpu.memory_space<vmem>>, vector<16xi32>,
    %shift_right_arithmetic3A = arith.constant 17 : i32
    %shift_right_arithmetic3A_8 = vector.broadcast %shift_right_arithmetic3A : i32 to vector<16xi32>
    %shift_right_arithmetic3A_9 = arith.shrsi %get3A_7, %shift_right_arithmetic3A_8 : vector<16xi32>
    %mul3A_10 = arith.constant 8 : i32
    %mul3A_11 = vector.broadcast %mul3A_10 : i32 to vector<16xi32>
    %mul3A_12 = arith.muli %shift_right_arithmetic3A_9, %mul3A_11 : vector<16xi32>
    %and3A = arith.constant 7 : i32
    %and3A_13 = vector.broadcast %and3A : i32 to vector<16xi32>
    %and3A_14 = arith.andi %get3A_7, %and3A_13 : vector<16xi32>
    %add3A_15 = arith.addi %mul3A_12, %and3A_14 : vector<16xi32>
    %dma_start3A = arith.constant 0 : i32
    %dma_start3A_16 = arith.constant 0 : i32
    %dma_start3A_17 = tpu.memref_slice %arg4[%dma_start3A, %dma_start3A_16] : memref<80000x128xf32, #tpu.memory_space<hbm>> -> memref<80000x128xf32, #tpu.memory_space<hbm>>
    tpu.enqueue_indirect_dma source(%dma_start3A_17 : memref<80000x128xf32, #tpu.memory_space<hbm>>) target(%arg9 : memref<16x128xf32, #tpu.memory_space<vmem>>) offsets(%add3A_15 : vector<16xi32>) semaphore(%arg13 : memref<!tpu.dma_semaphore, #tpu.memory_space<semaphore_mem>>)
    %scan3A = arith.constant 0 : i32
    %scan3A_18 = arith.constant 0 : i32
    %scan3A_19 = arith.constant 316 : i32
    %scan3A_20 = arith.addi %scan3A_18, %scan3A_19 : i32
    %scan3A_21 = arith.constant 1 : i32
    scf.for %scan3A_33 = %scan3A_18 to %scan3A_20 step %scan3A_21  : i32 {
      %mul3A_34 = arith.constant 32 : i32
      %mul3A_35 = arith.muli %scan3A_33, %mul3A_34 : i32
      %add3A_36 = arith.constant 16 : i32
      %add3A_37 = arith.addi %mul3A_35, %add3A_36 : i32
      %get3A_38 = arith.index_cast %add3A_37 : i32 to index
      %get3A_39 = tpu.vector_load %arg7[%get3A_38] {strides = array<i32>} : memref<10112xi32, #tpu.memory_space<vmem>>, vector<16xi32>,
      %shift_right_arithmetic3A_40 = arith.constant 17 : i32
      %shift_right_arithmetic3A_41 = vector.broadcast %shift_right_arithmetic3A_40 : i32 to vector<16xi32>
      %shift_right_arithmetic3A_42 = arith.shrsi %get3A_39, %shift_right_arithmetic3A_41 : vector<16xi32>
      %mul3A_43 = arith.constant 8 : i32
      %mul3A_44 = vector.broadcast %mul3A_43 : i32 to vector<16xi32>
      %mul3A_45 = arith.muli %shift_right_arithmetic3A_42, %mul3A_44 : vector<16xi32>
      %and3A_46 = arith.constant 7 : i32
      %and3A_47 = vector.broadcast %and3A_46 : i32 to vector<16xi32>
      %and3A_48 = arith.andi %get3A_39, %and3A_47 : vector<16xi32>
      %add3A_49 = arith.addi %mul3A_45, %and3A_48 : vector<16xi32>
      %dma_start3A_50 = arith.constant 0 : i32
      %dma_start3A_51 = arith.constant 0 : i32
      %dma_start3A_52 = tpu.memref_slice %arg4[%dma_start3A_50, %dma_start3A_51] : memref<80000x128xf32, #tpu.memory_space<hbm>> -> memref<80000x128xf32, #tpu.memory_space<hbm>>
      tpu.enqueue_indirect_dma source(%dma_start3A_52 : memref<80000x128xf32, #tpu.memory_space<hbm>>) target(%arg10 : memref<16x128xf32, #tpu.memory_space<vmem>>) offsets(%add3A_49 : vector<16xi32>) semaphore(%arg14 : memref<!tpu.dma_semaphore, #tpu.memory_space<semaphore_mem>>)
      %dma_wait3A_53 = arith.constant 0 : i32
      %dma_wait3A_54 = arith.constant 0 : i32
      %dma_wait3A_55 = tpu.memref_slice %arg4[%dma_wait3A_53, %dma_wait3A_54] : memref<80000x128xf32, #tpu.memory_space<hbm>> -> memref<16x128xf32, #tpu.memory_space<hbm>>
      %dma_wait3A_56 = arith.constant 0 : i32
      %dma_wait3A_57 = arith.constant 0 : i32
      %dma_wait3A_58 = tpu.memref_slice %arg4[%dma_wait3A_56, %dma_wait3A_57] : memref<80000x128xf32, #tpu.memory_space<hbm>> -> memref<16x128xf32, #tpu.memory_space<hbm>>
      tpu.wait_dma2 semaphore(%arg13 : memref<!tpu.dma_semaphore, #tpu.memory_space<semaphore_mem>>) src(%dma_wait3A_58 : memref<16x128xf32, #tpu.memory_space<hbm>>) dst(%arg9 : memref<16x128xf32, #tpu.memory_space<vmem>>)
      %get3A_59 = arith.index_cast %mul3A_35 : i32 to index
      %get3A_60 = tpu.vector_load %arg7[%get3A_59] {strides = array<i32>} : memref<10112xi32, #tpu.memory_space<vmem>>, vector<16xi32>,
      %shift_right_arithmetic3A_61 = arith.constant 3 : i32
      %shift_right_arithmetic3A_62 = vector.broadcast %shift_right_arithmetic3A_61 : i32 to vector<16xi32>
      %shift_right_arithmetic3A_63 = arith.shrsi %get3A_60, %shift_right_arithmetic3A_62 : vector<16xi32>
      %and3A_64 = arith.constant 16383 : i32
      %and3A_65 = vector.broadcast %and3A_64 : i32 to vector<16xi32>
      %and3A_66 = arith.andi %shift_right_arithmetic3A_63, %and3A_65 : vector<16xi32>
      %get3A_67 = arith.index_cast %mul3A_35 : i32 to index
      %get3A_68 = tpu.vector_load %arg8[%get3A_67] {strides = array<i32>} : memref<10112xf32, #tpu.memory_space<vmem>>, vector<16xf32>,
      %slice3A = vector.extract_strided_slice %get3A_68 {offsets = [0], sizes = [1], strides = [1]} : vector<16xf32> to vector<1xf32>
      %squeeze3A = vector.extract %slice3A[0] : f32 from vector<1xf32>
      %get3A_69 = arith.constant 0 : i32
      %get3A_70 = arith.index_cast %get3A_69 : i32 to index
      %get3A_71 = arith.constant 0 : index
      %get3A_72 = tpu.vector_load %arg9[%get3A_70, %get3A_71] {strides = array<i32>} : memref<16x128xf32, #tpu.memory_space<vmem>>, vector<16xf32>,
      %mul3A_73 = vector.broadcast %squeeze3A : f32 to vector<16xf32>
      %mul3A_74 = arith.mulf %mul3A_73, %get3A_72 : vector<16xf32>
      %swap3A = arith.constant 0 : i32
      %swap3A_75 = arith.index_cast %swap3A : i32 to index
      %swap3A_76 = arith.constant 0 : index
      %swap3A_77 = tpu.vector_load %arg11[%swap3A_75, %swap3A_76] {strides = array<i32>} : memref<16x128xf32, #tpu.memory_space<vmem>>, vector<16xf32>,
      tpu.vector_store %arg11[%swap3A_75, %swap3A_76], %mul3A_74 {strides = array<i32>} : memref<16x128xf32, #tpu.memory_space<vmem>>, vector<16xf32>,
      %get3A_78 = arith.constant 0 : i32
      %get3A_79 = arith.index_cast %get3A_78 : i32 to index
      %get3A_80 = arith.constant 16 : index
      %get3A_81 = tpu.vector_load %arg9[%get3A_79, %get3A_80] {strides = array<i32>} : memref<16x128xf32, #tpu.memory_space<vmem>>, vector<16xf32>,
      %mul3A_82 = vector.broadcast %squeeze3A : f32 to vector<16xf32>
      %mul3A_83 = arith.mulf %mul3A_82, %get3A_81 : vector<16xf32>
      %swap3A_84 = arith.constant 0 : i32
      %swap3A_85 = arith.index_cast %swap3A_84 : i32 to index
      %swap3A_86 = arith.constant 16 : index
      %swap3A_87 = tpu.vector_load %arg11[%swap3A_85, %swap3A_86] {strides = array<i32>} : memref<16x128xf32, #tpu.memory_space<vmem>>, vector<16xf32>,
      tpu.vector_store %arg11[%swap3A_85, %swap3A_86], %mul3A_83 {strides = array<i32>} : memref<16x128xf32, #tpu.memory_space<vmem>>, vector<16xf32>,
      %get3A_88 = arith.constant 0 : i32
      %get3A_89 = arith.index_cast %get3A_88 : i32 to index
      %get3A_90 = arith.constant 32 : index
      %get3A_91 = tpu.vector_load %arg9[%get3A_89, %get3A_90] {strides = array<i32>} : memref<16x128xf32, #tpu.memory_space<vmem>>, vector<16xf32>,
      %mul3A_92 = vector.broadcast %squeeze3A : f32 to vector<16xf32>
      %mul3A_93 = arith.mulf %mul3A_92, %get3A_91 : vector<16xf32>
      %swap3A_94 = arith.constant 0 : i32
      %swap3A_95 = arith.index_cast %swap3A_94 : i32 to index
      %swap3A_96 = arith.constant 32 : index
      %swap3A_97 = tpu.vector_load %arg11[%swap3A_95, %swap3A_96] {strides = array<i32>} : memref<16x128xf32, #tpu.memory_space<vmem>>, vector<16xf32>,
      tpu.vector_store %arg11[%swap3A_95, %swap3A_96], %mul3A_93 {strides = array<i32>} : memref<16x128xf32, #tpu.memory_space<vmem>>, vector<16xf32>,
      %get3A_98 = arith.constant 0 : i32
      %get3A_99 = arith.index_cast %get3A_98 : i32 to index
      %get3A_100 = arith.constant 48 : index
      %get3A_101 = tpu.vector_load %arg9[%get3A_99, %get3A_100] {strides = array<i32>} : memref<16x128xf32, #tpu.memory_space<vmem>>, vector<16xf32>,
      %mul3A_102 = vector.broadcast %squeeze3A : f32 to vector<16xf32>
      %mul3A_103 = arith.mulf %mul3A_102, %get3A_101 : vector<16xf32>
      %swap3A_104 = arith.constant 0 : i32
      %swap3A_105 = arith.index_cast %swap3A_104 : i32 to index
      %swap3A_106 = arith.constant 48 : index
      %swap3A_107 = tpu.vector_load %arg11[%swap3A_105, %swap3A_106] {strides = array<i32>} : memref<16x128xf32, #tpu.memory_space<vmem>>, vector<16xf32>,
      tpu.vector_store %arg11[%swap3A_105, %swap3A_106], %mul3A_103 {strides = array<i32>} : memref<16x128xf32, #tpu.memory_space<vmem>>, vector<16xf32>,
      %get3A_108 = arith.constant 0 : i32
      %get3A_109 = arith.index_cast %get3A_108 : i32 to index
      %get3A_110 = arith.constant 64 : index
      %get3A_111 = tpu.vector_load %arg9[%get3A_109, %get3A_110] {strides = array<i32>} : memref<16x128xf32, #tpu.memory_space<vmem>>, vector<16xf32>,
      %mul3A_112 = vector.broadcast %squeeze3A : f32 to vector<16xf32>
      %mul3A_113 = arith.mulf %mul3A_112, %get3A_111 : vector<16xf32>
      %swap3A_114 = arith.constant 0 : i32
      %swap3A_115 = arith.index_cast %swap3A_114 : i32 to index
      %swap3A_116 = arith.constant 64 : index
      %swap3A_117 = tpu.vector_load %arg11[%swap3A_115, %swap3A_116] {strides = array<i32>} : memref<16x128xf32, #tpu.memory_space<vmem>>, vector<16xf32>,
      tpu.vector_store %arg11[%swap3A_115, %swap3A_116], %mul3A_113 {strides = array<i32>} : memref<16x128xf32, #tpu.memory_space<vmem>>, vector<16xf32>,
      %get3A_118 = arith.constant 0 : i32
      %get3A_119 = arith.index_cast %get3A_118 : i32 to index
      %get3A_120 = arith.constant 80 : index
      %get3A_121 = tpu.vector_load %arg9[%get3A_119, %get3A_120] {strides = array<i32>} : memref<16x128xf32, #tpu.memory_space<vmem>>, vector<16xf32>,
      %mul3A_122 = vector.broadcast %squeeze3A : f32 to vector<16xf32>
      %mul3A_123 = arith.mulf %mul3A_122, %get3A_121 : vector<16xf32>
      %swap3A_124 = arith.constant 0 : i32
      %swap3A_125 = arith.index_cast %swap3A_124 : i32 to index
      %swap3A_126 = arith.constant 80 : index
      %swap3A_127 = tpu.vector_load %arg11[%swap3A_125, %swap3A_126] {strides = array<i32>} : memref<16x128xf32, #tpu.memory_space<vmem>>, vector<16xf32>,
      tpu.vector_store %arg11[%swap3A_125, %swap3A_126], %mul3A_123 {strides = array<i32>} : memref<16x128xf32, #tpu.memory_space<vmem>>, vector<16xf32>,
      %get3A_128 = arith.constant 0 : i32
      %get3A_129 = arith.index_cast %get3A_128 : i32 to index
      %get3A_130 = arith.constant 96 : index
      %get3A_131 = tpu.vector_load %arg9[%get3A_129, %get3A_130] {strides = array<i32>} : memref<16x128xf32, #tpu.memory_space<vmem>>, vector<16xf32>,
      %mul3A_132 = vector.broadcast %squeeze3A : f32 to vector<16xf32>
      %mul3A_133 = arith.mulf %mul3A_132, %get3A_131 : vector<16xf32>
      %swap3A_134 = arith.constant 0 : i32
      %swap3A_135 = arith.index_cast %swap3A_134 : i32 to index
      %swap3A_136 = arith.constant 96 : index
      %swap3A_137 = tpu.vector_load %arg11[%swap3A_135, %swap3A_136] {strides = array<i32>} : memref<16x128xf32, #tpu.memory_space<vmem>>, vector<16xf32>,
      tpu.vector_store %arg11[%swap3A_135, %swap3A_136], %mul3A_133 {strides = array<i32>} : memref<16x128xf32, #tpu.memory_space<vmem>>, vector<16xf32>,
      %get3A_138 = arith.constant 0 : i32
      %get3A_139 = arith.index_cast %get3A_138 : i32 to index
      %get3A_140 = arith.constant 112 : index
      %get3A_141 = tpu.vector_load %arg9[%get3A_139, %get3A_140] {strides = array<i32>} : memref<16x128xf32, #tpu.memory_space<vmem>>, vector<16xf32>,
      %mul3A_142 = vector.broadcast %squeeze3A : f32 to vector<16xf32>
      %mul3A_143 = arith.mulf %mul3A_142, %get3A_141 : vector<16xf32>
      %swap3A_144 = arith.constant 0 : i32
      %swap3A_145 = arith.index_cast %swap3A_144 : i32 to index
      %swap3A_146 = arith.constant 112 : index
      %swap3A_147 = tpu.vector_load %arg11[%swap3A_145, %swap3A_146] {strides = array<i32>} : memref<16x128xf32, #tpu.memory_space<vmem>>, vector<16xf32>,
      tpu.vector_store %arg11[%swap3A_145, %swap3A_146], %mul3A_143 {strides = array<i32>} : memref<16x128xf32, #tpu.memory_space<vmem>>, vector<16xf32>,
      %slice3A_148 = vector.extract_strided_slice %get3A_68 {offsets = [1], sizes = [1], strides = [1]} : vector<16xf32> to vector<1xf32>
      %squeeze3A_149 = vector.extract %slice3A_148[0] : f32 from vector<1xf32>
      %get3A_150 = arith.constant 1 : i32
      %get3A_151 = arith.index_cast %get3A_150 : i32 to index
      %get3A_152 = arith.constant 0 : index
      %get3A_153 = tpu.vector_load %arg9[%get3A_151, %get3A_152] {strides = array<i32>} : memref<16x128xf32, #tpu.memory_space<vmem>>, vector<16xf32>,
      %mul3A_154 = vector.broadcast %squeeze3A_149 : f32 to vector<16xf32>
      %mul3A_155 = arith.mulf %mul3A_154, %get3A_153 : vector<16xf32>
      %swap3A_156 = arith.constant 1 : i32
      %swap3A_157 = arith.index_cast %swap3A_156 : i32 to index
      %swap3A_158 = arith.constant 0 : index
      %swap3A_159 = tpu.vector_load %arg11[%swap3A_157, %swap3A_158] {strides = array<i32>} : memref<16x128xf32, #tpu.memory_space<vmem>>, vector<16xf32>,
      tpu.vector_store %arg11[%swap3A_157, %swap3A_158], %mul3A_155 {strides = array<i32>} : memref<16x128xf32, #tpu.memory_space<vmem>>, vector<16xf32>,
      %get3A_160 = arith.constant 1 : i32
      %get3A_161 = arith.index_cast %get3A_160 : i32 to index
      %get3A_162 = arith.constant 16 : index
      %get3A_163 = tpu.vector_load %arg9[%get3A_161, %get3A_162] {strides = array<i32>} : memref<16x128xf32, #tpu.memory_space<vmem>>, vector<16xf32>,
      %mul3A_164 = vector.broadcast %squeeze3A_149 : f32 to vector<16xf32>
      %mul3A_165 = arith.mulf %mul3A_164, %get3A_163 : vector<16xf32>
      %swap3A_166 = arith.constant 1 : i32
      %swap3A_167 = arith.index_cast %swap3A_166 : i32 to index
      %swap3A_168 = arith.constant 16 : index
      %swap3A_169 = tpu.vector_load %arg11[%swap3A_167, %swap3A_168] {strides = array<i32>} : memref<16x128xf32, #tpu.memory_space<vmem>>, vector<16xf32>,
      tpu.vector_store %arg11[%swap3A_167, %swap3A_168], %mul3A_165 {strides = array<i32>} : memref<16x128xf32, #tpu.memory_space<vmem>>, vector<16xf32>,
      %get3A_170 = arith.constant 1 : i32
      %get3A_171 = arith.index_cast %get3A_170 : i32 to index
      %get3A_172 = arith.constant 32 : index
      %get3A_173 = tpu.vector_load %arg9[%get3A_171, %get3A_172] {strides = array<i32>} : memref<16x128xf32, #tpu.memory_space<vmem>>, vector<16xf32>,
      %mul3A_174 = vector.broadcast %squeeze3A_149 : f32 to vector<16xf32>
      %mul3A_175 = arith.mulf %mul3A_174, %get3A_173 : vector<16xf32>
      %swap3A_176 = arith.constant 1 : i32
      %swap3A_177 = arith.index_cast %swap3A_176 : i32 to index
      %swap3A_178 = arith.constant 32 : index
      %swap3A_179 = tpu.vector_load %arg11[%swap3A_177, %swap3A_178] {strides = array<i32>} : memref<16x128xf32, #tpu.memory_space<vmem>>, vector<16xf32>,
      tpu.vector_store %arg11[%swap3A_177, %swap3A_178], %mul3A_175 {strides = array<i32>} : memref<16x128xf32, #tpu.memory_space<vmem>>, vector<16xf32>,
      %get3A_180 = arith.constant 1 : i32
      %get3A_181 = arith.index_cast %get3A_180 : i32 to index
      %get3A_182 = arith.constant 48 : index
      %get3A_183 = tpu.vector_load %arg9[%get3A_181, %get3A_182] {strides = array<i32>} : memref<16x128xf32, #tpu.memory_space<vmem>>, vector<16xf32>,
      %mul3A_184 = vector.broadcast %squeeze3A_149 : f32 to vector<16xf32>
      %mul3A_185 = arith.mulf %mul3A_184, %get3A_183 : vector<16xf32>
      %swap3A_186 = arith.constant 1 : i32
      %swap3A_187 = arith.index_cast %swap3A_186 : i32 to index
      %swap3A_188 = arith.constant 48 : index
      %swap3A_189 = tpu.vector_load %arg11[%swap3A_187, %swap3A_188] {strides = array<i32>} : memref<16x128xf32, #tpu.memory_space<vmem>>, vector<16xf32>,
      tpu.vector_store %arg11[%swap3A_187, %swap3A_188], %mul3A_185 {strides = array<i32>} : memref<16x128xf32, #tpu.memory_space<vmem>>, vector<16xf32>,
      %get3A_190 = arith.constant 1 : i32
      %get3A_191 = arith.index_cast %get3A_190 : i32 to index
      %get3A_192 = arith.constant 64 : index
      %get3A_193 = tpu.vector_load %arg9[%get3A_191, %get3A_192] {strides = array<i32>} : memref<16x128xf32, #tpu.memory_space<vmem>>, vector<16xf32>,
      %mul3A_194 = vector.broadcast %squeeze3A_149 : f32 to vector<16xf32>
      %mul3A_195 = arith.mulf %mul3A_194, %get3A_193 : vector<16xf32>
      %swap3A_196 = arith.constant 1 : i32
      %swap3A_197 = arith.index_cast %swap3A_196 : i32 to index
      %swap3A_198 = arith.constant 64 : index
      %swap3A_199 = tpu.vector_load %arg11[%swap3A_197, %swap3A_198] {strides = array<i32>} : memref<16x128xf32, #tpu.memory_space<vmem>>, vector<16xf32>,
      tpu.vector_store %arg11[%swap3A_197, %swap3A_198], %mul3A_195 {strides = array<i32>} : memref<16x128xf32, #tpu.memory_space<vmem>>, vector<16xf32>,
      %get3A_200 = arith.constant 1 : i32
      %get3A_201 = arith.index_cast %get3A_200 : i32 to index
      %get3A_202 = arith.constant 80 : index
      %get3A_203 = tpu.vector_load %arg9[%get3A_201, %get3A_202] {strides = array<i32>} : memref<16x128xf32, #tpu.memory_space<vmem>>, vector<16xf32>,
      %mul3A_204 = vector.broadcast %squeeze3A_149 : f32 to vector<16xf32>
      %mul3A_205 = arith.mulf %mul3A_204, %get3A_203 : vector<16xf32>
      %swap3A_206 = arith.constant 1 : i32
      %swap3A_207 = arith.index_cast %swap3A_206 : i32 to index
      %swap3A_208 = arith.constant 80 : index
      %swap3A_209 = tpu.vector_load %arg11[%swap3A_207, %swap3A_208] {strides = array<i32>} : memref<16x128xf32, #tpu.memory_space<vmem>>, vector<16xf32>,
      tpu.vector_store %arg11[%swap3A_207, %swap3A_208], %mul3A_205 {strides = array<i32>} : memref<16x128xf32, #tpu.memory_space<vmem>>, vector<16xf32>,
      %get3A_210 = arith.constant 1 : i32
      %get3A_211 = arith.index_cast %get3A_210 : i32 to index
      %get3A_212 = arith.constant 96 : index
      %get3A_213 = tpu.vector_load %arg9[%get3A_211, %get3A_212] {strides = array<i32>} : memref<16x128xf32, #tpu.memory_space<vmem>>, vector<16xf32>,
      %mul3A_214 = vector.broadcast %squeeze3A_149 : f32 to vector<16xf32>
      %mul3A_215 = arith.mulf %mul3A_214, %get3A_213 : vector<16xf32>
      %swap3A_216 = arith.constant 1 : i32
      %swap3A_217 = arith.index_cast %swap3A_216 : i32 to index
      %swap3A_218 = arith.constant 96 : index
      %swap3A_219 = tpu.vector_load %arg11[%swap3A_217, %swap3A_218] {strides = array<i32>} : memref<16x128xf32, #tpu.memory_space<vmem>>, vector<16xf32>,
      tpu.vector_store %arg11[%swap3A_217, %swap3A_218], %mul3A_215 {strides = array<i32>} : memref<16x128xf32, #tpu.memory_space<vmem>>, vector<16xf32>,
      %get3A_220 = arith.constant 1 : i32
      %get3A_221 = arith.index_cast %get3A_220 : i32 to index
      %get3A_222 = arith.constant 112 : index
      %get3A_223 = tpu.vector_load %arg9[%get3A_221, %get3A_222] {strides = array<i32>} : memref<16x128xf32, #tpu.memory_space<vmem>>, vector<16xf32>,
      %mul3A_224 = vector.broadcast %squeeze3A_149 : f32 to vector<16xf32>
      %mul3A_225 = arith.mulf %mul3A_224, %get3A_223 : vector<16xf32>
      %swap3A_226 = arith.constant 1 : i32
      %swap3A_227 = arith.index_cast %swap3A_226 : i32 to index
      %swap3A_228 = arith.constant 112 : index
      %swap3A_229 = tpu.vector_load %arg11[%swap3A_227, %swap3A_228] {strides = array<i32>} : memref<16x128xf32, #tpu.memory_space<vmem>>, vector<16xf32>,
      tpu.vector_store %arg11[%swap3A_227, %swap3A_228], %mul3A_225 {strides = array<i32>} : memref<16x128xf32, #tpu.memory_space<vmem>>, vector<16xf32>,
      %slice3A_230 = vector.extract_strided_slice %get3A_68 {offsets = [2], sizes = [1], strides = [1]} : vector<16xf32> to vector<1xf32>
      %squeeze3A_231 = vector.extract %slice3A_230[0] : f32 from vector<1xf32>
      %get3A_232 = arith.constant 2 : i32
      %get3A_233 = arith.index_cast %get3A_232 : i32 to index
      %get3A_234 = arith.constant 0 : index
      %get3A_235 = tpu.vector_load %arg9[%get3A_233, %get3A_234] {strides = array<i32>} : memref<16x128xf32, #tpu.memory_space<vmem>>, vector<16xf32>,
      %mul3A_236 = vector.broadcast %squeeze3A_231 : f32 to vector<16xf32>
      %mul3A_237 = arith.mulf %mul3A_236, %get3A_235 : vector<16xf32>
      %swap3A_238 = arith.constant 2 : i32
      %swap3A_239 = arith.index_cast %swap3A_238 : i32 to index
      %swap3A_240 = arith.constant 0 : index
      %swap3A_241 = tpu.vector_load %arg11[%swap3A_239, %swap3A_240] {strides = array<i32>} : memref<16x128xf32, #tpu.memory_space<vmem>>, vector<16xf32>,
      tpu.vector_store %arg11[%swap3A_239, %swap3A_240], %mul3A_237 {strides = array<i32>} : memref<16x128xf32, #tpu.memory_space<vmem>>, vector<16xf32>,
      %get3A_242 = arith.constant 2 : i32
      %get3A_243 = arith.index_cast %get3A_242 : i32 to index
      %get3A_244 = arith.constant 16 : index
      %get3A_245 = tpu.vector_load %arg9[%get3A_243, %get3A_244] {strides = array<i32>} : memref<16x128xf32, #tpu.memory_space<vmem>>, vector<16xf32>,
      %mul3A_246 = vector.broadcast %squeeze3A_231 : f32 to vector<16xf32>
      %mul3A_247 = arith.mulf %mul3A_246, %get3A_245 : vector<16xf32>
      %swap3A_248 = arith.constant 2 : i32
      %swap3A_249 = arith.index_cast %swap3A_248 : i32 to index
      %swap3A_250 = arith.constant 16 : index
      %swap3A_251 = tpu.vector_load %arg11[%swap3A_249, %swap3A_250] {strides = array<i32>} : memref<16x128xf32, #tpu.memory_space<vmem>>, vector<16xf32>,
      tpu.vector_store %arg11[%swap3A_249, %swap3A_250], %mul3A_247 {strides = array<i32>} : memref<16x128xf32, #tpu.memory_space<vmem>>, vector<16xf32>,
      %get3A_252 = arith.constant 2 : i32
      %get3A_253 = arith.index_cast %get3A_252 : i32 to index
      %get3A_254 = arith.constant 32 : index
      %get3A_255 = tpu.vector_load %arg9[%get3A_253, %get3A_254] {strides = array<i32>} : memref<16x128xf32, #tpu.memory_space<vmem>>, vector<16xf32>,
      %mul3A_256 = vector.broadcast %squeeze3A_231 : f32 to vector<16xf32>
      %mul3A_257 = arith.mulf %mul3A_256, %get3A_255 : vector<16xf32>
      %swap3A_258 = arith.constant 2 : i32
      %swap3A_259 = arith.index_cast %swap3A_258 : i32 to index
      %swap3A_260 = arith.constant 32 : index
      %swap3A_261 = tpu.vector_load %arg11[%swap3A_259, %swap3A_260] {strides = array<i32>} : memref<16x128xf32, #tpu.memory_space<vmem>>, vector<16xf32>,
      tpu.vector_store %arg11[%swap3A_259, %swap3A_260], %mul3A_257 {strides = array<i32>} : memref<16x128xf32, #tpu.memory_space<vmem>>, vector<16xf32>,
      %get3A_262 = arith.constant 2 : i32
      %get3A_263 = arith.index_cast %get3A_262 : i32 to index
      %get3A_264 = arith.constant 48 : index
      %get3A_265 = tpu.vector_load %arg9[%get3A_263, %get3A_264] {strides = array<i32>} : memref<16x128xf32, #tpu.memory_space<vmem>>, vector<16xf32>,
      %mul3A_266 = vector.broadcast %squeeze3A_231 : f32 to vector<16xf32>
      %mul3A_267 = arith.mulf %mul3A_266, %get3A_265 : vector<16xf32>
      %swap3A_268 = arith.constant 2 : i32
      %swap3A_269 = arith.index_cast %swap3A_268 : i32 to index
      %swap3A_270 = arith.constant 48 : index
      %swap3A_271 = tpu.vector_load %arg11[%swap3A_269, %swap3A_270] {strides = array<i32>} : memref<16x128xf32, #tpu.memory_space<vmem>>, vector<16xf32>,
      tpu.vector_store %arg11[%swap3A_269, %swap3A_270], %mul3A_267 {strides = array<i32>} : memref<16x128xf32, #tpu.memory_space<vmem>>, vector<16xf32>,
      %get3A_272 = arith.constant 2 : i32
      %get3A_273 = arith.index_cast %get3A_272 : i32 to index
      %get3A_274 = arith.constant 64 : index
      %get3A_275 = tpu.vector_load %arg9[%get3A_273, %get3A_274] {strides = array<i32>} : memref<16x128xf32, #tpu.memory_space<vmem>>, vector<16xf32>,
      %mul3A_276 = vector.broadcast %squeeze3A_231 : f32 to vector<16xf32>
      %mul3A_277 = arith.mulf %mul3A_276, %get3A_275 : vector<16xf32>
      %swap3A_278 = arith.constant 2 : i32
      %swap3A_279 = arith.index_cast %swap3A_278 : i32 to index
      %swap3A_280 = arith.constant 64 : index
      %swap3A_281 = tpu.vector_load %arg11[%swap3A_279, %swap3A_280] {strides = array<i32>} : memref<16x128xf32, #tpu.memory_space<vmem>>, vector<16xf32>,
      tpu.vector_store %arg11[%swap3A_279, %swap3A_280], %mul3A_277 {strides = array<i32>} : memref<16x128xf32, #tpu.memory_space<vmem>>, vector<16xf32>,
      %get3A_282 = arith.constant 2 : i32
      %get3A_283 = arith.index_cast %get3A_282 : i32 to index
      %get3A_284 = arith.constant 80 : index
      %get3A_285 = tpu.vector_load %arg9[%get3A_283, %get3A_284] {strides = array<i32>} : memref<16x128xf32, #tpu.memory_space<vmem>>, vector<16xf32>,
      %mul3A_286 = vector.broadcast %squeeze3A_231 : f32 to vector<16xf32>
      %mul3A_287 = arith.mulf %mul3A_286, %get3A_285 : vector<16xf32>
      %swap3A_288 = arith.constant 2 : i32
      %swap3A_289 = arith.index_cast %swap3A_288 : i32 to index
      %swap3A_290 = arith.constant 80 : index
      %swap3A_291 = tpu.vector_load %arg11[%swap3A_289, %swap3A_290] {strides = array<i32>} : memref<16x128xf32, #tpu.memory_space<vmem>>, vector<16xf32>,
      tpu.vector_store %arg11[%swap3A_289, %swap3A_290], %mul3A_287 {strides = array<i32>} : memref<16x128xf32, #tpu.memory_space<vmem>>, vector<16xf32>,
      %get3A_292 = arith.constant 2 : i32
      %get3A_293 = arith.index_cast %get3A_292 : i32 to index
      %get3A_294 = arith.constant 96 : index
      %get3A_295 = tpu.vector_load %arg9[%get3A_293, %get3A_294] {strides = array<i32>} : memref<16x128xf32, #tpu.memory_space<vmem>>, vector<16xf32>,
      %mul3A_296 = vector.broadcast %squeeze3A_231 : f32 to vector<16xf32>
      %mul3A_297 = arith.mulf %mul3A_296, %get3A_295 : vector<16xf32>
      %swap3A_298 = arith.constant 2 : i32
      %swap3A_299 = arith.index_cast %swap3A_298 : i32 to index
      %swap3A_300 = arith.constant 96 : index
      %swap3A_301 = tpu.vector_load %arg11[%swap3A_299, %swap3A_300] {strides = array<i32>} : memref<16x128xf32, #tpu.memory_space<vmem>>, vector<16xf32>,
      tpu.vector_store %arg11[%swap3A_299, %swap3A_300], %mul3A_297 {strides = array<i32>} : memref<16x128xf32, #tpu.memory_space<vmem>>, vector<16xf32>,
      %get3A_302 = arith.constant 2 : i32
      %get3A_303 = arith.index_cast %get3A_302 : i32 to index
      %get3A_304 = arith.constant 112 : index
      %get3A_305 = tpu.vector_load %arg9[%get3A_303, %get3A_304] {strides = array<i32>} : memref<16x128xf32, #tpu.memory_space<vmem>>, vector<16xf32>,
      %mul3A_306 = vector.broadcast %squeeze3A_231 : f32 to vector<16xf32>
      %mul3A_307 = arith.mulf %mul3A_306, %get3A_305 : vector<16xf32>
      %swap3A_308 = arith.constant 2 : i32
      %swap3A_309 = arith.index_cast %swap3A_308 : i32 to index
      %swap3A_310 = arith.constant 112 : index
      %swap3A_311 = tpu.vector_load %arg11[%swap3A_309, %swap3A_310] {strides = array<i32>} : memref<16x128xf32, #tpu.memory_space<vmem>>, vector<16xf32>,
      tpu.vector_store %arg11[%swap3A_309, %swap3A_310], %mul3A_307 {strides = array<i32>} : memref<16x128xf32, #tpu.memory_space<vmem>>, vector<16xf32>,
      %slice3A_312 = vector.extract_strided_slice %get3A_68 {offsets = [3], sizes = [1], strides = [1]} : vector<16xf32> to vector<1xf32>
      %squeeze3A_313 = vector.extract %slice3A_312[0] : f32 from vector<1xf32>
      %get3A_314 = arith.constant 3 : i32
      %get3A_315 = arith.index_cast %get3A_314 : i32 to index
      %get3A_316 = arith.constant 0 : index
      %get3A_317 = tpu.vector_load %arg9[%get3A_315, %get3A_316] {strides = array<i32>} : memref<16x128xf32, #tpu.memory_space<vmem>>, vector<16xf32>,
      %mul3A_318 = vector.broadcast %squeeze3A_313 : f32 to vector<16xf32>
      %mul3A_319 = arith.mulf %mul3A_318, %get3A_317 : vector<16xf32>
      %swap3A_320 = arith.constant 3 : i32
      %swap3A_321 = arith.index_cast %swap3A_320 : i32 to index
      %swap3A_322 = arith.constant 0 : index
      %swap3A_323 = tpu.vector_load %arg11[%swap3A_321, %swap3A_322] {strides = array<i32>} : memref<16x128xf32, #tpu.memory_space<vmem>>, vector<16xf32>,
      tpu.vector_store %arg11[%swap3A_321, %swap3A_322], %mul3A_319 {strides = array<i32>} : memref<16x128xf32, #tpu.memory_space<vmem>>, vector<16xf32>,
      %get3A_324 = arith.constant 3 : i32
      %get3A_325 = arith.index_cast %get3A_324 : i32 to index
      %get3A_326 = arith.constant 16 : index
      %get3A_327 = tpu.vector_load %arg9[%get3A_325, %get3A_326] {strides = array<i32>} : memref<16x128xf32, #tpu.memory_space<vmem>>, vector<16xf32>,
      %mul3A_328 = vector.broadcast %squeeze3A_313 : f32 to vector<16xf32>
      %mul3A_329 = arith.mulf %mul3A_328, %get3A_327 : vector<16xf32>
      %swap3A_330 = arith.constant 3 : i32
      %swap3A_331 = arith.index_cast %swap3A_330 : i32 to index
      %swap3A_332 = arith.constant 16 : index
      %swap3A_333 = tpu.vector_load %arg11[%swap3A_331, %swap3A_332] {strides = array<i32>} : memref<16x128xf32, #tpu.memory_space<vmem>>, vector<16xf32>,
      tpu.vector_store %arg11[%swap3A_331, %swap3A_332], %mul3A_329 {strides = array<i32>} : memref<16x128xf32, #tpu.memory_space<vmem>>, vector<16xf32>,
      %get3A_334 = arith.constant 3 : i32
      %get3A_335 = arith.index_cast %get3A_334 : i32 to index
      %get3A_336 = arith.constant 32 : index
      %get3A_337 = tpu.vector_load %arg9[%get3A_335, %get3A_336] {strides = array<i32>} : memref<16x128xf32, #tpu.memory_space<vmem>>, vector<16xf32>,
      %mul3A_338 = vector.broadcast %squeeze3A_313 : f32 to vector<16xf32>
      %mul3A_339 = arith.mulf %mul3A_338, %get3A_337 : vector<16xf32>
      %swap3A_340 = arith.constant 3 : i32
      %swap3A_341 = arith.index_cast %swap3A_340 : i32 to index
      %swap3A_342 = arith.constant 32 : index
      %swap3A_343 = tpu.vector_load %arg11[%swap3A_341, %swap3A_342] {strides = array<i32>} : memref<16x128xf32, #tpu.memory_space<vmem>>, vector<16xf32>,
      tpu.vector_store %arg11[%swap3A_341, %swap3A_342], %mul3A_339 {strides = array<i32>} : memref<16x128xf32, #tpu.memory_space<vmem>>, vector<16xf32>,
      %get3A_344 = arith.constant 3 : i32
      %get3A_345 = arith.index_cast %get3A_344 : i32 to index
      %get3A_346 = arith.constant 48 : index
      %get3A_347 = tpu.vector_load %arg9[%get3A_345, %get3A_346] {strides = array<i32>} : memref<16x128xf32, #tpu.memory_space<vmem>>, vector<16xf32>,
      %mul3A_348 = vector.broadcast %squeeze3A_313 : f32 to vector<16xf32>
      %mul3A_349 = arith.mulf %mul3A_348, %get3A_347 : vector<16xf32>
      %swap3A_350 = arith.constant 3 : i32
      %swap3A_351 = arith.index_cast %swap3A_350 : i32 to index
      %swap3A_352 = arith.constant 48 : index
      %swap3A_353 = tpu.vector_load %arg11[%swap3A_351, %swap3A_352] {strides = array<i32>} : memref<16x128xf32, #tpu.memory_space<vmem>>, vector<16xf32>,
      tpu.vector_store %arg11[%swap3A_351, %swap3A_352], %mul3A_349 {strides = array<i32>} : memref<16x128xf32, #tpu.memory_space<vmem>>, vector<16xf32>,
      %get3A_354 = arith.constant 3 : i32
      %get3A_355 = arith.index_cast %get3A_354 : i32 to index
      %get3A_356 = arith.constant 64 : index
      %get3A_357 = tpu.vector_load %arg9[%get3A_355, %get3A_356] {strides = array<i32>} : memref<16x128xf32, #tpu.memory_space<vmem>>, vector<16xf32>,
      %mul3A_358 = vector.broadcast %squeeze3A_313 : f32 to vector<16xf32>
      %mul3A_359 = arith.mulf %mul3A_358, %get3A_357 : vector<16xf32>
      %swap3A_360 = arith.constant 3 : i32
      %swap3A_361 = arith.index_cast %swap3A_360 : i32 to index
      %swap3A_362 = arith.constant 64 : index
      %swap3A_363 = tpu.vector_load %arg11[%swap3A_361, %swap3A_362] {strides = array<i32>} : memref<16x128xf32, #tpu.memory_space<vmem>>, vector<16xf32>,
      tpu.vector_store %arg11[%swap3A_361, %swap3A_362], %mul3A_359 {strides = array<i32>} : memref<16x128xf32, #tpu.memory_space<vmem>>, vector<16xf32>,
      %get3A_364 = arith.constant 3 : i32
      %get3A_365 = arith.index_cast %get3A_364 : i32 to index
      %get3A_366 = arith.constant 80 : index
      %get3A_367 = tpu.vector_load %arg9[%get3A_365, %get3A_366] {strides = array<i32>} : memref<16x128xf32, #tpu.memory_space<vmem>>, vector<16xf32>,
      %mul3A_368 = vector.broadcast %squeeze3A_313 : f32 to vector<16xf32>
      %mul3A_369 = arith.mulf %mul3A_368, %get3A_367 : vector<16xf32>
      %swap3A_370 = arith.constant 3 : i32
      %swap3A_371 = arith.index_cast %swap3A_370 : i32 to index
      %swap3A_372 = arith.constant 80 : index
      %swap3A_373 = tpu.vector_load %arg11[%swap3A_371, %swap3A_372] {strides = array<i32>} : memref<16x128xf32, #tpu.memory_space<vmem>>, vector<16xf32>,
      tpu.vector_store %arg11[%swap3A_371, %swap3A_372], %mul3A_369 {strides = array<i32>} : memref<16x128xf32, #tpu.memory_space<vmem>>, vector<16xf32>,
      %get3A_374 = arith.constant 3 : i32
      %get3A_375 = arith.index_cast %get3A_374 : i32 to index
      %get3A_376 = arith.constant 96 : index
      %get3A_377 = tpu.vector_load %arg9[%get3A_375, %get3A_376] {strides = array<i32>} : memref<16x128xf32, #tpu.memory_space<vmem>>, vector<16xf32>,
      %mul3A_378 = vector.broadcast %squeeze3A_313 : f32 to vector<16xf32>
      %mul3A_379 = arith.mulf %mul3A_378, %get3A_377 : vector<16xf32>
      %swap3A_380 = arith.constant 3 : i32
      %swap3A_381 = arith.index_cast %swap3A_380 : i32 to index
      %swap3A_382 = arith.constant 96 : index
      %swap3A_383 = tpu.vector_load %arg11[%swap3A_381, %swap3A_382] {strides = array<i32>} : memref<16x128xf32, #tpu.memory_space<vmem>>, vector<16xf32>,
      tpu.vector_store %arg11[%swap3A_381, %swap3A_382], %mul3A_379 {strides = array<i32>} : memref<16x128xf32, #tpu.memory_space<vmem>>, vector<16xf32>,
      %get3A_384 = arith.constant 3 : i32
      %get3A_385 = arith.index_cast %get3A_384 : i32 to index
      %get3A_386 = arith.constant 112 : index
      %get3A_387 = tpu.vector_load %arg9[%get3A_385, %get3A_386] {strides = array<i32>} : memref<16x128xf32, #tpu.memory_space<vmem>>, vector<16xf32>,
      %mul3A_388 = vector.broadcast %squeeze3A_313 : f32 to vector<16xf32>
      %mul3A_389 = arith.mulf %mul3A_388, %get3A_387 : vector<16xf32>
      %swap3A_390 = arith.constant 3 : i32
      %swap3A_391 = arith.index_cast %swap3A_390 : i32 to index
      %swap3A_392 = arith.constant 112 : index
      %swap3A_393 = tpu.vector_load %arg11[%swap3A_391, %swap3A_392] {strides = array<i32>} : memref<16x128xf32, #tpu.memory_space<vmem>>, vector<16xf32>,
      tpu.vector_store %arg11[%swap3A_391, %swap3A_392], %mul3A_389 {strides = array<i32>} : memref<16x128xf32, #tpu.memory_space<vmem>>, vector<16xf32>,
      %slice3A_394 = vector.extract_strided_slice %get3A_68 {offsets = [4], sizes = [1], strides = [1]} : vector<16xf32> to vector<1xf32>
      %squeeze3A_395 = vector.extract %slice3A_394[0] : f32 from vector<1xf32>
      %get3A_396 = arith.constant 4 : i32
      %get3A_397 = arith.index_cast %get3A_396 : i32 to index
      %get3A_398 = arith.constant 0 : index
      %get3A_399 = tpu.vector_load %arg9[%get3A_397, %get3A_398] {strides = array<i32>} : memref<16x128xf32, #tpu.memory_space<vmem>>, vector<16xf32>,
      %mul3A_400 = vector.broadcast %squeeze3A_395 : f32 to vector<16xf32>
      %mul3A_401 = arith.mulf %mul3A_400, %get3A_399 : vector<16xf32>
      %swap3A_402 = arith.constant 4 : i32
      %swap3A_403 = arith.index_cast %swap3A_402 : i32 to index
      %swap3A_404 = arith.constant 0 : index
      %swap3A_405 = tpu.vector_load %arg11[%swap3A_403, %swap3A_404] {strides = array<i32>} : memref<16x128xf32, #tpu.memory_space<vmem>>, vector<16xf32>,
      tpu.vector_store %arg11[%swap3A_403, %swap3A_404], %mul3A_401 {strides = array<i32>} : memref<16x128xf32, #tpu.memory_space<vmem>>, vector<16xf32>,
      %get3A_406 = arith.constant 4 : i32
      %get3A_407 = arith.index_cast %get3A_406 : i32 to index
      %get3A_408 = arith.constant 16 : index
      %get3A_409 = tpu.vector_load %arg9[%get3A_407, %get3A_408] {strides = array<i32>} : memref<16x128xf32, #tpu.memory_space<vmem>>, vector<16xf32>,
      %mul3A_410 = vector.broadcast %squeeze3A_395 : f32 to vector<16xf32>
      %mul3A_411 = arith.mulf %mul3A_410, %get3A_409 : vector<16xf32>
      %swap3A_412 = arith.constant 4 : i32
      %swap3A_413 = arith.index_cast %swap3A_412 : i32 to index
      %swap3A_414 = arith.constant 16 : index
      %swap3A_415 = tpu.vector_load %arg11[%swap3A_413, %swap3A_414] {strides = array<i32>} : memref<16x128xf32, #tpu.memory_space<vmem>>, vector<16xf32>,
      tpu.vector_store %arg11[%swap3A_413, %swap3A_414], %mul3A_411 {strides = array<i32>} : memref<16x128xf32, #tpu.memory_space<vmem>>, vector<16xf32>,
      %get3A_416 = arith.constant 4 : i32
      %get3A_417 = arith.index_cast %get3A_416 : i32 to index
      %get3A_418 = arith.constant 32 : index
      %get3A_419 = tpu.vector_load %arg9[%get3A_417, %get3A_418] {strides = array<i32>} : memref<16x128xf32, #tpu.memory_space<vmem>>, vector<16xf32>,
      %mul3A_420 = vector.broadcast %squeeze3A_395 : f32 to vector<16xf32>
      %mul3A_421 = arith.mulf %mul3A_420, %get3A_419 : vector<16xf32>
      %swap3A_422 = arith.constant 4 : i32
      %swap3A_423 = arith.index_cast %swap3A_422 : i32 to index
      %swap3A_424 = arith.constant 32 : index
      %swap3A_425 = tpu.vector_load %arg11[%swap3A_423, %swap3A_424] {strides = array<i32>} : memref<16x128xf32, #tpu.memory_space<vmem>>, vector<16xf32>,
      tpu.vector_store %arg11[%swap3A_423, %swap3A_424], %mul3A_421 {strides = array<i32>} : memref<16x128xf32, #tpu.memory_space<vmem>>, vector<16xf32>,
      %get3A_426 = arith.constant 4 : i32
      %get3A_427 = arith.index_cast %get3A_426 : i32 to index
      %get3A_428 = arith.constant 48 : index
      %get3A_429 = tpu.vector_load %arg9[%get3A_427, %get3A_428] {strides = array<i32>} : memref<16x128xf32, #tpu.memory_space<vmem>>, vector<16xf32>,
      %mul3A_430 = vector.broadcast %squeeze3A_395 : f32 to vector<16xf32>
      %mul3A_431 = arith.mulf %mul3A_430, %get3A_429 : vector<16xf32>
      %swap3A_432 = arith.constant 4 : i32
      %swap3A_433 = arith.index_cast %swap3A_432 : i32 to index
      %swap3A_434 = arith.constant 48 : index
      %swap3A_435 = tpu.vector_load %arg11[%swap3A_433, %swap3A_434] {strides = array<i32>} : memref<16x128xf32, #tpu.memory_space<vmem>>, vector<16xf32>,
      tpu.vector_store %arg11[%swap3A_433, %swap3A_434], %mul3A_431 {strides = array<i32>} : memref<16x128xf32, #tpu.memory_space<vmem>>, vector<16xf32>,
      %get3A_436 = arith.constant 4 : i32
      %get3A_437 = arith.index_cast %get3A_436 : i32 to index
      %get3A_438 = arith.constant 64 : index
      %get3A_439 = tpu.vector_load %arg9[%get3A_437, %get3A_438] {strides = array<i32>} : memref<16x128xf32, #tpu.memory_space<vmem>>, vector<16xf32>,
      %mul3A_440 = vector.broadcast %squeeze3A_395 : f32 to vector<16xf32>
      %mul3A_441 = arith.mulf %mul3A_440, %get3A_439 : vector<16xf32>
      %swap3A_442 = arith.constant 4 : i32
      %swap3A_443 = arith.index_cast %swap3A_442 : i32 to index
      %swap3A_444 = arith.constant 64 : index
      %swap3A_445 = tpu.vector_load %arg11[%swap3A_443, %swap3A_444] {strides = array<i32>} : memref<16x128xf32, #tpu.memory_space<vmem>>, vector<16xf32>,
      tpu.vector_store %arg11[%swap3A_443, %swap3A_444], %mul3A_441 {strides = array<i32>} : memref<16x128xf32, #tpu.memory_space<vmem>>, vector<16xf32>,
      %get3A_446 = arith.constant 4 : i32
      %get3A_447 = arith.index_cast %get3A_446 : i32 to index
      %get3A_448 = arith.constant 80 : index
      %get3A_449 = tpu.vector_load %arg9[%get3A_447, %get3A_448] {strides = array<i32>} : memref<16x128xf32, #tpu.memory_space<vmem>>, vector<16xf32>,
      %mul3A_450 = vector.broadcast %squeeze3A_395 : f32 to vector<16xf32>
      %mul3A_451 = arith.mulf %mul3A_450, %get3A_449 : vector<16xf32>
      %swap3A_452 = arith.constant 4 : i32
      %swap3A_453 = arith.index_cast %swap3A_452 : i32 to index
      %swap3A_454 = arith.constant 80 : index
      %swap3A_455 = tpu.vector_load %arg11[%swap3A_453, %swap3A_454] {strides = array<i32>} : memref<16x128xf32, #tpu.memory_space<vmem>>, vector<16xf32>,
      tpu.vector_store %arg11[%swap3A_453, %swap3A_454], %mul3A_451 {strides = array<i32>} : memref<16x128xf32, #tpu.memory_space<vmem>>, vector<16xf32>,
      %get3A_456 = arith.constant 4 : i32
      %get3A_457 = arith.index_cast %get3A_456 : i32 to index
      %get3A_458 = arith.constant 96 : index
      %get3A_459 = tpu.vector_load %arg9[%get3A_457, %get3A_458] {strides = array<i32>} : memref<16x128xf32, #tpu.memory_space<vmem>>, vector<16xf32>,
      %mul3A_460 = vector.broadcast %squeeze3A_395 : f32 to vector<16xf32>
      %mul3A_461 = arith.mulf %mul3A_460, %get3A_459 : vector<16xf32>
      %swap3A_462 = arith.constant 4 : i32
      %swap3A_463 = arith.index_cast %swap3A_462 : i32 to index
      %swap3A_464 = arith.constant 96 : index
      %swap3A_465 = tpu.vector_load %arg11[%swap3A_463, %swap3A_464] {strides = array<i32>} : memref<16x128xf32, #tpu.memory_space<vmem>>, vector<16xf32>,
      tpu.vector_store %arg11[%swap3A_463, %swap3A_464], %mul3A_461 {strides = array<i32>} : memref<16x128xf32, #tpu.memory_space<vmem>>, vector<16xf32>,
      %get3A_466 = arith.constant 4 : i32
      %get3A_467 = arith.index_cast %get3A_466 : i32 to index
      %get3A_468 = arith.constant 112 : index
      %get3A_469 = tpu.vector_load %arg9[%get3A_467, %get3A_468] {strides = array<i32>} : memref<16x128xf32, #tpu.memory_space<vmem>>, vector<16xf32>,
      %mul3A_470 = vector.broadcast %squeeze3A_395 : f32 to vector<16xf32>
      %mul3A_471 = arith.mulf %mul3A_470, %get3A_469 : vector<16xf32>
      %swap3A_472 = arith.constant 4 : i32
      %swap3A_473 = arith.index_cast %swap3A_472 : i32 to index
      %swap3A_474 = arith.constant 112 : index
      %swap3A_475 = tpu.vector_load %arg11[%swap3A_473, %swap3A_474] {strides = array<i32>} : memref<16x128xf32, #tpu.memory_space<vmem>>, vector<16xf32>,
      tpu.vector_store %arg11[%swap3A_473, %swap3A_474], %mul3A_471 {strides = array<i32>} : memref<16x128xf32, #tpu.memory_space<vmem>>, vector<16xf32>,
      %slice3A_476 = vector.extract_strided_slice %get3A_68 {offsets = [5], sizes = [1], strides = [1]} : vector<16xf32> to vector<1xf32>
      %squeeze3A_477 = vector.extract %slice3A_476[0] : f32 from vector<1xf32>
      %get3A_478 = arith.constant 5 : i32
      %get3A_479 = arith.index_cast %get3A_478 : i32 to index
      %get3A_480 = arith.constant 0 : index
      %get3A_481 = tpu.vector_load %arg9[%get3A_479, %get3A_480] {strides = array<i32>} : memref<16x128xf32, #tpu.memory_space<vmem>>, vector<16xf32>,
      %mul3A_482 = vector.broadcast %squeeze3A_477 : f32 to vector<16xf32>
      %mul3A_483 = arith.mulf %mul3A_482, %get3A_481 : vector<16xf32>
      %swap3A_484 = arith.constant 5 : i32
      %swap3A_485 = arith.index_cast %swap3A_484 : i32 to index
      %swap3A_486 = arith.constant 0 : index
      %swap3A_487 = tpu.vector_load %arg11[%swap3A_485, %swap3A_486] {strides = array<i32>} : memref<16x128xf32, #tpu.memory_space<vmem>>, vector<16xf32>,
      tpu.vector_store %arg11[%swap3A_485, %swap3A_486], %mul3A_483 {strides = array<i32>} : memref<16x128xf32, #tpu.memory_space<vmem>>, vector<16xf32>,
      %get3A_488 = arith.constant 5 : i32
      %get3A_489 = arith.index_cast %get3A_488 : i32 to index
      %get3A_490 = arith.constant 16 : index
      %get3A_491 = tpu.vector_load %arg9[%get3A_489, %get3A_490] {strides = array<i32>} : memref<16x128xf32, #tpu.memory_space<vmem>>, vector<16xf32>,
      %mul3A_492 = vector.broadcast %squeeze3A_477 : f32 to vector<16xf32>
      %mul3A_493 = arith.mulf %mul3A_492, %get3A_491 : vector<16xf32>
      %swap3A_494 = arith.constant 5 : i32
      %swap3A_495 = arith.index_cast %swap3A_494 : i32 to index
      %swap3A_496 = arith.constant 16 : index
      %swap3A_497 = tpu.vector_load %arg11[%swap3A_495, %swap3A_496] {strides = array<i32>} : memref<16x128xf32, #tpu.memory_space<vmem>>, vector<16xf32>,
      tpu.vector_store %arg11[%swap3A_495, %swap3A_496], %mul3A_493 {strides = array<i32>} : memref<16x128xf32, #tpu.memory_space<vmem>>, vector<16xf32>,
      %get3A_498 = arith.constant 5 : i32
      %get3A_499 = arith.index_cast %get3A_498 : i32 to index
      %get3A_500 = arith.constant 32 : index
      %get3A_501 = tpu.vector_load %arg9[%get3A_499, %get3A_500] {strides = array<i32>} : memref<16x128xf32, #tpu.memory_space<vmem>>, vector<16xf32>,
      %mul3A_502 = vector.broadcast %squeeze3A_477 : f32 to vector<16xf32>
      %mul3A_503 = arith.mulf %mul3A_502, %get3A_501 : vector<16xf32>
      %swap3A_504 = arith.constant 5 : i32
      %swap3A_505 = arith.index_cast %swap3A_504 : i32 to index
      %swap3A_506 = arith.constant 32 : index
      %swap3A_507 = tpu.vector_load %arg11[%swap3A_505, %swap3A_506] {strides = array<i32>} : memref<16x128xf32, #tpu.memory_space<vmem>>, vector<16xf32>,
      tpu.vector_store %arg11[%swap3A_505, %swap3A_506], %mul3A_503 {strides = array<i32>} : memref<16x128xf32, #tpu.memory_space<vmem>>, vector<16xf32>,
      %get3A_508 = arith.constant 5 : i32
      %get3A_509 = arith.index_cast %get3A_508 : i32 to index
      %get3A_510 = arith.constant 48 : index
      %get3A_511 = tpu.vector_load %arg9[%get3A_509, %get3A_510] {strides = array<i32>} : memref<16x128xf32, #tpu.memory_space<vmem>>, vector<16xf32>,
      %mul3A_512 = vector.broadcast %squeeze3A_477 : f32 to vector<16xf32>
      %mul3A_513 = arith.mulf %mul3A_512, %get3A_511 : vector<16xf32>
      %swap3A_514 = arith.constant 5 : i32
      %swap3A_515 = arith.index_cast %swap3A_514 : i32 to index
      %swap3A_516 = arith.constant 48 : index
      %swap3A_517 = tpu.vector_load %arg11[%swap3A_515, %swap3A_516] {strides = array<i32>} : memref<16x128xf32, #tpu.memory_space<vmem>>, vector<16xf32>,
      tpu.vector_store %arg11[%swap3A_515, %swap3A_516], %mul3A_513 {strides = array<i32>} : memref<16x128xf32, #tpu.memory_space<vmem>>, vector<16xf32>,
      %get3A_518 = arith.constant 5 : i32
      %get3A_519 = arith.index_cast %get3A_518 : i32 to index
      %get3A_520 = arith.constant 64 : index
      %get3A_521 = tpu.vector_load %arg9[%get3A_519, %get3A_520] {strides = array<i32>} : memref<16x128xf32, #tpu.memory_space<vmem>>, vector<16xf32>,
      %mul3A_522 = vector.broadcast %squeeze3A_477 : f32 to vector<16xf32>
      %mul3A_523 = arith.mulf %mul3A_522, %get3A_521 : vector<16xf32>
      %swap3A_524 = arith.constant 5 : i32
      %swap3A_525 = arith.index_cast %swap3A_524 : i32 to index
      %swap3A_526 = arith.constant 64 : index
      %swap3A_527 = tpu.vector_load %arg11[%swap3A_525, %swap3A_526] {strides = array<i32>} : memref<16x128xf32, #tpu.memory_space<vmem>>, vector<16xf32>,
      tpu.vector_store %arg11[%swap3A_525, %swap3A_526], %mul3A_523 {strides = array<i32>} : memref<16x128xf32, #tpu.memory_space<vmem>>, vector<16xf32>,
      %get3A_528 = arith.constant 5 : i32
      %get3A_529 = arith.index_cast %get3A_528 : i32 to index
      %get3A_530 = arith.constant 80 : index
      %get3A_531 = tpu.vector_load %arg9[%get3A_529, %get3A_530] {strides = array<i32>} : memref<16x128xf32, #tpu.memory_space<vmem>>, vector<16xf32>,
      %mul3A_532 = vector.broadcast %squeeze3A_477 : f32 to vector<16xf32>
      %mul3A_533 = arith.mulf %mul3A_532, %get3A_531 : vector<16xf32>
      %swap3A_534 = arith.constant 5 : i32
      %swap3A_535 = arith.index_cast %swap3A_534 : i32 to index
      %swap3A_536 = arith.constant 80 : index
      %swap3A_537 = tpu.vector_load %arg11[%swap3A_535, %swap3A_536] {strides = array<i32>} : memref<16x128xf32, #tpu.memory_space<vmem>>, vector<16xf32>,
      tpu.vector_store %arg11[%swap3A_535, %swap3A_536], %mul3A_533 {strides = array<i32>} : memref<16x128xf32, #tpu.memory_space<vmem>>, vector<16xf32>,
      %get3A_538 = arith.constant 5 : i32
      %get3A_539 = arith.index_cast %get3A_538 : i32 to index
      %get3A_540 = arith.constant 96 : index
      %get3A_541 = tpu.vector_load %arg9[%get3A_539, %get3A_540] {strides = array<i32>} : memref<16x128xf32, #tpu.memory_space<vmem>>, vector<16xf32>,
      %mul3A_542 = vector.broadcast %squeeze3A_477 : f32 to vector<16xf32>
      %mul3A_543 = arith.mulf %mul3A_542, %get3A_541 : vector<16xf32>
      %swap3A_544 = arith.constant 5 : i32
      %swap3A_545 = arith.index_cast %swap3A_544 : i32 to index
      %swap3A_546 = arith.constant 96 : index
      %swap3A_547 = tpu.vector_load %arg11[%swap3A_545, %swap3A_546] {strides = array<i32>} : memref<16x128xf32, #tpu.memory_space<vmem>>, vector<16xf32>,
      tpu.vector_store %arg11[%swap3A_545, %swap3A_546], %mul3A_543 {strides = array<i32>} : memref<16x128xf32, #tpu.memory_space<vmem>>, vector<16xf32>,
      %get3A_548 = arith.constant 5 : i32
      %get3A_549 = arith.index_cast %get3A_548 : i32 to index
      %get3A_550 = arith.constant 112 : index
      %get3A_551 = tpu.vector_load %arg9[%get3A_549, %get3A_550] {strides = array<i32>} : memref<16x128xf32, #tpu.memory_space<vmem>>, vector<16xf32>,
      %mul3A_552 = vector.broadcast %squeeze3A_477 : f32 to vector<16xf32>
      %mul3A_553 = arith.mulf %mul3A_552, %get3A_551 : vector<16xf32>
      %swap3A_554 = arith.constant 5 : i32
      %swap3A_555 = arith.index_cast %swap3A_554 : i32 to index
      %swap3A_556 = arith.constant 112 : index
      %swap3A_557 = tpu.vector_load %arg11[%swap3A_555, %swap3A_556] {strides = array<i32>} : memref<16x128xf32, #tpu.memory_space<vmem>>, vector<16xf32>,
      tpu.vector_store %arg11[%swap3A_555, %swap3A_556], %mul3A_553 {strides = array<i32>} : memref<16x128xf32, #tpu.memory_space<vmem>>, vector<16xf32>,
      %slice3A_558 = vector.extract_strided_slice %get3A_68 {offsets = [6], sizes = [1], strides = [1]} : vector<16xf32> to vector<1xf32>
      %squeeze3A_559 = vector.extract %slice3A_558[0] : f32 from vector<1xf32>
      %get3A_560 = arith.constant 6 : i32
      %get3A_561 = arith.index_cast %get3A_560 : i32 to index
      %get3A_562 = arith.constant 0 : index
      %get3A_563 = tpu.vector_load %arg9[%get3A_561, %get3A_562] {strides = array<i32>} : memref<16x128xf32, #tpu.memory_space<vmem>>, vector<16xf32>,
      %mul3A_564 = vector.broadcast %squeeze3A_559 : f32 to vector<16xf32>
      %mul3A_565 = arith.mulf %mul3A_564, %get3A_563 : vector<16xf32>
      %swap3A_566 = arith.constant 6 : i32
      %swap3A_567 = arith.index_cast %swap3A_566 : i32 to index
      %swap3A_568 = arith.constant 0 : index
      %swap3A_569 = tpu.vector_load %arg11[%swap3A_567, %swap3A_568] {strides = array<i32>} : memref<16x128xf32, #tpu.memory_space<vmem>>, vector<16xf32>,
      tpu.vector_store %arg11[%swap3A_567, %swap3A_568], %mul3A_565 {strides = array<i32>} : memref<16x128xf32, #tpu.memory_space<vmem>>, vector<16xf32>,
      %get3A_570 = arith.constant 6 : i32
      %get3A_571 = arith.index_cast %get3A_570 : i32 to index
      %get3A_572 = arith.constant 16 : index
      %get3A_573 = tpu.vector_load %arg9[%get3A_571, %get3A_572] {strides = array<i32>} : memref<16x128xf32, #tpu.memory_space<vmem>>, vector<16xf32>,
      %mul3A_574 = vector.broadcast %squeeze3A_559 : f32 to vector<16xf32>
      %mul3A_575 = arith.mulf %mul3A_574, %get3A_573 : vector<16xf32>
      %swap3A_576 = arith.constant 6 : i32
      %swap3A_577 = arith.index_cast %swap3A_576 : i32 to index
      %swap3A_578 = arith.constant 16 : index
      %swap3A_579 = tpu.vector_load %arg11[%swap3A_577, %swap3A_578] {strides = array<i32>} : memref<16x128xf32, #tpu.memory_space<vmem>>, vector<16xf32>,
      tpu.vector_store %arg11[%swap3A_577, %swap3A_578], %mul3A_575 {strides = array<i32>} : memref<16x128xf32, #tpu.memory_space<vmem>>, vector<16xf32>,
      %get3A_580 = arith.constant 6 : i32
      %get3A_581 = arith.index_cast %get3A_580 : i32 to index
      %get3A_582 = arith.constant 32 : index
      %get3A_583 = tpu.vector_load %arg9[%get3A_581, %get3A_582] {strides = array<i32>} : memref<16x128xf32, #tpu.memory_space<vmem>>, vector<16xf32>,
      %mul3A_584 = vector.broadcast %squeeze3A_559 : f32 to vector<16xf32>
      %mul3A_585 = arith.mulf %mul3A_584, %get3A_583 : vector<16xf32>
      %swap3A_586 = arith.constant 6 : i32
      %swap3A_587 = arith.index_cast %swap3A_586 : i32 to index
      %swap3A_588 = arith.constant 32 : index
      %swap3A_589 = tpu.vector_load %arg11[%swap3A_587, %swap3A_588] {strides = array<i32>} : memref<16x128xf32, #tpu.memory_space<vmem>>, vector<16xf32>,
      tpu.vector_store %arg11[%swap3A_587, %swap3A_588], %mul3A_585 {strides = array<i32>} : memref<16x128xf32, #tpu.memory_space<vmem>>, vector<16xf32>,
      %get3A_590 = arith.constant 6 : i32
      %get3A_591 = arith.index_cast %get3A_590 : i32 to index
      %get3A_592 = arith.constant 48 : index
      %get3A_593 = tpu.vector_load %arg9[%get3A_591, %get3A_592] {strides = array<i32>} : memref<16x128xf32, #tpu.memory_space<vmem>>, vector<16xf32>,
      %mul3A_594 = vector.broadcast %squeeze3A_559 : f32 to vector<16xf32>
      %mul3A_595 = arith.mulf %mul3A_594, %get3A_593 : vector<16xf32>
      %swap3A_596 = arith.constant 6 : i32
      %swap3A_597 = arith.index_cast %swap3A_596 : i32 to index
      %swap3A_598 = arith.constant 48 : index
      %swap3A_599 = tpu.vector_load %arg11[%swap3A_597, %swap3A_598] {strides = array<i32>} : memref<16x128xf32, #tpu.memory_space<vmem>>, vector<16xf32>,
      tpu.vector_store %arg11[%swap3A_597, %swap3A_598], %mul3A_595 {strides = array<i32>} : memref<16x128xf32, #tpu.memory_space<vmem>>, vector<16xf32>,
      %get3A_600 = arith.constant 6 : i32
      %get3A_601 = arith.index_cast %get3A_600 : i32 to index
      %get3A_602 = arith.constant 64 : index
      %get3A_603 = tpu.vector_load %arg9[%get3A_601, %get3A_602] {strides = array<i32>} : memref<16x128xf32, #tpu.memory_space<vmem>>, vector<16xf32>,
      %mul3A_604 = vector.broadcast %squeeze3A_559 : f32 to vector<16xf32>
      %mul3A_605 = arith.mulf %mul3A_604, %get3A_603 : vector<16xf32>
      %swap3A_606 = arith.constant 6 : i32
      %swap3A_607 = arith.index_cast %swap3A_606 : i32 to index
      %swap3A_608 = arith.constant 64 : index
      %swap3A_609 = tpu.vector_load %arg11[%swap3A_607, %swap3A_608] {strides = array<i32>} : memref<16x128xf32, #tpu.memory_space<vmem>>, vector<16xf32>,
      tpu.vector_store %arg11[%swap3A_607, %swap3A_608], %mul3A_605 {strides = array<i32>} : memref<16x128xf32, #tpu.memory_space<vmem>>, vector<16xf32>,
      %get3A_610 = arith.constant 6 : i32
      %get3A_611 = arith.index_cast %get3A_610 : i32 to index
      %get3A_612 = arith.constant 80 : index
      %get3A_613 = tpu.vector_load %arg9[%get3A_611, %get3A_612] {strides = array<i32>} : memref<16x128xf32, #tpu.memory_space<vmem>>, vector<16xf32>,
      %mul3A_614 = vector.broadcast %squeeze3A_559 : f32 to vector<16xf32>
      %mul3A_615 = arith.mulf %mul3A_614, %get3A_613 : vector<16xf32>
      %swap3A_616 = arith.constant 6 : i32
      %swap3A_617 = arith.index_cast %swap3A_616 : i32 to index
      %swap3A_618 = arith.constant 80 : index
      %swap3A_619 = tpu.vector_load %arg11[%swap3A_617, %swap3A_618] {strides = array<i32>} : memref<16x128xf32, #tpu.memory_space<vmem>>, vector<16xf32>,
      tpu.vector_store %arg11[%swap3A_617, %swap3A_618], %mul3A_615 {strides = array<i32>} : memref<16x128xf32, #tpu.memory_space<vmem>>, vector<16xf32>,
      %get3A_620 = arith.constant 6 : i32
      %get3A_621 = arith.index_cast %get3A_620 : i32 to index
      %get3A_622 = arith.constant 96 : index
      %get3A_623 = tpu.vector_load %arg9[%get3A_621, %get3A_622] {strides = array<i32>} : memref<16x128xf32, #tpu.memory_space<vmem>>, vector<16xf32>,
      %mul3A_624 = vector.broadcast %squeeze3A_559 : f32 to vector<16xf32>
      %mul3A_625 = arith.mulf %mul3A_624, %get3A_623 : vector<16xf32>
      %swap3A_626 = arith.constant 6 : i32
      %swap3A_627 = arith.index_cast %swap3A_626 : i32 to index
      %swap3A_628 = arith.constant 96 : index
      %swap3A_629 = tpu.vector_load %arg11[%swap3A_627, %swap3A_628] {strides = array<i32>} : memref<16x128xf32, #tpu.memory_space<vmem>>, vector<16xf32>,
      tpu.vector_store %arg11[%swap3A_627, %swap3A_628], %mul3A_625 {strides = array<i32>} : memref<16x128xf32, #tpu.memory_space<vmem>>, vector<16xf32>,
      %get3A_630 = arith.constant 6 : i32
      %get3A_631 = arith.index_cast %get3A_630 : i32 to index
      %get3A_632 = arith.constant 112 : index
      %get3A_633 = tpu.vector_load %arg9[%get3A_631, %get3A_632] {strides = array<i32>} : memref<16x128xf32, #tpu.memory_space<vmem>>, vector<16xf32>,
      %mul3A_634 = vector.broadcast %squeeze3A_559 : f32 to vector<16xf32>
      %mul3A_635 = arith.mulf %mul3A_634, %get3A_633 : vector<16xf32>
      %swap3A_636 = arith.constant 6 : i32
      %swap3A_637 = arith.index_cast %swap3A_636 : i32 to index
      %swap3A_638 = arith.constant 112 : index
      %swap3A_639 = tpu.vector_load %arg11[%swap3A_637, %swap3A_638] {strides = array<i32>} : memref<16x128xf32, #tpu.memory_space<vmem>>, vector<16xf32>,
      tpu.vector_store %arg11[%swap3A_637, %swap3A_638], %mul3A_635 {strides = array<i32>} : memref<16x128xf32, #tpu.memory_space<vmem>>, vector<16xf32>,
      %slice3A_640 = vector.extract_strided_slice %get3A_68 {offsets = [7], sizes = [1], strides = [1]} : vector<16xf32> to vector<1xf32>
      %squeeze3A_641 = vector.extract %slice3A_640[0] : f32 from vector<1xf32>
      %get3A_642 = arith.constant 7 : i32
      %get3A_643 = arith.index_cast %get3A_642 : i32 to index
      %get3A_644 = arith.constant 0 : index
      %get3A_645 = tpu.vector_load %arg9[%get3A_643, %get3A_644] {strides = array<i32>} : memref<16x128xf32, #tpu.memory_space<vmem>>, vector<16xf32>,
      %mul3A_646 = vector.broadcast %squeeze3A_641 : f32 to vector<16xf32>
      %mul3A_647 = arith.mulf %mul3A_646, %get3A_645 : vector<16xf32>
      %swap3A_648 = arith.constant 7 : i32
      %swap3A_649 = arith.index_cast %swap3A_648 : i32 to index
      %swap3A_650 = arith.constant 0 : index
      %swap3A_651 = tpu.vector_load %arg11[%swap3A_649, %swap3A_650] {strides = array<i32>} : memref<16x128xf32, #tpu.memory_space<vmem>>, vector<16xf32>,
      tpu.vector_store %arg11[%swap3A_649, %swap3A_650], %mul3A_647 {strides = array<i32>} : memref<16x128xf32, #tpu.memory_space<vmem>>, vector<16xf32>,
      %get3A_652 = arith.constant 7 : i32
      %get3A_653 = arith.index_cast %get3A_652 : i32 to index
      %get3A_654 = arith.constant 16 : index
      %get3A_655 = tpu.vector_load %arg9[%get3A_653, %get3A_654] {strides = array<i32>} : memref<16x128xf32, #tpu.memory_space<vmem>>, vector<16xf32>,
      %mul3A_656 = vector.broadcast %squeeze3A_641 : f32 to vector<16xf32>
      %mul3A_657 = arith.mulf %mul3A_656, %get3A_655 : vector<16xf32>
      %swap3A_658 = arith.constant 7 : i32
      %swap3A_659 = arith.index_cast %swap3A_658 : i32 to index
      %swap3A_660 = arith.constant 16 : index
      %swap3A_661 = tpu.vector_load %arg11[%swap3A_659, %swap3A_660] {strides = array<i32>} : memref<16x128xf32, #tpu.memory_space<vmem>>, vector<16xf32>,
      tpu.vector_store %arg11[%swap3A_659, %swap3A_660], %mul3A_657 {strides = array<i32>} : memref<16x128xf32, #tpu.memory_space<vmem>>, vector<16xf32>,
      %get3A_662 = arith.constant 7 : i32
      %get3A_663 = arith.index_cast %get3A_662 : i32 to index
      %get3A_664 = arith.constant 32 : index
      %get3A_665 = tpu.vector_load %arg9[%get3A_663, %get3A_664] {strides = array<i32>} : memref<16x128xf32, #tpu.memory_space<vmem>>, vector<16xf32>,
      %mul3A_666 = vector.broadcast %squeeze3A_641 : f32 to vector<16xf32>
      %mul3A_667 = arith.mulf %mul3A_666, %get3A_665 : vector<16xf32>
      %swap3A_668 = arith.constant 7 : i32
      %swap3A_669 = arith.index_cast %swap3A_668 : i32 to index
      %swap3A_670 = arith.constant 32 : index
      %swap3A_671 = tpu.vector_load %arg11[%swap3A_669, %swap3A_670] {strides = array<i32>} : memref<16x128xf32, #tpu.memory_space<vmem>>, vector<16xf32>,
      tpu.vector_store %arg11[%swap3A_669, %swap3A_670], %mul3A_667 {strides = array<i32>} : memref<16x128xf32, #tpu.memory_space<vmem>>, vector<16xf32>,
      %get3A_672 = arith.constant 7 : i32
      %get3A_673 = arith.index_cast %get3A_672 : i32 to index
      %get3A_674 = arith.constant 48 : index
      %get3A_675 = tpu.vector_load %arg9[%get3A_673, %get3A_674] {strides = array<i32>} : memref<16x128xf32, #tpu.memory_space<vmem>>, vector<16xf32>,
      %mul3A_676 = vector.broadcast %squeeze3A_641 : f32 to vector<16xf32>
      %mul3A_677 = arith.mulf %mul3A_676, %get3A_675 : vector<16xf32>
      %swap3A_678 = arith.constant 7 : i32
      %swap3A_679 = arith.index_cast %swap3A_678 : i32 to index
      %swap3A_680 = arith.constant 48 : index
      %swap3A_681 = tpu.vector_load %arg11[%swap3A_679, %swap3A_680] {strides = array<i32>} : memref<16x128xf32, #tpu.memory_space<vmem>>, vector<16xf32>,
      tpu.vector_store %arg11[%swap3A_679, %swap3A_680], %mul3A_677 {strides = array<i32>} : memref<16x128xf32, #tpu.memory_space<vmem>>, vector<16xf32>,
      %get3A_682 = arith.constant 7 : i32
      %get3A_683 = arith.index_cast %get3A_682 : i32 to index
      %get3A_684 = arith.constant 64 : index
      %get3A_685 = tpu.vector_load %arg9[%get3A_683, %get3A_684] {strides = array<i32>} : memref<16x128xf32, #tpu.memory_space<vmem>>, vector<16xf32>,
      %mul3A_686 = vector.broadcast %squeeze3A_641 : f32 to vector<16xf32>
      %mul3A_687 = arith.mulf %mul3A_686, %get3A_685 : vector<16xf32>
      %swap3A_688 = arith.constant 7 : i32
      %swap3A_689 = arith.index_cast %swap3A_688 : i32 to index
      %swap3A_690 = arith.constant 64 : index
      %swap3A_691 = tpu.vector_load %arg11[%swap3A_689, %swap3A_690] {strides = array<i32>} : memref<16x128xf32, #tpu.memory_space<vmem>>, vector<16xf32>,
      tpu.vector_store %arg11[%swap3A_689, %swap3A_690], %mul3A_687 {strides = array<i32>} : memref<16x128xf32, #tpu.memory_space<vmem>>, vector<16xf32>,
      %get3A_692 = arith.constant 7 : i32
      %get3A_693 = arith.index_cast %get3A_692 : i32 to index
      %get3A_694 = arith.constant 80 : index
      %get3A_695 = tpu.vector_load %arg9[%get3A_693, %get3A_694] {strides = array<i32>} : memref<16x128xf32, #tpu.memory_space<vmem>>, vector<16xf32>,
      %mul3A_696 = vector.broadcast %squeeze3A_641 : f32 to vector<16xf32>
      %mul3A_697 = arith.mulf %mul3A_696, %get3A_695 : vector<16xf32>
      %swap3A_698 = arith.constant 7 : i32
      %swap3A_699 = arith.index_cast %swap3A_698 : i32 to index
      %swap3A_700 = arith.constant 80 : index
      %swap3A_701 = tpu.vector_load %arg11[%swap3A_699, %swap3A_700] {strides = array<i32>} : memref<16x128xf32, #tpu.memory_space<vmem>>, vector<16xf32>,
      tpu.vector_store %arg11[%swap3A_699, %swap3A_700], %mul3A_697 {strides = array<i32>} : memref<16x128xf32, #tpu.memory_space<vmem>>, vector<16xf32>,
      %get3A_702 = arith.constant 7 : i32
      %get3A_703 = arith.index_cast %get3A_702 : i32 to index
      %get3A_704 = arith.constant 96 : index
      %get3A_705 = tpu.vector_load %arg9[%get3A_703, %get3A_704] {strides = array<i32>} : memref<16x128xf32, #tpu.memory_space<vmem>>, vector<16xf32>,
      %mul3A_706 = vector.broadcast %squeeze3A_641 : f32 to vector<16xf32>
      %mul3A_707 = arith.mulf %mul3A_706, %get3A_705 : vector<16xf32>
      %swap3A_708 = arith.constant 7 : i32
      %swap3A_709 = arith.index_cast %swap3A_708 : i32 to index
      %swap3A_710 = arith.constant 96 : index
      %swap3A_711 = tpu.vector_load %arg11[%swap3A_709, %swap3A_710] {strides = array<i32>} : memref<16x128xf32, #tpu.memory_space<vmem>>, vector<16xf32>,
      tpu.vector_store %arg11[%swap3A_709, %swap3A_710], %mul3A_707 {strides = array<i32>} : memref<16x128xf32, #tpu.memory_space<vmem>>, vector<16xf32>,
      %get3A_712 = arith.constant 7 : i32
      %get3A_713 = arith.index_cast %get3A_712 : i32 to index
      %get3A_714 = arith.constant 112 : index
      %get3A_715 = tpu.vector_load %arg9[%get3A_713, %get3A_714] {strides = array<i32>} : memref<16x128xf32, #tpu.memory_space<vmem>>, vector<16xf32>,
      %mul3A_716 = vector.broadcast %squeeze3A_641 : f32 to vector<16xf32>
      %mul3A_717 = arith.mulf %mul3A_716, %get3A_715 : vector<16xf32>
      %swap3A_718 = arith.constant 7 : i32
      %swap3A_719 = arith.index_cast %swap3A_718 : i32 to index
      %swap3A_720 = arith.constant 112 : index
      %swap3A_721 = tpu.vector_load %arg11[%swap3A_719, %swap3A_720] {strides = array<i32>} : memref<16x128xf32, #tpu.memory_space<vmem>>, vector<16xf32>,
      tpu.vector_store %arg11[%swap3A_719, %swap3A_720], %mul3A_717 {strides = array<i32>} : memref<16x128xf32, #tpu.memory_space<vmem>>, vector<16xf32>,
      %slice3A_722 = vector.extract_strided_slice %get3A_68 {offsets = [8], sizes = [1], strides = [1]} : vector<16xf32> to vector<1xf32>
      %squeeze3A_723 = vector.extract %slice3A_722[0] : f32 from vector<1xf32>
      %get3A_724 = arith.constant 8 : i32
      %get3A_725 = arith.index_cast %get3A_724 : i32 to index
      %get3A_726 = arith.constant 0 : index
      %get3A_727 = tpu.vector_load %arg9[%get3A_725, %get3A_726] {strides = array<i32>} : memref<16x128xf32, #tpu.memory_space<vmem>>, vector<16xf32>,
      %mul3A_728 = vector.broadcast %squeeze3A_723 : f32 to vector<16xf32>
      %mul3A_729 = arith.mulf %mul3A_728, %get3A_727 : vector<16xf32>
      %swap3A_730 = arith.constant 8 : i32
      %swap3A_731 = arith.index_cast %swap3A_730 : i32 to index
      %swap3A_732 = arith.constant 0 : index
      %swap3A_733 = tpu.vector_load %arg11[%swap3A_731, %swap3A_732] {strides = array<i32>} : memref<16x128xf32, #tpu.memory_space<vmem>>, vector<16xf32>,
      tpu.vector_store %arg11[%swap3A_731, %swap3A_732], %mul3A_729 {strides = array<i32>} : memref<16x128xf32, #tpu.memory_space<vmem>>, vector<16xf32>,
      %get3A_734 = arith.constant 8 : i32
      %get3A_735 = arith.index_cast %get3A_734 : i32 to index
      %get3A_736 = arith.constant 16 : index
      %get3A_737 = tpu.vector_load %arg9[%get3A_735, %get3A_736] {strides = array<i32>} : memref<16x128xf32, #tpu.memory_space<vmem>>, vector<16xf32>,
      %mul3A_738 = vector.broadcast %squeeze3A_723 : f32 to vector<16xf32>
      %mul3A_739 = arith.mulf %mul3A_738, %get3A_737 : vector<16xf32>
      %swap3A_740 = arith.constant 8 : i32
      %swap3A_741 = arith.index_cast %swap3A_740 : i32 to index
      %swap3A_742 = arith.constant 16 : index
      %swap3A_743 = tpu.vector_load %arg11[%swap3A_741, %swap3A_742] {strides = array<i32>} : memref<16x128xf32, #tpu.memory_space<vmem>>, vector<16xf32>,
      tpu.vector_store %arg11[%swap3A_741, %swap3A_742], %mul3A_739 {strides = array<i32>} : memref<16x128xf32, #tpu.memory_space<vmem>>, vector<16xf32>,
      %get3A_744 = arith.constant 8 : i32
      %get3A_745 = arith.index_cast %get3A_744 : i32 to index
      %get3A_746 = arith.constant 32 : index
      %get3A_747 = tpu.vector_load %arg9[%get3A_745, %get3A_746] {strides = array<i32>} : memref<16x128xf32, #tpu.memory_space<vmem>>, vector<16xf32>,
      %mul3A_748 = vector.broadcast %squeeze3A_723 : f32 to vector<16xf32>
      %mul3A_749 = arith.mulf %mul3A_748, %get3A_747 : vector<16xf32>
      %swap3A_750 = arith.constant 8 : i32
      %swap3A_751 = arith.index_cast %swap3A_750 : i32 to index
      %swap3A_752 = arith.constant 32 : index
      %swap3A_753 = tpu.vector_load %arg11[%swap3A_751, %swap3A_752] {strides = array<i32>} : memref<16x128xf32, #tpu.memory_space<vmem>>, vector<16xf32>,
      tpu.vector_store %arg11[%swap3A_751, %swap3A_752], %mul3A_749 {strides = array<i32>} : memref<16x128xf32, #tpu.memory_space<vmem>>, vector<16xf32>,
      %get3A_754 = arith.constant 8 : i32
      %get3A_755 = arith.index_cast %get3A_754 : i32 to index
      %get3A_756 = arith.constant 48 : index
      %get3A_757 = tpu.vector_load %arg9[%get3A_755, %get3A_756] {strides = array<i32>} : memref<16x128xf32, #tpu.memory_space<vmem>>, vector<16xf32>,
      %mul3A_758 = vector.broadcast %squeeze3A_723 : f32 to vector<16xf32>
      %mul3A_759 = arith.mulf %mul3A_758, %get3A_757 : vector<16xf32>
      %swap3A_760 = arith.constant 8 : i32
      %swap3A_761 = arith.index_cast %swap3A_760 : i32 to index
      %swap3A_762 = arith.constant 48 : index
      %swap3A_763 = tpu.vector_load %arg11[%swap3A_761, %swap3A_762] {strides = array<i32>} : memref<16x128xf32, #tpu.memory_space<vmem>>, vector<16xf32>,
      tpu.vector_store %arg11[%swap3A_761, %swap3A_762], %mul3A_759 {strides = array<i32>} : memref<16x128xf32, #tpu.memory_space<vmem>>, vector<16xf32>,
      %get3A_764 = arith.constant 8 : i32
      %get3A_765 = arith.index_cast %get3A_764 : i32 to index
      %get3A_766 = arith.constant 64 : index
      %get3A_767 = tpu.vector_load %arg9[%get3A_765, %get3A_766] {strides = array<i32>} : memref<16x128xf32, #tpu.memory_space<vmem>>, vector<16xf32>,
      %mul3A_768 = vector.broadcast %squeeze3A_723 : f32 to vector<16xf32>
      %mul3A_769 = arith.mulf %mul3A_768, %get3A_767 : vector<16xf32>
      %swap3A_770 = arith.constant 8 : i32
      %swap3A_771 = arith.index_cast %swap3A_770 : i32 to index
      %swap3A_772 = arith.constant 64 : index
      %swap3A_773 = tpu.vector_load %arg11[%swap3A_771, %swap3A_772] {strides = array<i32>} : memref<16x128xf32, #tpu.memory_space<vmem>>, vector<16xf32>,
      tpu.vector_store %arg11[%swap3A_771, %swap3A_772], %mul3A_769 {strides = array<i32>} : memref<16x128xf32, #tpu.memory_space<vmem>>, vector<16xf32>,
      %get3A_774 = arith.constant 8 : i32
      %get3A_775 = arith.index_cast %get3A_774 : i32 to index
      %get3A_776 = arith.constant 80 : index
      %get3A_777 = tpu.vector_load %arg9[%get3A_775, %get3A_776] {strides = array<i32>} : memref<16x128xf32, #tpu.memory_space<vmem>>, vector<16xf32>,
      %mul3A_778 = vector.broadcast %squeeze3A_723 : f32 to vector<16xf32>
      %mul3A_779 = arith.mulf %mul3A_778, %get3A_777 : vector<16xf32>
      %swap3A_780 = arith.constant 8 : i32
      %swap3A_781 = arith.index_cast %swap3A_780 : i32 to index
      %swap3A_782 = arith.constant 80 : index
      %swap3A_783 = tpu.vector_load %arg11[%swap3A_781, %swap3A_782] {strides = array<i32>} : memref<16x128xf32, #tpu.memory_space<vmem>>, vector<16xf32>,
      tpu.vector_store %arg11[%swap3A_781, %swap3A_782], %mul3A_779 {strides = array<i32>} : memref<16x128xf32, #tpu.memory_space<vmem>>, vector<16xf32>,
      %get3A_784 = arith.constant 8 : i32
      %get3A_785 = arith.index_cast %get3A_784 : i32 to index
      %get3A_786 = arith.constant 96 : index
      %get3A_787 = tpu.vector_load %arg9[%get3A_785, %get3A_786] {strides = array<i32>} : memref<16x128xf32, #tpu.memory_space<vmem>>, vector<16xf32>,
      %mul3A_788 = vector.broadcast %squeeze3A_723 : f32 to vector<16xf32>
      %mul3A_789 = arith.mulf %mul3A_788, %get3A_787 : vector<16xf32>
      %swap3A_790 = arith.constant 8 : i32
      %swap3A_791 = arith.index_cast %swap3A_790 : i32 to index
      %swap3A_792 = arith.constant 96 : index
      %swap3A_793 = tpu.vector_load %arg11[%swap3A_791, %swap3A_792] {strides = array<i32>} : memref<16x128xf32, #tpu.memory_space<vmem>>, vector<16xf32>,
      tpu.vector_store %arg11[%swap3A_791, %swap3A_792], %mul3A_789 {strides = array<i32>} : memref<16x128xf32, #tpu.memory_space<vmem>>, vector<16xf32>,
      %get3A_794 = arith.constant 8 : i32
      %get3A_795 = arith.index_cast %get3A_794 : i32 to index
      %get3A_796 = arith.constant 112 : index
      %get3A_797 = tpu.vector_load %arg9[%get3A_795, %get3A_796] {strides = array<i32>} : memref<16x128xf32, #tpu.memory_space<vmem>>, vector<16xf32>,
      %mul3A_798 = vector.broadcast %squeeze3A_723 : f32 to vector<16xf32>
      %mul3A_799 = arith.mulf %mul3A_798, %get3A_797 : vector<16xf32>
      %swap3A_800 = arith.constant 8 : i32
      %swap3A_801 = arith.index_cast %swap3A_800 : i32 to index
      %swap3A_802 = arith.constant 112 : index
      %swap3A_803 = tpu.vector_load %arg11[%swap3A_801, %swap3A_802] {strides = array<i32>} : memref<16x128xf32, #tpu.memory_space<vmem>>, vector<16xf32>,
      tpu.vector_store %arg11[%swap3A_801, %swap3A_802], %mul3A_799 {strides = array<i32>} : memref<16x128xf32, #tpu.memory_space<vmem>>, vector<16xf32>,
      %slice3A_804 = vector.extract_strided_slice %get3A_68 {offsets = [9], sizes = [1], strides = [1]} : vector<16xf32> to vector<1xf32>
      %squeeze3A_805 = vector.extract %slice3A_804[0] : f32 from vector<1xf32>
      %get3A_806 = arith.constant 9 : i32
      %get3A_807 = arith.index_cast %get3A_806 : i32 to index
      %get3A_808 = arith.constant 0 : index
      %get3A_809 = tpu.vector_load %arg9[%get3A_807, %get3A_808] {strides = array<i32>} : memref<16x128xf32, #tpu.memory_space<vmem>>, vector<16xf32>,
      %mul3A_810 = vector.broadcast %squeeze3A_805 : f32 to vector<16xf32>
      %mul3A_811 = arith.mulf %mul3A_810, %get3A_809 : vector<16xf32>
      %swap3A_812 = arith.constant 9 : i32
      %swap3A_813 = arith.index_cast %swap3A_812 : i32 to index
      %swap3A_814 = arith.constant 0 : index
      %swap3A_815 = tpu.vector_load %arg11[%swap3A_813, %swap3A_814] {strides = array<i32>} : memref<16x128xf32, #tpu.memory_space<vmem>>, vector<16xf32>,
      tpu.vector_store %arg11[%swap3A_813, %swap3A_814], %mul3A_811 {strides = array<i32>} : memref<16x128xf32, #tpu.memory_space<vmem>>, vector<16xf32>,
      %get3A_816 = arith.constant 9 : i32
      %get3A_817 = arith.index_cast %get3A_816 : i32 to index
      %get3A_818 = arith.constant 16 : index
      %get3A_819 = tpu.vector_load %arg9[%get3A_817, %get3A_818] {strides = array<i32>} : memref<16x128xf32, #tpu.memory_space<vmem>>, vector<16xf32>,
      %mul3A_820 = vector.broadcast %squeeze3A_805 : f32 to vector<16xf32>
      %mul3A_821 = arith.mulf %mul3A_820, %get3A_819 : vector<16xf32>
      %swap3A_822 = arith.constant 9 : i32
      %swap3A_823 = arith.index_cast %swap3A_822 : i32 to index
      %swap3A_824 = arith.constant 16 : index
      %swap3A_825 = tpu.vector_load %arg11[%swap3A_823, %swap3A_824] {strides = array<i32>} : memref<16x128xf32, #tpu.memory_space<vmem>>, vector<16xf32>,
      tpu.vector_store %arg11[%swap3A_823, %swap3A_824], %mul3A_821 {strides = array<i32>} : memref<16x128xf32, #tpu.memory_space<vmem>>, vector<16xf32>,
      %get3A_826 = arith.constant 9 : i32
      %get3A_827 = arith.index_cast %get3A_826 : i32 to index
      %get3A_828 = arith.constant 32 : index
      %get3A_829 = tpu.vector_load %arg9[%get3A_827, %get3A_828] {strides = array<i32>} : memref<16x128xf32, #tpu.memory_space<vmem>>, vector<16xf32>,
      %mul3A_830 = vector.broadcast %squeeze3A_805 : f32 to vector<16xf32>
      %mul3A_831 = arith.mulf %mul3A_830, %get3A_829 : vector<16xf32>
      %swap3A_832 = arith.constant 9 : i32
      %swap3A_833 = arith.index_cast %swap3A_832 : i32 to index
      %swap3A_834 = arith.constant 32 : index
      %swap3A_835 = tpu.vector_load %arg11[%swap3A_833, %swap3A_834] {strides = array<i32>} : memref<16x128xf32, #tpu.memory_space<vmem>>, vector<16xf32>,
      tpu.vector_store %arg11[%swap3A_833, %swap3A_834], %mul3A_831 {strides = array<i32>} : memref<16x128xf32, #tpu.memory_space<vmem>>, vector<16xf32>,
      %get3A_836 = arith.constant 9 : i32
      %get3A_837 = arith.index_cast %get3A_836 : i32 to index
      %get3A_838 = arith.constant 48 : index
      %get3A_839 = tpu.vector_load %arg9[%get3A_837, %get3A_838] {strides = array<i32>} : memref<16x128xf32, #tpu.memory_space<vmem>>, vector<16xf32>,
      %mul3A_840 = vector.broadcast %squeeze3A_805 : f32 to vector<16xf32>
      %mul3A_841 = arith.mulf %mul3A_840, %get3A_839 : vector<16xf32>
      %swap3A_842 = arith.constant 9 : i32
      %swap3A_843 = arith.index_cast %swap3A_842 : i32 to index
      %swap3A_844 = arith.constant 48 : index
      %swap3A_845 = tpu.vector_load %arg11[%swap3A_843, %swap3A_844] {strides = array<i32>} : memref<16x128xf32, #tpu.memory_space<vmem>>, vector<16xf32>,
      tpu.vector_store %arg11[%swap3A_843, %swap3A_844], %mul3A_841 {strides = array<i32>} : memref<16x128xf32, #tpu.memory_space<vmem>>, vector<16xf32>,
      %get3A_846 = arith.constant 9 : i32
      %get3A_847 = arith.index_cast %get3A_846 : i32 to index
      %get3A_848 = arith.constant 64 : index
      %get3A_849 = tpu.vector_load %arg9[%get3A_847, %get3A_848] {strides = array<i32>} : memref<16x128xf32, #tpu.memory_space<vmem>>, vector<16xf32>,
      %mul3A_850 = vector.broadcast %squeeze3A_805 : f32 to vector<16xf32>
      %mul3A_851 = arith.mulf %mul3A_850, %get3A_849 : vector<16xf32>
      %swap3A_852 = arith.constant 9 : i32
      %swap3A_853 = arith.index_cast %swap3A_852 : i32 to index
      %swap3A_854 = arith.constant 64 : index
      %swap3A_855 = tpu.vector_load %arg11[%swap3A_853, %swap3A_854] {strides = array<i32>} : memref<16x128xf32, #tpu.memory_space<vmem>>, vector<16xf32>,
      tpu.vector_store %arg11[%swap3A_853, %swap3A_854], %mul3A_851 {strides = array<i32>} : memref<16x128xf32, #tpu.memory_space<vmem>>, vector<16xf32>,
      %get3A_856 = arith.constant 9 : i32
      %get3A_857 = arith.index_cast %get3A_856 : i32 to index
      %get3A_858 = arith.constant 80 : index
      %get3A_859 = tpu.vector_load %arg9[%get3A_857, %get3A_858] {strides = array<i32>} : memref<16x128xf32, #tpu.memory_space<vmem>>, vector<16xf32>,
      %mul3A_860 = vector.broadcast %squeeze3A_805 : f32 to vector<16xf32>
      %mul3A_861 = arith.mulf %mul3A_860, %get3A_859 : vector<16xf32>
      %swap3A_862 = arith.constant 9 : i32
      %swap3A_863 = arith.index_cast %swap3A_862 : i32 to index
      %swap3A_864 = arith.constant 80 : index
      %swap3A_865 = tpu.vector_load %arg11[%swap3A_863, %swap3A_864] {strides = array<i32>} : memref<16x128xf32, #tpu.memory_space<vmem>>, vector<16xf32>,
      tpu.vector_store %arg11[%swap3A_863, %swap3A_864], %mul3A_861 {strides = array<i32>} : memref<16x128xf32, #tpu.memory_space<vmem>>, vector<16xf32>,
      %get3A_866 = arith.constant 9 : i32
      %get3A_867 = arith.index_cast %get3A_866 : i32 to index
      %get3A_868 = arith.constant 96 : index
      %get3A_869 = tpu.vector_load %arg9[%get3A_867, %get3A_868] {strides = array<i32>} : memref<16x128xf32, #tpu.memory_space<vmem>>, vector<16xf32>,
      %mul3A_870 = vector.broadcast %squeeze3A_805 : f32 to vector<16xf32>
      %mul3A_871 = arith.mulf %mul3A_870, %get3A_869 : vector<16xf32>
      %swap3A_872 = arith.constant 9 : i32
      %swap3A_873 = arith.index_cast %swap3A_872 : i32 to index
      %swap3A_874 = arith.constant 96 : index
      %swap3A_875 = tpu.vector_load %arg11[%swap3A_873, %swap3A_874] {strides = array<i32>} : memref<16x128xf32, #tpu.memory_space<vmem>>, vector<16xf32>,
      tpu.vector_store %arg11[%swap3A_873, %swap3A_874], %mul3A_871 {strides = array<i32>} : memref<16x128xf32, #tpu.memory_space<vmem>>, vector<16xf32>,
      %get3A_876 = arith.constant 9 : i32
      %get3A_877 = arith.index_cast %get3A_876 : i32 to index
      %get3A_878 = arith.constant 112 : index
      %get3A_879 = tpu.vector_load %arg9[%get3A_877, %get3A_878] {strides = array<i32>} : memref<16x128xf32, #tpu.memory_space<vmem>>, vector<16xf32>,
      %mul3A_880 = vector.broadcast %squeeze3A_805 : f32 to vector<16xf32>
      %mul3A_881 = arith.mulf %mul3A_880, %get3A_879 : vector<16xf32>
      %swap3A_882 = arith.constant 9 : i32
      %swap3A_883 = arith.index_cast %swap3A_882 : i32 to index
      %swap3A_884 = arith.constant 112 : index
      %swap3A_885 = tpu.vector_load %arg11[%swap3A_883, %swap3A_884] {strides = array<i32>} : memref<16x128xf32, #tpu.memory_space<vmem>>, vector<16xf32>,
      tpu.vector_store %arg11[%swap3A_883, %swap3A_884], %mul3A_881 {strides = array<i32>} : memref<16x128xf32, #tpu.memory_space<vmem>>, vector<16xf32>,
      %slice3A_886 = vector.extract_strided_slice %get3A_68 {offsets = [10], sizes = [1], strides = [1]} : vector<16xf32> to vector<1xf32>
      %squeeze3A_887 = vector.extract %slice3A_886[0] : f32 from vector<1xf32>
      %get3A_888 = arith.constant 10 : i32
      %get3A_889 = arith.index_cast %get3A_888 : i32 to index
      %get3A_890 = arith.constant 0 : index
      %get3A_891 = tpu.vector_load %arg9[%get3A_889, %get3A_890] {strides = array<i32>} : memref<16x128xf32, #tpu.memory_space<vmem>>, vector<16xf32>,
      %mul3A_892 = vector.broadcast %squeeze3A_887 : f32 to vector<16xf32>
      %mul3A_893 = arith.mulf %mul3A_892, %get3A_891 : vector<16xf32>
      %swap3A_894 = arith.constant 10 : i32
      %swap3A_895 = arith.index_cast %swap3A_894 : i32 to index
      %swap3A_896 = arith.constant 0 : index
      %swap3A_897 = tpu.vector_load %arg11[%swap3A_895, %swap3A_896] {strides = array<i32>} : memref<16x128xf32, #tpu.memory_space<vmem>>, vector<16xf32>,
      tpu.vector_store %arg11[%swap3A_895, %swap3A_896], %mul3A_893 {strides = array<i32>} : memref<16x128xf32, #tpu.memory_space<vmem>>, vector<16xf32>,
      %get3A_898 = arith.constant 10 : i32
      %get3A_899 = arith.index_cast %get3A_898 : i32 to index
      %get3A_900 = arith.constant 16 : index
      %get3A_901 = tpu.vector_load %arg9[%get3A_899, %get3A_900] {strides = array<i32>} : memref<16x128xf32, #tpu.memory_space<vmem>>, vector<16xf32>,
      %mul3A_902 = vector.broadcast %squeeze3A_887 : f32 to vector<16xf32>
      %mul3A_903 = arith.mulf %mul3A_902, %get3A_901 : vector<16xf32>
      %swap3A_904 = arith.constant 10 : i32
      %swap3A_905 = arith.index_cast %swap3A_904 : i32 to index
      %swap3A_906 = arith.constant 16 : index
      %swap3A_907 = tpu.vector_load %arg11[%swap3A_905, %swap3A_906] {strides = array<i32>} : memref<16x128xf32, #tpu.memory_space<vmem>>, vector<16xf32>,
      tpu.vector_store %arg11[%swap3A_905, %swap3A_906], %mul3A_903 {strides = array<i32>} : memref<16x128xf32, #tpu.memory_space<vmem>>, vector<16xf32>,
      %get3A_908 = arith.constant 10 : i32
      %get3A_909 = arith.index_cast %get3A_908 : i32 to index
      %get3A_910 = arith.constant 32 : index
      %get3A_911 = tpu.vector_load %arg9[%get3A_909, %get3A_910] {strides = array<i32>} : memref<16x128xf32, #tpu.memory_space<vmem>>, vector<16xf32>,
      %mul3A_912 = vector.broadcast %squeeze3A_887 : f32 to vector<16xf32>
      %mul3A_913 = arith.mulf %mul3A_912, %get3A_911 : vector<16xf32>
      %swap3A_914 = arith.constant 10 : i32
      %swap3A_915 = arith.index_cast %swap3A_914 : i32 to index
      %swap3A_916 = arith.constant 32 : index
      %swap3A_917 = tpu.vector_load %arg11[%swap3A_915, %swap3A_916] {strides = array<i32>} : memref<16x128xf32, #tpu.memory_space<vmem>>, vector<16xf32>,
      tpu.vector_store %arg11[%swap3A_915, %swap3A_916], %mul3A_913 {strides = array<i32>} : memref<16x128xf32, #tpu.memory_space<vmem>>, vector<16xf32>,
      %get3A_918 = arith.constant 10 : i32
      %get3A_919 = arith.index_cast %get3A_918 : i32 to index
      %get3A_920 = arith.constant 48 : index
      %get3A_921 = tpu.vector_load %arg9[%get3A_919, %get3A_920] {strides = array<i32>} : memref<16x128xf32, #tpu.memory_space<vmem>>, vector<16xf32>,
      %mul3A_922 = vector.broadcast %squeeze3A_887 : f32 to vector<16xf32>
      %mul3A_923 = arith.mulf %mul3A_922, %get3A_921 : vector<16xf32>
      %swap3A_924 = arith.constant 10 : i32
      %swap3A_925 = arith.index_cast %swap3A_924 : i32 to index
      %swap3A_926 = arith.constant 48 : index
      %swap3A_927 = tpu.vector_load %arg11[%swap3A_925, %swap3A_926] {strides = array<i32>} : memref<16x128xf32, #tpu.memory_space<vmem>>, vector<16xf32>,
      tpu.vector_store %arg11[%swap3A_925, %swap3A_926], %mul3A_923 {strides = array<i32>} : memref<16x128xf32, #tpu.memory_space<vmem>>, vector<16xf32>,
      %get3A_928 = arith.constant 10 : i32
      %get3A_929 = arith.index_cast %get3A_928 : i32 to index
      %get3A_930 = arith.constant 64 : index
      %get3A_931 = tpu.vector_load %arg9[%get3A_929, %get3A_930] {strides = array<i32>} : memref<16x128xf32, #tpu.memory_space<vmem>>, vector<16xf32>,
      %mul3A_932 = vector.broadcast %squeeze3A_887 : f32 to vector<16xf32>
      %mul3A_933 = arith.mulf %mul3A_932, %get3A_931 : vector<16xf32>
      %swap3A_934 = arith.constant 10 : i32
      %swap3A_935 = arith.index_cast %swap3A_934 : i32 to index
      %swap3A_936 = arith.constant 64 : index
      %swap3A_937 = tpu.vector_load %arg11[%swap3A_935, %swap3A_936] {strides = array<i32>} : memref<16x128xf32, #tpu.memory_space<vmem>>, vector<16xf32>,
      tpu.vector_store %arg11[%swap3A_935, %swap3A_936], %mul3A_933 {strides = array<i32>} : memref<16x128xf32, #tpu.memory_space<vmem>>, vector<16xf32>,
      %get3A_938 = arith.constant 10 : i32
      %get3A_939 = arith.index_cast %get3A_938 : i32 to index
      %get3A_940 = arith.constant 80 : index
      %get3A_941 = tpu.vector_load %arg9[%get3A_939, %get3A_940] {strides = array<i32>} : memref<16x128xf32, #tpu.memory_space<vmem>>, vector<16xf32>,
      %mul3A_942 = vector.broadcast %squeeze3A_887 : f32 to vector<16xf32>
      %mul3A_943 = arith.mulf %mul3A_942, %get3A_941 : vector<16xf32>
      %swap3A_944 = arith.constant 10 : i32
      %swap3A_945 = arith.index_cast %swap3A_944 : i32 to index
      %swap3A_946 = arith.constant 80 : index
      %swap3A_947 = tpu.vector_load %arg11[%swap3A_945, %swap3A_946] {strides = array<i32>} : memref<16x128xf32, #tpu.memory_space<vmem>>, vector<16xf32>,
      tpu.vector_store %arg11[%swap3A_945, %swap3A_946], %mul3A_943 {strides = array<i32>} : memref<16x128xf32, #tpu.memory_space<vmem>>, vector<16xf32>,
      %get3A_948 = arith.constant 10 : i32
      %get3A_949 = arith.index_cast %get3A_948 : i32 to index
      %get3A_950 = arith.constant 96 : index
      %get3A_951 = tpu.vector_load %arg9[%get3A_949, %get3A_950] {strides = array<i32>} : memref<16x128xf32, #tpu.memory_space<vmem>>, vector<16xf32>,
      %mul3A_952 = vector.broadcast %squeeze3A_887 : f32 to vector<16xf32>
      %mul3A_953 = arith.mulf %mul3A_952, %get3A_951 : vector<16xf32>
      %swap3A_954 = arith.constant 10 : i32
      %swap3A_955 = arith.index_cast %swap3A_954 : i32 to index
      %swap3A_956 = arith.constant 96 : index
      %swap3A_957 = tpu.vector_load %arg11[%swap3A_955, %swap3A_956] {strides = array<i32>} : memref<16x128xf32, #tpu.memory_space<vmem>>, vector<16xf32>,
      tpu.vector_store %arg11[%swap3A_955, %swap3A_956], %mul3A_953 {strides = array<i32>} : memref<16x128xf32, #tpu.memory_space<vmem>>, vector<16xf32>,
      %get3A_958 = arith.constant 10 : i32
      %get3A_959 = arith.index_cast %get3A_958 : i32 to index
      %get3A_960 = arith.constant 112 : index
      %get3A_961 = tpu.vector_load %arg9[%get3A_959, %get3A_960] {strides = array<i32>} : memref<16x128xf32, #tpu.memory_space<vmem>>, vector<16xf32>,
      %mul3A_962 = vector.broadcast %squeeze3A_887 : f32 to vector<16xf32>
      %mul3A_963 = arith.mulf %mul3A_962, %get3A_961 : vector<16xf32>
      %swap3A_964 = arith.constant 10 : i32
      %swap3A_965 = arith.index_cast %swap3A_964 : i32 to index
      %swap3A_966 = arith.constant 112 : index
      %swap3A_967 = tpu.vector_load %arg11[%swap3A_965, %swap3A_966] {strides = array<i32>} : memref<16x128xf32, #tpu.memory_space<vmem>>, vector<16xf32>,
      tpu.vector_store %arg11[%swap3A_965, %swap3A_966], %mul3A_963 {strides = array<i32>} : memref<16x128xf32, #tpu.memory_space<vmem>>, vector<16xf32>,
      %slice3A_968 = vector.extract_strided_slice %get3A_68 {offsets = [11], sizes = [1], strides = [1]} : vector<16xf32> to vector<1xf32>
      %squeeze3A_969 = vector.extract %slice3A_968[0] : f32 from vector<1xf32>
      %get3A_970 = arith.constant 11 : i32
      %get3A_971 = arith.index_cast %get3A_970 : i32 to index
      %get3A_972 = arith.constant 0 : index
      %get3A_973 = tpu.vector_load %arg9[%get3A_971, %get3A_972] {strides = array<i32>} : memref<16x128xf32, #tpu.memory_space<vmem>>, vector<16xf32>,
      %mul3A_974 = vector.broadcast %squeeze3A_969 : f32 to vector<16xf32>
      %mul3A_975 = arith.mulf %mul3A_974, %get3A_973 : vector<16xf32>
      %swap3A_976 = arith.constant 11 : i32
      %swap3A_977 = arith.index_cast %swap3A_976 : i32 to index
      %swap3A_978 = arith.constant 0 : index
      %swap3A_979 = tpu.vector_load %arg11[%swap3A_977, %swap3A_978] {strides = array<i32>} : memref<16x128xf32, #tpu.memory_space<vmem>>, vector<16xf32>,
      tpu.vector_store %arg11[%swap3A_977, %swap3A_978], %mul3A_975 {strides = array<i32>} : memref<16x128xf32, #tpu.memory_space<vmem>>, vector<16xf32>,
      %get3A_980 = arith.constant 11 : i32
      %get3A_981 = arith.index_cast %get3A_980 : i32 to index
      %get3A_982 = arith.constant 16 : index
      %get3A_983 = tpu.vector_load %arg9[%get3A_981, %get3A_982] {strides = array<i32>} : memref<16x128xf32, #tpu.memory_space<vmem>>, vector<16xf32>,
      %mul3A_984 = vector.broadcast %squeeze3A_969 : f32 to vector<16xf32>
      %mul3A_985 = arith.mulf %mul3A_984, %get3A_983 : vector<16xf32>
      %swap3A_986 = arith.constant 11 : i32
      %swap3A_987 = arith.index_cast %swap3A_986 : i32 to index
      %swap3A_988 = arith.constant 16 : index
      %swap3A_989 = tpu.vector_load %arg11[%swap3A_987, %swap3A_988] {strides = array<i32>} : memref<16x128xf32, #tpu.memory_space<vmem>>, vector<16xf32>,
      tpu.vector_store %arg11[%swap3A_987, %swap3A_988], %mul3A_985 {strides = array<i32>} : memref<16x128xf32, #tpu.memory_space<vmem>>, vector<16xf32>,
      %get3A_990 = arith.constant 11 : i32
      %get3A_991 = arith.index_cast %get3A_990 : i32 to index
      %get3A_992 = arith.constant 32 : index
      %get3A_993 = tpu.vector_load %arg9[%get3A_991, %get3A_992] {strides = array<i32>} : memref<16x128xf32, #tpu.memory_space<vmem>>, vector<16xf32>,
      %mul3A_994 = vector.broadcast %squeeze3A_969 : f32 to vector<16xf32>
      %mul3A_995 = arith.mulf %mul3A_994, %get3A_993 : vector<16xf32>
      %swap3A_996 = arith.constant 11 : i32
      %swap3A_997 = arith.index_cast %swap3A_996 : i32 to index
      %swap3A_998 = arith.constant 32 : index
      %swap3A_999 = tpu.vector_load %arg11[%swap3A_997, %swap3A_998] {strides = array<i32>} : memref<16x128xf32, #tpu.memory_space<vmem>>, vector<16xf32>,
      tpu.vector_store %arg11[%swap3A_997, %swap3A_998], %mul3A_995 {strides = array<i32>} : memref<16x128xf32, #tpu.memory_space<vmem>>, vector<16xf32>,
      %get3A_1000 = arith.constant 11 : i32
      %get3A_1001 = arith.index_cast %get3A_1000 : i32 to index
      %get3A_1002 = arith.constant 48 : index
      %get3A_1003 = tpu.vector_load %arg9[%get3A_1001, %get3A_1002] {strides = array<i32>} : memref<16x128xf32, #tpu.memory_space<vmem>>, vector<16xf32>,
      %mul3A_1004 = vector.broadcast %squeeze3A_969 : f32 to vector<16xf32>
      %mul3A_1005 = arith.mulf %mul3A_1004, %get3A_1003 : vector<16xf32>
      %swap3A_1006 = arith.constant 11 : i32
      %swap3A_1007 = arith.index_cast %swap3A_1006 : i32 to index
      %swap3A_1008 = arith.constant 48 : index
      %swap3A_1009 = tpu.vector_load %arg11[%swap3A_1007, %swap3A_1008] {strides = array<i32>} : memref<16x128xf32, #tpu.memory_space<vmem>>, vector<16xf32>,
      tpu.vector_store %arg11[%swap3A_1007, %swap3A_1008], %mul3A_1005 {strides = array<i32>} : memref<16x128xf32, #tpu.memory_space<vmem>>, vector<16xf32>,
      %get3A_1010 = arith.constant 11 : i32
      %get3A_1011 = arith.index_cast %get3A_1010 : i32 to index
      %get3A_1012 = arith.constant 64 : index
      %get3A_1013 = tpu.vector_load %arg9[%get3A_1011, %get3A_1012] {strides = array<i32>} : memref<16x128xf32, #tpu.memory_space<vmem>>, vector<16xf32>,
      %mul3A_1014 = vector.broadcast %squeeze3A_969 : f32 to vector<16xf32>
      %mul3A_1015 = arith.mulf %mul3A_1014, %get3A_1013 : vector<16xf32>
      %swap3A_1016 = arith.constant 11 : i32
      %swap3A_1017 = arith.index_cast %swap3A_1016 : i32 to index
      %swap3A_1018 = arith.constant 64 : index
      %swap3A_1019 = tpu.vector_load %arg11[%swap3A_1017, %swap3A_1018] {strides = array<i32>} : memref<16x128xf32, #tpu.memory_space<vmem>>, vector<16xf32>,
      tpu.vector_store %arg11[%swap3A_1017, %swap3A_1018], %mul3A_1015 {strides = array<i32>} : memref<16x128xf32, #tpu.memory_space<vmem>>, vector<16xf32>,
      %get3A_1020 = arith.constant 11 : i32
      %get3A_1021 = arith.index_cast %get3A_1020 : i32 to index
      %get3A_1022 = arith.constant 80 : index
      %get3A_1023 = tpu.vector_load %arg9[%get3A_1021, %get3A_1022] {strides = array<i32>} : memref<16x128xf32, #tpu.memory_space<vmem>>, vector<16xf32>,
      %mul3A_1024 = vector.broadcast %squeeze3A_969 : f32 to vector<16xf32>
      %mul3A_1025 = arith.mulf %mul3A_1024, %get3A_1023 : vector<16xf32>
      %swap3A_1026 = arith.constant 11 : i32
      %swap3A_1027 = arith.index_cast %swap3A_1026 : i32 to index
      %swap3A_1028 = arith.constant 80 : index
      %swap3A_1029 = tpu.vector_load %arg11[%swap3A_1027, %swap3A_1028] {strides = array<i32>} : memref<16x128xf32, #tpu.memory_space<vmem>>, vector<16xf32>,
      tpu.vector_store %arg11[%swap3A_1027, %swap3A_1028], %mul3A_1025 {strides = array<i32>} : memref<16x128xf32, #tpu.memory_space<vmem>>, vector<16xf32>,
      %get3A_1030 = arith.constant 11 : i32
      %get3A_1031 = arith.index_cast %get3A_1030 : i32 to index
      %get3A_1032 = arith.constant 96 : index
      %get3A_1033 = tpu.vector_load %arg9[%get3A_1031, %get3A_1032] {strides = array<i32>} : memref<16x128xf32, #tpu.memory_space<vmem>>, vector<16xf32>,
      %mul3A_1034 = vector.broadcast %squeeze3A_969 : f32 to vector<16xf32>
      %mul3A_1035 = arith.mulf %mul3A_1034, %get3A_1033 : vector<16xf32>
      %swap3A_1036 = arith.constant 11 : i32
      %swap3A_1037 = arith.index_cast %swap3A_1036 : i32 to index
      %swap3A_1038 = arith.constant 96 : index
      %swap3A_1039 = tpu.vector_load %arg11[%swap3A_1037, %swap3A_1038] {strides = array<i32>} : memref<16x128xf32, #tpu.memory_space<vmem>>, vector<16xf32>,
      tpu.vector_store %arg11[%swap3A_1037, %swap3A_1038], %mul3A_1035 {strides = array<i32>} : memref<16x128xf32, #tpu.memory_space<vmem>>, vector<16xf32>,
      %get3A_1040 = arith.constant 11 : i32
      %get3A_1041 = arith.index_cast %get3A_1040 : i32 to index
      %get3A_1042 = arith.constant 112 : index
      %get3A_1043 = tpu.vector_load %arg9[%get3A_1041, %get3A_1042] {strides = array<i32>} : memref<16x128xf32, #tpu.memory_space<vmem>>, vector<16xf32>,
      %mul3A_1044 = vector.broadcast %squeeze3A_969 : f32 to vector<16xf32>
      %mul3A_1045 = arith.mulf %mul3A_1044, %get3A_1043 : vector<16xf32>
      %swap3A_1046 = arith.constant 11 : i32
      %swap3A_1047 = arith.index_cast %swap3A_1046 : i32 to index
      %swap3A_1048 = arith.constant 112 : index
      %swap3A_1049 = tpu.vector_load %arg11[%swap3A_1047, %swap3A_1048] {strides = array<i32>} : memref<16x128xf32, #tpu.memory_space<vmem>>, vector<16xf32>,
      tpu.vector_store %arg11[%swap3A_1047, %swap3A_1048], %mul3A_1045 {strides = array<i32>} : memref<16x128xf32, #tpu.memory_space<vmem>>, vector<16xf32>,
      %slice3A_1050 = vector.extract_strided_slice %get3A_68 {offsets = [12], sizes = [1], strides = [1]} : vector<16xf32> to vector<1xf32>
      %squeeze3A_1051 = vector.extract %slice3A_1050[0] : f32 from vector<1xf32>
      %get3A_1052 = arith.constant 12 : i32
      %get3A_1053 = arith.index_cast %get3A_1052 : i32 to index
      %get3A_1054 = arith.constant 0 : index
      %get3A_1055 = tpu.vector_load %arg9[%get3A_1053, %get3A_1054] {strides = array<i32>} : memref<16x128xf32, #tpu.memory_space<vmem>>, vector<16xf32>,
      %mul3A_1056 = vector.broadcast %squeeze3A_1051 : f32 to vector<16xf32>
      %mul3A_1057 = arith.mulf %mul3A_1056, %get3A_1055 : vector<16xf32>
      %swap3A_1058 = arith.constant 12 : i32
      %swap3A_1059 = arith.index_cast %swap3A_1058 : i32 to index
      %swap3A_1060 = arith.constant 0 : index
      %swap3A_1061 = tpu.vector_load %arg11[%swap3A_1059, %swap3A_1060] {strides = array<i32>} : memref<16x128xf32, #tpu.memory_space<vmem>>, vector<16xf32>,
      tpu.vector_store %arg11[%swap3A_1059, %swap3A_1060], %mul3A_1057 {strides = array<i32>} : memref<16x128xf32, #tpu.memory_space<vmem>>, vector<16xf32>,
      %get3A_1062 = arith.constant 12 : i32
      %get3A_1063 = arith.index_cast %get3A_1062 : i32 to index
      %get3A_1064 = arith.constant 16 : index
      %get3A_1065 = tpu.vector_load %arg9[%get3A_1063, %get3A_1064] {strides = array<i32>} : memref<16x128xf32, #tpu.memory_space<vmem>>, vector<16xf32>,
      %mul3A_1066 = vector.broadcast %squeeze3A_1051 : f32 to vector<16xf32>
      %mul3A_1067 = arith.mulf %mul3A_1066, %get3A_1065 : vector<16xf32>
      %swap3A_1068 = arith.constant 12 : i32
      %swap3A_1069 = arith.index_cast %swap3A_1068 : i32 to index
      %swap3A_1070 = arith.constant 16 : index
      %swap3A_1071 = tpu.vector_load %arg11[%swap3A_1069, %swap3A_1070] {strides = array<i32>} : memref<16x128xf32, #tpu.memory_space<vmem>>, vector<16xf32>,
      tpu.vector_store %arg11[%swap3A_1069, %swap3A_1070], %mul3A_1067 {strides = array<i32>} : memref<16x128xf32, #tpu.memory_space<vmem>>, vector<16xf32>,
      %get3A_1072 = arith.constant 12 : i32
      %get3A_1073 = arith.index_cast %get3A_1072 : i32 to index
      %get3A_1074 = arith.constant 32 : index
      %get3A_1075 = tpu.vector_load %arg9[%get3A_1073, %get3A_1074] {strides = array<i32>} : memref<16x128xf32, #tpu.memory_space<vmem>>, vector<16xf32>,
      %mul3A_1076 = vector.broadcast %squeeze3A_1051 : f32 to vector<16xf32>
      %mul3A_1077 = arith.mulf %mul3A_1076, %get3A_1075 : vector<16xf32>
      %swap3A_1078 = arith.constant 12 : i32
      %swap3A_1079 = arith.index_cast %swap3A_1078 : i32 to index
      %swap3A_1080 = arith.constant 32 : index
      %swap3A_1081 = tpu.vector_load %arg11[%swap3A_1079, %swap3A_1080] {strides = array<i32>} : memref<16x128xf32, #tpu.memory_space<vmem>>, vector<16xf32>,
      tpu.vector_store %arg11[%swap3A_1079, %swap3A_1080], %mul3A_1077 {strides = array<i32>} : memref<16x128xf32, #tpu.memory_space<vmem>>, vector<16xf32>,
      %get3A_1082 = arith.constant 12 : i32
      %get3A_1083 = arith.index_cast %get3A_1082 : i32 to index
      %get3A_1084 = arith.constant 48 : index
      %get3A_1085 = tpu.vector_load %arg9[%get3A_1083, %get3A_1084] {strides = array<i32>} : memref<16x128xf32, #tpu.memory_space<vmem>>, vector<16xf32>,
      %mul3A_1086 = vector.broadcast %squeeze3A_1051 : f32 to vector<16xf32>
      %mul3A_1087 = arith.mulf %mul3A_1086, %get3A_1085 : vector<16xf32>
      %swap3A_1088 = arith.constant 12 : i32
      %swap3A_1089 = arith.index_cast %swap3A_1088 : i32 to index
      %swap3A_1090 = arith.constant 48 : index
      %swap3A_1091 = tpu.vector_load %arg11[%swap3A_1089, %swap3A_1090] {strides = array<i32>} : memref<16x128xf32, #tpu.memory_space<vmem>>, vector<16xf32>,
      tpu.vector_store %arg11[%swap3A_1089, %swap3A_1090], %mul3A_1087 {strides = array<i32>} : memref<16x128xf32, #tpu.memory_space<vmem>>, vector<16xf32>,
      %get3A_1092 = arith.constant 12 : i32
      %get3A_1093 = arith.index_cast %get3A_1092 : i32 to index
      %get3A_1094 = arith.constant 64 : index
      %get3A_1095 = tpu.vector_load %arg9[%get3A_1093, %get3A_1094] {strides = array<i32>} : memref<16x128xf32, #tpu.memory_space<vmem>>, vector<16xf32>,
      %mul3A_1096 = vector.broadcast %squeeze3A_1051 : f32 to vector<16xf32>
      %mul3A_1097 = arith.mulf %mul3A_1096, %get3A_1095 : vector<16xf32>
      %swap3A_1098 = arith.constant 12 : i32
      %swap3A_1099 = arith.index_cast %swap3A_1098 : i32 to index
      %swap3A_1100 = arith.constant 64 : index
      %swap3A_1101 = tpu.vector_load %arg11[%swap3A_1099, %swap3A_1100] {strides = array<i32>} : memref<16x128xf32, #tpu.memory_space<vmem>>, vector<16xf32>,
      tpu.vector_store %arg11[%swap3A_1099, %swap3A_1100], %mul3A_1097 {strides = array<i32>} : memref<16x128xf32, #tpu.memory_space<vmem>>, vector<16xf32>,
      %get3A_1102 = arith.constant 12 : i32
      %get3A_1103 = arith.index_cast %get3A_1102 : i32 to index
      %get3A_1104 = arith.constant 80 : index
      %get3A_1105 = tpu.vector_load %arg9[%get3A_1103, %get3A_1104] {strides = array<i32>} : memref<16x128xf32, #tpu.memory_space<vmem>>, vector<16xf32>,
      %mul3A_1106 = vector.broadcast %squeeze3A_1051 : f32 to vector<16xf32>
      %mul3A_1107 = arith.mulf %mul3A_1106, %get3A_1105 : vector<16xf32>
      %swap3A_1108 = arith.constant 12 : i32
      %swap3A_1109 = arith.index_cast %swap3A_1108 : i32 to index
      %swap3A_1110 = arith.constant 80 : index
      %swap3A_1111 = tpu.vector_load %arg11[%swap3A_1109, %swap3A_1110] {strides = array<i32>} : memref<16x128xf32, #tpu.memory_space<vmem>>, vector<16xf32>,
      tpu.vector_store %arg11[%swap3A_1109, %swap3A_1110], %mul3A_1107 {strides = array<i32>} : memref<16x128xf32, #tpu.memory_space<vmem>>, vector<16xf32>,
      %get3A_1112 = arith.constant 12 : i32
      %get3A_1113 = arith.index_cast %get3A_1112 : i32 to index
      %get3A_1114 = arith.constant 96 : index
      %get3A_1115 = tpu.vector_load %arg9[%get3A_1113, %get3A_1114] {strides = array<i32>} : memref<16x128xf32, #tpu.memory_space<vmem>>, vector<16xf32>,
      %mul3A_1116 = vector.broadcast %squeeze3A_1051 : f32 to vector<16xf32>
      %mul3A_1117 = arith.mulf %mul3A_1116, %get3A_1115 : vector<16xf32>
      %swap3A_1118 = arith.constant 12 : i32
      %swap3A_1119 = arith.index_cast %swap3A_1118 : i32 to index
      %swap3A_1120 = arith.constant 96 : index
      %swap3A_1121 = tpu.vector_load %arg11[%swap3A_1119, %swap3A_1120] {strides = array<i32>} : memref<16x128xf32, #tpu.memory_space<vmem>>, vector<16xf32>,
      tpu.vector_store %arg11[%swap3A_1119, %swap3A_1120], %mul3A_1117 {strides = array<i32>} : memref<16x128xf32, #tpu.memory_space<vmem>>, vector<16xf32>,
      %get3A_1122 = arith.constant 12 : i32
      %get3A_1123 = arith.index_cast %get3A_1122 : i32 to index
      %get3A_1124 = arith.constant 112 : index
      %get3A_1125 = tpu.vector_load %arg9[%get3A_1123, %get3A_1124] {strides = array<i32>} : memref<16x128xf32, #tpu.memory_space<vmem>>, vector<16xf32>,
      %mul3A_1126 = vector.broadcast %squeeze3A_1051 : f32 to vector<16xf32>
      %mul3A_1127 = arith.mulf %mul3A_1126, %get3A_1125 : vector<16xf32>
      %swap3A_1128 = arith.constant 12 : i32
      %swap3A_1129 = arith.index_cast %swap3A_1128 : i32 to index
      %swap3A_1130 = arith.constant 112 : index
      %swap3A_1131 = tpu.vector_load %arg11[%swap3A_1129, %swap3A_1130] {strides = array<i32>} : memref<16x128xf32, #tpu.memory_space<vmem>>, vector<16xf32>,
      tpu.vector_store %arg11[%swap3A_1129, %swap3A_1130], %mul3A_1127 {strides = array<i32>} : memref<16x128xf32, #tpu.memory_space<vmem>>, vector<16xf32>,
      %slice3A_1132 = vector.extract_strided_slice %get3A_68 {offsets = [13], sizes = [1], strides = [1]} : vector<16xf32> to vector<1xf32>
      %squeeze3A_1133 = vector.extract %slice3A_1132[0] : f32 from vector<1xf32>
      %get3A_1134 = arith.constant 13 : i32
      %get3A_1135 = arith.index_cast %get3A_1134 : i32 to index
      %get3A_1136 = arith.constant 0 : index
      %get3A_1137 = tpu.vector_load %arg9[%get3A_1135, %get3A_1136] {strides = array<i32>} : memref<16x128xf32, #tpu.memory_space<vmem>>, vector<16xf32>,
      %mul3A_1138 = vector.broadcast %squeeze3A_1133 : f32 to vector<16xf32>
      %mul3A_1139 = arith.mulf %mul3A_1138, %get3A_1137 : vector<16xf32>
      %swap3A_1140 = arith.constant 13 : i32
      %swap3A_1141 = arith.index_cast %swap3A_1140 : i32 to index
      %swap3A_1142 = arith.constant 0 : index
      %swap3A_1143 = tpu.vector_load %arg11[%swap3A_1141, %swap3A_1142] {strides = array<i32>} : memref<16x128xf32, #tpu.memory_space<vmem>>, vector<16xf32>,
      tpu.vector_store %arg11[%swap3A_1141, %swap3A_1142], %mul3A_1139 {strides = array<i32>} : memref<16x128xf32, #tpu.memory_space<vmem>>, vector<16xf32>,
      %get3A_1144 = arith.constant 13 : i32
      %get3A_1145 = arith.index_cast %get3A_1144 : i32 to index
      %get3A_1146 = arith.constant 16 : index
      %get3A_1147 = tpu.vector_load %arg9[%get3A_1145, %get3A_1146] {strides = array<i32>} : memref<16x128xf32, #tpu.memory_space<vmem>>, vector<16xf32>,
      %mul3A_1148 = vector.broadcast %squeeze3A_1133 : f32 to vector<16xf32>
      %mul3A_1149 = arith.mulf %mul3A_1148, %get3A_1147 : vector<16xf32>
      %swap3A_1150 = arith.constant 13 : i32
      %swap3A_1151 = arith.index_cast %swap3A_1150 : i32 to index
      %swap3A_1152 = arith.constant 16 : index
      %swap3A_1153 = tpu.vector_load %arg11[%swap3A_1151, %swap3A_1152] {strides = array<i32>} : memref<16x128xf32, #tpu.memory_space<vmem>>, vector<16xf32>,
      tpu.vector_store %arg11[%swap3A_1151, %swap3A_1152], %mul3A_1149 {strides = array<i32>} : memref<16x128xf32, #tpu.memory_space<vmem>>, vector<16xf32>,
      %get3A_1154 = arith.constant 13 : i32
      %get3A_1155 = arith.index_cast %get3A_1154 : i32 to index
      %get3A_1156 = arith.constant 32 : index
      %get3A_1157 = tpu.vector_load %arg9[%get3A_1155, %get3A_1156] {strides = array<i32>} : memref<16x128xf32, #tpu.memory_space<vmem>>, vector<16xf32>,
      %mul3A_1158 = vector.broadcast %squeeze3A_1133 : f32 to vector<16xf32>
      %mul3A_1159 = arith.mulf %mul3A_1158, %get3A_1157 : vector<16xf32>
      %swap3A_1160 = arith.constant 13 : i32
      %swap3A_1161 = arith.index_cast %swap3A_1160 : i32 to index
      %swap3A_1162 = arith.constant 32 : index
      %swap3A_1163 = tpu.vector_load %arg11[%swap3A_1161, %swap3A_1162] {strides = array<i32>} : memref<16x128xf32, #tpu.memory_space<vmem>>, vector<16xf32>,
      tpu.vector_store %arg11[%swap3A_1161, %swap3A_1162], %mul3A_1159 {strides = array<i32>} : memref<16x128xf32, #tpu.memory_space<vmem>>, vector<16xf32>,
      %get3A_1164 = arith.constant 13 : i32
      %get3A_1165 = arith.index_cast %get3A_1164 : i32 to index
      %get3A_1166 = arith.constant 48 : index
      %get3A_1167 = tpu.vector_load %arg9[%get3A_1165, %get3A_1166] {strides = array<i32>} : memref<16x128xf32, #tpu.memory_space<vmem>>, vector<16xf32>,
      %mul3A_1168 = vector.broadcast %squeeze3A_1133 : f32 to vector<16xf32>
      %mul3A_1169 = arith.mulf %mul3A_1168, %get3A_1167 : vector<16xf32>
      %swap3A_1170 = arith.constant 13 : i32
      %swap3A_1171 = arith.index_cast %swap3A_1170 : i32 to index
      %swap3A_1172 = arith.constant 48 : index
      %swap3A_1173 = tpu.vector_load %arg11[%swap3A_1171, %swap3A_1172] {strides = array<i32>} : memref<16x128xf32, #tpu.memory_space<vmem>>, vector<16xf32>,
      tpu.vector_store %arg11[%swap3A_1171, %swap3A_1172], %mul3A_1169 {strides = array<i32>} : memref<16x128xf32, #tpu.memory_space<vmem>>, vector<16xf32>,
      %get3A_1174 = arith.constant 13 : i32
      %get3A_1175 = arith.index_cast %get3A_1174 : i32 to index
      %get3A_1176 = arith.constant 64 : index
      %get3A_1177 = tpu.vector_load %arg9[%get3A_1175, %get3A_1176] {strides = array<i32>} : memref<16x128xf32, #tpu.memory_space<vmem>>, vector<16xf32>,
      %mul3A_1178 = vector.broadcast %squeeze3A_1133 : f32 to vector<16xf32>
      %mul3A_1179 = arith.mulf %mul3A_1178, %get3A_1177 : vector<16xf32>
      %swap3A_1180 = arith.constant 13 : i32
      %swap3A_1181 = arith.index_cast %swap3A_1180 : i32 to index
      %swap3A_1182 = arith.constant 64 : index
      %swap3A_1183 = tpu.vector_load %arg11[%swap3A_1181, %swap3A_1182] {strides = array<i32>} : memref<16x128xf32, #tpu.memory_space<vmem>>, vector<16xf32>,
      tpu.vector_store %arg11[%swap3A_1181, %swap3A_1182], %mul3A_1179 {strides = array<i32>} : memref<16x128xf32, #tpu.memory_space<vmem>>, vector<16xf32>,
      %get3A_1184 = arith.constant 13 : i32
      %get3A_1185 = arith.index_cast %get3A_1184 : i32 to index
      %get3A_1186 = arith.constant 80 : index
      %get3A_1187 = tpu.vector_load %arg9[%get3A_1185, %get3A_1186] {strides = array<i32>} : memref<16x128xf32, #tpu.memory_space<vmem>>, vector<16xf32>,
      %mul3A_1188 = vector.broadcast %squeeze3A_1133 : f32 to vector<16xf32>
      %mul3A_1189 = arith.mulf %mul3A_1188, %get3A_1187 : vector<16xf32>
      %swap3A_1190 = arith.constant 13 : i32
      %swap3A_1191 = arith.index_cast %swap3A_1190 : i32 to index
      %swap3A_1192 = arith.constant 80 : index
      %swap3A_1193 = tpu.vector_load %arg11[%swap3A_1191, %swap3A_1192] {strides = array<i32>} : memref<16x128xf32, #tpu.memory_space<vmem>>, vector<16xf32>,
      tpu.vector_store %arg11[%swap3A_1191, %swap3A_1192], %mul3A_1189 {strides = array<i32>} : memref<16x128xf32, #tpu.memory_space<vmem>>, vector<16xf32>,
      %get3A_1194 = arith.constant 13 : i32
      %get3A_1195 = arith.index_cast %get3A_1194 : i32 to index
      %get3A_1196 = arith.constant 96 : index
      %get3A_1197 = tpu.vector_load %arg9[%get3A_1195, %get3A_1196] {strides = array<i32>} : memref<16x128xf32, #tpu.memory_space<vmem>>, vector<16xf32>,
      %mul3A_1198 = vector.broadcast %squeeze3A_1133 : f32 to vector<16xf32>
      %mul3A_1199 = arith.mulf %mul3A_1198, %get3A_1197 : vector<16xf32>
      %swap3A_1200 = arith.constant 13 : i32
      %swap3A_1201 = arith.index_cast %swap3A_1200 : i32 to index
      %swap3A_1202 = arith.constant 96 : index
      %swap3A_1203 = tpu.vector_load %arg11[%swap3A_1201, %swap3A_1202] {strides = array<i32>} : memref<16x128xf32, #tpu.memory_space<vmem>>, vector<16xf32>,
      tpu.vector_store %arg11[%swap3A_1201, %swap3A_1202], %mul3A_1199 {strides = array<i32>} : memref<16x128xf32, #tpu.memory_space<vmem>>, vector<16xf32>,
      %get3A_1204 = arith.constant 13 : i32
      %get3A_1205 = arith.index_cast %get3A_1204 : i32 to index
      %get3A_1206 = arith.constant 112 : index
      %get3A_1207 = tpu.vector_load %arg9[%get3A_1205, %get3A_1206] {strides = array<i32>} : memref<16x128xf32, #tpu.memory_space<vmem>>, vector<16xf32>,
      %mul3A_1208 = vector.broadcast %squeeze3A_1133 : f32 to vector<16xf32>
      %mul3A_1209 = arith.mulf %mul3A_1208, %get3A_1207 : vector<16xf32>
      %swap3A_1210 = arith.constant 13 : i32
      %swap3A_1211 = arith.index_cast %swap3A_1210 : i32 to index
      %swap3A_1212 = arith.constant 112 : index
      %swap3A_1213 = tpu.vector_load %arg11[%swap3A_1211, %swap3A_1212] {strides = array<i32>} : memref<16x128xf32, #tpu.memory_space<vmem>>, vector<16xf32>,
      tpu.vector_store %arg11[%swap3A_1211, %swap3A_1212], %mul3A_1209 {strides = array<i32>} : memref<16x128xf32, #tpu.memory_space<vmem>>, vector<16xf32>,
      %slice3A_1214 = vector.extract_strided_slice %get3A_68 {offsets = [14], sizes = [1], strides = [1]} : vector<16xf32> to vector<1xf32>
      %squeeze3A_1215 = vector.extract %slice3A_1214[0] : f32 from vector<1xf32>
      %get3A_1216 = arith.constant 14 : i32
      %get3A_1217 = arith.index_cast %get3A_1216 : i32 to index
      %get3A_1218 = arith.constant 0 : index
      %get3A_1219 = tpu.vector_load %arg9[%get3A_1217, %get3A_1218] {strides = array<i32>} : memref<16x128xf32, #tpu.memory_space<vmem>>, vector<16xf32>,
      %mul3A_1220 = vector.broadcast %squeeze3A_1215 : f32 to vector<16xf32>
      %mul3A_1221 = arith.mulf %mul3A_1220, %get3A_1219 : vector<16xf32>
      %swap3A_1222 = arith.constant 14 : i32
      %swap3A_1223 = arith.index_cast %swap3A_1222 : i32 to index
      %swap3A_1224 = arith.constant 0 : index
      %swap3A_1225 = tpu.vector_load %arg11[%swap3A_1223, %swap3A_1224] {strides = array<i32>} : memref<16x128xf32, #tpu.memory_space<vmem>>, vector<16xf32>,
      tpu.vector_store %arg11[%swap3A_1223, %swap3A_1224], %mul3A_1221 {strides = array<i32>} : memref<16x128xf32, #tpu.memory_space<vmem>>, vector<16xf32>,
      %get3A_1226 = arith.constant 14 : i32
      %get3A_1227 = arith.index_cast %get3A_1226 : i32 to index
      %get3A_1228 = arith.constant 16 : index
      %get3A_1229 = tpu.vector_load %arg9[%get3A_1227, %get3A_1228] {strides = array<i32>} : memref<16x128xf32, #tpu.memory_space<vmem>>, vector<16xf32>,
      %mul3A_1230 = vector.broadcast %squeeze3A_1215 : f32 to vector<16xf32>
      %mul3A_1231 = arith.mulf %mul3A_1230, %get3A_1229 : vector<16xf32>
      %swap3A_1232 = arith.constant 14 : i32
      %swap3A_1233 = arith.index_cast %swap3A_1232 : i32 to index
      %swap3A_1234 = arith.constant 16 : index
      %swap3A_1235 = tpu.vector_load %arg11[%swap3A_1233, %swap3A_1234] {strides = array<i32>} : memref<16x128xf32, #tpu.memory_space<vmem>>, vector<16xf32>,
      tpu.vector_store %arg11[%swap3A_1233, %swap3A_1234], %mul3A_1231 {strides = array<i32>} : memref<16x128xf32, #tpu.memory_space<vmem>>, vector<16xf32>,
      %get3A_1236 = arith.constant 14 : i32
      %get3A_1237 = arith.index_cast %get3A_1236 : i32 to index
      %get3A_1238 = arith.constant 32 : index
      %get3A_1239 = tpu.vector_load %arg9[%get3A_1237, %get3A_1238] {strides = array<i32>} : memref<16x128xf32, #tpu.memory_space<vmem>>, vector<16xf32>,
      %mul3A_1240 = vector.broadcast %squeeze3A_1215 : f32 to vector<16xf32>
      %mul3A_1241 = arith.mulf %mul3A_1240, %get3A_1239 : vector<16xf32>
      %swap3A_1242 = arith.constant 14 : i32
      %swap3A_1243 = arith.index_cast %swap3A_1242 : i32 to index
      %swap3A_1244 = arith.constant 32 : index
      %swap3A_1245 = tpu.vector_load %arg11[%swap3A_1243, %swap3A_1244] {strides = array<i32>} : memref<16x128xf32, #tpu.memory_space<vmem>>, vector<16xf32>,
      tpu.vector_store %arg11[%swap3A_1243, %swap3A_1244], %mul3A_1241 {strides = array<i32>} : memref<16x128xf32, #tpu.memory_space<vmem>>, vector<16xf32>,
      %get3A_1246 = arith.constant 14 : i32
      %get3A_1247 = arith.index_cast %get3A_1246 : i32 to index
      %get3A_1248 = arith.constant 48 : index
      %get3A_1249 = tpu.vector_load %arg9[%get3A_1247, %get3A_1248] {strides = array<i32>} : memref<16x128xf32, #tpu.memory_space<vmem>>, vector<16xf32>,
      %mul3A_1250 = vector.broadcast %squeeze3A_1215 : f32 to vector<16xf32>
      %mul3A_1251 = arith.mulf %mul3A_1250, %get3A_1249 : vector<16xf32>
      %swap3A_1252 = arith.constant 14 : i32
      %swap3A_1253 = arith.index_cast %swap3A_1252 : i32 to index
      %swap3A_1254 = arith.constant 48 : index
      %swap3A_1255 = tpu.vector_load %arg11[%swap3A_1253, %swap3A_1254] {strides = array<i32>} : memref<16x128xf32, #tpu.memory_space<vmem>>, vector<16xf32>,
      tpu.vector_store %arg11[%swap3A_1253, %swap3A_1254], %mul3A_1251 {strides = array<i32>} : memref<16x128xf32, #tpu.memory_space<vmem>>, vector<16xf32>,
      %get3A_1256 = arith.constant 14 : i32
      %get3A_1257 = arith.index_cast %get3A_1256 : i32 to index
      %get3A_1258 = arith.constant 64 : index
      %get3A_1259 = tpu.vector_load %arg9[%get3A_1257, %get3A_1258] {strides = array<i32>} : memref<16x128xf32, #tpu.memory_space<vmem>>, vector<16xf32>,
      %mul3A_1260 = vector.broadcast %squeeze3A_1215 : f32 to vector<16xf32>
      %mul3A_1261 = arith.mulf %mul3A_1260, %get3A_1259 : vector<16xf32>
      %swap3A_1262 = arith.constant 14 : i32
      %swap3A_1263 = arith.index_cast %swap3A_1262 : i32 to index
      %swap3A_1264 = arith.constant 64 : index
      %swap3A_1265 = tpu.vector_load %arg11[%swap3A_1263, %swap3A_1264] {strides = array<i32>} : memref<16x128xf32, #tpu.memory_space<vmem>>, vector<16xf32>,
      tpu.vector_store %arg11[%swap3A_1263, %swap3A_1264], %mul3A_1261 {strides = array<i32>} : memref<16x128xf32, #tpu.memory_space<vmem>>, vector<16xf32>,
      %get3A_1266 = arith.constant 14 : i32
      %get3A_1267 = arith.index_cast %get3A_1266 : i32 to index
      %get3A_1268 = arith.constant 80 : index
      %get3A_1269 = tpu.vector_load %arg9[%get3A_1267, %get3A_1268] {strides = array<i32>} : memref<16x128xf32, #tpu.memory_space<vmem>>, vector<16xf32>,
      %mul3A_1270 = vector.broadcast %squeeze3A_1215 : f32 to vector<16xf32>
      %mul3A_1271 = arith.mulf %mul3A_1270, %get3A_1269 : vector<16xf32>
      %swap3A_1272 = arith.constant 14 : i32
      %swap3A_1273 = arith.index_cast %swap3A_1272 : i32 to index
      %swap3A_1274 = arith.constant 80 : index
      %swap3A_1275 = tpu.vector_load %arg11[%swap3A_1273, %swap3A_1274] {strides = array<i32>} : memref<16x128xf32, #tpu.memory_space<vmem>>, vector<16xf32>,
      tpu.vector_store %arg11[%swap3A_1273, %swap3A_1274], %mul3A_1271 {strides = array<i32>} : memref<16x128xf32, #tpu.memory_space<vmem>>, vector<16xf32>,
      %get3A_1276 = arith.constant 14 : i32
      %get3A_1277 = arith.index_cast %get3A_1276 : i32 to index
      %get3A_1278 = arith.constant 96 : index
      %get3A_1279 = tpu.vector_load %arg9[%get3A_1277, %get3A_1278] {strides = array<i32>} : memref<16x128xf32, #tpu.memory_space<vmem>>, vector<16xf32>,
      %mul3A_1280 = vector.broadcast %squeeze3A_1215 : f32 to vector<16xf32>
      %mul3A_1281 = arith.mulf %mul3A_1280, %get3A_1279 : vector<16xf32>
      %swap3A_1282 = arith.constant 14 : i32
      %swap3A_1283 = arith.index_cast %swap3A_1282 : i32 to index
      %swap3A_1284 = arith.constant 96 : index
      %swap3A_1285 = tpu.vector_load %arg11[%swap3A_1283, %swap3A_1284] {strides = array<i32>} : memref<16x128xf32, #tpu.memory_space<vmem>>, vector<16xf32>,
      tpu.vector_store %arg11[%swap3A_1283, %swap3A_1284], %mul3A_1281 {strides = array<i32>} : memref<16x128xf32, #tpu.memory_space<vmem>>, vector<16xf32>,
      %get3A_1286 = arith.constant 14 : i32
      %get3A_1287 = arith.index_cast %get3A_1286 : i32 to index
      %get3A_1288 = arith.constant 112 : index
      %get3A_1289 = tpu.vector_load %arg9[%get3A_1287, %get3A_1288] {strides = array<i32>} : memref<16x128xf32, #tpu.memory_space<vmem>>, vector<16xf32>,
      %mul3A_1290 = vector.broadcast %squeeze3A_1215 : f32 to vector<16xf32>
      %mul3A_1291 = arith.mulf %mul3A_1290, %get3A_1289 : vector<16xf32>
      %swap3A_1292 = arith.constant 14 : i32
      %swap3A_1293 = arith.index_cast %swap3A_1292 : i32 to index
      %swap3A_1294 = arith.constant 112 : index
      %swap3A_1295 = tpu.vector_load %arg11[%swap3A_1293, %swap3A_1294] {strides = array<i32>} : memref<16x128xf32, #tpu.memory_space<vmem>>, vector<16xf32>,
      tpu.vector_store %arg11[%swap3A_1293, %swap3A_1294], %mul3A_1291 {strides = array<i32>} : memref<16x128xf32, #tpu.memory_space<vmem>>, vector<16xf32>,
      %slice3A_1296 = vector.extract_strided_slice %get3A_68 {offsets = [15], sizes = [1], strides = [1]} : vector<16xf32> to vector<1xf32>
      %squeeze3A_1297 = vector.extract %slice3A_1296[0] : f32 from vector<1xf32>
      %get3A_1298 = arith.constant 15 : i32
      %get3A_1299 = arith.index_cast %get3A_1298 : i32 to index
      %get3A_1300 = arith.constant 0 : index
      %get3A_1301 = tpu.vector_load %arg9[%get3A_1299, %get3A_1300] {strides = array<i32>} : memref<16x128xf32, #tpu.memory_space<vmem>>, vector<16xf32>,
      %mul3A_1302 = vector.broadcast %squeeze3A_1297 : f32 to vector<16xf32>
      %mul3A_1303 = arith.mulf %mul3A_1302, %get3A_1301 : vector<16xf32>
      %swap3A_1304 = arith.constant 15 : i32
      %swap3A_1305 = arith.index_cast %swap3A_1304 : i32 to index
      %swap3A_1306 = arith.constant 0 : index
      %swap3A_1307 = tpu.vector_load %arg11[%swap3A_1305, %swap3A_1306] {strides = array<i32>} : memref<16x128xf32, #tpu.memory_space<vmem>>, vector<16xf32>,
      tpu.vector_store %arg11[%swap3A_1305, %swap3A_1306], %mul3A_1303 {strides = array<i32>} : memref<16x128xf32, #tpu.memory_space<vmem>>, vector<16xf32>,
      %get3A_1308 = arith.constant 15 : i32
      %get3A_1309 = arith.index_cast %get3A_1308 : i32 to index
      %get3A_1310 = arith.constant 16 : index
      %get3A_1311 = tpu.vector_load %arg9[%get3A_1309, %get3A_1310] {strides = array<i32>} : memref<16x128xf32, #tpu.memory_space<vmem>>, vector<16xf32>,
      %mul3A_1312 = vector.broadcast %squeeze3A_1297 : f32 to vector<16xf32>
      %mul3A_1313 = arith.mulf %mul3A_1312, %get3A_1311 : vector<16xf32>
      %swap3A_1314 = arith.constant 15 : i32
      %swap3A_1315 = arith.index_cast %swap3A_1314 : i32 to index
      %swap3A_1316 = arith.constant 16 : index
      %swap3A_1317 = tpu.vector_load %arg11[%swap3A_1315, %swap3A_1316] {strides = array<i32>} : memref<16x128xf32, #tpu.memory_space<vmem>>, vector<16xf32>,
      tpu.vector_store %arg11[%swap3A_1315, %swap3A_1316], %mul3A_1313 {strides = array<i32>} : memref<16x128xf32, #tpu.memory_space<vmem>>, vector<16xf32>,
      %get3A_1318 = arith.constant 15 : i32
      %get3A_1319 = arith.index_cast %get3A_1318 : i32 to index
      %get3A_1320 = arith.constant 32 : index
      %get3A_1321 = tpu.vector_load %arg9[%get3A_1319, %get3A_1320] {strides = array<i32>} : memref<16x128xf32, #tpu.memory_space<vmem>>, vector<16xf32>,
      %mul3A_1322 = vector.broadcast %squeeze3A_1297 : f32 to vector<16xf32>
      %mul3A_1323 = arith.mulf %mul3A_1322, %get3A_1321 : vector<16xf32>
      %swap3A_1324 = arith.constant 15 : i32
      %swap3A_1325 = arith.index_cast %swap3A_1324 : i32 to index
      %swap3A_1326 = arith.constant 32 : index
      %swap3A_1327 = tpu.vector_load %arg11[%swap3A_1325, %swap3A_1326] {strides = array<i32>} : memref<16x128xf32, #tpu.memory_space<vmem>>, vector<16xf32>,
      tpu.vector_store %arg11[%swap3A_1325, %swap3A_1326], %mul3A_1323 {strides = array<i32>} : memref<16x128xf32, #tpu.memory_space<vmem>>, vector<16xf32>,
      %get3A_1328 = arith.constant 15 : i32
      %get3A_1329 = arith.index_cast %get3A_1328 : i32 to index
      %get3A_1330 = arith.constant 48 : index
      %get3A_1331 = tpu.vector_load %arg9[%get3A_1329, %get3A_1330] {strides = array<i32>} : memref<16x128xf32, #tpu.memory_space<vmem>>, vector<16xf32>,
      %mul3A_1332 = vector.broadcast %squeeze3A_1297 : f32 to vector<16xf32>
      %mul3A_1333 = arith.mulf %mul3A_1332, %get3A_1331 : vector<16xf32>
      %swap3A_1334 = arith.constant 15 : i32
      %swap3A_1335 = arith.index_cast %swap3A_1334 : i32 to index
      %swap3A_1336 = arith.constant 48 : index
      %swap3A_1337 = tpu.vector_load %arg11[%swap3A_1335, %swap3A_1336] {strides = array<i32>} : memref<16x128xf32, #tpu.memory_space<vmem>>, vector<16xf32>,
      tpu.vector_store %arg11[%swap3A_1335, %swap3A_1336], %mul3A_1333 {strides = array<i32>} : memref<16x128xf32, #tpu.memory_space<vmem>>, vector<16xf32>,
      %get3A_1338 = arith.constant 15 : i32
      %get3A_1339 = arith.index_cast %get3A_1338 : i32 to index
      %get3A_1340 = arith.constant 64 : index
      %get3A_1341 = tpu.vector_load %arg9[%get3A_1339, %get3A_1340] {strides = array<i32>} : memref<16x128xf32, #tpu.memory_space<vmem>>, vector<16xf32>,
      %mul3A_1342 = vector.broadcast %squeeze3A_1297 : f32 to vector<16xf32>
      %mul3A_1343 = arith.mulf %mul3A_1342, %get3A_1341 : vector<16xf32>
      %swap3A_1344 = arith.constant 15 : i32
      %swap3A_1345 = arith.index_cast %swap3A_1344 : i32 to index
      %swap3A_1346 = arith.constant 64 : index
      %swap3A_1347 = tpu.vector_load %arg11[%swap3A_1345, %swap3A_1346] {strides = array<i32>} : memref<16x128xf32, #tpu.memory_space<vmem>>, vector<16xf32>,
      tpu.vector_store %arg11[%swap3A_1345, %swap3A_1346], %mul3A_1343 {strides = array<i32>} : memref<16x128xf32, #tpu.memory_space<vmem>>, vector<16xf32>,
      %get3A_1348 = arith.constant 15 : i32
      %get3A_1349 = arith.index_cast %get3A_1348 : i32 to index
      %get3A_1350 = arith.constant 80 : index
      %get3A_1351 = tpu.vector_load %arg9[%get3A_1349, %get3A_1350] {strides = array<i32>} : memref<16x128xf32, #tpu.memory_space<vmem>>, vector<16xf32>,
      %mul3A_1352 = vector.broadcast %squeeze3A_1297 : f32 to vector<16xf32>
      %mul3A_1353 = arith.mulf %mul3A_1352, %get3A_1351 : vector<16xf32>
      %swap3A_1354 = arith.constant 15 : i32
      %swap3A_1355 = arith.index_cast %swap3A_1354 : i32 to index
      %swap3A_1356 = arith.constant 80 : index
      %swap3A_1357 = tpu.vector_load %arg11[%swap3A_1355, %swap3A_1356] {strides = array<i32>} : memref<16x128xf32, #tpu.memory_space<vmem>>, vector<16xf32>,
      tpu.vector_store %arg11[%swap3A_1355, %swap3A_1356], %mul3A_1353 {strides = array<i32>} : memref<16x128xf32, #tpu.memory_space<vmem>>, vector<16xf32>,
      %get3A_1358 = arith.constant 15 : i32
      %get3A_1359 = arith.index_cast %get3A_1358 : i32 to index
      %get3A_1360 = arith.constant 96 : index
      %get3A_1361 = tpu.vector_load %arg9[%get3A_1359, %get3A_1360] {strides = array<i32>} : memref<16x128xf32, #tpu.memory_space<vmem>>, vector<16xf32>,
      %mul3A_1362 = vector.broadcast %squeeze3A_1297 : f32 to vector<16xf32>
      %mul3A_1363 = arith.mulf %mul3A_1362, %get3A_1361 : vector<16xf32>
      %swap3A_1364 = arith.constant 15 : i32
      %swap3A_1365 = arith.index_cast %swap3A_1364 : i32 to index
      %swap3A_1366 = arith.constant 96 : index
      %swap3A_1367 = tpu.vector_load %arg11[%swap3A_1365, %swap3A_1366] {strides = array<i32>} : memref<16x128xf32, #tpu.memory_space<vmem>>, vector<16xf32>,
      tpu.vector_store %arg11[%swap3A_1365, %swap3A_1366], %mul3A_1363 {strides = array<i32>} : memref<16x128xf32, #tpu.memory_space<vmem>>, vector<16xf32>,
      %get3A_1368 = arith.constant 15 : i32
      %get3A_1369 = arith.index_cast %get3A_1368 : i32 to index
      %get3A_1370 = arith.constant 112 : index
      %get3A_1371 = tpu.vector_load %arg9[%get3A_1369, %get3A_1370] {strides = array<i32>} : memref<16x128xf32, #tpu.memory_space<vmem>>, vector<16xf32>,
      %mul3A_1372 = vector.broadcast %squeeze3A_1297 : f32 to vector<16xf32>
      %mul3A_1373 = arith.mulf %mul3A_1372, %get3A_1371 : vector<16xf32>
      %swap3A_1374 = arith.constant 15 : i32
      %swap3A_1375 = arith.index_cast %swap3A_1374 : i32 to index
      %swap3A_1376 = arith.constant 112 : index
      %swap3A_1377 = tpu.vector_load %arg11[%swap3A_1375, %swap3A_1376] {strides = array<i32>} : memref<16x128xf32, #tpu.memory_space<vmem>>, vector<16xf32>,
      tpu.vector_store %arg11[%swap3A_1375, %swap3A_1376], %mul3A_1373 {strides = array<i32>} : memref<16x128xf32, #tpu.memory_space<vmem>>, vector<16xf32>,
      "tpu.region"() ({
        %run_scoped3A = tpu.sem_alloc : memref<!tpu.dma_semaphore, #tpu.memory_space<semaphore_mem>>
        %dma_start3A_2726 = arith.constant 0 : i32
        %dma_start3A_2727 = arith.constant 0 : i32
        %dma_start3A_2728 = tpu.memref_slice %arg15[%dma_start3A_2726, %dma_start3A_2727] : memref<10000x128xf32, #tpu.memory_space<vmem_shared>> -> memref<10000x128xf32, #tpu.memory_space<vmem_shared>>
        tpu.enqueue_indirect_dma source(%arg11 : memref<16x128xf32, #tpu.memory_space<vmem>>) target(%dma_start3A_2728 : memref<10000x128xf32, #tpu.memory_space<vmem_shared>>) offsets(%and3A_66 : vector<16xi32>) semaphore(%run_scoped3A : memref<!tpu.dma_semaphore, #tpu.memory_space<semaphore_mem>>) {add = true}
        %dma_wait3A_2729 = arith.constant 0 : i32
        %dma_wait3A_2730 = arith.constant 0 : i32
        %dma_wait3A_2731 = tpu.memref_slice %arg15[%dma_wait3A_2729, %dma_wait3A_2730] : memref<10000x128xf32, #tpu.memory_space<vmem_shared>> -> memref<10000x128xf32, #tpu.memory_space<vmem_shared>>
        tpu.wait_indirect_dma semaphore(%run_scoped3A : memref<!tpu.dma_semaphore, #tpu.memory_space<semaphore_mem>>) src(%arg11 : memref<16x128xf32, #tpu.memory_space<vmem>>) dst(%dma_wait3A_2731 : memref<10000x128xf32, #tpu.memory_space<vmem_shared>>)
        tpu.yield
      }) : () -> ()
      %add3A_1378 = arith.constant 32 : i32
      %add3A_1379 = arith.addi %mul3A_35, %add3A_1378 : i32
      %min3A = arith.constant 10080 : i32
      %min3A_1380 = arith.minsi %add3A_1379, %min3A : i32
      %get3A_1381 = arith.index_cast %min3A_1380 : i32 to index
      %get3A_1382 = tpu.vector_load %arg7[%get3A_1381] {strides = array<i32>} : memref<10112xi32, #tpu.memory_space<vmem>>, vector<16xi32>,
      %shift_right_arithmetic3A_1383 = arith.constant 17 : i32
      %shift_right_arithmetic3A_1384 = vector.broadcast %shift_right_arithmetic3A_1383 : i32 to vector<16xi32>
      %shift_right_arithmetic3A_1385 = arith.shrsi %get3A_1382, %shift_right_arithmetic3A_1384 : vector<16xi32>
      %mul3A_1386 = arith.constant 8 : i32
      %mul3A_1387 = vector.broadcast %mul3A_1386 : i32 to vector<16xi32>
      %mul3A_1388 = arith.muli %shift_right_arithmetic3A_1385, %mul3A_1387 : vector<16xi32>
      %and3A_1389 = arith.constant 7 : i32
      %and3A_1390 = vector.broadcast %and3A_1389 : i32 to vector<16xi32>
      %and3A_1391 = arith.andi %get3A_1382, %and3A_1390 : vector<16xi32>
      %add3A_1392 = arith.addi %mul3A_1388, %and3A_1391 : vector<16xi32>
      %dma_start3A_1393 = arith.constant 0 : i32
      %dma_start3A_1394 = arith.constant 0 : i32
      %dma_start3A_1395 = tpu.memref_slice %arg4[%dma_start3A_1393, %dma_start3A_1394] : memref<80000x128xf32, #tpu.memory_space<hbm>> -> memref<80000x128xf32, #tpu.memory_space<hbm>>
      tpu.enqueue_indirect_dma source(%dma_start3A_1395 : memref<80000x128xf32, #tpu.memory_space<hbm>>) target(%arg9 : memref<16x128xf32, #tpu.memory_space<vmem>>) offsets(%add3A_1392 : vector<16xi32>) semaphore(%arg13 : memref<!tpu.dma_semaphore, #tpu.memory_space<semaphore_mem>>)
      %dma_wait3A_1396 = arith.constant 0 : i32
      %dma_wait3A_1397 = arith.constant 0 : i32
      %dma_wait3A_1398 = tpu.memref_slice %arg4[%dma_wait3A_1396, %dma_wait3A_1397] : memref<80000x128xf32, #tpu.memory_space<hbm>> -> memref<16x128xf32, #tpu.memory_space<hbm>>
      %dma_wait3A_1399 = arith.constant 0 : i32
      %dma_wait3A_1400 = arith.constant 0 : i32
      %dma_wait3A_1401 = tpu.memref_slice %arg4[%dma_wait3A_1399, %dma_wait3A_1400] : memref<80000x128xf32, #tpu.memory_space<hbm>> -> memref<16x128xf32, #tpu.memory_space<hbm>>
      tpu.wait_dma2 semaphore(%arg14 : memref<!tpu.dma_semaphore, #tpu.memory_space<semaphore_mem>>) src(%dma_wait3A_1401 : memref<16x128xf32, #tpu.memory_space<hbm>>) dst(%arg10 : memref<16x128xf32, #tpu.memory_space<vmem>>)
      %add3A_1402 = arith.constant 16 : i32
      %add3A_1403 = arith.addi %mul3A_35, %add3A_1402 : i32
      %get3A_1404 = arith.index_cast %add3A_1403 : i32 to index
      %get3A_1405 = tpu.vector_load %arg7[%get3A_1404] {strides = array<i32>} : memref<10112xi32, #tpu.memory_space<vmem>>, vector<16xi32>,
      %shift_right_arithmetic3A_1406 = arith.constant 3 : i32
      %shift_right_arithmetic3A_1407 = vector.broadcast %shift_right_arithmetic3A_1406 : i32 to vector<16xi32>
      %shift_right_arithmetic3A_1408 = arith.shrsi %get3A_1405, %shift_right_arithmetic3A_1407 : vector<16xi32>
      %and3A_1409 = arith.constant 16383 : i32
      %and3A_1410 = vector.broadcast %and3A_1409 : i32 to vector<16xi32>
      %and3A_1411 = arith.andi %shift_right_arithmetic3A_1408, %and3A_1410 : vector<16xi32>
      %get3A_1412 = arith.index_cast %add3A_1403 : i32 to index
      %get3A_1413 = tpu.vector_load %arg8[%get3A_1412] {strides = array<i32>} : memref<10112xf32, #tpu.memory_space<vmem>>, vector<16xf32>,
      %slice3A_1414 = vector.extract_strided_slice %get3A_1413 {offsets = [0], sizes = [1], strides = [1]} : vector<16xf32> to vector<1xf32>
      %squeeze3A_1415 = vector.extract %slice3A_1414[0] : f32 from vector<1xf32>
      %get3A_1416 = arith.constant 0 : i32
      %get3A_1417 = arith.index_cast %get3A_1416 : i32 to index
      %get3A_1418 = arith.constant 0 : index
      %get3A_1419 = tpu.vector_load %arg10[%get3A_1417, %get3A_1418] {strides = array<i32>} : memref<16x128xf32, #tpu.memory_space<vmem>>, vector<16xf32>,
      %mul3A_1420 = vector.broadcast %squeeze3A_1415 : f32 to vector<16xf32>
      %mul3A_1421 = arith.mulf %mul3A_1420, %get3A_1419 : vector<16xf32>
      %swap3A_1422 = arith.constant 0 : i32
      %swap3A_1423 = arith.index_cast %swap3A_1422 : i32 to index
      %swap3A_1424 = arith.constant 0 : index
      %swap3A_1425 = tpu.vector_load %arg12[%swap3A_1423, %swap3A_1424] {strides = array<i32>} : memref<16x128xf32, #tpu.memory_space<vmem>>, vector<16xf32>,
      tpu.vector_store %arg12[%swap3A_1423, %swap3A_1424], %mul3A_1421 {strides = array<i32>} : memref<16x128xf32, #tpu.memory_space<vmem>>, vector<16xf32>,
      %get3A_1426 = arith.constant 0 : i32
      %get3A_1427 = arith.index_cast %get3A_1426 : i32 to index
      %get3A_1428 = arith.constant 16 : index
      %get3A_1429 = tpu.vector_load %arg10[%get3A_1427, %get3A_1428] {strides = array<i32>} : memref<16x128xf32, #tpu.memory_space<vmem>>, vector<16xf32>,
      %mul3A_1430 = vector.broadcast %squeeze3A_1415 : f32 to vector<16xf32>
      %mul3A_1431 = arith.mulf %mul3A_1430, %get3A_1429 : vector<16xf32>
      %swap3A_1432 = arith.constant 0 : i32
      %swap3A_1433 = arith.index_cast %swap3A_1432 : i32 to index
      %swap3A_1434 = arith.constant 16 : index
      %swap3A_1435 = tpu.vector_load %arg12[%swap3A_1433, %swap3A_1434] {strides = array<i32>} : memref<16x128xf32, #tpu.memory_space<vmem>>, vector<16xf32>,
      tpu.vector_store %arg12[%swap3A_1433, %swap3A_1434], %mul3A_1431 {strides = array<i32>} : memref<16x128xf32, #tpu.memory_space<vmem>>, vector<16xf32>,
      %get3A_1436 = arith.constant 0 : i32
      %get3A_1437 = arith.index_cast %get3A_1436 : i32 to index
      %get3A_1438 = arith.constant 32 : index
      %get3A_1439 = tpu.vector_load %arg10[%get3A_1437, %get3A_1438] {strides = array<i32>} : memref<16x128xf32, #tpu.memory_space<vmem>>, vector<16xf32>,
      %mul3A_1440 = vector.broadcast %squeeze3A_1415 : f32 to vector<16xf32>
      %mul3A_1441 = arith.mulf %mul3A_1440, %get3A_1439 : vector<16xf32>
      %swap3A_1442 = arith.constant 0 : i32
      %swap3A_1443 = arith.index_cast %swap3A_1442 : i32 to index
      %swap3A_1444 = arith.constant 32 : index
      %swap3A_1445 = tpu.vector_load %arg12[%swap3A_1443, %swap3A_1444] {strides = array<i32>} : memref<16x128xf32, #tpu.memory_space<vmem>>, vector<16xf32>,
      tpu.vector_store %arg12[%swap3A_1443, %swap3A_1444], %mul3A_1441 {strides = array<i32>} : memref<16x128xf32, #tpu.memory_space<vmem>>, vector<16xf32>,
      %get3A_1446 = arith.constant 0 : i32
      %get3A_1447 = arith.index_cast %get3A_1446 : i32 to index
      %get3A_1448 = arith.constant 48 : index
      %get3A_1449 = tpu.vector_load %arg10[%get3A_1447, %get3A_1448] {strides = array<i32>} : memref<16x128xf32, #tpu.memory_space<vmem>>, vector<16xf32>,
      %mul3A_1450 = vector.broadcast %squeeze3A_1415 : f32 to vector<16xf32>
      %mul3A_1451 = arith.mulf %mul3A_1450, %get3A_1449 : vector<16xf32>
      %swap3A_1452 = arith.constant 0 : i32
      %swap3A_1453 = arith.index_cast %swap3A_1452 : i32 to index
      %swap3A_1454 = arith.constant 48 : index
      %swap3A_1455 = tpu.vector_load %arg12[%swap3A_1453, %swap3A_1454] {strides = array<i32>} : memref<16x128xf32, #tpu.memory_space<vmem>>, vector<16xf32>,
      tpu.vector_store %arg12[%swap3A_1453, %swap3A_1454], %mul3A_1451 {strides = array<i32>} : memref<16x128xf32, #tpu.memory_space<vmem>>, vector<16xf32>,
      %get3A_1456 = arith.constant 0 : i32
      %get3A_1457 = arith.index_cast %get3A_1456 : i32 to index
      %get3A_1458 = arith.constant 64 : index
      %get3A_1459 = tpu.vector_load %arg10[%get3A_1457, %get3A_1458] {strides = array<i32>} : memref<16x128xf32, #tpu.memory_space<vmem>>, vector<16xf32>,
      %mul3A_1460 = vector.broadcast %squeeze3A_1415 : f32 to vector<16xf32>
      %mul3A_1461 = arith.mulf %mul3A_1460, %get3A_1459 : vector<16xf32>
      %swap3A_1462 = arith.constant 0 : i32
      %swap3A_1463 = arith.index_cast %swap3A_1462 : i32 to index
      %swap3A_1464 = arith.constant 64 : index
      %swap3A_1465 = tpu.vector_load %arg12[%swap3A_1463, %swap3A_1464] {strides = array<i32>} : memref<16x128xf32, #tpu.memory_space<vmem>>, vector<16xf32>,
      tpu.vector_store %arg12[%swap3A_1463, %swap3A_1464], %mul3A_1461 {strides = array<i32>} : memref<16x128xf32, #tpu.memory_space<vmem>>, vector<16xf32>,
      %get3A_1466 = arith.constant 0 : i32
      %get3A_1467 = arith.index_cast %get3A_1466 : i32 to index
      %get3A_1468 = arith.constant 80 : index
      %get3A_1469 = tpu.vector_load %arg10[%get3A_1467, %get3A_1468] {strides = array<i32>} : memref<16x128xf32, #tpu.memory_space<vmem>>, vector<16xf32>,
      %mul3A_1470 = vector.broadcast %squeeze3A_1415 : f32 to vector<16xf32>
      %mul3A_1471 = arith.mulf %mul3A_1470, %get3A_1469 : vector<16xf32>
      %swap3A_1472 = arith.constant 0 : i32
      %swap3A_1473 = arith.index_cast %swap3A_1472 : i32 to index
      %swap3A_1474 = arith.constant 80 : index
      %swap3A_1475 = tpu.vector_load %arg12[%swap3A_1473, %swap3A_1474] {strides = array<i32>} : memref<16x128xf32, #tpu.memory_space<vmem>>, vector<16xf32>,
      tpu.vector_store %arg12[%swap3A_1473, %swap3A_1474], %mul3A_1471 {strides = array<i32>} : memref<16x128xf32, #tpu.memory_space<vmem>>, vector<16xf32>,
      %get3A_1476 = arith.constant 0 : i32
      %get3A_1477 = arith.index_cast %get3A_1476 : i32 to index
      %get3A_1478 = arith.constant 96 : index
      %get3A_1479 = tpu.vector_load %arg10[%get3A_1477, %get3A_1478] {strides = array<i32>} : memref<16x128xf32, #tpu.memory_space<vmem>>, vector<16xf32>,
      %mul3A_1480 = vector.broadcast %squeeze3A_1415 : f32 to vector<16xf32>
      %mul3A_1481 = arith.mulf %mul3A_1480, %get3A_1479 : vector<16xf32>
      %swap3A_1482 = arith.constant 0 : i32
      %swap3A_1483 = arith.index_cast %swap3A_1482 : i32 to index
      %swap3A_1484 = arith.constant 96 : index
      %swap3A_1485 = tpu.vector_load %arg12[%swap3A_1483, %swap3A_1484] {strides = array<i32>} : memref<16x128xf32, #tpu.memory_space<vmem>>, vector<16xf32>,
      tpu.vector_store %arg12[%swap3A_1483, %swap3A_1484], %mul3A_1481 {strides = array<i32>} : memref<16x128xf32, #tpu.memory_space<vmem>>, vector<16xf32>,
      %get3A_1486 = arith.constant 0 : i32
      %get3A_1487 = arith.index_cast %get3A_1486 : i32 to index
      %get3A_1488 = arith.constant 112 : index
      %get3A_1489 = tpu.vector_load %arg10[%get3A_1487, %get3A_1488] {strides = array<i32>} : memref<16x128xf32, #tpu.memory_space<vmem>>, vector<16xf32>,
      %mul3A_1490 = vector.broadcast %squeeze3A_1415 : f32 to vector<16xf32>
      %mul3A_1491 = arith.mulf %mul3A_1490, %get3A_1489 : vector<16xf32>
      %swap3A_1492 = arith.constant 0 : i32
      %swap3A_1493 = arith.index_cast %swap3A_1492 : i32 to index
      %swap3A_1494 = arith.constant 112 : index
      %swap3A_1495 = tpu.vector_load %arg12[%swap3A_1493, %swap3A_1494] {strides = array<i32>} : memref<16x128xf32, #tpu.memory_space<vmem>>, vector<16xf32>,
      tpu.vector_store %arg12[%swap3A_1493, %swap3A_1494], %mul3A_1491 {strides = array<i32>} : memref<16x128xf32, #tpu.memory_space<vmem>>, vector<16xf32>,
      %slice3A_1496 = vector.extract_strided_slice %get3A_1413 {offsets = [1], sizes = [1], strides = [1]} : vector<16xf32> to vector<1xf32>
      %squeeze3A_1497 = vector.extract %slice3A_1496[0] : f32 from vector<1xf32>
      %get3A_1498 = arith.constant 1 : i32
      %get3A_1499 = arith.index_cast %get3A_1498 : i32 to index
      %get3A_1500 = arith.constant 0 : index
      %get3A_1501 = tpu.vector_load %arg10[%get3A_1499, %get3A_1500] {strides = array<i32>} : memref<16x128xf32, #tpu.memory_space<vmem>>, vector<16xf32>,
      %mul3A_1502 = vector.broadcast %squeeze3A_1497 : f32 to vector<16xf32>
      %mul3A_1503 = arith.mulf %mul3A_1502, %get3A_1501 : vector<16xf32>
      %swap3A_1504 = arith.constant 1 : i32
      %swap3A_1505 = arith.index_cast %swap3A_1504 : i32 to index
      %swap3A_1506 = arith.constant 0 : index
      %swap3A_1507 = tpu.vector_load %arg12[%swap3A_1505, %swap3A_1506] {strides = array<i32>} : memref<16x128xf32, #tpu.memory_space<vmem>>, vector<16xf32>,
      tpu.vector_store %arg12[%swap3A_1505, %swap3A_1506], %mul3A_1503 {strides = array<i32>} : memref<16x128xf32, #tpu.memory_space<vmem>>, vector<16xf32>,
      %get3A_1508 = arith.constant 1 : i32
      %get3A_1509 = arith.index_cast %get3A_1508 : i32 to index
      %get3A_1510 = arith.constant 16 : index
      %get3A_1511 = tpu.vector_load %arg10[%get3A_1509, %get3A_1510] {strides = array<i32>} : memref<16x128xf32, #tpu.memory_space<vmem>>, vector<16xf32>,
      %mul3A_1512 = vector.broadcast %squeeze3A_1497 : f32 to vector<16xf32>
      %mul3A_1513 = arith.mulf %mul3A_1512, %get3A_1511 : vector<16xf32>
      %swap3A_1514 = arith.constant 1 : i32
      %swap3A_1515 = arith.index_cast %swap3A_1514 : i32 to index
      %swap3A_1516 = arith.constant 16 : index
      %swap3A_1517 = tpu.vector_load %arg12[%swap3A_1515, %swap3A_1516] {strides = array<i32>} : memref<16x128xf32, #tpu.memory_space<vmem>>, vector<16xf32>,
      tpu.vector_store %arg12[%swap3A_1515, %swap3A_1516], %mul3A_1513 {strides = array<i32>} : memref<16x128xf32, #tpu.memory_space<vmem>>, vector<16xf32>,
      %get3A_1518 = arith.constant 1 : i32
      %get3A_1519 = arith.index_cast %get3A_1518 : i32 to index
      %get3A_1520 = arith.constant 32 : index
      %get3A_1521 = tpu.vector_load %arg10[%get3A_1519, %get3A_1520] {strides = array<i32>} : memref<16x128xf32, #tpu.memory_space<vmem>>, vector<16xf32>,
      %mul3A_1522 = vector.broadcast %squeeze3A_1497 : f32 to vector<16xf32>
      %mul3A_1523 = arith.mulf %mul3A_1522, %get3A_1521 : vector<16xf32>
      %swap3A_1524 = arith.constant 1 : i32
      %swap3A_1525 = arith.index_cast %swap3A_1524 : i32 to index
      %swap3A_1526 = arith.constant 32 : index
      %swap3A_1527 = tpu.vector_load %arg12[%swap3A_1525, %swap3A_1526] {strides = array<i32>} : memref<16x128xf32, #tpu.memory_space<vmem>>, vector<16xf32>,
      tpu.vector_store %arg12[%swap3A_1525, %swap3A_1526], %mul3A_1523 {strides = array<i32>} : memref<16x128xf32, #tpu.memory_space<vmem>>, vector<16xf32>,
      %get3A_1528 = arith.constant 1 : i32
      %get3A_1529 = arith.index_cast %get3A_1528 : i32 to index
      %get3A_1530 = arith.constant 48 : index
      %get3A_1531 = tpu.vector_load %arg10[%get3A_1529, %get3A_1530] {strides = array<i32>} : memref<16x128xf32, #tpu.memory_space<vmem>>, vector<16xf32>,
      %mul3A_1532 = vector.broadcast %squeeze3A_1497 : f32 to vector<16xf32>
      %mul3A_1533 = arith.mulf %mul3A_1532, %get3A_1531 : vector<16xf32>
      %swap3A_1534 = arith.constant 1 : i32
      %swap3A_1535 = arith.index_cast %swap3A_1534 : i32 to index
      %swap3A_1536 = arith.constant 48 : index
      %swap3A_1537 = tpu.vector_load %arg12[%swap3A_1535, %swap3A_1536] {strides = array<i32>} : memref<16x128xf32, #tpu.memory_space<vmem>>, vector<16xf32>,
      tpu.vector_store %arg12[%swap3A_1535, %swap3A_1536], %mul3A_1533 {strides = array<i32>} : memref<16x128xf32, #tpu.memory_space<vmem>>, vector<16xf32>,
      %get3A_1538 = arith.constant 1 : i32
      %get3A_1539 = arith.index_cast %get3A_1538 : i32 to index
      %get3A_1540 = arith.constant 64 : index
      %get3A_1541 = tpu.vector_load %arg10[%get3A_1539, %get3A_1540] {strides = array<i32>} : memref<16x128xf32, #tpu.memory_space<vmem>>, vector<16xf32>,
      %mul3A_1542 = vector.broadcast %squeeze3A_1497 : f32 to vector<16xf32>
      %mul3A_1543 = arith.mulf %mul3A_1542, %get3A_1541 : vector<16xf32>
      %swap3A_1544 = arith.constant 1 : i32
      %swap3A_1545 = arith.index_cast %swap3A_1544 : i32 to index
      %swap3A_1546 = arith.constant 64 : index
      %swap3A_1547 = tpu.vector_load %arg12[%swap3A_1545, %swap3A_1546] {strides = array<i32>} : memref<16x128xf32, #tpu.memory_space<vmem>>, vector<16xf32>,
      tpu.vector_store %arg12[%swap3A_1545, %swap3A_1546], %mul3A_1543 {strides = array<i32>} : memref<16x128xf32, #tpu.memory_space<vmem>>, vector<16xf32>,
      %get3A_1548 = arith.constant 1 : i32
      %get3A_1549 = arith.index_cast %get3A_1548 : i32 to index
      %get3A_1550 = arith.constant 80 : index
      %get3A_1551 = tpu.vector_load %arg10[%get3A_1549, %get3A_1550] {strides = array<i32>} : memref<16x128xf32, #tpu.memory_space<vmem>>, vector<16xf32>,
      %mul3A_1552 = vector.broadcast %squeeze3A_1497 : f32 to vector<16xf32>
      %mul3A_1553 = arith.mulf %mul3A_1552, %get3A_1551 : vector<16xf32>
      %swap3A_1554 = arith.constant 1 : i32
      %swap3A_1555 = arith.index_cast %swap3A_1554 : i32 to index
      %swap3A_1556 = arith.constant 80 : index
      %swap3A_1557 = tpu.vector_load %arg12[%swap3A_1555, %swap3A_1556] {strides = array<i32>} : memref<16x128xf32, #tpu.memory_space<vmem>>, vector<16xf32>,
      tpu.vector_store %arg12[%swap3A_1555, %swap3A_1556], %mul3A_1553 {strides = array<i32>} : memref<16x128xf32, #tpu.memory_space<vmem>>, vector<16xf32>,
      %get3A_1558 = arith.constant 1 : i32
      %get3A_1559 = arith.index_cast %get3A_1558 : i32 to index
      %get3A_1560 = arith.constant 96 : index
      %get3A_1561 = tpu.vector_load %arg10[%get3A_1559, %get3A_1560] {strides = array<i32>} : memref<16x128xf32, #tpu.memory_space<vmem>>, vector<16xf32>,
      %mul3A_1562 = vector.broadcast %squeeze3A_1497 : f32 to vector<16xf32>
      %mul3A_1563 = arith.mulf %mul3A_1562, %get3A_1561 : vector<16xf32>
      %swap3A_1564 = arith.constant 1 : i32
      %swap3A_1565 = arith.index_cast %swap3A_1564 : i32 to index
      %swap3A_1566 = arith.constant 96 : index
      %swap3A_1567 = tpu.vector_load %arg12[%swap3A_1565, %swap3A_1566] {strides = array<i32>} : memref<16x128xf32, #tpu.memory_space<vmem>>, vector<16xf32>,
      tpu.vector_store %arg12[%swap3A_1565, %swap3A_1566], %mul3A_1563 {strides = array<i32>} : memref<16x128xf32, #tpu.memory_space<vmem>>, vector<16xf32>,
      %get3A_1568 = arith.constant 1 : i32
      %get3A_1569 = arith.index_cast %get3A_1568 : i32 to index
      %get3A_1570 = arith.constant 112 : index
      %get3A_1571 = tpu.vector_load %arg10[%get3A_1569, %get3A_1570] {strides = array<i32>} : memref<16x128xf32, #tpu.memory_space<vmem>>, vector<16xf32>,
      %mul3A_1572 = vector.broadcast %squeeze3A_1497 : f32 to vector<16xf32>
      %mul3A_1573 = arith.mulf %mul3A_1572, %get3A_1571 : vector<16xf32>
      %swap3A_1574 = arith.constant 1 : i32
      %swap3A_1575 = arith.index_cast %swap3A_1574 : i32 to index
      %swap3A_1576 = arith.constant 112 : index
      %swap3A_1577 = tpu.vector_load %arg12[%swap3A_1575, %swap3A_1576] {strides = array<i32>} : memref<16x128xf32, #tpu.memory_space<vmem>>, vector<16xf32>,
      tpu.vector_store %arg12[%swap3A_1575, %swap3A_1576], %mul3A_1573 {strides = array<i32>} : memref<16x128xf32, #tpu.memory_space<vmem>>, vector<16xf32>,
      %slice3A_1578 = vector.extract_strided_slice %get3A_1413 {offsets = [2], sizes = [1], strides = [1]} : vector<16xf32> to vector<1xf32>
      %squeeze3A_1579 = vector.extract %slice3A_1578[0] : f32 from vector<1xf32>
      %get3A_1580 = arith.constant 2 : i32
      %get3A_1581 = arith.index_cast %get3A_1580 : i32 to index
      %get3A_1582 = arith.constant 0 : index
      %get3A_1583 = tpu.vector_load %arg10[%get3A_1581, %get3A_1582] {strides = array<i32>} : memref<16x128xf32, #tpu.memory_space<vmem>>, vector<16xf32>,
      %mul3A_1584 = vector.broadcast %squeeze3A_1579 : f32 to vector<16xf32>
      %mul3A_1585 = arith.mulf %mul3A_1584, %get3A_1583 : vector<16xf32>
      %swap3A_1586 = arith.constant 2 : i32
      %swap3A_1587 = arith.index_cast %swap3A_1586 : i32 to index
      %swap3A_1588 = arith.constant 0 : index
      %swap3A_1589 = tpu.vector_load %arg12[%swap3A_1587, %swap3A_1588] {strides = array<i32>} : memref<16x128xf32, #tpu.memory_space<vmem>>, vector<16xf32>,
      tpu.vector_store %arg12[%swap3A_1587, %swap3A_1588], %mul3A_1585 {strides = array<i32>} : memref<16x128xf32, #tpu.memory_space<vmem>>, vector<16xf32>,
      %get3A_1590 = arith.constant 2 : i32
      %get3A_1591 = arith.index_cast %get3A_1590 : i32 to index
      %get3A_1592 = arith.constant 16 : index
      %get3A_1593 = tpu.vector_load %arg10[%get3A_1591, %get3A_1592] {strides = array<i32>} : memref<16x128xf32, #tpu.memory_space<vmem>>, vector<16xf32>,
      %mul3A_1594 = vector.broadcast %squeeze3A_1579 : f32 to vector<16xf32>
      %mul3A_1595 = arith.mulf %mul3A_1594, %get3A_1593 : vector<16xf32>
      %swap3A_1596 = arith.constant 2 : i32
      %swap3A_1597 = arith.index_cast %swap3A_1596 : i32 to index
      %swap3A_1598 = arith.constant 16 : index
      %swap3A_1599 = tpu.vector_load %arg12[%swap3A_1597, %swap3A_1598] {strides = array<i32>} : memref<16x128xf32, #tpu.memory_space<vmem>>, vector<16xf32>,
      tpu.vector_store %arg12[%swap3A_1597, %swap3A_1598], %mul3A_1595 {strides = array<i32>} : memref<16x128xf32, #tpu.memory_space<vmem>>, vector<16xf32>,
      %get3A_1600 = arith.constant 2 : i32
      %get3A_1601 = arith.index_cast %get3A_1600 : i32 to index
      %get3A_1602 = arith.constant 32 : index
      %get3A_1603 = tpu.vector_load %arg10[%get3A_1601, %get3A_1602] {strides = array<i32>} : memref<16x128xf32, #tpu.memory_space<vmem>>, vector<16xf32>,
      %mul3A_1604 = vector.broadcast %squeeze3A_1579 : f32 to vector<16xf32>
      %mul3A_1605 = arith.mulf %mul3A_1604, %get3A_1603 : vector<16xf32>
      %swap3A_1606 = arith.constant 2 : i32
      %swap3A_1607 = arith.index_cast %swap3A_1606 : i32 to index
      %swap3A_1608 = arith.constant 32 : index
      %swap3A_1609 = tpu.vector_load %arg12[%swap3A_1607, %swap3A_1608] {strides = array<i32>} : memref<16x128xf32, #tpu.memory_space<vmem>>, vector<16xf32>,
      tpu.vector_store %arg12[%swap3A_1607, %swap3A_1608], %mul3A_1605 {strides = array<i32>} : memref<16x128xf32, #tpu.memory_space<vmem>>, vector<16xf32>,
      %get3A_1610 = arith.constant 2 : i32
      %get3A_1611 = arith.index_cast %get3A_1610 : i32 to index
      %get3A_1612 = arith.constant 48 : index
      %get3A_1613 = tpu.vector_load %arg10[%get3A_1611, %get3A_1612] {strides = array<i32>} : memref<16x128xf32, #tpu.memory_space<vmem>>, vector<16xf32>,
      %mul3A_1614 = vector.broadcast %squeeze3A_1579 : f32 to vector<16xf32>
      %mul3A_1615 = arith.mulf %mul3A_1614, %get3A_1613 : vector<16xf32>
      %swap3A_1616 = arith.constant 2 : i32
      %swap3A_1617 = arith.index_cast %swap3A_1616 : i32 to index
      %swap3A_1618 = arith.constant 48 : index
      %swap3A_1619 = tpu.vector_load %arg12[%swap3A_1617, %swap3A_1618] {strides = array<i32>} : memref<16x128xf32, #tpu.memory_space<vmem>>, vector<16xf32>,
      tpu.vector_store %arg12[%swap3A_1617, %swap3A_1618], %mul3A_1615 {strides = array<i32>} : memref<16x128xf32, #tpu.memory_space<vmem>>, vector<16xf32>,
      %get3A_1620 = arith.constant 2 : i32
      %get3A_1621 = arith.index_cast %get3A_1620 : i32 to index
      %get3A_1622 = arith.constant 64 : index
      %get3A_1623 = tpu.vector_load %arg10[%get3A_1621, %get3A_1622] {strides = array<i32>} : memref<16x128xf32, #tpu.memory_space<vmem>>, vector<16xf32>,
      %mul3A_1624 = vector.broadcast %squeeze3A_1579 : f32 to vector<16xf32>
      %mul3A_1625 = arith.mulf %mul3A_1624, %get3A_1623 : vector<16xf32>
      %swap3A_1626 = arith.constant 2 : i32
      %swap3A_1627 = arith.index_cast %swap3A_1626 : i32 to index
      %swap3A_1628 = arith.constant 64 : index
      %swap3A_1629 = tpu.vector_load %arg12[%swap3A_1627, %swap3A_1628] {strides = array<i32>} : memref<16x128xf32, #tpu.memory_space<vmem>>, vector<16xf32>,
      tpu.vector_store %arg12[%swap3A_1627, %swap3A_1628], %mul3A_1625 {strides = array<i32>} : memref<16x128xf32, #tpu.memory_space<vmem>>, vector<16xf32>,
      %get3A_1630 = arith.constant 2 : i32
      %get3A_1631 = arith.index_cast %get3A_1630 : i32 to index
      %get3A_1632 = arith.constant 80 : index
      %get3A_1633 = tpu.vector_load %arg10[%get3A_1631, %get3A_1632] {strides = array<i32>} : memref<16x128xf32, #tpu.memory_space<vmem>>, vector<16xf32>,
      %mul3A_1634 = vector.broadcast %squeeze3A_1579 : f32 to vector<16xf32>
      %mul3A_1635 = arith.mulf %mul3A_1634, %get3A_1633 : vector<16xf32>
      %swap3A_1636 = arith.constant 2 : i32
      %swap3A_1637 = arith.index_cast %swap3A_1636 : i32 to index
      %swap3A_1638 = arith.constant 80 : index
      %swap3A_1639 = tpu.vector_load %arg12[%swap3A_1637, %swap3A_1638] {strides = array<i32>} : memref<16x128xf32, #tpu.memory_space<vmem>>, vector<16xf32>,
      tpu.vector_store %arg12[%swap3A_1637, %swap3A_1638], %mul3A_1635 {strides = array<i32>} : memref<16x128xf32, #tpu.memory_space<vmem>>, vector<16xf32>,
      %get3A_1640 = arith.constant 2 : i32
      %get3A_1641 = arith.index_cast %get3A_1640 : i32 to index
      %get3A_1642 = arith.constant 96 : index
      %get3A_1643 = tpu.vector_load %arg10[%get3A_1641, %get3A_1642] {strides = array<i32>} : memref<16x128xf32, #tpu.memory_space<vmem>>, vector<16xf32>,
      %mul3A_1644 = vector.broadcast %squeeze3A_1579 : f32 to vector<16xf32>
      %mul3A_1645 = arith.mulf %mul3A_1644, %get3A_1643 : vector<16xf32>
      %swap3A_1646 = arith.constant 2 : i32
      %swap3A_1647 = arith.index_cast %swap3A_1646 : i32 to index
      %swap3A_1648 = arith.constant 96 : index
      %swap3A_1649 = tpu.vector_load %arg12[%swap3A_1647, %swap3A_1648] {strides = array<i32>} : memref<16x128xf32, #tpu.memory_space<vmem>>, vector<16xf32>,
      tpu.vector_store %arg12[%swap3A_1647, %swap3A_1648], %mul3A_1645 {strides = array<i32>} : memref<16x128xf32, #tpu.memory_space<vmem>>, vector<16xf32>,
      %get3A_1650 = arith.constant 2 : i32
      %get3A_1651 = arith.index_cast %get3A_1650 : i32 to index
      %get3A_1652 = arith.constant 112 : index
      %get3A_1653 = tpu.vector_load %arg10[%get3A_1651, %get3A_1652] {strides = array<i32>} : memref<16x128xf32, #tpu.memory_space<vmem>>, vector<16xf32>,
      %mul3A_1654 = vector.broadcast %squeeze3A_1579 : f32 to vector<16xf32>
      %mul3A_1655 = arith.mulf %mul3A_1654, %get3A_1653 : vector<16xf32>
      %swap3A_1656 = arith.constant 2 : i32
      %swap3A_1657 = arith.index_cast %swap3A_1656 : i32 to index
      %swap3A_1658 = arith.constant 112 : index
      %swap3A_1659 = tpu.vector_load %arg12[%swap3A_1657, %swap3A_1658] {strides = array<i32>} : memref<16x128xf32, #tpu.memory_space<vmem>>, vector<16xf32>,
      tpu.vector_store %arg12[%swap3A_1657, %swap3A_1658], %mul3A_1655 {strides = array<i32>} : memref<16x128xf32, #tpu.memory_space<vmem>>, vector<16xf32>,
      %slice3A_1660 = vector.extract_strided_slice %get3A_1413 {offsets = [3], sizes = [1], strides = [1]} : vector<16xf32> to vector<1xf32>
      %squeeze3A_1661 = vector.extract %slice3A_1660[0] : f32 from vector<1xf32>
      %get3A_1662 = arith.constant 3 : i32
      %get3A_1663 = arith.index_cast %get3A_1662 : i32 to index
      %get3A_1664 = arith.constant 0 : index
      %get3A_1665 = tpu.vector_load %arg10[%get3A_1663, %get3A_1664] {strides = array<i32>} : memref<16x128xf32, #tpu.memory_space<vmem>>, vector<16xf32>,
      %mul3A_1666 = vector.broadcast %squeeze3A_1661 : f32 to vector<16xf32>
      %mul3A_1667 = arith.mulf %mul3A_1666, %get3A_1665 : vector<16xf32>
      %swap3A_1668 = arith.constant 3 : i32
      %swap3A_1669 = arith.index_cast %swap3A_1668 : i32 to index
      %swap3A_1670 = arith.constant 0 : index
      %swap3A_1671 = tpu.vector_load %arg12[%swap3A_1669, %swap3A_1670] {strides = array<i32>} : memref<16x128xf32, #tpu.memory_space<vmem>>, vector<16xf32>,
      tpu.vector_store %arg12[%swap3A_1669, %swap3A_1670], %mul3A_1667 {strides = array<i32>} : memref<16x128xf32, #tpu.memory_space<vmem>>, vector<16xf32>,
      %get3A_1672 = arith.constant 3 : i32
      %get3A_1673 = arith.index_cast %get3A_1672 : i32 to index
      %get3A_1674 = arith.constant 16 : index
      %get3A_1675 = tpu.vector_load %arg10[%get3A_1673, %get3A_1674] {strides = array<i32>} : memref<16x128xf32, #tpu.memory_space<vmem>>, vector<16xf32>,
      %mul3A_1676 = vector.broadcast %squeeze3A_1661 : f32 to vector<16xf32>
      %mul3A_1677 = arith.mulf %mul3A_1676, %get3A_1675 : vector<16xf32>
      %swap3A_1678 = arith.constant 3 : i32
      %swap3A_1679 = arith.index_cast %swap3A_1678 : i32 to index
      %swap3A_1680 = arith.constant 16 : index
      %swap3A_1681 = tpu.vector_load %arg12[%swap3A_1679, %swap3A_1680] {strides = array<i32>} : memref<16x128xf32, #tpu.memory_space<vmem>>, vector<16xf32>,
      tpu.vector_store %arg12[%swap3A_1679, %swap3A_1680], %mul3A_1677 {strides = array<i32>} : memref<16x128xf32, #tpu.memory_space<vmem>>, vector<16xf32>,
      %get3A_1682 = arith.constant 3 : i32
      %get3A_1683 = arith.index_cast %get3A_1682 : i32 to index
      %get3A_1684 = arith.constant 32 : index
      %get3A_1685 = tpu.vector_load %arg10[%get3A_1683, %get3A_1684] {strides = array<i32>} : memref<16x128xf32, #tpu.memory_space<vmem>>, vector<16xf32>,
      %mul3A_1686 = vector.broadcast %squeeze3A_1661 : f32 to vector<16xf32>
      %mul3A_1687 = arith.mulf %mul3A_1686, %get3A_1685 : vector<16xf32>
      %swap3A_1688 = arith.constant 3 : i32
      %swap3A_1689 = arith.index_cast %swap3A_1688 : i32 to index
      %swap3A_1690 = arith.constant 32 : index
      %swap3A_1691 = tpu.vector_load %arg12[%swap3A_1689, %swap3A_1690] {strides = array<i32>} : memref<16x128xf32, #tpu.memory_space<vmem>>, vector<16xf32>,
      tpu.vector_store %arg12[%swap3A_1689, %swap3A_1690], %mul3A_1687 {strides = array<i32>} : memref<16x128xf32, #tpu.memory_space<vmem>>, vector<16xf32>,
      %get3A_1692 = arith.constant 3 : i32
      %get3A_1693 = arith.index_cast %get3A_1692 : i32 to index
      %get3A_1694 = arith.constant 48 : index
      %get3A_1695 = tpu.vector_load %arg10[%get3A_1693, %get3A_1694] {strides = array<i32>} : memref<16x128xf32, #tpu.memory_space<vmem>>, vector<16xf32>,
      %mul3A_1696 = vector.broadcast %squeeze3A_1661 : f32 to vector<16xf32>
      %mul3A_1697 = arith.mulf %mul3A_1696, %get3A_1695 : vector<16xf32>
      %swap3A_1698 = arith.constant 3 : i32
      %swap3A_1699 = arith.index_cast %swap3A_1698 : i32 to index
      %swap3A_1700 = arith.constant 48 : index
      %swap3A_1701 = tpu.vector_load %arg12[%swap3A_1699, %swap3A_1700] {strides = array<i32>} : memref<16x128xf32, #tpu.memory_space<vmem>>, vector<16xf32>,
      tpu.vector_store %arg12[%swap3A_1699, %swap3A_1700], %mul3A_1697 {strides = array<i32>} : memref<16x128xf32, #tpu.memory_space<vmem>>, vector<16xf32>,
      %get3A_1702 = arith.constant 3 : i32
      %get3A_1703 = arith.index_cast %get3A_1702 : i32 to index
      %get3A_1704 = arith.constant 64 : index
      %get3A_1705 = tpu.vector_load %arg10[%get3A_1703, %get3A_1704] {strides = array<i32>} : memref<16x128xf32, #tpu.memory_space<vmem>>, vector<16xf32>,
      %mul3A_1706 = vector.broadcast %squeeze3A_1661 : f32 to vector<16xf32>
      %mul3A_1707 = arith.mulf %mul3A_1706, %get3A_1705 : vector<16xf32>
      %swap3A_1708 = arith.constant 3 : i32
      %swap3A_1709 = arith.index_cast %swap3A_1708 : i32 to index
      %swap3A_1710 = arith.constant 64 : index
      %swap3A_1711 = tpu.vector_load %arg12[%swap3A_1709, %swap3A_1710] {strides = array<i32>} : memref<16x128xf32, #tpu.memory_space<vmem>>, vector<16xf32>,
      tpu.vector_store %arg12[%swap3A_1709, %swap3A_1710], %mul3A_1707 {strides = array<i32>} : memref<16x128xf32, #tpu.memory_space<vmem>>, vector<16xf32>,
      %get3A_1712 = arith.constant 3 : i32
      %get3A_1713 = arith.index_cast %get3A_1712 : i32 to index
      %get3A_1714 = arith.constant 80 : index
      %get3A_1715 = tpu.vector_load %arg10[%get3A_1713, %get3A_1714] {strides = array<i32>} : memref<16x128xf32, #tpu.memory_space<vmem>>, vector<16xf32>,
      %mul3A_1716 = vector.broadcast %squeeze3A_1661 : f32 to vector<16xf32>
      %mul3A_1717 = arith.mulf %mul3A_1716, %get3A_1715 : vector<16xf32>
      %swap3A_1718 = arith.constant 3 : i32
      %swap3A_1719 = arith.index_cast %swap3A_1718 : i32 to index
      %swap3A_1720 = arith.constant 80 : index
      %swap3A_1721 = tpu.vector_load %arg12[%swap3A_1719, %swap3A_1720] {strides = array<i32>} : memref<16x128xf32, #tpu.memory_space<vmem>>, vector<16xf32>,
      tpu.vector_store %arg12[%swap3A_1719, %swap3A_1720], %mul3A_1717 {strides = array<i32>} : memref<16x128xf32, #tpu.memory_space<vmem>>, vector<16xf32>,
      %get3A_1722 = arith.constant 3 : i32
      %get3A_1723 = arith.index_cast %get3A_1722 : i32 to index
      %get3A_1724 = arith.constant 96 : index
      %get3A_1725 = tpu.vector_load %arg10[%get3A_1723, %get3A_1724] {strides = array<i32>} : memref<16x128xf32, #tpu.memory_space<vmem>>, vector<16xf32>,
      %mul3A_1726 = vector.broadcast %squeeze3A_1661 : f32 to vector<16xf32>
      %mul3A_1727 = arith.mulf %mul3A_1726, %get3A_1725 : vector<16xf32>
      %swap3A_1728 = arith.constant 3 : i32
      %swap3A_1729 = arith.index_cast %swap3A_1728 : i32 to index
      %swap3A_1730 = arith.constant 96 : index
      %swap3A_1731 = tpu.vector_load %arg12[%swap3A_1729, %swap3A_1730] {strides = array<i32>} : memref<16x128xf32, #tpu.memory_space<vmem>>, vector<16xf32>,
      tpu.vector_store %arg12[%swap3A_1729, %swap3A_1730], %mul3A_1727 {strides = array<i32>} : memref<16x128xf32, #tpu.memory_space<vmem>>, vector<16xf32>,
      %get3A_1732 = arith.constant 3 : i32
      %get3A_1733 = arith.index_cast %get3A_1732 : i32 to index
      %get3A_1734 = arith.constant 112 : index
      %get3A_1735 = tpu.vector_load %arg10[%get3A_1733, %get3A_1734] {strides = array<i32>} : memref<16x128xf32, #tpu.memory_space<vmem>>, vector<16xf32>,
      %mul3A_1736 = vector.broadcast %squeeze3A_1661 : f32 to vector<16xf32>
      %mul3A_1737 = arith.mulf %mul3A_1736, %get3A_1735 : vector<16xf32>
      %swap3A_1738 = arith.constant 3 : i32
      %swap3A_1739 = arith.index_cast %swap3A_1738 : i32 to index
      %swap3A_1740 = arith.constant 112 : index
      %swap3A_1741 = tpu.vector_load %arg12[%swap3A_1739, %swap3A_1740] {strides = array<i32>} : memref<16x128xf32, #tpu.memory_space<vmem>>, vector<16xf32>,
      tpu.vector_store %arg12[%swap3A_1739, %swap3A_1740], %mul3A_1737 {strides = array<i32>} : memref<16x128xf32, #tpu.memory_space<vmem>>, vector<16xf32>,
      %slice3A_1742 = vector.extract_strided_slice %get3A_1413 {offsets = [4], sizes = [1], strides = [1]} : vector<16xf32> to vector<1xf32>
      %squeeze3A_1743 = vector.extract %slice3A_1742[0] : f32 from vector<1xf32>
      %get3A_1744 = arith.constant 4 : i32
      %get3A_1745 = arith.index_cast %get3A_1744 : i32 to index
      %get3A_1746 = arith.constant 0 : index
      %get3A_1747 = tpu.vector_load %arg10[%get3A_1745, %get3A_1746] {strides = array<i32>} : memref<16x128xf32, #tpu.memory_space<vmem>>, vector<16xf32>,
      %mul3A_1748 = vector.broadcast %squeeze3A_1743 : f32 to vector<16xf32>
      %mul3A_1749 = arith.mulf %mul3A_1748, %get3A_1747 : vector<16xf32>
      %swap3A_1750 = arith.constant 4 : i32
      %swap3A_1751 = arith.index_cast %swap3A_1750 : i32 to index
      %swap3A_1752 = arith.constant 0 : index
      %swap3A_1753 = tpu.vector_load %arg12[%swap3A_1751, %swap3A_1752] {strides = array<i32>} : memref<16x128xf32, #tpu.memory_space<vmem>>, vector<16xf32>,
      tpu.vector_store %arg12[%swap3A_1751, %swap3A_1752], %mul3A_1749 {strides = array<i32>} : memref<16x128xf32, #tpu.memory_space<vmem>>, vector<16xf32>,
      %get3A_1754 = arith.constant 4 : i32
      %get3A_1755 = arith.index_cast %get3A_1754 : i32 to index
      %get3A_1756 = arith.constant 16 : index
      %get3A_1757 = tpu.vector_load %arg10[%get3A_1755, %get3A_1756] {strides = array<i32>} : memref<16x128xf32, #tpu.memory_space<vmem>>, vector<16xf32>,
      %mul3A_1758 = vector.broadcast %squeeze3A_1743 : f32 to vector<16xf32>
      %mul3A_1759 = arith.mulf %mul3A_1758, %get3A_1757 : vector<16xf32>
      %swap3A_1760 = arith.constant 4 : i32
      %swap3A_1761 = arith.index_cast %swap3A_1760 : i32 to index
      %swap3A_1762 = arith.constant 16 : index
      %swap3A_1763 = tpu.vector_load %arg12[%swap3A_1761, %swap3A_1762] {strides = array<i32>} : memref<16x128xf32, #tpu.memory_space<vmem>>, vector<16xf32>,
      tpu.vector_store %arg12[%swap3A_1761, %swap3A_1762], %mul3A_1759 {strides = array<i32>} : memref<16x128xf32, #tpu.memory_space<vmem>>, vector<16xf32>,
      %get3A_1764 = arith.constant 4 : i32
      %get3A_1765 = arith.index_cast %get3A_1764 : i32 to index
      %get3A_1766 = arith.constant 32 : index
      %get3A_1767 = tpu.vector_load %arg10[%get3A_1765, %get3A_1766] {strides = array<i32>} : memref<16x128xf32, #tpu.memory_space<vmem>>, vector<16xf32>,
      %mul3A_1768 = vector.broadcast %squeeze3A_1743 : f32 to vector<16xf32>
      %mul3A_1769 = arith.mulf %mul3A_1768, %get3A_1767 : vector<16xf32>
      %swap3A_1770 = arith.constant 4 : i32
      %swap3A_1771 = arith.index_cast %swap3A_1770 : i32 to index
      %swap3A_1772 = arith.constant 32 : index
      %swap3A_1773 = tpu.vector_load %arg12[%swap3A_1771, %swap3A_1772] {strides = array<i32>} : memref<16x128xf32, #tpu.memory_space<vmem>>, vector<16xf32>,
      tpu.vector_store %arg12[%swap3A_1771, %swap3A_1772], %mul3A_1769 {strides = array<i32>} : memref<16x128xf32, #tpu.memory_space<vmem>>, vector<16xf32>,
      %get3A_1774 = arith.constant 4 : i32
      %get3A_1775 = arith.index_cast %get3A_1774 : i32 to index
      %get3A_1776 = arith.constant 48 : index
      %get3A_1777 = tpu.vector_load %arg10[%get3A_1775, %get3A_1776] {strides = array<i32>} : memref<16x128xf32, #tpu.memory_space<vmem>>, vector<16xf32>,
      %mul3A_1778 = vector.broadcast %squeeze3A_1743 : f32 to vector<16xf32>
      %mul3A_1779 = arith.mulf %mul3A_1778, %get3A_1777 : vector<16xf32>
      %swap3A_1780 = arith.constant 4 : i32
      %swap3A_1781 = arith.index_cast %swap3A_1780 : i32 to index
      %swap3A_1782 = arith.constant 48 : index
      %swap3A_1783 = tpu.vector_load %arg12[%swap3A_1781, %swap3A_1782] {strides = array<i32>} : memref<16x128xf32, #tpu.memory_space<vmem>>, vector<16xf32>,
      tpu.vector_store %arg12[%swap3A_1781, %swap3A_1782], %mul3A_1779 {strides = array<i32>} : memref<16x128xf32, #tpu.memory_space<vmem>>, vector<16xf32>,
      %get3A_1784 = arith.constant 4 : i32
      %get3A_1785 = arith.index_cast %get3A_1784 : i32 to index
      %get3A_1786 = arith.constant 64 : index
      %get3A_1787 = tpu.vector_load %arg10[%get3A_1785, %get3A_1786] {strides = array<i32>} : memref<16x128xf32, #tpu.memory_space<vmem>>, vector<16xf32>,
      %mul3A_1788 = vector.broadcast %squeeze3A_1743 : f32 to vector<16xf32>
      %mul3A_1789 = arith.mulf %mul3A_1788, %get3A_1787 : vector<16xf32>
      %swap3A_1790 = arith.constant 4 : i32
      %swap3A_1791 = arith.index_cast %swap3A_1790 : i32 to index
      %swap3A_1792 = arith.constant 64 : index
      %swap3A_1793 = tpu.vector_load %arg12[%swap3A_1791, %swap3A_1792] {strides = array<i32>} : memref<16x128xf32, #tpu.memory_space<vmem>>, vector<16xf32>,
      tpu.vector_store %arg12[%swap3A_1791, %swap3A_1792], %mul3A_1789 {strides = array<i32>} : memref<16x128xf32, #tpu.memory_space<vmem>>, vector<16xf32>,
      %get3A_1794 = arith.constant 4 : i32
      %get3A_1795 = arith.index_cast %get3A_1794 : i32 to index
      %get3A_1796 = arith.constant 80 : index
      %get3A_1797 = tpu.vector_load %arg10[%get3A_1795, %get3A_1796] {strides = array<i32>} : memref<16x128xf32, #tpu.memory_space<vmem>>, vector<16xf32>,
      %mul3A_1798 = vector.broadcast %squeeze3A_1743 : f32 to vector<16xf32>
      %mul3A_1799 = arith.mulf %mul3A_1798, %get3A_1797 : vector<16xf32>
      %swap3A_1800 = arith.constant 4 : i32
      %swap3A_1801 = arith.index_cast %swap3A_1800 : i32 to index
      %swap3A_1802 = arith.constant 80 : index
      %swap3A_1803 = tpu.vector_load %arg12[%swap3A_1801, %swap3A_1802] {strides = array<i32>} : memref<16x128xf32, #tpu.memory_space<vmem>>, vector<16xf32>,
      tpu.vector_store %arg12[%swap3A_1801, %swap3A_1802], %mul3A_1799 {strides = array<i32>} : memref<16x128xf32, #tpu.memory_space<vmem>>, vector<16xf32>,
      %get3A_1804 = arith.constant 4 : i32
      %get3A_1805 = arith.index_cast %get3A_1804 : i32 to index
      %get3A_1806 = arith.constant 96 : index
      %get3A_1807 = tpu.vector_load %arg10[%get3A_1805, %get3A_1806] {strides = array<i32>} : memref<16x128xf32, #tpu.memory_space<vmem>>, vector<16xf32>,
      %mul3A_1808 = vector.broadcast %squeeze3A_1743 : f32 to vector<16xf32>
      %mul3A_1809 = arith.mulf %mul3A_1808, %get3A_1807 : vector<16xf32>
      %swap3A_1810 = arith.constant 4 : i32
      %swap3A_1811 = arith.index_cast %swap3A_1810 : i32 to index
      %swap3A_1812 = arith.constant 96 : index
      %swap3A_1813 = tpu.vector_load %arg12[%swap3A_1811, %swap3A_1812] {strides = array<i32>} : memref<16x128xf32, #tpu.memory_space<vmem>>, vector<16xf32>,
      tpu.vector_store %arg12[%swap3A_1811, %swap3A_1812], %mul3A_1809 {strides = array<i32>} : memref<16x128xf32, #tpu.memory_space<vmem>>, vector<16xf32>,
      %get3A_1814 = arith.constant 4 : i32
      %get3A_1815 = arith.index_cast %get3A_1814 : i32 to index
      %get3A_1816 = arith.constant 112 : index
      %get3A_1817 = tpu.vector_load %arg10[%get3A_1815, %get3A_1816] {strides = array<i32>} : memref<16x128xf32, #tpu.memory_space<vmem>>, vector<16xf32>,
      %mul3A_1818 = vector.broadcast %squeeze3A_1743 : f32 to vector<16xf32>
      %mul3A_1819 = arith.mulf %mul3A_1818, %get3A_1817 : vector<16xf32>
      %swap3A_1820 = arith.constant 4 : i32
      %swap3A_1821 = arith.index_cast %swap3A_1820 : i32 to index
      %swap3A_1822 = arith.constant 112 : index
      %swap3A_1823 = tpu.vector_load %arg12[%swap3A_1821, %swap3A_1822] {strides = array<i32>} : memref<16x128xf32, #tpu.memory_space<vmem>>, vector<16xf32>,
      tpu.vector_store %arg12[%swap3A_1821, %swap3A_1822], %mul3A_1819 {strides = array<i32>} : memref<16x128xf32, #tpu.memory_space<vmem>>, vector<16xf32>,
      %slice3A_1824 = vector.extract_strided_slice %get3A_1413 {offsets = [5], sizes = [1], strides = [1]} : vector<16xf32> to vector<1xf32>
      %squeeze3A_1825 = vector.extract %slice3A_1824[0] : f32 from vector<1xf32>
      %get3A_1826 = arith.constant 5 : i32
      %get3A_1827 = arith.index_cast %get3A_1826 : i32 to index
      %get3A_1828 = arith.constant 0 : index
      %get3A_1829 = tpu.vector_load %arg10[%get3A_1827, %get3A_1828] {strides = array<i32>} : memref<16x128xf32, #tpu.memory_space<vmem>>, vector<16xf32>,
      %mul3A_1830 = vector.broadcast %squeeze3A_1825 : f32 to vector<16xf32>
      %mul3A_1831 = arith.mulf %mul3A_1830, %get3A_1829 : vector<16xf32>
      %swap3A_1832 = arith.constant 5 : i32
      %swap3A_1833 = arith.index_cast %swap3A_1832 : i32 to index
      %swap3A_1834 = arith.constant 0 : index
      %swap3A_1835 = tpu.vector_load %arg12[%swap3A_1833, %swap3A_1834] {strides = array<i32>} : memref<16x128xf32, #tpu.memory_space<vmem>>, vector<16xf32>,
      tpu.vector_store %arg12[%swap3A_1833, %swap3A_1834], %mul3A_1831 {strides = array<i32>} : memref<16x128xf32, #tpu.memory_space<vmem>>, vector<16xf32>,
      %get3A_1836 = arith.constant 5 : i32
      %get3A_1837 = arith.index_cast %get3A_1836 : i32 to index
      %get3A_1838 = arith.constant 16 : index
      %get3A_1839 = tpu.vector_load %arg10[%get3A_1837, %get3A_1838] {strides = array<i32>} : memref<16x128xf32, #tpu.memory_space<vmem>>, vector<16xf32>,
      %mul3A_1840 = vector.broadcast %squeeze3A_1825 : f32 to vector<16xf32>
      %mul3A_1841 = arith.mulf %mul3A_1840, %get3A_1839 : vector<16xf32>
      %swap3A_1842 = arith.constant 5 : i32
      %swap3A_1843 = arith.index_cast %swap3A_1842 : i32 to index
      %swap3A_1844 = arith.constant 16 : index
      %swap3A_1845 = tpu.vector_load %arg12[%swap3A_1843, %swap3A_1844] {strides = array<i32>} : memref<16x128xf32, #tpu.memory_space<vmem>>, vector<16xf32>,
      tpu.vector_store %arg12[%swap3A_1843, %swap3A_1844], %mul3A_1841 {strides = array<i32>} : memref<16x128xf32, #tpu.memory_space<vmem>>, vector<16xf32>,
      %get3A_1846 = arith.constant 5 : i32
      %get3A_1847 = arith.index_cast %get3A_1846 : i32 to index
      %get3A_1848 = arith.constant 32 : index
      %get3A_1849 = tpu.vector_load %arg10[%get3A_1847, %get3A_1848] {strides = array<i32>} : memref<16x128xf32, #tpu.memory_space<vmem>>, vector<16xf32>,
      %mul3A_1850 = vector.broadcast %squeeze3A_1825 : f32 to vector<16xf32>
      %mul3A_1851 = arith.mulf %mul3A_1850, %get3A_1849 : vector<16xf32>
      %swap3A_1852 = arith.constant 5 : i32
      %swap3A_1853 = arith.index_cast %swap3A_1852 : i32 to index
      %swap3A_1854 = arith.constant 32 : index
      %swap3A_1855 = tpu.vector_load %arg12[%swap3A_1853, %swap3A_1854] {strides = array<i32>} : memref<16x128xf32, #tpu.memory_space<vmem>>, vector<16xf32>,
      tpu.vector_store %arg12[%swap3A_1853, %swap3A_1854], %mul3A_1851 {strides = array<i32>} : memref<16x128xf32, #tpu.memory_space<vmem>>, vector<16xf32>,
      %get3A_1856 = arith.constant 5 : i32
      %get3A_1857 = arith.index_cast %get3A_1856 : i32 to index
      %get3A_1858 = arith.constant 48 : index
      %get3A_1859 = tpu.vector_load %arg10[%get3A_1857, %get3A_1858] {strides = array<i32>} : memref<16x128xf32, #tpu.memory_space<vmem>>, vector<16xf32>,
      %mul3A_1860 = vector.broadcast %squeeze3A_1825 : f32 to vector<16xf32>
      %mul3A_1861 = arith.mulf %mul3A_1860, %get3A_1859 : vector<16xf32>
      %swap3A_1862 = arith.constant 5 : i32
      %swap3A_1863 = arith.index_cast %swap3A_1862 : i32 to index
      %swap3A_1864 = arith.constant 48 : index
      %swap3A_1865 = tpu.vector_load %arg12[%swap3A_1863, %swap3A_1864] {strides = array<i32>} : memref<16x128xf32, #tpu.memory_space<vmem>>, vector<16xf32>,
      tpu.vector_store %arg12[%swap3A_1863, %swap3A_1864], %mul3A_1861 {strides = array<i32>} : memref<16x128xf32, #tpu.memory_space<vmem>>, vector<16xf32>,
      %get3A_1866 = arith.constant 5 : i32
      %get3A_1867 = arith.index_cast %get3A_1866 : i32 to index
      %get3A_1868 = arith.constant 64 : index
      %get3A_1869 = tpu.vector_load %arg10[%get3A_1867, %get3A_1868] {strides = array<i32>} : memref<16x128xf32, #tpu.memory_space<vmem>>, vector<16xf32>,
      %mul3A_1870 = vector.broadcast %squeeze3A_1825 : f32 to vector<16xf32>
      %mul3A_1871 = arith.mulf %mul3A_1870, %get3A_1869 : vector<16xf32>
      %swap3A_1872 = arith.constant 5 : i32
      %swap3A_1873 = arith.index_cast %swap3A_1872 : i32 to index
      %swap3A_1874 = arith.constant 64 : index
      %swap3A_1875 = tpu.vector_load %arg12[%swap3A_1873, %swap3A_1874] {strides = array<i32>} : memref<16x128xf32, #tpu.memory_space<vmem>>, vector<16xf32>,
      tpu.vector_store %arg12[%swap3A_1873, %swap3A_1874], %mul3A_1871 {strides = array<i32>} : memref<16x128xf32, #tpu.memory_space<vmem>>, vector<16xf32>,
      %get3A_1876 = arith.constant 5 : i32
      %get3A_1877 = arith.index_cast %get3A_1876 : i32 to index
      %get3A_1878 = arith.constant 80 : index
      %get3A_1879 = tpu.vector_load %arg10[%get3A_1877, %get3A_1878] {strides = array<i32>} : memref<16x128xf32, #tpu.memory_space<vmem>>, vector<16xf32>,
      %mul3A_1880 = vector.broadcast %squeeze3A_1825 : f32 to vector<16xf32>
      %mul3A_1881 = arith.mulf %mul3A_1880, %get3A_1879 : vector<16xf32>
      %swap3A_1882 = arith.constant 5 : i32
      %swap3A_1883 = arith.index_cast %swap3A_1882 : i32 to index
      %swap3A_1884 = arith.constant 80 : index
      %swap3A_1885 = tpu.vector_load %arg12[%swap3A_1883, %swap3A_1884] {strides = array<i32>} : memref<16x128xf32, #tpu.memory_space<vmem>>, vector<16xf32>,
      tpu.vector_store %arg12[%swap3A_1883, %swap3A_1884], %mul3A_1881 {strides = array<i32>} : memref<16x128xf32, #tpu.memory_space<vmem>>, vector<16xf32>,
      %get3A_1886 = arith.constant 5 : i32
      %get3A_1887 = arith.index_cast %get3A_1886 : i32 to index
      %get3A_1888 = arith.constant 96 : index
      %get3A_1889 = tpu.vector_load %arg10[%get3A_1887, %get3A_1888] {strides = array<i32>} : memref<16x128xf32, #tpu.memory_space<vmem>>, vector<16xf32>,
      %mul3A_1890 = vector.broadcast %squeeze3A_1825 : f32 to vector<16xf32>
      %mul3A_1891 = arith.mulf %mul3A_1890, %get3A_1889 : vector<16xf32>
      %swap3A_1892 = arith.constant 5 : i32
      %swap3A_1893 = arith.index_cast %swap3A_1892 : i32 to index
      %swap3A_1894 = arith.constant 96 : index
      %swap3A_1895 = tpu.vector_load %arg12[%swap3A_1893, %swap3A_1894] {strides = array<i32>} : memref<16x128xf32, #tpu.memory_space<vmem>>, vector<16xf32>,
      tpu.vector_store %arg12[%swap3A_1893, %swap3A_1894], %mul3A_1891 {strides = array<i32>} : memref<16x128xf32, #tpu.memory_space<vmem>>, vector<16xf32>,
      %get3A_1896 = arith.constant 5 : i32
      %get3A_1897 = arith.index_cast %get3A_1896 : i32 to index
      %get3A_1898 = arith.constant 112 : index
      %get3A_1899 = tpu.vector_load %arg10[%get3A_1897, %get3A_1898] {strides = array<i32>} : memref<16x128xf32, #tpu.memory_space<vmem>>, vector<16xf32>,
      %mul3A_1900 = vector.broadcast %squeeze3A_1825 : f32 to vector<16xf32>
      %mul3A_1901 = arith.mulf %mul3A_1900, %get3A_1899 : vector<16xf32>
      %swap3A_1902 = arith.constant 5 : i32
      %swap3A_1903 = arith.index_cast %swap3A_1902 : i32 to index
      %swap3A_1904 = arith.constant 112 : index
      %swap3A_1905 = tpu.vector_load %arg12[%swap3A_1903, %swap3A_1904] {strides = array<i32>} : memref<16x128xf32, #tpu.memory_space<vmem>>, vector<16xf32>,
      tpu.vector_store %arg12[%swap3A_1903, %swap3A_1904], %mul3A_1901 {strides = array<i32>} : memref<16x128xf32, #tpu.memory_space<vmem>>, vector<16xf32>,
      %slice3A_1906 = vector.extract_strided_slice %get3A_1413 {offsets = [6], sizes = [1], strides = [1]} : vector<16xf32> to vector<1xf32>
      %squeeze3A_1907 = vector.extract %slice3A_1906[0] : f32 from vector<1xf32>
      %get3A_1908 = arith.constant 6 : i32
      %get3A_1909 = arith.index_cast %get3A_1908 : i32 to index
      %get3A_1910 = arith.constant 0 : index
      %get3A_1911 = tpu.vector_load %arg10[%get3A_1909, %get3A_1910] {strides = array<i32>} : memref<16x128xf32, #tpu.memory_space<vmem>>, vector<16xf32>,
      %mul3A_1912 = vector.broadcast %squeeze3A_1907 : f32 to vector<16xf32>
      %mul3A_1913 = arith.mulf %mul3A_1912, %get3A_1911 : vector<16xf32>
      %swap3A_1914 = arith.constant 6 : i32
      %swap3A_1915 = arith.index_cast %swap3A_1914 : i32 to index
      %swap3A_1916 = arith.constant 0 : index
      %swap3A_1917 = tpu.vector_load %arg12[%swap3A_1915, %swap3A_1916] {strides = array<i32>} : memref<16x128xf32, #tpu.memory_space<vmem>>, vector<16xf32>,
      tpu.vector_store %arg12[%swap3A_1915, %swap3A_1916], %mul3A_1913 {strides = array<i32>} : memref<16x128xf32, #tpu.memory_space<vmem>>, vector<16xf32>,
      %get3A_1918 = arith.constant 6 : i32
      %get3A_1919 = arith.index_cast %get3A_1918 : i32 to index
      %get3A_1920 = arith.constant 16 : index
      %get3A_1921 = tpu.vector_load %arg10[%get3A_1919, %get3A_1920] {strides = array<i32>} : memref<16x128xf32, #tpu.memory_space<vmem>>, vector<16xf32>,
      %mul3A_1922 = vector.broadcast %squeeze3A_1907 : f32 to vector<16xf32>
      %mul3A_1923 = arith.mulf %mul3A_1922, %get3A_1921 : vector<16xf32>
      %swap3A_1924 = arith.constant 6 : i32
      %swap3A_1925 = arith.index_cast %swap3A_1924 : i32 to index
      %swap3A_1926 = arith.constant 16 : index
      %swap3A_1927 = tpu.vector_load %arg12[%swap3A_1925, %swap3A_1926] {strides = array<i32>} : memref<16x128xf32, #tpu.memory_space<vmem>>, vector<16xf32>,
      tpu.vector_store %arg12[%swap3A_1925, %swap3A_1926], %mul3A_1923 {strides = array<i32>} : memref<16x128xf32, #tpu.memory_space<vmem>>, vector<16xf32>,
      %get3A_1928 = arith.constant 6 : i32
      %get3A_1929 = arith.index_cast %get3A_1928 : i32 to index
      %get3A_1930 = arith.constant 32 : index
      %get3A_1931 = tpu.vector_load %arg10[%get3A_1929, %get3A_1930] {strides = array<i32>} : memref<16x128xf32, #tpu.memory_space<vmem>>, vector<16xf32>,
      %mul3A_1932 = vector.broadcast %squeeze3A_1907 : f32 to vector<16xf32>
      %mul3A_1933 = arith.mulf %mul3A_1932, %get3A_1931 : vector<16xf32>
      %swap3A_1934 = arith.constant 6 : i32
      %swap3A_1935 = arith.index_cast %swap3A_1934 : i32 to index
      %swap3A_1936 = arith.constant 32 : index
      %swap3A_1937 = tpu.vector_load %arg12[%swap3A_1935, %swap3A_1936] {strides = array<i32>} : memref<16x128xf32, #tpu.memory_space<vmem>>, vector<16xf32>,
      tpu.vector_store %arg12[%swap3A_1935, %swap3A_1936], %mul3A_1933 {strides = array<i32>} : memref<16x128xf32, #tpu.memory_space<vmem>>, vector<16xf32>,
      %get3A_1938 = arith.constant 6 : i32
      %get3A_1939 = arith.index_cast %get3A_1938 : i32 to index
      %get3A_1940 = arith.constant 48 : index
      %get3A_1941 = tpu.vector_load %arg10[%get3A_1939, %get3A_1940] {strides = array<i32>} : memref<16x128xf32, #tpu.memory_space<vmem>>, vector<16xf32>,
      %mul3A_1942 = vector.broadcast %squeeze3A_1907 : f32 to vector<16xf32>
      %mul3A_1943 = arith.mulf %mul3A_1942, %get3A_1941 : vector<16xf32>
      %swap3A_1944 = arith.constant 6 : i32
      %swap3A_1945 = arith.index_cast %swap3A_1944 : i32 to index
      %swap3A_1946 = arith.constant 48 : index
      %swap3A_1947 = tpu.vector_load %arg12[%swap3A_1945, %swap3A_1946] {strides = array<i32>} : memref<16x128xf32, #tpu.memory_space<vmem>>, vector<16xf32>,
      tpu.vector_store %arg12[%swap3A_1945, %swap3A_1946], %mul3A_1943 {strides = array<i32>} : memref<16x128xf32, #tpu.memory_space<vmem>>, vector<16xf32>,
      %get3A_1948 = arith.constant 6 : i32
      %get3A_1949 = arith.index_cast %get3A_1948 : i32 to index
      %get3A_1950 = arith.constant 64 : index
      %get3A_1951 = tpu.vector_load %arg10[%get3A_1949, %get3A_1950] {strides = array<i32>} : memref<16x128xf32, #tpu.memory_space<vmem>>, vector<16xf32>,
      %mul3A_1952 = vector.broadcast %squeeze3A_1907 : f32 to vector<16xf32>
      %mul3A_1953 = arith.mulf %mul3A_1952, %get3A_1951 : vector<16xf32>
      %swap3A_1954 = arith.constant 6 : i32
      %swap3A_1955 = arith.index_cast %swap3A_1954 : i32 to index
      %swap3A_1956 = arith.constant 64 : index
      %swap3A_1957 = tpu.vector_load %arg12[%swap3A_1955, %swap3A_1956] {strides = array<i32>} : memref<16x128xf32, #tpu.memory_space<vmem>>, vector<16xf32>,
      tpu.vector_store %arg12[%swap3A_1955, %swap3A_1956], %mul3A_1953 {strides = array<i32>} : memref<16x128xf32, #tpu.memory_space<vmem>>, vector<16xf32>,
      %get3A_1958 = arith.constant 6 : i32
      %get3A_1959 = arith.index_cast %get3A_1958 : i32 to index
      %get3A_1960 = arith.constant 80 : index
      %get3A_1961 = tpu.vector_load %arg10[%get3A_1959, %get3A_1960] {strides = array<i32>} : memref<16x128xf32, #tpu.memory_space<vmem>>, vector<16xf32>,
      %mul3A_1962 = vector.broadcast %squeeze3A_1907 : f32 to vector<16xf32>
      %mul3A_1963 = arith.mulf %mul3A_1962, %get3A_1961 : vector<16xf32>
      %swap3A_1964 = arith.constant 6 : i32
      %swap3A_1965 = arith.index_cast %swap3A_1964 : i32 to index
      %swap3A_1966 = arith.constant 80 : index
      %swap3A_1967 = tpu.vector_load %arg12[%swap3A_1965, %swap3A_1966] {strides = array<i32>} : memref<16x128xf32, #tpu.memory_space<vmem>>, vector<16xf32>,
      tpu.vector_store %arg12[%swap3A_1965, %swap3A_1966], %mul3A_1963 {strides = array<i32>} : memref<16x128xf32, #tpu.memory_space<vmem>>, vector<16xf32>,
      %get3A_1968 = arith.constant 6 : i32
      %get3A_1969 = arith.index_cast %get3A_1968 : i32 to index
      %get3A_1970 = arith.constant 96 : index
      %get3A_1971 = tpu.vector_load %arg10[%get3A_1969, %get3A_1970] {strides = array<i32>} : memref<16x128xf32, #tpu.memory_space<vmem>>, vector<16xf32>,
      %mul3A_1972 = vector.broadcast %squeeze3A_1907 : f32 to vector<16xf32>
      %mul3A_1973 = arith.mulf %mul3A_1972, %get3A_1971 : vector<16xf32>
      %swap3A_1974 = arith.constant 6 : i32
      %swap3A_1975 = arith.index_cast %swap3A_1974 : i32 to index
      %swap3A_1976 = arith.constant 96 : index
      %swap3A_1977 = tpu.vector_load %arg12[%swap3A_1975, %swap3A_1976] {strides = array<i32>} : memref<16x128xf32, #tpu.memory_space<vmem>>, vector<16xf32>,
      tpu.vector_store %arg12[%swap3A_1975, %swap3A_1976], %mul3A_1973 {strides = array<i32>} : memref<16x128xf32, #tpu.memory_space<vmem>>, vector<16xf32>,
      %get3A_1978 = arith.constant 6 : i32
      %get3A_1979 = arith.index_cast %get3A_1978 : i32 to index
      %get3A_1980 = arith.constant 112 : index
      %get3A_1981 = tpu.vector_load %arg10[%get3A_1979, %get3A_1980] {strides = array<i32>} : memref<16x128xf32, #tpu.memory_space<vmem>>, vector<16xf32>,
      %mul3A_1982 = vector.broadcast %squeeze3A_1907 : f32 to vector<16xf32>
      %mul3A_1983 = arith.mulf %mul3A_1982, %get3A_1981 : vector<16xf32>
      %swap3A_1984 = arith.constant 6 : i32
      %swap3A_1985 = arith.index_cast %swap3A_1984 : i32 to index
      %swap3A_1986 = arith.constant 112 : index
      %swap3A_1987 = tpu.vector_load %arg12[%swap3A_1985, %swap3A_1986] {strides = array<i32>} : memref<16x128xf32, #tpu.memory_space<vmem>>, vector<16xf32>,
      tpu.vector_store %arg12[%swap3A_1985, %swap3A_1986], %mul3A_1983 {strides = array<i32>} : memref<16x128xf32, #tpu.memory_space<vmem>>, vector<16xf32>,
      %slice3A_1988 = vector.extract_strided_slice %get3A_1413 {offsets = [7], sizes = [1], strides = [1]} : vector<16xf32> to vector<1xf32>
      %squeeze3A_1989 = vector.extract %slice3A_1988[0] : f32 from vector<1xf32>
      %get3A_1990 = arith.constant 7 : i32
      %get3A_1991 = arith.index_cast %get3A_1990 : i32 to index
      %get3A_1992 = arith.constant 0 : index
      %get3A_1993 = tpu.vector_load %arg10[%get3A_1991, %get3A_1992] {strides = array<i32>} : memref<16x128xf32, #tpu.memory_space<vmem>>, vector<16xf32>,
      %mul3A_1994 = vector.broadcast %squeeze3A_1989 : f32 to vector<16xf32>
      %mul3A_1995 = arith.mulf %mul3A_1994, %get3A_1993 : vector<16xf32>
      %swap3A_1996 = arith.constant 7 : i32
      %swap3A_1997 = arith.index_cast %swap3A_1996 : i32 to index
      %swap3A_1998 = arith.constant 0 : index
      %swap3A_1999 = tpu.vector_load %arg12[%swap3A_1997, %swap3A_1998] {strides = array<i32>} : memref<16x128xf32, #tpu.memory_space<vmem>>, vector<16xf32>,
      tpu.vector_store %arg12[%swap3A_1997, %swap3A_1998], %mul3A_1995 {strides = array<i32>} : memref<16x128xf32, #tpu.memory_space<vmem>>, vector<16xf32>,
      %get3A_2000 = arith.constant 7 : i32
      %get3A_2001 = arith.index_cast %get3A_2000 : i32 to index
      %get3A_2002 = arith.constant 16 : index
      %get3A_2003 = tpu.vector_load %arg10[%get3A_2001, %get3A_2002] {strides = array<i32>} : memref<16x128xf32, #tpu.memory_space<vmem>>, vector<16xf32>,
      %mul3A_2004 = vector.broadcast %squeeze3A_1989 : f32 to vector<16xf32>
      %mul3A_2005 = arith.mulf %mul3A_2004, %get3A_2003 : vector<16xf32>
      %swap3A_2006 = arith.constant 7 : i32
      %swap3A_2007 = arith.index_cast %swap3A_2006 : i32 to index
      %swap3A_2008 = arith.constant 16 : index
      %swap3A_2009 = tpu.vector_load %arg12[%swap3A_2007, %swap3A_2008] {strides = array<i32>} : memref<16x128xf32, #tpu.memory_space<vmem>>, vector<16xf32>,
      tpu.vector_store %arg12[%swap3A_2007, %swap3A_2008], %mul3A_2005 {strides = array<i32>} : memref<16x128xf32, #tpu.memory_space<vmem>>, vector<16xf32>,
      %get3A_2010 = arith.constant 7 : i32
      %get3A_2011 = arith.index_cast %get3A_2010 : i32 to index
      %get3A_2012 = arith.constant 32 : index
      %get3A_2013 = tpu.vector_load %arg10[%get3A_2011, %get3A_2012] {strides = array<i32>} : memref<16x128xf32, #tpu.memory_space<vmem>>, vector<16xf32>,
      %mul3A_2014 = vector.broadcast %squeeze3A_1989 : f32 to vector<16xf32>
      %mul3A_2015 = arith.mulf %mul3A_2014, %get3A_2013 : vector<16xf32>
      %swap3A_2016 = arith.constant 7 : i32
      %swap3A_2017 = arith.index_cast %swap3A_2016 : i32 to index
      %swap3A_2018 = arith.constant 32 : index
      %swap3A_2019 = tpu.vector_load %arg12[%swap3A_2017, %swap3A_2018] {strides = array<i32>} : memref<16x128xf32, #tpu.memory_space<vmem>>, vector<16xf32>,
      tpu.vector_store %arg12[%swap3A_2017, %swap3A_2018], %mul3A_2015 {strides = array<i32>} : memref<16x128xf32, #tpu.memory_space<vmem>>, vector<16xf32>,
      %get3A_2020 = arith.constant 7 : i32
      %get3A_2021 = arith.index_cast %get3A_2020 : i32 to index
      %get3A_2022 = arith.constant 48 : index
      %get3A_2023 = tpu.vector_load %arg10[%get3A_2021, %get3A_2022] {strides = array<i32>} : memref<16x128xf32, #tpu.memory_space<vmem>>, vector<16xf32>,
      %mul3A_2024 = vector.broadcast %squeeze3A_1989 : f32 to vector<16xf32>
      %mul3A_2025 = arith.mulf %mul3A_2024, %get3A_2023 : vector<16xf32>
      %swap3A_2026 = arith.constant 7 : i32
      %swap3A_2027 = arith.index_cast %swap3A_2026 : i32 to index
      %swap3A_2028 = arith.constant 48 : index
      %swap3A_2029 = tpu.vector_load %arg12[%swap3A_2027, %swap3A_2028] {strides = array<i32>} : memref<16x128xf32, #tpu.memory_space<vmem>>, vector<16xf32>,
      tpu.vector_store %arg12[%swap3A_2027, %swap3A_2028], %mul3A_2025 {strides = array<i32>} : memref<16x128xf32, #tpu.memory_space<vmem>>, vector<16xf32>,
      %get3A_2030 = arith.constant 7 : i32
      %get3A_2031 = arith.index_cast %get3A_2030 : i32 to index
      %get3A_2032 = arith.constant 64 : index
      %get3A_2033 = tpu.vector_load %arg10[%get3A_2031, %get3A_2032] {strides = array<i32>} : memref<16x128xf32, #tpu.memory_space<vmem>>, vector<16xf32>,
      %mul3A_2034 = vector.broadcast %squeeze3A_1989 : f32 to vector<16xf32>
      %mul3A_2035 = arith.mulf %mul3A_2034, %get3A_2033 : vector<16xf32>
      %swap3A_2036 = arith.constant 7 : i32
      %swap3A_2037 = arith.index_cast %swap3A_2036 : i32 to index
      %swap3A_2038 = arith.constant 64 : index
      %swap3A_2039 = tpu.vector_load %arg12[%swap3A_2037, %swap3A_2038] {strides = array<i32>} : memref<16x128xf32, #tpu.memory_space<vmem>>, vector<16xf32>,
      tpu.vector_store %arg12[%swap3A_2037, %swap3A_2038], %mul3A_2035 {strides = array<i32>} : memref<16x128xf32, #tpu.memory_space<vmem>>, vector<16xf32>,
      %get3A_2040 = arith.constant 7 : i32
      %get3A_2041 = arith.index_cast %get3A_2040 : i32 to index
      %get3A_2042 = arith.constant 80 : index
      %get3A_2043 = tpu.vector_load %arg10[%get3A_2041, %get3A_2042] {strides = array<i32>} : memref<16x128xf32, #tpu.memory_space<vmem>>, vector<16xf32>,
      %mul3A_2044 = vector.broadcast %squeeze3A_1989 : f32 to vector<16xf32>
      %mul3A_2045 = arith.mulf %mul3A_2044, %get3A_2043 : vector<16xf32>
      %swap3A_2046 = arith.constant 7 : i32
      %swap3A_2047 = arith.index_cast %swap3A_2046 : i32 to index
      %swap3A_2048 = arith.constant 80 : index
      %swap3A_2049 = tpu.vector_load %arg12[%swap3A_2047, %swap3A_2048] {strides = array<i32>} : memref<16x128xf32, #tpu.memory_space<vmem>>, vector<16xf32>,
      tpu.vector_store %arg12[%swap3A_2047, %swap3A_2048], %mul3A_2045 {strides = array<i32>} : memref<16x128xf32, #tpu.memory_space<vmem>>, vector<16xf32>,
      %get3A_2050 = arith.constant 7 : i32
      %get3A_2051 = arith.index_cast %get3A_2050 : i32 to index
      %get3A_2052 = arith.constant 96 : index
      %get3A_2053 = tpu.vector_load %arg10[%get3A_2051, %get3A_2052] {strides = array<i32>} : memref<16x128xf32, #tpu.memory_space<vmem>>, vector<16xf32>,
      %mul3A_2054 = vector.broadcast %squeeze3A_1989 : f32 to vector<16xf32>
      %mul3A_2055 = arith.mulf %mul3A_2054, %get3A_2053 : vector<16xf32>
      %swap3A_2056 = arith.constant 7 : i32
      %swap3A_2057 = arith.index_cast %swap3A_2056 : i32 to index
      %swap3A_2058 = arith.constant 96 : index
      %swap3A_2059 = tpu.vector_load %arg12[%swap3A_2057, %swap3A_2058] {strides = array<i32>} : memref<16x128xf32, #tpu.memory_space<vmem>>, vector<16xf32>,
      tpu.vector_store %arg12[%swap3A_2057, %swap3A_2058], %mul3A_2055 {strides = array<i32>} : memref<16x128xf32, #tpu.memory_space<vmem>>, vector<16xf32>,
      %get3A_2060 = arith.constant 7 : i32
      %get3A_2061 = arith.index_cast %get3A_2060 : i32 to index
      %get3A_2062 = arith.constant 112 : index
      %get3A_2063 = tpu.vector_load %arg10[%get3A_2061, %get3A_2062] {strides = array<i32>} : memref<16x128xf32, #tpu.memory_space<vmem>>, vector<16xf32>,
      %mul3A_2064 = vector.broadcast %squeeze3A_1989 : f32 to vector<16xf32>
      %mul3A_2065 = arith.mulf %mul3A_2064, %get3A_2063 : vector<16xf32>
      %swap3A_2066 = arith.constant 7 : i32
      %swap3A_2067 = arith.index_cast %swap3A_2066 : i32 to index
      %swap3A_2068 = arith.constant 112 : index
      %swap3A_2069 = tpu.vector_load %arg12[%swap3A_2067, %swap3A_2068] {strides = array<i32>} : memref<16x128xf32, #tpu.memory_space<vmem>>, vector<16xf32>,
      tpu.vector_store %arg12[%swap3A_2067, %swap3A_2068], %mul3A_2065 {strides = array<i32>} : memref<16x128xf32, #tpu.memory_space<vmem>>, vector<16xf32>,
      %slice3A_2070 = vector.extract_strided_slice %get3A_1413 {offsets = [8], sizes = [1], strides = [1]} : vector<16xf32> to vector<1xf32>
      %squeeze3A_2071 = vector.extract %slice3A_2070[0] : f32 from vector<1xf32>
      %get3A_2072 = arith.constant 8 : i32
      %get3A_2073 = arith.index_cast %get3A_2072 : i32 to index
      %get3A_2074 = arith.constant 0 : index
      %get3A_2075 = tpu.vector_load %arg10[%get3A_2073, %get3A_2074] {strides = array<i32>} : memref<16x128xf32, #tpu.memory_space<vmem>>, vector<16xf32>,
      %mul3A_2076 = vector.broadcast %squeeze3A_2071 : f32 to vector<16xf32>
      %mul3A_2077 = arith.mulf %mul3A_2076, %get3A_2075 : vector<16xf32>
      %swap3A_2078 = arith.constant 8 : i32
      %swap3A_2079 = arith.index_cast %swap3A_2078 : i32 to index
      %swap3A_2080 = arith.constant 0 : index
      %swap3A_2081 = tpu.vector_load %arg12[%swap3A_2079, %swap3A_2080] {strides = array<i32>} : memref<16x128xf32, #tpu.memory_space<vmem>>, vector<16xf32>,
      tpu.vector_store %arg12[%swap3A_2079, %swap3A_2080], %mul3A_2077 {strides = array<i32>} : memref<16x128xf32, #tpu.memory_space<vmem>>, vector<16xf32>,
      %get3A_2082 = arith.constant 8 : i32
      %get3A_2083 = arith.index_cast %get3A_2082 : i32 to index
      %get3A_2084 = arith.constant 16 : index
      %get3A_2085 = tpu.vector_load %arg10[%get3A_2083, %get3A_2084] {strides = array<i32>} : memref<16x128xf32, #tpu.memory_space<vmem>>, vector<16xf32>,
      %mul3A_2086 = vector.broadcast %squeeze3A_2071 : f32 to vector<16xf32>
      %mul3A_2087 = arith.mulf %mul3A_2086, %get3A_2085 : vector<16xf32>
      %swap3A_2088 = arith.constant 8 : i32
      %swap3A_2089 = arith.index_cast %swap3A_2088 : i32 to index
      %swap3A_2090 = arith.constant 16 : index
      %swap3A_2091 = tpu.vector_load %arg12[%swap3A_2089, %swap3A_2090] {strides = array<i32>} : memref<16x128xf32, #tpu.memory_space<vmem>>, vector<16xf32>,
      tpu.vector_store %arg12[%swap3A_2089, %swap3A_2090], %mul3A_2087 {strides = array<i32>} : memref<16x128xf32, #tpu.memory_space<vmem>>, vector<16xf32>,
      %get3A_2092 = arith.constant 8 : i32
      %get3A_2093 = arith.index_cast %get3A_2092 : i32 to index
      %get3A_2094 = arith.constant 32 : index
      %get3A_2095 = tpu.vector_load %arg10[%get3A_2093, %get3A_2094] {strides = array<i32>} : memref<16x128xf32, #tpu.memory_space<vmem>>, vector<16xf32>,
      %mul3A_2096 = vector.broadcast %squeeze3A_2071 : f32 to vector<16xf32>
      %mul3A_2097 = arith.mulf %mul3A_2096, %get3A_2095 : vector<16xf32>
      %swap3A_2098 = arith.constant 8 : i32
      %swap3A_2099 = arith.index_cast %swap3A_2098 : i32 to index
      %swap3A_2100 = arith.constant 32 : index
      %swap3A_2101 = tpu.vector_load %arg12[%swap3A_2099, %swap3A_2100] {strides = array<i32>} : memref<16x128xf32, #tpu.memory_space<vmem>>, vector<16xf32>,
      tpu.vector_store %arg12[%swap3A_2099, %swap3A_2100], %mul3A_2097 {strides = array<i32>} : memref<16x128xf32, #tpu.memory_space<vmem>>, vector<16xf32>,
      %get3A_2102 = arith.constant 8 : i32
      %get3A_2103 = arith.index_cast %get3A_2102 : i32 to index
      %get3A_2104 = arith.constant 48 : index
      %get3A_2105 = tpu.vector_load %arg10[%get3A_2103, %get3A_2104] {strides = array<i32>} : memref<16x128xf32, #tpu.memory_space<vmem>>, vector<16xf32>,
      %mul3A_2106 = vector.broadcast %squeeze3A_2071 : f32 to vector<16xf32>
      %mul3A_2107 = arith.mulf %mul3A_2106, %get3A_2105 : vector<16xf32>
      %swap3A_2108 = arith.constant 8 : i32
      %swap3A_2109 = arith.index_cast %swap3A_2108 : i32 to index
      %swap3A_2110 = arith.constant 48 : index
      %swap3A_2111 = tpu.vector_load %arg12[%swap3A_2109, %swap3A_2110] {strides = array<i32>} : memref<16x128xf32, #tpu.memory_space<vmem>>, vector<16xf32>,
      tpu.vector_store %arg12[%swap3A_2109, %swap3A_2110], %mul3A_2107 {strides = array<i32>} : memref<16x128xf32, #tpu.memory_space<vmem>>, vector<16xf32>,
      %get3A_2112 = arith.constant 8 : i32
      %get3A_2113 = arith.index_cast %get3A_2112 : i32 to index
      %get3A_2114 = arith.constant 64 : index
      %get3A_2115 = tpu.vector_load %arg10[%get3A_2113, %get3A_2114] {strides = array<i32>} : memref<16x128xf32, #tpu.memory_space<vmem>>, vector<16xf32>,
      %mul3A_2116 = vector.broadcast %squeeze3A_2071 : f32 to vector<16xf32>
      %mul3A_2117 = arith.mulf %mul3A_2116, %get3A_2115 : vector<16xf32>
      %swap3A_2118 = arith.constant 8 : i32
      %swap3A_2119 = arith.index_cast %swap3A_2118 : i32 to index
      %swap3A_2120 = arith.constant 64 : index
      %swap3A_2121 = tpu.vector_load %arg12[%swap3A_2119, %swap3A_2120] {strides = array<i32>} : memref<16x128xf32, #tpu.memory_space<vmem>>, vector<16xf32>,
      tpu.vector_store %arg12[%swap3A_2119, %swap3A_2120], %mul3A_2117 {strides = array<i32>} : memref<16x128xf32, #tpu.memory_space<vmem>>, vector<16xf32>,
      %get3A_2122 = arith.constant 8 : i32
      %get3A_2123 = arith.index_cast %get3A_2122 : i32 to index
      %get3A_2124 = arith.constant 80 : index
      %get3A_2125 = tpu.vector_load %arg10[%get3A_2123, %get3A_2124] {strides = array<i32>} : memref<16x128xf32, #tpu.memory_space<vmem>>, vector<16xf32>,
      %mul3A_2126 = vector.broadcast %squeeze3A_2071 : f32 to vector<16xf32>
      %mul3A_2127 = arith.mulf %mul3A_2126, %get3A_2125 : vector<16xf32>
      %swap3A_2128 = arith.constant 8 : i32
      %swap3A_2129 = arith.index_cast %swap3A_2128 : i32 to index
      %swap3A_2130 = arith.constant 80 : index
      %swap3A_2131 = tpu.vector_load %arg12[%swap3A_2129, %swap3A_2130] {strides = array<i32>} : memref<16x128xf32, #tpu.memory_space<vmem>>, vector<16xf32>,
      tpu.vector_store %arg12[%swap3A_2129, %swap3A_2130], %mul3A_2127 {strides = array<i32>} : memref<16x128xf32, #tpu.memory_space<vmem>>, vector<16xf32>,
      %get3A_2132 = arith.constant 8 : i32
      %get3A_2133 = arith.index_cast %get3A_2132 : i32 to index
      %get3A_2134 = arith.constant 96 : index
      %get3A_2135 = tpu.vector_load %arg10[%get3A_2133, %get3A_2134] {strides = array<i32>} : memref<16x128xf32, #tpu.memory_space<vmem>>, vector<16xf32>,
      %mul3A_2136 = vector.broadcast %squeeze3A_2071 : f32 to vector<16xf32>
      %mul3A_2137 = arith.mulf %mul3A_2136, %get3A_2135 : vector<16xf32>
      %swap3A_2138 = arith.constant 8 : i32
      %swap3A_2139 = arith.index_cast %swap3A_2138 : i32 to index
      %swap3A_2140 = arith.constant 96 : index
      %swap3A_2141 = tpu.vector_load %arg12[%swap3A_2139, %swap3A_2140] {strides = array<i32>} : memref<16x128xf32, #tpu.memory_space<vmem>>, vector<16xf32>,
      tpu.vector_store %arg12[%swap3A_2139, %swap3A_2140], %mul3A_2137 {strides = array<i32>} : memref<16x128xf32, #tpu.memory_space<vmem>>, vector<16xf32>,
      %get3A_2142 = arith.constant 8 : i32
      %get3A_2143 = arith.index_cast %get3A_2142 : i32 to index
      %get3A_2144 = arith.constant 112 : index
      %get3A_2145 = tpu.vector_load %arg10[%get3A_2143, %get3A_2144] {strides = array<i32>} : memref<16x128xf32, #tpu.memory_space<vmem>>, vector<16xf32>,
      %mul3A_2146 = vector.broadcast %squeeze3A_2071 : f32 to vector<16xf32>
      %mul3A_2147 = arith.mulf %mul3A_2146, %get3A_2145 : vector<16xf32>
      %swap3A_2148 = arith.constant 8 : i32
      %swap3A_2149 = arith.index_cast %swap3A_2148 : i32 to index
      %swap3A_2150 = arith.constant 112 : index
      %swap3A_2151 = tpu.vector_load %arg12[%swap3A_2149, %swap3A_2150] {strides = array<i32>} : memref<16x128xf32, #tpu.memory_space<vmem>>, vector<16xf32>,
      tpu.vector_store %arg12[%swap3A_2149, %swap3A_2150], %mul3A_2147 {strides = array<i32>} : memref<16x128xf32, #tpu.memory_space<vmem>>, vector<16xf32>,
      %slice3A_2152 = vector.extract_strided_slice %get3A_1413 {offsets = [9], sizes = [1], strides = [1]} : vector<16xf32> to vector<1xf32>
      %squeeze3A_2153 = vector.extract %slice3A_2152[0] : f32 from vector<1xf32>
      %get3A_2154 = arith.constant 9 : i32
      %get3A_2155 = arith.index_cast %get3A_2154 : i32 to index
      %get3A_2156 = arith.constant 0 : index
      %get3A_2157 = tpu.vector_load %arg10[%get3A_2155, %get3A_2156] {strides = array<i32>} : memref<16x128xf32, #tpu.memory_space<vmem>>, vector<16xf32>,
      %mul3A_2158 = vector.broadcast %squeeze3A_2153 : f32 to vector<16xf32>
      %mul3A_2159 = arith.mulf %mul3A_2158, %get3A_2157 : vector<16xf32>
      %swap3A_2160 = arith.constant 9 : i32
      %swap3A_2161 = arith.index_cast %swap3A_2160 : i32 to index
      %swap3A_2162 = arith.constant 0 : index
      %swap3A_2163 = tpu.vector_load %arg12[%swap3A_2161, %swap3A_2162] {strides = array<i32>} : memref<16x128xf32, #tpu.memory_space<vmem>>, vector<16xf32>,
      tpu.vector_store %arg12[%swap3A_2161, %swap3A_2162], %mul3A_2159 {strides = array<i32>} : memref<16x128xf32, #tpu.memory_space<vmem>>, vector<16xf32>,
      %get3A_2164 = arith.constant 9 : i32
      %get3A_2165 = arith.index_cast %get3A_2164 : i32 to index
      %get3A_2166 = arith.constant 16 : index
      %get3A_2167 = tpu.vector_load %arg10[%get3A_2165, %get3A_2166] {strides = array<i32>} : memref<16x128xf32, #tpu.memory_space<vmem>>, vector<16xf32>,
      %mul3A_2168 = vector.broadcast %squeeze3A_2153 : f32 to vector<16xf32>
      %mul3A_2169 = arith.mulf %mul3A_2168, %get3A_2167 : vector<16xf32>
      %swap3A_2170 = arith.constant 9 : i32
      %swap3A_2171 = arith.index_cast %swap3A_2170 : i32 to index
      %swap3A_2172 = arith.constant 16 : index
      %swap3A_2173 = tpu.vector_load %arg12[%swap3A_2171, %swap3A_2172] {strides = array<i32>} : memref<16x128xf32, #tpu.memory_space<vmem>>, vector<16xf32>,
      tpu.vector_store %arg12[%swap3A_2171, %swap3A_2172], %mul3A_2169 {strides = array<i32>} : memref<16x128xf32, #tpu.memory_space<vmem>>, vector<16xf32>,
      %get3A_2174 = arith.constant 9 : i32
      %get3A_2175 = arith.index_cast %get3A_2174 : i32 to index
      %get3A_2176 = arith.constant 32 : index
      %get3A_2177 = tpu.vector_load %arg10[%get3A_2175, %get3A_2176] {strides = array<i32>} : memref<16x128xf32, #tpu.memory_space<vmem>>, vector<16xf32>,
      %mul3A_2178 = vector.broadcast %squeeze3A_2153 : f32 to vector<16xf32>
      %mul3A_2179 = arith.mulf %mul3A_2178, %get3A_2177 : vector<16xf32>
      %swap3A_2180 = arith.constant 9 : i32
      %swap3A_2181 = arith.index_cast %swap3A_2180 : i32 to index
      %swap3A_2182 = arith.constant 32 : index
      %swap3A_2183 = tpu.vector_load %arg12[%swap3A_2181, %swap3A_2182] {strides = array<i32>} : memref<16x128xf32, #tpu.memory_space<vmem>>, vector<16xf32>,
      tpu.vector_store %arg12[%swap3A_2181, %swap3A_2182], %mul3A_2179 {strides = array<i32>} : memref<16x128xf32, #tpu.memory_space<vmem>>, vector<16xf32>,
      %get3A_2184 = arith.constant 9 : i32
      %get3A_2185 = arith.index_cast %get3A_2184 : i32 to index
      %get3A_2186 = arith.constant 48 : index
      %get3A_2187 = tpu.vector_load %arg10[%get3A_2185, %get3A_2186] {strides = array<i32>} : memref<16x128xf32, #tpu.memory_space<vmem>>, vector<16xf32>,
      %mul3A_2188 = vector.broadcast %squeeze3A_2153 : f32 to vector<16xf32>
      %mul3A_2189 = arith.mulf %mul3A_2188, %get3A_2187 : vector<16xf32>
      %swap3A_2190 = arith.constant 9 : i32
      %swap3A_2191 = arith.index_cast %swap3A_2190 : i32 to index
      %swap3A_2192 = arith.constant 48 : index
      %swap3A_2193 = tpu.vector_load %arg12[%swap3A_2191, %swap3A_2192] {strides = array<i32>} : memref<16x128xf32, #tpu.memory_space<vmem>>, vector<16xf32>,
      tpu.vector_store %arg12[%swap3A_2191, %swap3A_2192], %mul3A_2189 {strides = array<i32>} : memref<16x128xf32, #tpu.memory_space<vmem>>, vector<16xf32>,
      %get3A_2194 = arith.constant 9 : i32
      %get3A_2195 = arith.index_cast %get3A_2194 : i32 to index
      %get3A_2196 = arith.constant 64 : index
      %get3A_2197 = tpu.vector_load %arg10[%get3A_2195, %get3A_2196] {strides = array<i32>} : memref<16x128xf32, #tpu.memory_space<vmem>>, vector<16xf32>,
      %mul3A_2198 = vector.broadcast %squeeze3A_2153 : f32 to vector<16xf32>
      %mul3A_2199 = arith.mulf %mul3A_2198, %get3A_2197 : vector<16xf32>
      %swap3A_2200 = arith.constant 9 : i32
      %swap3A_2201 = arith.index_cast %swap3A_2200 : i32 to index
      %swap3A_2202 = arith.constant 64 : index
      %swap3A_2203 = tpu.vector_load %arg12[%swap3A_2201, %swap3A_2202] {strides = array<i32>} : memref<16x128xf32, #tpu.memory_space<vmem>>, vector<16xf32>,
      tpu.vector_store %arg12[%swap3A_2201, %swap3A_2202], %mul3A_2199 {strides = array<i32>} : memref<16x128xf32, #tpu.memory_space<vmem>>, vector<16xf32>,
      %get3A_2204 = arith.constant 9 : i32
      %get3A_2205 = arith.index_cast %get3A_2204 : i32 to index
      %get3A_2206 = arith.constant 80 : index
      %get3A_2207 = tpu.vector_load %arg10[%get3A_2205, %get3A_2206] {strides = array<i32>} : memref<16x128xf32, #tpu.memory_space<vmem>>, vector<16xf32>,
      %mul3A_2208 = vector.broadcast %squeeze3A_2153 : f32 to vector<16xf32>
      %mul3A_2209 = arith.mulf %mul3A_2208, %get3A_2207 : vector<16xf32>
      %swap3A_2210 = arith.constant 9 : i32
      %swap3A_2211 = arith.index_cast %swap3A_2210 : i32 to index
      %swap3A_2212 = arith.constant 80 : index
      %swap3A_2213 = tpu.vector_load %arg12[%swap3A_2211, %swap3A_2212] {strides = array<i32>} : memref<16x128xf32, #tpu.memory_space<vmem>>, vector<16xf32>,
      tpu.vector_store %arg12[%swap3A_2211, %swap3A_2212], %mul3A_2209 {strides = array<i32>} : memref<16x128xf32, #tpu.memory_space<vmem>>, vector<16xf32>,
      %get3A_2214 = arith.constant 9 : i32
      %get3A_2215 = arith.index_cast %get3A_2214 : i32 to index
      %get3A_2216 = arith.constant 96 : index
      %get3A_2217 = tpu.vector_load %arg10[%get3A_2215, %get3A_2216] {strides = array<i32>} : memref<16x128xf32, #tpu.memory_space<vmem>>, vector<16xf32>,
      %mul3A_2218 = vector.broadcast %squeeze3A_2153 : f32 to vector<16xf32>
      %mul3A_2219 = arith.mulf %mul3A_2218, %get3A_2217 : vector<16xf32>
      %swap3A_2220 = arith.constant 9 : i32
      %swap3A_2221 = arith.index_cast %swap3A_2220 : i32 to index
      %swap3A_2222 = arith.constant 96 : index
      %swap3A_2223 = tpu.vector_load %arg12[%swap3A_2221, %swap3A_2222] {strides = array<i32>} : memref<16x128xf32, #tpu.memory_space<vmem>>, vector<16xf32>,
      tpu.vector_store %arg12[%swap3A_2221, %swap3A_2222], %mul3A_2219 {strides = array<i32>} : memref<16x128xf32, #tpu.memory_space<vmem>>, vector<16xf32>,
      %get3A_2224 = arith.constant 9 : i32
      %get3A_2225 = arith.index_cast %get3A_2224 : i32 to index
      %get3A_2226 = arith.constant 112 : index
      %get3A_2227 = tpu.vector_load %arg10[%get3A_2225, %get3A_2226] {strides = array<i32>} : memref<16x128xf32, #tpu.memory_space<vmem>>, vector<16xf32>,
      %mul3A_2228 = vector.broadcast %squeeze3A_2153 : f32 to vector<16xf32>
      %mul3A_2229 = arith.mulf %mul3A_2228, %get3A_2227 : vector<16xf32>
      %swap3A_2230 = arith.constant 9 : i32
      %swap3A_2231 = arith.index_cast %swap3A_2230 : i32 to index
      %swap3A_2232 = arith.constant 112 : index
      %swap3A_2233 = tpu.vector_load %arg12[%swap3A_2231, %swap3A_2232] {strides = array<i32>} : memref<16x128xf32, #tpu.memory_space<vmem>>, vector<16xf32>,
      tpu.vector_store %arg12[%swap3A_2231, %swap3A_2232], %mul3A_2229 {strides = array<i32>} : memref<16x128xf32, #tpu.memory_space<vmem>>, vector<16xf32>,
      %slice3A_2234 = vector.extract_strided_slice %get3A_1413 {offsets = [10], sizes = [1], strides = [1]} : vector<16xf32> to vector<1xf32>
      %squeeze3A_2235 = vector.extract %slice3A_2234[0] : f32 from vector<1xf32>
      %get3A_2236 = arith.constant 10 : i32
      %get3A_2237 = arith.index_cast %get3A_2236 : i32 to index
      %get3A_2238 = arith.constant 0 : index
      %get3A_2239 = tpu.vector_load %arg10[%get3A_2237, %get3A_2238] {strides = array<i32>} : memref<16x128xf32, #tpu.memory_space<vmem>>, vector<16xf32>,
      %mul3A_2240 = vector.broadcast %squeeze3A_2235 : f32 to vector<16xf32>
      %mul3A_2241 = arith.mulf %mul3A_2240, %get3A_2239 : vector<16xf32>
      %swap3A_2242 = arith.constant 10 : i32
      %swap3A_2243 = arith.index_cast %swap3A_2242 : i32 to index
      %swap3A_2244 = arith.constant 0 : index
      %swap3A_2245 = tpu.vector_load %arg12[%swap3A_2243, %swap3A_2244] {strides = array<i32>} : memref<16x128xf32, #tpu.memory_space<vmem>>, vector<16xf32>,
      tpu.vector_store %arg12[%swap3A_2243, %swap3A_2244], %mul3A_2241 {strides = array<i32>} : memref<16x128xf32, #tpu.memory_space<vmem>>, vector<16xf32>,
      %get3A_2246 = arith.constant 10 : i32
      %get3A_2247 = arith.index_cast %get3A_2246 : i32 to index
      %get3A_2248 = arith.constant 16 : index
      %get3A_2249 = tpu.vector_load %arg10[%get3A_2247, %get3A_2248] {strides = array<i32>} : memref<16x128xf32, #tpu.memory_space<vmem>>, vector<16xf32>,
      %mul3A_2250 = vector.broadcast %squeeze3A_2235 : f32 to vector<16xf32>
      %mul3A_2251 = arith.mulf %mul3A_2250, %get3A_2249 : vector<16xf32>
      %swap3A_2252 = arith.constant 10 : i32
      %swap3A_2253 = arith.index_cast %swap3A_2252 : i32 to index
      %swap3A_2254 = arith.constant 16 : index
      %swap3A_2255 = tpu.vector_load %arg12[%swap3A_2253, %swap3A_2254] {strides = array<i32>} : memref<16x128xf32, #tpu.memory_space<vmem>>, vector<16xf32>,
      tpu.vector_store %arg12[%swap3A_2253, %swap3A_2254], %mul3A_2251 {strides = array<i32>} : memref<16x128xf32, #tpu.memory_space<vmem>>, vector<16xf32>,
      %get3A_2256 = arith.constant 10 : i32
      %get3A_2257 = arith.index_cast %get3A_2256 : i32 to index
      %get3A_2258 = arith.constant 32 : index
      %get3A_2259 = tpu.vector_load %arg10[%get3A_2257, %get3A_2258] {strides = array<i32>} : memref<16x128xf32, #tpu.memory_space<vmem>>, vector<16xf32>,
      %mul3A_2260 = vector.broadcast %squeeze3A_2235 : f32 to vector<16xf32>
      %mul3A_2261 = arith.mulf %mul3A_2260, %get3A_2259 : vector<16xf32>
      %swap3A_2262 = arith.constant 10 : i32
      %swap3A_2263 = arith.index_cast %swap3A_2262 : i32 to index
      %swap3A_2264 = arith.constant 32 : index
      %swap3A_2265 = tpu.vector_load %arg12[%swap3A_2263, %swap3A_2264] {strides = array<i32>} : memref<16x128xf32, #tpu.memory_space<vmem>>, vector<16xf32>,
      tpu.vector_store %arg12[%swap3A_2263, %swap3A_2264], %mul3A_2261 {strides = array<i32>} : memref<16x128xf32, #tpu.memory_space<vmem>>, vector<16xf32>,
      %get3A_2266 = arith.constant 10 : i32
      %get3A_2267 = arith.index_cast %get3A_2266 : i32 to index
      %get3A_2268 = arith.constant 48 : index
      %get3A_2269 = tpu.vector_load %arg10[%get3A_2267, %get3A_2268] {strides = array<i32>} : memref<16x128xf32, #tpu.memory_space<vmem>>, vector<16xf32>,
      %mul3A_2270 = vector.broadcast %squeeze3A_2235 : f32 to vector<16xf32>
      %mul3A_2271 = arith.mulf %mul3A_2270, %get3A_2269 : vector<16xf32>
      %swap3A_2272 = arith.constant 10 : i32
      %swap3A_2273 = arith.index_cast %swap3A_2272 : i32 to index
      %swap3A_2274 = arith.constant 48 : index
      %swap3A_2275 = tpu.vector_load %arg12[%swap3A_2273, %swap3A_2274] {strides = array<i32>} : memref<16x128xf32, #tpu.memory_space<vmem>>, vector<16xf32>,
      tpu.vector_store %arg12[%swap3A_2273, %swap3A_2274], %mul3A_2271 {strides = array<i32>} : memref<16x128xf32, #tpu.memory_space<vmem>>, vector<16xf32>,
      %get3A_2276 = arith.constant 10 : i32
      %get3A_2277 = arith.index_cast %get3A_2276 : i32 to index
      %get3A_2278 = arith.constant 64 : index
      %get3A_2279 = tpu.vector_load %arg10[%get3A_2277, %get3A_2278] {strides = array<i32>} : memref<16x128xf32, #tpu.memory_space<vmem>>, vector<16xf32>,
      %mul3A_2280 = vector.broadcast %squeeze3A_2235 : f32 to vector<16xf32>
      %mul3A_2281 = arith.mulf %mul3A_2280, %get3A_2279 : vector<16xf32>
      %swap3A_2282 = arith.constant 10 : i32
      %swap3A_2283 = arith.index_cast %swap3A_2282 : i32 to index
      %swap3A_2284 = arith.constant 64 : index
      %swap3A_2285 = tpu.vector_load %arg12[%swap3A_2283, %swap3A_2284] {strides = array<i32>} : memref<16x128xf32, #tpu.memory_space<vmem>>, vector<16xf32>,
      tpu.vector_store %arg12[%swap3A_2283, %swap3A_2284], %mul3A_2281 {strides = array<i32>} : memref<16x128xf32, #tpu.memory_space<vmem>>, vector<16xf32>,
      %get3A_2286 = arith.constant 10 : i32
      %get3A_2287 = arith.index_cast %get3A_2286 : i32 to index
      %get3A_2288 = arith.constant 80 : index
      %get3A_2289 = tpu.vector_load %arg10[%get3A_2287, %get3A_2288] {strides = array<i32>} : memref<16x128xf32, #tpu.memory_space<vmem>>, vector<16xf32>,
      %mul3A_2290 = vector.broadcast %squeeze3A_2235 : f32 to vector<16xf32>
      %mul3A_2291 = arith.mulf %mul3A_2290, %get3A_2289 : vector<16xf32>
      %swap3A_2292 = arith.constant 10 : i32
      %swap3A_2293 = arith.index_cast %swap3A_2292 : i32 to index
      %swap3A_2294 = arith.constant 80 : index
      %swap3A_2295 = tpu.vector_load %arg12[%swap3A_2293, %swap3A_2294] {strides = array<i32>} : memref<16x128xf32, #tpu.memory_space<vmem>>, vector<16xf32>,
      tpu.vector_store %arg12[%swap3A_2293, %swap3A_2294], %mul3A_2291 {strides = array<i32>} : memref<16x128xf32, #tpu.memory_space<vmem>>, vector<16xf32>,
      %get3A_2296 = arith.constant 10 : i32
      %get3A_2297 = arith.index_cast %get3A_2296 : i32 to index
      %get3A_2298 = arith.constant 96 : index
      %get3A_2299 = tpu.vector_load %arg10[%get3A_2297, %get3A_2298] {strides = array<i32>} : memref<16x128xf32, #tpu.memory_space<vmem>>, vector<16xf32>,
      %mul3A_2300 = vector.broadcast %squeeze3A_2235 : f32 to vector<16xf32>
      %mul3A_2301 = arith.mulf %mul3A_2300, %get3A_2299 : vector<16xf32>
      %swap3A_2302 = arith.constant 10 : i32
      %swap3A_2303 = arith.index_cast %swap3A_2302 : i32 to index
      %swap3A_2304 = arith.constant 96 : index
      %swap3A_2305 = tpu.vector_load %arg12[%swap3A_2303, %swap3A_2304] {strides = array<i32>} : memref<16x128xf32, #tpu.memory_space<vmem>>, vector<16xf32>,
      tpu.vector_store %arg12[%swap3A_2303, %swap3A_2304], %mul3A_2301 {strides = array<i32>} : memref<16x128xf32, #tpu.memory_space<vmem>>, vector<16xf32>,
      %get3A_2306 = arith.constant 10 : i32
      %get3A_2307 = arith.index_cast %get3A_2306 : i32 to index
      %get3A_2308 = arith.constant 112 : index
      %get3A_2309 = tpu.vector_load %arg10[%get3A_2307, %get3A_2308] {strides = array<i32>} : memref<16x128xf32, #tpu.memory_space<vmem>>, vector<16xf32>,
      %mul3A_2310 = vector.broadcast %squeeze3A_2235 : f32 to vector<16xf32>
      %mul3A_2311 = arith.mulf %mul3A_2310, %get3A_2309 : vector<16xf32>
      %swap3A_2312 = arith.constant 10 : i32
      %swap3A_2313 = arith.index_cast %swap3A_2312 : i32 to index
      %swap3A_2314 = arith.constant 112 : index
      %swap3A_2315 = tpu.vector_load %arg12[%swap3A_2313, %swap3A_2314] {strides = array<i32>} : memref<16x128xf32, #tpu.memory_space<vmem>>, vector<16xf32>,
      tpu.vector_store %arg12[%swap3A_2313, %swap3A_2314], %mul3A_2311 {strides = array<i32>} : memref<16x128xf32, #tpu.memory_space<vmem>>, vector<16xf32>,
      %slice3A_2316 = vector.extract_strided_slice %get3A_1413 {offsets = [11], sizes = [1], strides = [1]} : vector<16xf32> to vector<1xf32>
      %squeeze3A_2317 = vector.extract %slice3A_2316[0] : f32 from vector<1xf32>
      %get3A_2318 = arith.constant 11 : i32
      %get3A_2319 = arith.index_cast %get3A_2318 : i32 to index
      %get3A_2320 = arith.constant 0 : index
      %get3A_2321 = tpu.vector_load %arg10[%get3A_2319, %get3A_2320] {strides = array<i32>} : memref<16x128xf32, #tpu.memory_space<vmem>>, vector<16xf32>,
      %mul3A_2322 = vector.broadcast %squeeze3A_2317 : f32 to vector<16xf32>
      %mul3A_2323 = arith.mulf %mul3A_2322, %get3A_2321 : vector<16xf32>
      %swap3A_2324 = arith.constant 11 : i32
      %swap3A_2325 = arith.index_cast %swap3A_2324 : i32 to index
      %swap3A_2326 = arith.constant 0 : index
      %swap3A_2327 = tpu.vector_load %arg12[%swap3A_2325, %swap3A_2326] {strides = array<i32>} : memref<16x128xf32, #tpu.memory_space<vmem>>, vector<16xf32>,
      tpu.vector_store %arg12[%swap3A_2325, %swap3A_2326], %mul3A_2323 {strides = array<i32>} : memref<16x128xf32, #tpu.memory_space<vmem>>, vector<16xf32>,
      %get3A_2328 = arith.constant 11 : i32
      %get3A_2329 = arith.index_cast %get3A_2328 : i32 to index
      %get3A_2330 = arith.constant 16 : index
      %get3A_2331 = tpu.vector_load %arg10[%get3A_2329, %get3A_2330] {strides = array<i32>} : memref<16x128xf32, #tpu.memory_space<vmem>>, vector<16xf32>,
      %mul3A_2332 = vector.broadcast %squeeze3A_2317 : f32 to vector<16xf32>
      %mul3A_2333 = arith.mulf %mul3A_2332, %get3A_2331 : vector<16xf32>
      %swap3A_2334 = arith.constant 11 : i32
      %swap3A_2335 = arith.index_cast %swap3A_2334 : i32 to index
      %swap3A_2336 = arith.constant 16 : index
      %swap3A_2337 = tpu.vector_load %arg12[%swap3A_2335, %swap3A_2336] {strides = array<i32>} : memref<16x128xf32, #tpu.memory_space<vmem>>, vector<16xf32>,
      tpu.vector_store %arg12[%swap3A_2335, %swap3A_2336], %mul3A_2333 {strides = array<i32>} : memref<16x128xf32, #tpu.memory_space<vmem>>, vector<16xf32>,
      %get3A_2338 = arith.constant 11 : i32
      %get3A_2339 = arith.index_cast %get3A_2338 : i32 to index
      %get3A_2340 = arith.constant 32 : index
      %get3A_2341 = tpu.vector_load %arg10[%get3A_2339, %get3A_2340] {strides = array<i32>} : memref<16x128xf32, #tpu.memory_space<vmem>>, vector<16xf32>,
      %mul3A_2342 = vector.broadcast %squeeze3A_2317 : f32 to vector<16xf32>
      %mul3A_2343 = arith.mulf %mul3A_2342, %get3A_2341 : vector<16xf32>
      %swap3A_2344 = arith.constant 11 : i32
      %swap3A_2345 = arith.index_cast %swap3A_2344 : i32 to index
      %swap3A_2346 = arith.constant 32 : index
      %swap3A_2347 = tpu.vector_load %arg12[%swap3A_2345, %swap3A_2346] {strides = array<i32>} : memref<16x128xf32, #tpu.memory_space<vmem>>, vector<16xf32>,
      tpu.vector_store %arg12[%swap3A_2345, %swap3A_2346], %mul3A_2343 {strides = array<i32>} : memref<16x128xf32, #tpu.memory_space<vmem>>, vector<16xf32>,
      %get3A_2348 = arith.constant 11 : i32
      %get3A_2349 = arith.index_cast %get3A_2348 : i32 to index
      %get3A_2350 = arith.constant 48 : index
      %get3A_2351 = tpu.vector_load %arg10[%get3A_2349, %get3A_2350] {strides = array<i32>} : memref<16x128xf32, #tpu.memory_space<vmem>>, vector<16xf32>,
      %mul3A_2352 = vector.broadcast %squeeze3A_2317 : f32 to vector<16xf32>
      %mul3A_2353 = arith.mulf %mul3A_2352, %get3A_2351 : vector<16xf32>
      %swap3A_2354 = arith.constant 11 : i32
      %swap3A_2355 = arith.index_cast %swap3A_2354 : i32 to index
      %swap3A_2356 = arith.constant 48 : index
      %swap3A_2357 = tpu.vector_load %arg12[%swap3A_2355, %swap3A_2356] {strides = array<i32>} : memref<16x128xf32, #tpu.memory_space<vmem>>, vector<16xf32>,
      tpu.vector_store %arg12[%swap3A_2355, %swap3A_2356], %mul3A_2353 {strides = array<i32>} : memref<16x128xf32, #tpu.memory_space<vmem>>, vector<16xf32>,
      %get3A_2358 = arith.constant 11 : i32
      %get3A_2359 = arith.index_cast %get3A_2358 : i32 to index
      %get3A_2360 = arith.constant 64 : index
      %get3A_2361 = tpu.vector_load %arg10[%get3A_2359, %get3A_2360] {strides = array<i32>} : memref<16x128xf32, #tpu.memory_space<vmem>>, vector<16xf32>,
      %mul3A_2362 = vector.broadcast %squeeze3A_2317 : f32 to vector<16xf32>
      %mul3A_2363 = arith.mulf %mul3A_2362, %get3A_2361 : vector<16xf32>
      %swap3A_2364 = arith.constant 11 : i32
      %swap3A_2365 = arith.index_cast %swap3A_2364 : i32 to index
      %swap3A_2366 = arith.constant 64 : index
      %swap3A_2367 = tpu.vector_load %arg12[%swap3A_2365, %swap3A_2366] {strides = array<i32>} : memref<16x128xf32, #tpu.memory_space<vmem>>, vector<16xf32>,
      tpu.vector_store %arg12[%swap3A_2365, %swap3A_2366], %mul3A_2363 {strides = array<i32>} : memref<16x128xf32, #tpu.memory_space<vmem>>, vector<16xf32>,
      %get3A_2368 = arith.constant 11 : i32
      %get3A_2369 = arith.index_cast %get3A_2368 : i32 to index
      %get3A_2370 = arith.constant 80 : index
      %get3A_2371 = tpu.vector_load %arg10[%get3A_2369, %get3A_2370] {strides = array<i32>} : memref<16x128xf32, #tpu.memory_space<vmem>>, vector<16xf32>,
      %mul3A_2372 = vector.broadcast %squeeze3A_2317 : f32 to vector<16xf32>
      %mul3A_2373 = arith.mulf %mul3A_2372, %get3A_2371 : vector<16xf32>
      %swap3A_2374 = arith.constant 11 : i32
      %swap3A_2375 = arith.index_cast %swap3A_2374 : i32 to index
      %swap3A_2376 = arith.constant 80 : index
      %swap3A_2377 = tpu.vector_load %arg12[%swap3A_2375, %swap3A_2376] {strides = array<i32>} : memref<16x128xf32, #tpu.memory_space<vmem>>, vector<16xf32>,
      tpu.vector_store %arg12[%swap3A_2375, %swap3A_2376], %mul3A_2373 {strides = array<i32>} : memref<16x128xf32, #tpu.memory_space<vmem>>, vector<16xf32>,
      %get3A_2378 = arith.constant 11 : i32
      %get3A_2379 = arith.index_cast %get3A_2378 : i32 to index
      %get3A_2380 = arith.constant 96 : index
      %get3A_2381 = tpu.vector_load %arg10[%get3A_2379, %get3A_2380] {strides = array<i32>} : memref<16x128xf32, #tpu.memory_space<vmem>>, vector<16xf32>,
      %mul3A_2382 = vector.broadcast %squeeze3A_2317 : f32 to vector<16xf32>
      %mul3A_2383 = arith.mulf %mul3A_2382, %get3A_2381 : vector<16xf32>
      %swap3A_2384 = arith.constant 11 : i32
      %swap3A_2385 = arith.index_cast %swap3A_2384 : i32 to index
      %swap3A_2386 = arith.constant 96 : index
      %swap3A_2387 = tpu.vector_load %arg12[%swap3A_2385, %swap3A_2386] {strides = array<i32>} : memref<16x128xf32, #tpu.memory_space<vmem>>, vector<16xf32>,
      tpu.vector_store %arg12[%swap3A_2385, %swap3A_2386], %mul3A_2383 {strides = array<i32>} : memref<16x128xf32, #tpu.memory_space<vmem>>, vector<16xf32>,
      %get3A_2388 = arith.constant 11 : i32
      %get3A_2389 = arith.index_cast %get3A_2388 : i32 to index
      %get3A_2390 = arith.constant 112 : index
      %get3A_2391 = tpu.vector_load %arg10[%get3A_2389, %get3A_2390] {strides = array<i32>} : memref<16x128xf32, #tpu.memory_space<vmem>>, vector<16xf32>,
      %mul3A_2392 = vector.broadcast %squeeze3A_2317 : f32 to vector<16xf32>
      %mul3A_2393 = arith.mulf %mul3A_2392, %get3A_2391 : vector<16xf32>
      %swap3A_2394 = arith.constant 11 : i32
      %swap3A_2395 = arith.index_cast %swap3A_2394 : i32 to index
      %swap3A_2396 = arith.constant 112 : index
      %swap3A_2397 = tpu.vector_load %arg12[%swap3A_2395, %swap3A_2396] {strides = array<i32>} : memref<16x128xf32, #tpu.memory_space<vmem>>, vector<16xf32>,
      tpu.vector_store %arg12[%swap3A_2395, %swap3A_2396], %mul3A_2393 {strides = array<i32>} : memref<16x128xf32, #tpu.memory_space<vmem>>, vector<16xf32>,
      %slice3A_2398 = vector.extract_strided_slice %get3A_1413 {offsets = [12], sizes = [1], strides = [1]} : vector<16xf32> to vector<1xf32>
      %squeeze3A_2399 = vector.extract %slice3A_2398[0] : f32 from vector<1xf32>
      %get3A_2400 = arith.constant 12 : i32
      %get3A_2401 = arith.index_cast %get3A_2400 : i32 to index
      %get3A_2402 = arith.constant 0 : index
      %get3A_2403 = tpu.vector_load %arg10[%get3A_2401, %get3A_2402] {strides = array<i32>} : memref<16x128xf32, #tpu.memory_space<vmem>>, vector<16xf32>,
      %mul3A_2404 = vector.broadcast %squeeze3A_2399 : f32 to vector<16xf32>
      %mul3A_2405 = arith.mulf %mul3A_2404, %get3A_2403 : vector<16xf32>
      %swap3A_2406 = arith.constant 12 : i32
      %swap3A_2407 = arith.index_cast %swap3A_2406 : i32 to index
      %swap3A_2408 = arith.constant 0 : index
      %swap3A_2409 = tpu.vector_load %arg12[%swap3A_2407, %swap3A_2408] {strides = array<i32>} : memref<16x128xf32, #tpu.memory_space<vmem>>, vector<16xf32>,
      tpu.vector_store %arg12[%swap3A_2407, %swap3A_2408], %mul3A_2405 {strides = array<i32>} : memref<16x128xf32, #tpu.memory_space<vmem>>, vector<16xf32>,
      %get3A_2410 = arith.constant 12 : i32
      %get3A_2411 = arith.index_cast %get3A_2410 : i32 to index
      %get3A_2412 = arith.constant 16 : index
      %get3A_2413 = tpu.vector_load %arg10[%get3A_2411, %get3A_2412] {strides = array<i32>} : memref<16x128xf32, #tpu.memory_space<vmem>>, vector<16xf32>,
      %mul3A_2414 = vector.broadcast %squeeze3A_2399 : f32 to vector<16xf32>
      %mul3A_2415 = arith.mulf %mul3A_2414, %get3A_2413 : vector<16xf32>
      %swap3A_2416 = arith.constant 12 : i32
      %swap3A_2417 = arith.index_cast %swap3A_2416 : i32 to index
      %swap3A_2418 = arith.constant 16 : index
      %swap3A_2419 = tpu.vector_load %arg12[%swap3A_2417, %swap3A_2418] {strides = array<i32>} : memref<16x128xf32, #tpu.memory_space<vmem>>, vector<16xf32>,
      tpu.vector_store %arg12[%swap3A_2417, %swap3A_2418], %mul3A_2415 {strides = array<i32>} : memref<16x128xf32, #tpu.memory_space<vmem>>, vector<16xf32>,
      %get3A_2420 = arith.constant 12 : i32
      %get3A_2421 = arith.index_cast %get3A_2420 : i32 to index
      %get3A_2422 = arith.constant 32 : index
      %get3A_2423 = tpu.vector_load %arg10[%get3A_2421, %get3A_2422] {strides = array<i32>} : memref<16x128xf32, #tpu.memory_space<vmem>>, vector<16xf32>,
      %mul3A_2424 = vector.broadcast %squeeze3A_2399 : f32 to vector<16xf32>
      %mul3A_2425 = arith.mulf %mul3A_2424, %get3A_2423 : vector<16xf32>
      %swap3A_2426 = arith.constant 12 : i32
      %swap3A_2427 = arith.index_cast %swap3A_2426 : i32 to index
      %swap3A_2428 = arith.constant 32 : index
      %swap3A_2429 = tpu.vector_load %arg12[%swap3A_2427, %swap3A_2428] {strides = array<i32>} : memref<16x128xf32, #tpu.memory_space<vmem>>, vector<16xf32>,
      tpu.vector_store %arg12[%swap3A_2427, %swap3A_2428], %mul3A_2425 {strides = array<i32>} : memref<16x128xf32, #tpu.memory_space<vmem>>, vector<16xf32>,
      %get3A_2430 = arith.constant 12 : i32
      %get3A_2431 = arith.index_cast %get3A_2430 : i32 to index
      %get3A_2432 = arith.constant 48 : index
      %get3A_2433 = tpu.vector_load %arg10[%get3A_2431, %get3A_2432] {strides = array<i32>} : memref<16x128xf32, #tpu.memory_space<vmem>>, vector<16xf32>,
      %mul3A_2434 = vector.broadcast %squeeze3A_2399 : f32 to vector<16xf32>
      %mul3A_2435 = arith.mulf %mul3A_2434, %get3A_2433 : vector<16xf32>
      %swap3A_2436 = arith.constant 12 : i32
      %swap3A_2437 = arith.index_cast %swap3A_2436 : i32 to index
      %swap3A_2438 = arith.constant 48 : index
      %swap3A_2439 = tpu.vector_load %arg12[%swap3A_2437, %swap3A_2438] {strides = array<i32>} : memref<16x128xf32, #tpu.memory_space<vmem>>, vector<16xf32>,
      tpu.vector_store %arg12[%swap3A_2437, %swap3A_2438], %mul3A_2435 {strides = array<i32>} : memref<16x128xf32, #tpu.memory_space<vmem>>, vector<16xf32>,
      %get3A_2440 = arith.constant 12 : i32
      %get3A_2441 = arith.index_cast %get3A_2440 : i32 to index
      %get3A_2442 = arith.constant 64 : index
      %get3A_2443 = tpu.vector_load %arg10[%get3A_2441, %get3A_2442] {strides = array<i32>} : memref<16x128xf32, #tpu.memory_space<vmem>>, vector<16xf32>,
      %mul3A_2444 = vector.broadcast %squeeze3A_2399 : f32 to vector<16xf32>
      %mul3A_2445 = arith.mulf %mul3A_2444, %get3A_2443 : vector<16xf32>
      %swap3A_2446 = arith.constant 12 : i32
      %swap3A_2447 = arith.index_cast %swap3A_2446 : i32 to index
      %swap3A_2448 = arith.constant 64 : index
      %swap3A_2449 = tpu.vector_load %arg12[%swap3A_2447, %swap3A_2448] {strides = array<i32>} : memref<16x128xf32, #tpu.memory_space<vmem>>, vector<16xf32>,
      tpu.vector_store %arg12[%swap3A_2447, %swap3A_2448], %mul3A_2445 {strides = array<i32>} : memref<16x128xf32, #tpu.memory_space<vmem>>, vector<16xf32>,
      %get3A_2450 = arith.constant 12 : i32
      %get3A_2451 = arith.index_cast %get3A_2450 : i32 to index
      %get3A_2452 = arith.constant 80 : index
      %get3A_2453 = tpu.vector_load %arg10[%get3A_2451, %get3A_2452] {strides = array<i32>} : memref<16x128xf32, #tpu.memory_space<vmem>>, vector<16xf32>,
      %mul3A_2454 = vector.broadcast %squeeze3A_2399 : f32 to vector<16xf32>
      %mul3A_2455 = arith.mulf %mul3A_2454, %get3A_2453 : vector<16xf32>
      %swap3A_2456 = arith.constant 12 : i32
      %swap3A_2457 = arith.index_cast %swap3A_2456 : i32 to index
      %swap3A_2458 = arith.constant 80 : index
      %swap3A_2459 = tpu.vector_load %arg12[%swap3A_2457, %swap3A_2458] {strides = array<i32>} : memref<16x128xf32, #tpu.memory_space<vmem>>, vector<16xf32>,
      tpu.vector_store %arg12[%swap3A_2457, %swap3A_2458], %mul3A_2455 {strides = array<i32>} : memref<16x128xf32, #tpu.memory_space<vmem>>, vector<16xf32>,
      %get3A_2460 = arith.constant 12 : i32
      %get3A_2461 = arith.index_cast %get3A_2460 : i32 to index
      %get3A_2462 = arith.constant 96 : index
      %get3A_2463 = tpu.vector_load %arg10[%get3A_2461, %get3A_2462] {strides = array<i32>} : memref<16x128xf32, #tpu.memory_space<vmem>>, vector<16xf32>,
      %mul3A_2464 = vector.broadcast %squeeze3A_2399 : f32 to vector<16xf32>
      %mul3A_2465 = arith.mulf %mul3A_2464, %get3A_2463 : vector<16xf32>
      %swap3A_2466 = arith.constant 12 : i32
      %swap3A_2467 = arith.index_cast %swap3A_2466 : i32 to index
      %swap3A_2468 = arith.constant 96 : index
      %swap3A_2469 = tpu.vector_load %arg12[%swap3A_2467, %swap3A_2468] {strides = array<i32>} : memref<16x128xf32, #tpu.memory_space<vmem>>, vector<16xf32>,
      tpu.vector_store %arg12[%swap3A_2467, %swap3A_2468], %mul3A_2465 {strides = array<i32>} : memref<16x128xf32, #tpu.memory_space<vmem>>, vector<16xf32>,
      %get3A_2470 = arith.constant 12 : i32
      %get3A_2471 = arith.index_cast %get3A_2470 : i32 to index
      %get3A_2472 = arith.constant 112 : index
      %get3A_2473 = tpu.vector_load %arg10[%get3A_2471, %get3A_2472] {strides = array<i32>} : memref<16x128xf32, #tpu.memory_space<vmem>>, vector<16xf32>,
      %mul3A_2474 = vector.broadcast %squeeze3A_2399 : f32 to vector<16xf32>
      %mul3A_2475 = arith.mulf %mul3A_2474, %get3A_2473 : vector<16xf32>
      %swap3A_2476 = arith.constant 12 : i32
      %swap3A_2477 = arith.index_cast %swap3A_2476 : i32 to index
      %swap3A_2478 = arith.constant 112 : index
      %swap3A_2479 = tpu.vector_load %arg12[%swap3A_2477, %swap3A_2478] {strides = array<i32>} : memref<16x128xf32, #tpu.memory_space<vmem>>, vector<16xf32>,
      tpu.vector_store %arg12[%swap3A_2477, %swap3A_2478], %mul3A_2475 {strides = array<i32>} : memref<16x128xf32, #tpu.memory_space<vmem>>, vector<16xf32>,
      %slice3A_2480 = vector.extract_strided_slice %get3A_1413 {offsets = [13], sizes = [1], strides = [1]} : vector<16xf32> to vector<1xf32>
      %squeeze3A_2481 = vector.extract %slice3A_2480[0] : f32 from vector<1xf32>
      %get3A_2482 = arith.constant 13 : i32
      %get3A_2483 = arith.index_cast %get3A_2482 : i32 to index
      %get3A_2484 = arith.constant 0 : index
      %get3A_2485 = tpu.vector_load %arg10[%get3A_2483, %get3A_2484] {strides = array<i32>} : memref<16x128xf32, #tpu.memory_space<vmem>>, vector<16xf32>,
      %mul3A_2486 = vector.broadcast %squeeze3A_2481 : f32 to vector<16xf32>
      %mul3A_2487 = arith.mulf %mul3A_2486, %get3A_2485 : vector<16xf32>
      %swap3A_2488 = arith.constant 13 : i32
      %swap3A_2489 = arith.index_cast %swap3A_2488 : i32 to index
      %swap3A_2490 = arith.constant 0 : index
      %swap3A_2491 = tpu.vector_load %arg12[%swap3A_2489, %swap3A_2490] {strides = array<i32>} : memref<16x128xf32, #tpu.memory_space<vmem>>, vector<16xf32>,
      tpu.vector_store %arg12[%swap3A_2489, %swap3A_2490], %mul3A_2487 {strides = array<i32>} : memref<16x128xf32, #tpu.memory_space<vmem>>, vector<16xf32>,
      %get3A_2492 = arith.constant 13 : i32
      %get3A_2493 = arith.index_cast %get3A_2492 : i32 to index
      %get3A_2494 = arith.constant 16 : index
      %get3A_2495 = tpu.vector_load %arg10[%get3A_2493, %get3A_2494] {strides = array<i32>} : memref<16x128xf32, #tpu.memory_space<vmem>>, vector<16xf32>,
      %mul3A_2496 = vector.broadcast %squeeze3A_2481 : f32 to vector<16xf32>
      %mul3A_2497 = arith.mulf %mul3A_2496, %get3A_2495 : vector<16xf32>
      %swap3A_2498 = arith.constant 13 : i32
      %swap3A_2499 = arith.index_cast %swap3A_2498 : i32 to index
      %swap3A_2500 = arith.constant 16 : index
      %swap3A_2501 = tpu.vector_load %arg12[%swap3A_2499, %swap3A_2500] {strides = array<i32>} : memref<16x128xf32, #tpu.memory_space<vmem>>, vector<16xf32>,
      tpu.vector_store %arg12[%swap3A_2499, %swap3A_2500], %mul3A_2497 {strides = array<i32>} : memref<16x128xf32, #tpu.memory_space<vmem>>, vector<16xf32>,
      %get3A_2502 = arith.constant 13 : i32
      %get3A_2503 = arith.index_cast %get3A_2502 : i32 to index
      %get3A_2504 = arith.constant 32 : index
      %get3A_2505 = tpu.vector_load %arg10[%get3A_2503, %get3A_2504] {strides = array<i32>} : memref<16x128xf32, #tpu.memory_space<vmem>>, vector<16xf32>,
      %mul3A_2506 = vector.broadcast %squeeze3A_2481 : f32 to vector<16xf32>
      %mul3A_2507 = arith.mulf %mul3A_2506, %get3A_2505 : vector<16xf32>
      %swap3A_2508 = arith.constant 13 : i32
      %swap3A_2509 = arith.index_cast %swap3A_2508 : i32 to index
      %swap3A_2510 = arith.constant 32 : index
      %swap3A_2511 = tpu.vector_load %arg12[%swap3A_2509, %swap3A_2510] {strides = array<i32>} : memref<16x128xf32, #tpu.memory_space<vmem>>, vector<16xf32>,
      tpu.vector_store %arg12[%swap3A_2509, %swap3A_2510], %mul3A_2507 {strides = array<i32>} : memref<16x128xf32, #tpu.memory_space<vmem>>, vector<16xf32>,
      %get3A_2512 = arith.constant 13 : i32
      %get3A_2513 = arith.index_cast %get3A_2512 : i32 to index
      %get3A_2514 = arith.constant 48 : index
      %get3A_2515 = tpu.vector_load %arg10[%get3A_2513, %get3A_2514] {strides = array<i32>} : memref<16x128xf32, #tpu.memory_space<vmem>>, vector<16xf32>,
      %mul3A_2516 = vector.broadcast %squeeze3A_2481 : f32 to vector<16xf32>
      %mul3A_2517 = arith.mulf %mul3A_2516, %get3A_2515 : vector<16xf32>
      %swap3A_2518 = arith.constant 13 : i32
      %swap3A_2519 = arith.index_cast %swap3A_2518 : i32 to index
      %swap3A_2520 = arith.constant 48 : index
      %swap3A_2521 = tpu.vector_load %arg12[%swap3A_2519, %swap3A_2520] {strides = array<i32>} : memref<16x128xf32, #tpu.memory_space<vmem>>, vector<16xf32>,
      tpu.vector_store %arg12[%swap3A_2519, %swap3A_2520], %mul3A_2517 {strides = array<i32>} : memref<16x128xf32, #tpu.memory_space<vmem>>, vector<16xf32>,
      %get3A_2522 = arith.constant 13 : i32
      %get3A_2523 = arith.index_cast %get3A_2522 : i32 to index
      %get3A_2524 = arith.constant 64 : index
      %get3A_2525 = tpu.vector_load %arg10[%get3A_2523, %get3A_2524] {strides = array<i32>} : memref<16x128xf32, #tpu.memory_space<vmem>>, vector<16xf32>,
      %mul3A_2526 = vector.broadcast %squeeze3A_2481 : f32 to vector<16xf32>
      %mul3A_2527 = arith.mulf %mul3A_2526, %get3A_2525 : vector<16xf32>
      %swap3A_2528 = arith.constant 13 : i32
      %swap3A_2529 = arith.index_cast %swap3A_2528 : i32 to index
      %swap3A_2530 = arith.constant 64 : index
      %swap3A_2531 = tpu.vector_load %arg12[%swap3A_2529, %swap3A_2530] {strides = array<i32>} : memref<16x128xf32, #tpu.memory_space<vmem>>, vector<16xf32>,
      tpu.vector_store %arg12[%swap3A_2529, %swap3A_2530], %mul3A_2527 {strides = array<i32>} : memref<16x128xf32, #tpu.memory_space<vmem>>, vector<16xf32>,
      %get3A_2532 = arith.constant 13 : i32
      %get3A_2533 = arith.index_cast %get3A_2532 : i32 to index
      %get3A_2534 = arith.constant 80 : index
      %get3A_2535 = tpu.vector_load %arg10[%get3A_2533, %get3A_2534] {strides = array<i32>} : memref<16x128xf32, #tpu.memory_space<vmem>>, vector<16xf32>,
      %mul3A_2536 = vector.broadcast %squeeze3A_2481 : f32 to vector<16xf32>
      %mul3A_2537 = arith.mulf %mul3A_2536, %get3A_2535 : vector<16xf32>
      %swap3A_2538 = arith.constant 13 : i32
      %swap3A_2539 = arith.index_cast %swap3A_2538 : i32 to index
      %swap3A_2540 = arith.constant 80 : index
      %swap3A_2541 = tpu.vector_load %arg12[%swap3A_2539, %swap3A_2540] {strides = array<i32>} : memref<16x128xf32, #tpu.memory_space<vmem>>, vector<16xf32>,
      tpu.vector_store %arg12[%swap3A_2539, %swap3A_2540], %mul3A_2537 {strides = array<i32>} : memref<16x128xf32, #tpu.memory_space<vmem>>, vector<16xf32>,
      %get3A_2542 = arith.constant 13 : i32
      %get3A_2543 = arith.index_cast %get3A_2542 : i32 to index
      %get3A_2544 = arith.constant 96 : index
      %get3A_2545 = tpu.vector_load %arg10[%get3A_2543, %get3A_2544] {strides = array<i32>} : memref<16x128xf32, #tpu.memory_space<vmem>>, vector<16xf32>,
      %mul3A_2546 = vector.broadcast %squeeze3A_2481 : f32 to vector<16xf32>
      %mul3A_2547 = arith.mulf %mul3A_2546, %get3A_2545 : vector<16xf32>
      %swap3A_2548 = arith.constant 13 : i32
      %swap3A_2549 = arith.index_cast %swap3A_2548 : i32 to index
      %swap3A_2550 = arith.constant 96 : index
      %swap3A_2551 = tpu.vector_load %arg12[%swap3A_2549, %swap3A_2550] {strides = array<i32>} : memref<16x128xf32, #tpu.memory_space<vmem>>, vector<16xf32>,
      tpu.vector_store %arg12[%swap3A_2549, %swap3A_2550], %mul3A_2547 {strides = array<i32>} : memref<16x128xf32, #tpu.memory_space<vmem>>, vector<16xf32>,
      %get3A_2552 = arith.constant 13 : i32
      %get3A_2553 = arith.index_cast %get3A_2552 : i32 to index
      %get3A_2554 = arith.constant 112 : index
      %get3A_2555 = tpu.vector_load %arg10[%get3A_2553, %get3A_2554] {strides = array<i32>} : memref<16x128xf32, #tpu.memory_space<vmem>>, vector<16xf32>,
      %mul3A_2556 = vector.broadcast %squeeze3A_2481 : f32 to vector<16xf32>
      %mul3A_2557 = arith.mulf %mul3A_2556, %get3A_2555 : vector<16xf32>
      %swap3A_2558 = arith.constant 13 : i32
      %swap3A_2559 = arith.index_cast %swap3A_2558 : i32 to index
      %swap3A_2560 = arith.constant 112 : index
      %swap3A_2561 = tpu.vector_load %arg12[%swap3A_2559, %swap3A_2560] {strides = array<i32>} : memref<16x128xf32, #tpu.memory_space<vmem>>, vector<16xf32>,
      tpu.vector_store %arg12[%swap3A_2559, %swap3A_2560], %mul3A_2557 {strides = array<i32>} : memref<16x128xf32, #tpu.memory_space<vmem>>, vector<16xf32>,
      %slice3A_2562 = vector.extract_strided_slice %get3A_1413 {offsets = [14], sizes = [1], strides = [1]} : vector<16xf32> to vector<1xf32>
      %squeeze3A_2563 = vector.extract %slice3A_2562[0] : f32 from vector<1xf32>
      %get3A_2564 = arith.constant 14 : i32
      %get3A_2565 = arith.index_cast %get3A_2564 : i32 to index
      %get3A_2566 = arith.constant 0 : index
      %get3A_2567 = tpu.vector_load %arg10[%get3A_2565, %get3A_2566] {strides = array<i32>} : memref<16x128xf32, #tpu.memory_space<vmem>>, vector<16xf32>,
      %mul3A_2568 = vector.broadcast %squeeze3A_2563 : f32 to vector<16xf32>
      %mul3A_2569 = arith.mulf %mul3A_2568, %get3A_2567 : vector<16xf32>
      %swap3A_2570 = arith.constant 14 : i32
      %swap3A_2571 = arith.index_cast %swap3A_2570 : i32 to index
      %swap3A_2572 = arith.constant 0 : index
      %swap3A_2573 = tpu.vector_load %arg12[%swap3A_2571, %swap3A_2572] {strides = array<i32>} : memref<16x128xf32, #tpu.memory_space<vmem>>, vector<16xf32>,
      tpu.vector_store %arg12[%swap3A_2571, %swap3A_2572], %mul3A_2569 {strides = array<i32>} : memref<16x128xf32, #tpu.memory_space<vmem>>, vector<16xf32>,
      %get3A_2574 = arith.constant 14 : i32
      %get3A_2575 = arith.index_cast %get3A_2574 : i32 to index
      %get3A_2576 = arith.constant 16 : index
      %get3A_2577 = tpu.vector_load %arg10[%get3A_2575, %get3A_2576] {strides = array<i32>} : memref<16x128xf32, #tpu.memory_space<vmem>>, vector<16xf32>,
      %mul3A_2578 = vector.broadcast %squeeze3A_2563 : f32 to vector<16xf32>
      %mul3A_2579 = arith.mulf %mul3A_2578, %get3A_2577 : vector<16xf32>
      %swap3A_2580 = arith.constant 14 : i32
      %swap3A_2581 = arith.index_cast %swap3A_2580 : i32 to index
      %swap3A_2582 = arith.constant 16 : index
      %swap3A_2583 = tpu.vector_load %arg12[%swap3A_2581, %swap3A_2582] {strides = array<i32>} : memref<16x128xf32, #tpu.memory_space<vmem>>, vector<16xf32>,
      tpu.vector_store %arg12[%swap3A_2581, %swap3A_2582], %mul3A_2579 {strides = array<i32>} : memref<16x128xf32, #tpu.memory_space<vmem>>, vector<16xf32>,
      %get3A_2584 = arith.constant 14 : i32
      %get3A_2585 = arith.index_cast %get3A_2584 : i32 to index
      %get3A_2586 = arith.constant 32 : index
      %get3A_2587 = tpu.vector_load %arg10[%get3A_2585, %get3A_2586] {strides = array<i32>} : memref<16x128xf32, #tpu.memory_space<vmem>>, vector<16xf32>,
      %mul3A_2588 = vector.broadcast %squeeze3A_2563 : f32 to vector<16xf32>
      %mul3A_2589 = arith.mulf %mul3A_2588, %get3A_2587 : vector<16xf32>
      %swap3A_2590 = arith.constant 14 : i32
      %swap3A_2591 = arith.index_cast %swap3A_2590 : i32 to index
      %swap3A_2592 = arith.constant 32 : index
      %swap3A_2593 = tpu.vector_load %arg12[%swap3A_2591, %swap3A_2592] {strides = array<i32>} : memref<16x128xf32, #tpu.memory_space<vmem>>, vector<16xf32>,
      tpu.vector_store %arg12[%swap3A_2591, %swap3A_2592], %mul3A_2589 {strides = array<i32>} : memref<16x128xf32, #tpu.memory_space<vmem>>, vector<16xf32>,
      %get3A_2594 = arith.constant 14 : i32
      %get3A_2595 = arith.index_cast %get3A_2594 : i32 to index
      %get3A_2596 = arith.constant 48 : index
      %get3A_2597 = tpu.vector_load %arg10[%get3A_2595, %get3A_2596] {strides = array<i32>} : memref<16x128xf32, #tpu.memory_space<vmem>>, vector<16xf32>,
      %mul3A_2598 = vector.broadcast %squeeze3A_2563 : f32 to vector<16xf32>
      %mul3A_2599 = arith.mulf %mul3A_2598, %get3A_2597 : vector<16xf32>
      %swap3A_2600 = arith.constant 14 : i32
      %swap3A_2601 = arith.index_cast %swap3A_2600 : i32 to index
      %swap3A_2602 = arith.constant 48 : index
      %swap3A_2603 = tpu.vector_load %arg12[%swap3A_2601, %swap3A_2602] {strides = array<i32>} : memref<16x128xf32, #tpu.memory_space<vmem>>, vector<16xf32>,
      tpu.vector_store %arg12[%swap3A_2601, %swap3A_2602], %mul3A_2599 {strides = array<i32>} : memref<16x128xf32, #tpu.memory_space<vmem>>, vector<16xf32>,
      %get3A_2604 = arith.constant 14 : i32
      %get3A_2605 = arith.index_cast %get3A_2604 : i32 to index
      %get3A_2606 = arith.constant 64 : index
      %get3A_2607 = tpu.vector_load %arg10[%get3A_2605, %get3A_2606] {strides = array<i32>} : memref<16x128xf32, #tpu.memory_space<vmem>>, vector<16xf32>,
      %mul3A_2608 = vector.broadcast %squeeze3A_2563 : f32 to vector<16xf32>
      %mul3A_2609 = arith.mulf %mul3A_2608, %get3A_2607 : vector<16xf32>
      %swap3A_2610 = arith.constant 14 : i32
      %swap3A_2611 = arith.index_cast %swap3A_2610 : i32 to index
      %swap3A_2612 = arith.constant 64 : index
      %swap3A_2613 = tpu.vector_load %arg12[%swap3A_2611, %swap3A_2612] {strides = array<i32>} : memref<16x128xf32, #tpu.memory_space<vmem>>, vector<16xf32>,
      tpu.vector_store %arg12[%swap3A_2611, %swap3A_2612], %mul3A_2609 {strides = array<i32>} : memref<16x128xf32, #tpu.memory_space<vmem>>, vector<16xf32>,
      %get3A_2614 = arith.constant 14 : i32
      %get3A_2615 = arith.index_cast %get3A_2614 : i32 to index
      %get3A_2616 = arith.constant 80 : index
      %get3A_2617 = tpu.vector_load %arg10[%get3A_2615, %get3A_2616] {strides = array<i32>} : memref<16x128xf32, #tpu.memory_space<vmem>>, vector<16xf32>,
      %mul3A_2618 = vector.broadcast %squeeze3A_2563 : f32 to vector<16xf32>
      %mul3A_2619 = arith.mulf %mul3A_2618, %get3A_2617 : vector<16xf32>
      %swap3A_2620 = arith.constant 14 : i32
      %swap3A_2621 = arith.index_cast %swap3A_2620 : i32 to index
      %swap3A_2622 = arith.constant 80 : index
      %swap3A_2623 = tpu.vector_load %arg12[%swap3A_2621, %swap3A_2622] {strides = array<i32>} : memref<16x128xf32, #tpu.memory_space<vmem>>, vector<16xf32>,
      tpu.vector_store %arg12[%swap3A_2621, %swap3A_2622], %mul3A_2619 {strides = array<i32>} : memref<16x128xf32, #tpu.memory_space<vmem>>, vector<16xf32>,
      %get3A_2624 = arith.constant 14 : i32
      %get3A_2625 = arith.index_cast %get3A_2624 : i32 to index
      %get3A_2626 = arith.constant 96 : index
      %get3A_2627 = tpu.vector_load %arg10[%get3A_2625, %get3A_2626] {strides = array<i32>} : memref<16x128xf32, #tpu.memory_space<vmem>>, vector<16xf32>,
      %mul3A_2628 = vector.broadcast %squeeze3A_2563 : f32 to vector<16xf32>
      %mul3A_2629 = arith.mulf %mul3A_2628, %get3A_2627 : vector<16xf32>
      %swap3A_2630 = arith.constant 14 : i32
      %swap3A_2631 = arith.index_cast %swap3A_2630 : i32 to index
      %swap3A_2632 = arith.constant 96 : index
      %swap3A_2633 = tpu.vector_load %arg12[%swap3A_2631, %swap3A_2632] {strides = array<i32>} : memref<16x128xf32, #tpu.memory_space<vmem>>, vector<16xf32>,
      tpu.vector_store %arg12[%swap3A_2631, %swap3A_2632], %mul3A_2629 {strides = array<i32>} : memref<16x128xf32, #tpu.memory_space<vmem>>, vector<16xf32>,
      %get3A_2634 = arith.constant 14 : i32
      %get3A_2635 = arith.index_cast %get3A_2634 : i32 to index
      %get3A_2636 = arith.constant 112 : index
      %get3A_2637 = tpu.vector_load %arg10[%get3A_2635, %get3A_2636] {strides = array<i32>} : memref<16x128xf32, #tpu.memory_space<vmem>>, vector<16xf32>,
      %mul3A_2638 = vector.broadcast %squeeze3A_2563 : f32 to vector<16xf32>
      %mul3A_2639 = arith.mulf %mul3A_2638, %get3A_2637 : vector<16xf32>
      %swap3A_2640 = arith.constant 14 : i32
      %swap3A_2641 = arith.index_cast %swap3A_2640 : i32 to index
      %swap3A_2642 = arith.constant 112 : index
      %swap3A_2643 = tpu.vector_load %arg12[%swap3A_2641, %swap3A_2642] {strides = array<i32>} : memref<16x128xf32, #tpu.memory_space<vmem>>, vector<16xf32>,
      tpu.vector_store %arg12[%swap3A_2641, %swap3A_2642], %mul3A_2639 {strides = array<i32>} : memref<16x128xf32, #tpu.memory_space<vmem>>, vector<16xf32>,
      %slice3A_2644 = vector.extract_strided_slice %get3A_1413 {offsets = [15], sizes = [1], strides = [1]} : vector<16xf32> to vector<1xf32>
      %squeeze3A_2645 = vector.extract %slice3A_2644[0] : f32 from vector<1xf32>
      %get3A_2646 = arith.constant 15 : i32
      %get3A_2647 = arith.index_cast %get3A_2646 : i32 to index
      %get3A_2648 = arith.constant 0 : index
      %get3A_2649 = tpu.vector_load %arg10[%get3A_2647, %get3A_2648] {strides = array<i32>} : memref<16x128xf32, #tpu.memory_space<vmem>>, vector<16xf32>,
      %mul3A_2650 = vector.broadcast %squeeze3A_2645 : f32 to vector<16xf32>
      %mul3A_2651 = arith.mulf %mul3A_2650, %get3A_2649 : vector<16xf32>
      %swap3A_2652 = arith.constant 15 : i32
      %swap3A_2653 = arith.index_cast %swap3A_2652 : i32 to index
      %swap3A_2654 = arith.constant 0 : index
      %swap3A_2655 = tpu.vector_load %arg12[%swap3A_2653, %swap3A_2654] {strides = array<i32>} : memref<16x128xf32, #tpu.memory_space<vmem>>, vector<16xf32>,
      tpu.vector_store %arg12[%swap3A_2653, %swap3A_2654], %mul3A_2651 {strides = array<i32>} : memref<16x128xf32, #tpu.memory_space<vmem>>, vector<16xf32>,
      %get3A_2656 = arith.constant 15 : i32
      %get3A_2657 = arith.index_cast %get3A_2656 : i32 to index
      %get3A_2658 = arith.constant 16 : index
      %get3A_2659 = tpu.vector_load %arg10[%get3A_2657, %get3A_2658] {strides = array<i32>} : memref<16x128xf32, #tpu.memory_space<vmem>>, vector<16xf32>,
      %mul3A_2660 = vector.broadcast %squeeze3A_2645 : f32 to vector<16xf32>
      %mul3A_2661 = arith.mulf %mul3A_2660, %get3A_2659 : vector<16xf32>
      %swap3A_2662 = arith.constant 15 : i32
      %swap3A_2663 = arith.index_cast %swap3A_2662 : i32 to index
      %swap3A_2664 = arith.constant 16 : index
      %swap3A_2665 = tpu.vector_load %arg12[%swap3A_2663, %swap3A_2664] {strides = array<i32>} : memref<16x128xf32, #tpu.memory_space<vmem>>, vector<16xf32>,
      tpu.vector_store %arg12[%swap3A_2663, %swap3A_2664], %mul3A_2661 {strides = array<i32>} : memref<16x128xf32, #tpu.memory_space<vmem>>, vector<16xf32>,
      %get3A_2666 = arith.constant 15 : i32
      %get3A_2667 = arith.index_cast %get3A_2666 : i32 to index
      %get3A_2668 = arith.constant 32 : index
      %get3A_2669 = tpu.vector_load %arg10[%get3A_2667, %get3A_2668] {strides = array<i32>} : memref<16x128xf32, #tpu.memory_space<vmem>>, vector<16xf32>,
      %mul3A_2670 = vector.broadcast %squeeze3A_2645 : f32 to vector<16xf32>
      %mul3A_2671 = arith.mulf %mul3A_2670, %get3A_2669 : vector<16xf32>
      %swap3A_2672 = arith.constant 15 : i32
      %swap3A_2673 = arith.index_cast %swap3A_2672 : i32 to index
      %swap3A_2674 = arith.constant 32 : index
      %swap3A_2675 = tpu.vector_load %arg12[%swap3A_2673, %swap3A_2674] {strides = array<i32>} : memref<16x128xf32, #tpu.memory_space<vmem>>, vector<16xf32>,
      tpu.vector_store %arg12[%swap3A_2673, %swap3A_2674], %mul3A_2671 {strides = array<i32>} : memref<16x128xf32, #tpu.memory_space<vmem>>, vector<16xf32>,
      %get3A_2676 = arith.constant 15 : i32
      %get3A_2677 = arith.index_cast %get3A_2676 : i32 to index
      %get3A_2678 = arith.constant 48 : index
      %get3A_2679 = tpu.vector_load %arg10[%get3A_2677, %get3A_2678] {strides = array<i32>} : memref<16x128xf32, #tpu.memory_space<vmem>>, vector<16xf32>,
      %mul3A_2680 = vector.broadcast %squeeze3A_2645 : f32 to vector<16xf32>
      %mul3A_2681 = arith.mulf %mul3A_2680, %get3A_2679 : vector<16xf32>
      %swap3A_2682 = arith.constant 15 : i32
      %swap3A_2683 = arith.index_cast %swap3A_2682 : i32 to index
      %swap3A_2684 = arith.constant 48 : index
      %swap3A_2685 = tpu.vector_load %arg12[%swap3A_2683, %swap3A_2684] {strides = array<i32>} : memref<16x128xf32, #tpu.memory_space<vmem>>, vector<16xf32>,
      tpu.vector_store %arg12[%swap3A_2683, %swap3A_2684], %mul3A_2681 {strides = array<i32>} : memref<16x128xf32, #tpu.memory_space<vmem>>, vector<16xf32>,
      %get3A_2686 = arith.constant 15 : i32
      %get3A_2687 = arith.index_cast %get3A_2686 : i32 to index
      %get3A_2688 = arith.constant 64 : index
      %get3A_2689 = tpu.vector_load %arg10[%get3A_2687, %get3A_2688] {strides = array<i32>} : memref<16x128xf32, #tpu.memory_space<vmem>>, vector<16xf32>,
      %mul3A_2690 = vector.broadcast %squeeze3A_2645 : f32 to vector<16xf32>
      %mul3A_2691 = arith.mulf %mul3A_2690, %get3A_2689 : vector<16xf32>
      %swap3A_2692 = arith.constant 15 : i32
      %swap3A_2693 = arith.index_cast %swap3A_2692 : i32 to index
      %swap3A_2694 = arith.constant 64 : index
      %swap3A_2695 = tpu.vector_load %arg12[%swap3A_2693, %swap3A_2694] {strides = array<i32>} : memref<16x128xf32, #tpu.memory_space<vmem>>, vector<16xf32>,
      tpu.vector_store %arg12[%swap3A_2693, %swap3A_2694], %mul3A_2691 {strides = array<i32>} : memref<16x128xf32, #tpu.memory_space<vmem>>, vector<16xf32>,
      %get3A_2696 = arith.constant 15 : i32
      %get3A_2697 = arith.index_cast %get3A_2696 : i32 to index
      %get3A_2698 = arith.constant 80 : index
      %get3A_2699 = tpu.vector_load %arg10[%get3A_2697, %get3A_2698] {strides = array<i32>} : memref<16x128xf32, #tpu.memory_space<vmem>>, vector<16xf32>,
      %mul3A_2700 = vector.broadcast %squeeze3A_2645 : f32 to vector<16xf32>
      %mul3A_2701 = arith.mulf %mul3A_2700, %get3A_2699 : vector<16xf32>
      %swap3A_2702 = arith.constant 15 : i32
      %swap3A_2703 = arith.index_cast %swap3A_2702 : i32 to index
      %swap3A_2704 = arith.constant 80 : index
      %swap3A_2705 = tpu.vector_load %arg12[%swap3A_2703, %swap3A_2704] {strides = array<i32>} : memref<16x128xf32, #tpu.memory_space<vmem>>, vector<16xf32>,
      tpu.vector_store %arg12[%swap3A_2703, %swap3A_2704], %mul3A_2701 {strides = array<i32>} : memref<16x128xf32, #tpu.memory_space<vmem>>, vector<16xf32>,
      %get3A_2706 = arith.constant 15 : i32
      %get3A_2707 = arith.index_cast %get3A_2706 : i32 to index
      %get3A_2708 = arith.constant 96 : index
      %get3A_2709 = tpu.vector_load %arg10[%get3A_2707, %get3A_2708] {strides = array<i32>} : memref<16x128xf32, #tpu.memory_space<vmem>>, vector<16xf32>,
      %mul3A_2710 = vector.broadcast %squeeze3A_2645 : f32 to vector<16xf32>
      %mul3A_2711 = arith.mulf %mul3A_2710, %get3A_2709 : vector<16xf32>
      %swap3A_2712 = arith.constant 15 : i32
      %swap3A_2713 = arith.index_cast %swap3A_2712 : i32 to index
      %swap3A_2714 = arith.constant 96 : index
      %swap3A_2715 = tpu.vector_load %arg12[%swap3A_2713, %swap3A_2714] {strides = array<i32>} : memref<16x128xf32, #tpu.memory_space<vmem>>, vector<16xf32>,
      tpu.vector_store %arg12[%swap3A_2713, %swap3A_2714], %mul3A_2711 {strides = array<i32>} : memref<16x128xf32, #tpu.memory_space<vmem>>, vector<16xf32>,
      %get3A_2716 = arith.constant 15 : i32
      %get3A_2717 = arith.index_cast %get3A_2716 : i32 to index
      %get3A_2718 = arith.constant 112 : index
      %get3A_2719 = tpu.vector_load %arg10[%get3A_2717, %get3A_2718] {strides = array<i32>} : memref<16x128xf32, #tpu.memory_space<vmem>>, vector<16xf32>,
      %mul3A_2720 = vector.broadcast %squeeze3A_2645 : f32 to vector<16xf32>
      %mul3A_2721 = arith.mulf %mul3A_2720, %get3A_2719 : vector<16xf32>
      %swap3A_2722 = arith.constant 15 : i32
      %swap3A_2723 = arith.index_cast %swap3A_2722 : i32 to index
      %swap3A_2724 = arith.constant 112 : index
      %swap3A_2725 = tpu.vector_load %arg12[%swap3A_2723, %swap3A_2724] {strides = array<i32>} : memref<16x128xf32, #tpu.memory_space<vmem>>, vector<16xf32>,
      tpu.vector_store %arg12[%swap3A_2723, %swap3A_2724], %mul3A_2721 {strides = array<i32>} : memref<16x128xf32, #tpu.memory_space<vmem>>, vector<16xf32>,
      "tpu.region"() ({
        %run_scoped3A = tpu.sem_alloc : memref<!tpu.dma_semaphore, #tpu.memory_space<semaphore_mem>>
        %dma_start3A_2726 = arith.constant 0 : i32
        %dma_start3A_2727 = arith.constant 0 : i32
        %dma_start3A_2728 = tpu.memref_slice %arg15[%dma_start3A_2726, %dma_start3A_2727] : memref<10000x128xf32, #tpu.memory_space<vmem_shared>> -> memref<10000x128xf32, #tpu.memory_space<vmem_shared>>
        tpu.enqueue_indirect_dma source(%arg12 : memref<16x128xf32, #tpu.memory_space<vmem>>) target(%dma_start3A_2728 : memref<10000x128xf32, #tpu.memory_space<vmem_shared>>) offsets(%and3A_1411 : vector<16xi32>) semaphore(%run_scoped3A : memref<!tpu.dma_semaphore, #tpu.memory_space<semaphore_mem>>) {add = true}
        %dma_wait3A_2729 = arith.constant 0 : i32
        %dma_wait3A_2730 = arith.constant 0 : i32
        %dma_wait3A_2731 = tpu.memref_slice %arg15[%dma_wait3A_2729, %dma_wait3A_2730] : memref<10000x128xf32, #tpu.memory_space<vmem_shared>> -> memref<10000x128xf32, #tpu.memory_space<vmem_shared>>
        tpu.wait_indirect_dma semaphore(%run_scoped3A : memref<!tpu.dma_semaphore, #tpu.memory_space<semaphore_mem>>) src(%arg12 : memref<16x128xf32, #tpu.memory_space<vmem>>) dst(%dma_wait3A_2731 : memref<10000x128xf32, #tpu.memory_space<vmem_shared>>)
        tpu.yield
      }) : () -> ()
    }
    %scan3A_22 = arith.constant 316 : i32
    %dma_wait3A = arith.constant 0 : i32
    %dma_wait3A_23 = arith.constant 0 : i32
    %dma_wait3A_24 = tpu.memref_slice %arg4[%dma_wait3A, %dma_wait3A_23] : memref<80000x128xf32, #tpu.memory_space<hbm>> -> memref<16x128xf32, #tpu.memory_space<hbm>>
    %dma_wait3A_25 = arith.constant 0 : i32
    %dma_wait3A_26 = arith.constant 0 : i32
    %dma_wait3A_27 = tpu.memref_slice %arg4[%dma_wait3A_25, %dma_wait3A_26] : memref<80000x128xf32, #tpu.memory_space<hbm>> -> memref<16x128xf32, #tpu.memory_space<hbm>>
    tpu.wait_dma2 semaphore(%arg13 : memref<!tpu.dma_semaphore, #tpu.memory_space<semaphore_mem>>) src(%dma_wait3A_27 : memref<16x128xf32, #tpu.memory_space<hbm>>) dst(%arg9 : memref<16x128xf32, #tpu.memory_space<vmem>>)
    %barrier3A_28 = arith.constant 0 : index
    tpu.barrier barrier_id(%barrier3A_28)
    %mul3A_29 = arith.constant 624 : i32
    %mul3A_30 = arith.muli %arg1, %mul3A_29 : i32
    %mul3A_31 = arith.constant 624 : i32
    %mul3A_32 = arith.muli %arg1, %mul3A_31 : i32
    "tpu.region"() ({
      %run_scoped3A = tpu.sem_alloc : memref<!tpu.dma_semaphore, #tpu.memory_space<semaphore_mem>>
      %dma_start3A_33 = arith.constant 0 : i32
      %dma_start3A_34 = tpu.memref_slice %arg6[%arg0, %mul3A_32, %dma_start3A_33] : memref<2x10000x128xf32, #tpu.memory_space<hbm>> -> memref<1x640x128xf32, #tpu.memory_space<hbm>>
      %dma_start3A_35 = tpu.memref_squeeze %dma_start3A_34 : memref<1x640x128xf32, #tpu.memory_space<hbm>> -> memref<640x128xf32, #tpu.memory_space<hbm>>
      %dma_start3A_36 = arith.constant 0 : i32
      %dma_start3A_37 = tpu.memref_slice %arg15[%mul3A_30, %dma_start3A_36] : memref<10000x128xf32, #tpu.memory_space<vmem_shared>> -> memref<640x128xf32, #tpu.memory_space<vmem_shared>>
      tpu.enqueue_dma source(%dma_start3A_37 : memref<640x128xf32, #tpu.memory_space<vmem_shared>>) target(%dma_start3A_35 : memref<640x128xf32, #tpu.memory_space<hbm>>) target_semaphore(%run_scoped3A : memref<!tpu.dma_semaphore, #tpu.memory_space<semaphore_mem>>)
      %dma_wait3A_38 = arith.constant 0 : i32
      %dma_wait3A_39 = tpu.memref_slice %arg6[%arg0, %mul3A_32, %dma_wait3A_38] : memref<2x10000x128xf32, #tpu.memory_space<hbm>> -> memref<1x640x128xf32, #tpu.memory_space<hbm>>
      %dma_wait3A_40 = tpu.memref_squeeze %dma_wait3A_39 : memref<1x640x128xf32, #tpu.memory_space<hbm>> -> memref<640x128xf32, #tpu.memory_space<hbm>>
      %dma_wait3A_41 = arith.constant 0 : i32
      %dma_wait3A_42 = tpu.memref_slice %arg15[%mul3A_30, %dma_wait3A_41] : memref<10000x128xf32, #tpu.memory_space<vmem_shared>> -> memref<640x128xf32, #tpu.memory_space<vmem_shared>>
      tpu.wait_dma2 semaphore(%run_scoped3A : memref<!tpu.dma_semaphore, #tpu.memory_space<semaphore_mem>>) src(%dma_wait3A_42 : memref<640x128xf32, #tpu.memory_space<vmem_shared>>) dst(%dma_wait3A_40 : memref<640x128xf32, #tpu.memory_space<hbm>>)
      tpu.yield
    }) : () -> ()
    return
  }
}

module attributes {stable_mosaic.version = 14 : i64} {
  func.func @_mid_body(%arg0: i32, %arg1: memref<2x1000x128xf32, #tpu.memory_space<vmem>>, %arg2: memref<16x128xf32, #tpu.memory_space<vmem>>, %arg3: memref<4x128x128xf32, #tpu.memory_space<vmem>>, %arg4: memref<8x4xf32, #tpu.memory_space<smem>>, %arg5: memref<4x128x128xf32, #tpu.memory_space<vmem>>, %arg6: memref<8x4xf32, #tpu.memory_space<smem>>, %arg7: memref<1000x1024xf32, #tpu.memory_space<vmem>>, %arg8: memref<128x128xf32, #tpu.memory_space<vmem>>, %arg9: memref<8x128x128xf32, #tpu.memory_space<vmem>>) attributes {dimension_semantics = [#tpu.dimension_semantics<arbitrary>], iteration_bounds = array<i64: 10>, scalar_prefetch = 0 : i64, scratch_operands = 2 : i64, tpu.core_type = #tpu.core_type<tc>, window_params = [{transform_indices = @transform_0, window_bounds = array<i64: 2, 1000, 128>}, {pipeline_mode = #tpu.pipeline_mode<synchronous>, transform_indices = @transform_1, window_bounds = array<i64: 16, 128>}, {pipeline_mode = #tpu.pipeline_mode<synchronous>, transform_indices = @transform_2, window_bounds = array<i64: 4, 128, 128>}, {transform_indices = @transform_3, window_bounds = array<i64: 8, 4>}, {pipeline_mode = #tpu.pipeline_mode<synchronous>, transform_indices = @transform_4, window_bounds = array<i64: 4, 128, 128>}, {transform_indices = @transform_5, window_bounds = array<i64: 8, 4>}, {transform_indices = @transform_6, window_bounds = array<i64: 1000, 1024>}]} {
    %eq3A = arith.constant 0 : i32
    %eq3A_0 = arith.cmpi eq, %arg0, %eq3A : i32
    %convert_element_type3A = arith.extui %eq3A_0 : i1 to i32
    %cond3A = arith.constant 0 : i32
    %cond3A_1 = arith.cmpi ne, %convert_element_type3A, %cond3A : i32
    scf.if %cond3A_1 {
      %get3A_96 = arith.constant 0 : index
      %get3A_97 = arith.constant 0 : index
      %get3A_98 = memref.load %arg4[%get3A_96, %get3A_97] : memref<8x4xf32, #tpu.memory_space<smem>>
      %get3A_99 = arith.constant 0 : index
      %get3A_100 = arith.constant 0 : index
      %get3A_101 = arith.constant 0 : index
      %get3A_102 = vector.load %arg3[%get3A_99, %get3A_100, %get3A_101] : memref<4x128x128xf32, #tpu.memory_space<vmem>>, vector<1x128x128xf32>
      %get3A_103 = vector.shape_cast %get3A_102 : vector<1x128x128xf32> to vector<128x128xf32>
      %mul3A = vector.broadcast %get3A_98 : f32 to vector<128x128xf32>
      %mul3A_104 = arith.mulf %mul3A, %get3A_103 : vector<128x128xf32>
      %get3A_105 = arith.constant 0 : index
      %get3A_106 = arith.constant 1 : index
      %get3A_107 = memref.load %arg4[%get3A_105, %get3A_106] : memref<8x4xf32, #tpu.memory_space<smem>>
      %get3A_108 = arith.constant 1 : index
      %get3A_109 = arith.constant 0 : index
      %get3A_110 = arith.constant 0 : index
      %get3A_111 = vector.load %arg3[%get3A_108, %get3A_109, %get3A_110] : memref<4x128x128xf32, #tpu.memory_space<vmem>>, vector<1x128x128xf32>
      %get3A_112 = vector.shape_cast %get3A_111 : vector<1x128x128xf32> to vector<128x128xf32>
      %mul3A_113 = vector.broadcast %get3A_107 : f32 to vector<128x128xf32>
      %mul3A_114 = arith.mulf %mul3A_113, %get3A_112 : vector<128x128xf32>
      %add3A_115 = arith.addf %mul3A_104, %mul3A_114 : vector<128x128xf32>
      %get3A_116 = arith.constant 0 : index
      %get3A_117 = arith.constant 2 : index
      %get3A_118 = memref.load %arg4[%get3A_116, %get3A_117] : memref<8x4xf32, #tpu.memory_space<smem>>
      %get3A_119 = arith.constant 2 : index
      %get3A_120 = arith.constant 0 : index
      %get3A_121 = arith.constant 0 : index
      %get3A_122 = vector.load %arg3[%get3A_119, %get3A_120, %get3A_121] : memref<4x128x128xf32, #tpu.memory_space<vmem>>, vector<1x128x128xf32>
      %get3A_123 = vector.shape_cast %get3A_122 : vector<1x128x128xf32> to vector<128x128xf32>
      %mul3A_124 = vector.broadcast %get3A_118 : f32 to vector<128x128xf32>
      %mul3A_125 = arith.mulf %mul3A_124, %get3A_123 : vector<128x128xf32>
      %add3A_126 = arith.addf %add3A_115, %mul3A_125 : vector<128x128xf32>
      %get3A_127 = arith.constant 0 : index
      %get3A_128 = arith.constant 3 : index
      %get3A_129 = memref.load %arg4[%get3A_127, %get3A_128] : memref<8x4xf32, #tpu.memory_space<smem>>
      %get3A_130 = arith.constant 3 : index
      %get3A_131 = arith.constant 0 : index
      %get3A_132 = arith.constant 0 : index
      %get3A_133 = vector.load %arg3[%get3A_130, %get3A_131, %get3A_132] : memref<4x128x128xf32, #tpu.memory_space<vmem>>, vector<1x128x128xf32>
      %get3A_134 = vector.shape_cast %get3A_133 : vector<1x128x128xf32> to vector<128x128xf32>
      %mul3A_135 = vector.broadcast %get3A_129 : f32 to vector<128x128xf32>
      %mul3A_136 = arith.mulf %mul3A_135, %get3A_134 : vector<128x128xf32>
      %add3A_137 = arith.addf %add3A_126, %mul3A_136 : vector<128x128xf32>
      %get3A_138 = arith.constant 0 : index
      %get3A_139 = arith.constant 0 : index
      %get3A_140 = vector.load %arg2[%get3A_138, %get3A_139] : memref<16x128xf32, #tpu.memory_space<vmem>>, vector<16x128xf32>
      %dot_general3A_141 = arith.constant dense<0.000000e+00> : vector<16x128xf32>
      %dot_general3A_142 = tpu.matmul %get3A_140, %add3A_137, %dot_general3A_141 {dimension_numbers = #tpu.dot_dimension_numbers<[1], [0], [0], [1], [0, 0, 1, 1], [], []>, transpose_lhs_hint = false} : vector<16x128xf32>, vector<128x128xf32>, vector<16x128xf32> -> vector<16x128xf32>
      %swap3A_143 = arith.constant 0 : index
      %swap3A_144 = arith.constant 0 : index
      %swap3A_145 = vector.load %arg8[%swap3A_143, %swap3A_144] : memref<128x128xf32, #tpu.memory_space<vmem>>, vector<16x128xf32>
      tpu.vector_store %arg8[%swap3A_143, %swap3A_144], %dot_general3A_142 {strides = array<i32>} : memref<128x128xf32, #tpu.memory_space<vmem>>, vector<16x128xf32>,
      %get3A_146 = arith.constant 0 : index
      %get3A_147 = arith.constant 0 : index
      %get3A_148 = memref.load %arg6[%get3A_146, %get3A_147] : memref<8x4xf32, #tpu.memory_space<smem>>
      %get3A_149 = arith.constant 0 : index
      %get3A_150 = arith.constant 0 : index
      %get3A_151 = arith.constant 0 : index
      %get3A_152 = vector.load %arg5[%get3A_149, %get3A_150, %get3A_151] : memref<4x128x128xf32, #tpu.memory_space<vmem>>, vector<1x128x128xf32>
      %get3A_153 = vector.shape_cast %get3A_152 : vector<1x128x128xf32> to vector<128x128xf32>
      %mul3A_154 = vector.broadcast %get3A_148 : f32 to vector<128x128xf32>
      %mul3A_155 = arith.mulf %mul3A_154, %get3A_153 : vector<128x128xf32>
      %get3A_156 = arith.constant 0 : index
      %get3A_157 = arith.constant 1 : index
      %get3A_158 = memref.load %arg6[%get3A_156, %get3A_157] : memref<8x4xf32, #tpu.memory_space<smem>>
      %get3A_159 = arith.constant 1 : index
      %get3A_160 = arith.constant 0 : index
      %get3A_161 = arith.constant 0 : index
      %get3A_162 = vector.load %arg5[%get3A_159, %get3A_160, %get3A_161] : memref<4x128x128xf32, #tpu.memory_space<vmem>>, vector<1x128x128xf32>
      %get3A_163 = vector.shape_cast %get3A_162 : vector<1x128x128xf32> to vector<128x128xf32>
      %mul3A_164 = vector.broadcast %get3A_158 : f32 to vector<128x128xf32>
      %mul3A_165 = arith.mulf %mul3A_164, %get3A_163 : vector<128x128xf32>
      %add3A_166 = arith.addf %mul3A_155, %mul3A_165 : vector<128x128xf32>
      %get3A_167 = arith.constant 0 : index
      %get3A_168 = arith.constant 2 : index
      %get3A_169 = memref.load %arg6[%get3A_167, %get3A_168] : memref<8x4xf32, #tpu.memory_space<smem>>
      %get3A_170 = arith.constant 2 : index
      %get3A_171 = arith.constant 0 : index
      %get3A_172 = arith.constant 0 : index
      %get3A_173 = vector.load %arg5[%get3A_170, %get3A_171, %get3A_172] : memref<4x128x128xf32, #tpu.memory_space<vmem>>, vector<1x128x128xf32>
      %get3A_174 = vector.shape_cast %get3A_173 : vector<1x128x128xf32> to vector<128x128xf32>
      %mul3A_175 = vector.broadcast %get3A_169 : f32 to vector<128x128xf32>
      %mul3A_176 = arith.mulf %mul3A_175, %get3A_174 : vector<128x128xf32>
      %add3A_177 = arith.addf %add3A_166, %mul3A_176 : vector<128x128xf32>
      %get3A_178 = arith.constant 0 : index
      %get3A_179 = arith.constant 3 : index
      %get3A_180 = memref.load %arg6[%get3A_178, %get3A_179] : memref<8x4xf32, #tpu.memory_space<smem>>
      %get3A_181 = arith.constant 3 : index
      %get3A_182 = arith.constant 0 : index
      %get3A_183 = arith.constant 0 : index
      %get3A_184 = vector.load %arg5[%get3A_181, %get3A_182, %get3A_183] : memref<4x128x128xf32, #tpu.memory_space<vmem>>, vector<1x128x128xf32>
      %get3A_185 = vector.shape_cast %get3A_184 : vector<1x128x128xf32> to vector<128x128xf32>
      %mul3A_186 = vector.broadcast %get3A_180 : f32 to vector<128x128xf32>
      %mul3A_187 = arith.mulf %mul3A_186, %get3A_185 : vector<128x128xf32>
      %add3A_188 = arith.addf %add3A_177, %mul3A_187 : vector<128x128xf32>
      %swap3A_189 = arith.constant 0 : index
      %swap3A_190 = arith.constant 0 : index
      %swap3A_191 = arith.constant 0 : index
      %swap3A_192 = vector.load %arg9[%swap3A_189, %swap3A_190, %swap3A_191] : memref<8x128x128xf32, #tpu.memory_space<vmem>>, vector<1x128x128xf32>
      %swap3A_193 = vector.shape_cast %swap3A_192 : vector<1x128x128xf32> to vector<128x128xf32>
      %swap3A_194 = vector.shape_cast %add3A_188 : vector<128x128xf32> to vector<1x128x128xf32>
      tpu.vector_store %arg9[%swap3A_189, %swap3A_190, %swap3A_191], %swap3A_194 {strides = array<i32>} : memref<8x128x128xf32, #tpu.memory_space<vmem>>, vector<1x128x128xf32>,
      %get3A_195 = arith.constant 1 : index
      %get3A_196 = arith.constant 0 : index
      %get3A_197 = memref.load %arg4[%get3A_195, %get3A_196] : memref<8x4xf32, #tpu.memory_space<smem>>
      %get3A_198 = arith.constant 0 : index
      %get3A_199 = arith.constant 0 : index
      %get3A_200 = arith.constant 0 : index
      %get3A_201 = vector.load %arg3[%get3A_198, %get3A_199, %get3A_200] : memref<4x128x128xf32, #tpu.memory_space<vmem>>, vector<1x128x128xf32>
      %get3A_202 = vector.shape_cast %get3A_201 : vector<1x128x128xf32> to vector<128x128xf32>
      %mul3A_203 = vector.broadcast %get3A_197 : f32 to vector<128x128xf32>
      %mul3A_204 = arith.mulf %mul3A_203, %get3A_202 : vector<128x128xf32>
      %get3A_205 = arith.constant 1 : index
      %get3A_206 = arith.constant 1 : index
      %get3A_207 = memref.load %arg4[%get3A_205, %get3A_206] : memref<8x4xf32, #tpu.memory_space<smem>>
      %get3A_208 = arith.constant 1 : index
      %get3A_209 = arith.constant 0 : index
      %get3A_210 = arith.constant 0 : index
      %get3A_211 = vector.load %arg3[%get3A_208, %get3A_209, %get3A_210] : memref<4x128x128xf32, #tpu.memory_space<vmem>>, vector<1x128x128xf32>
      %get3A_212 = vector.shape_cast %get3A_211 : vector<1x128x128xf32> to vector<128x128xf32>
      %mul3A_213 = vector.broadcast %get3A_207 : f32 to vector<128x128xf32>
      %mul3A_214 = arith.mulf %mul3A_213, %get3A_212 : vector<128x128xf32>
      %add3A_215 = arith.addf %mul3A_204, %mul3A_214 : vector<128x128xf32>
      %get3A_216 = arith.constant 1 : index
      %get3A_217 = arith.constant 2 : index
      %get3A_218 = memref.load %arg4[%get3A_216, %get3A_217] : memref<8x4xf32, #tpu.memory_space<smem>>
      %get3A_219 = arith.constant 2 : index
      %get3A_220 = arith.constant 0 : index
      %get3A_221 = arith.constant 0 : index
      %get3A_222 = vector.load %arg3[%get3A_219, %get3A_220, %get3A_221] : memref<4x128x128xf32, #tpu.memory_space<vmem>>, vector<1x128x128xf32>
      %get3A_223 = vector.shape_cast %get3A_222 : vector<1x128x128xf32> to vector<128x128xf32>
      %mul3A_224 = vector.broadcast %get3A_218 : f32 to vector<128x128xf32>
      %mul3A_225 = arith.mulf %mul3A_224, %get3A_223 : vector<128x128xf32>
      %add3A_226 = arith.addf %add3A_215, %mul3A_225 : vector<128x128xf32>
      %get3A_227 = arith.constant 1 : index
      %get3A_228 = arith.constant 3 : index
      %get3A_229 = memref.load %arg4[%get3A_227, %get3A_228] : memref<8x4xf32, #tpu.memory_space<smem>>
      %get3A_230 = arith.constant 3 : index
      %get3A_231 = arith.constant 0 : index
      %get3A_232 = arith.constant 0 : index
      %get3A_233 = vector.load %arg3[%get3A_230, %get3A_231, %get3A_232] : memref<4x128x128xf32, #tpu.memory_space<vmem>>, vector<1x128x128xf32>
      %get3A_234 = vector.shape_cast %get3A_233 : vector<1x128x128xf32> to vector<128x128xf32>
      %mul3A_235 = vector.broadcast %get3A_229 : f32 to vector<128x128xf32>
      %mul3A_236 = arith.mulf %mul3A_235, %get3A_234 : vector<128x128xf32>
      %add3A_237 = arith.addf %add3A_226, %mul3A_236 : vector<128x128xf32>
      %get3A_238 = arith.constant 0 : index
      %get3A_239 = arith.constant 0 : index
      %get3A_240 = vector.load %arg2[%get3A_238, %get3A_239] : memref<16x128xf32, #tpu.memory_space<vmem>>, vector<16x128xf32>
      %dot_general3A_241 = arith.constant dense<0.000000e+00> : vector<16x128xf32>
      %dot_general3A_242 = tpu.matmul %get3A_240, %add3A_237, %dot_general3A_241 {dimension_numbers = #tpu.dot_dimension_numbers<[1], [0], [0], [1], [0, 0, 1, 1], [], []>, transpose_lhs_hint = false} : vector<16x128xf32>, vector<128x128xf32>, vector<16x128xf32> -> vector<16x128xf32>
      %swap3A_243 = arith.constant 16 : index
      %swap3A_244 = arith.constant 0 : index
      %swap3A_245 = vector.load %arg8[%swap3A_243, %swap3A_244] : memref<128x128xf32, #tpu.memory_space<vmem>>, vector<16x128xf32>
      tpu.vector_store %arg8[%swap3A_243, %swap3A_244], %dot_general3A_242 {strides = array<i32>} : memref<128x128xf32, #tpu.memory_space<vmem>>, vector<16x128xf32>,
      %get3A_246 = arith.constant 1 : index
      %get3A_247 = arith.constant 0 : index
      %get3A_248 = memref.load %arg6[%get3A_246, %get3A_247] : memref<8x4xf32, #tpu.memory_space<smem>>
      %get3A_249 = arith.constant 0 : index
      %get3A_250 = arith.constant 0 : index
      %get3A_251 = arith.constant 0 : index
      %get3A_252 = vector.load %arg5[%get3A_249, %get3A_250, %get3A_251] : memref<4x128x128xf32, #tpu.memory_space<vmem>>, vector<1x128x128xf32>
      %get3A_253 = vector.shape_cast %get3A_252 : vector<1x128x128xf32> to vector<128x128xf32>
      %mul3A_254 = vector.broadcast %get3A_248 : f32 to vector<128x128xf32>
      %mul3A_255 = arith.mulf %mul3A_254, %get3A_253 : vector<128x128xf32>
      %get3A_256 = arith.constant 1 : index
      %get3A_257 = arith.constant 1 : index
      %get3A_258 = memref.load %arg6[%get3A_256, %get3A_257] : memref<8x4xf32, #tpu.memory_space<smem>>
      %get3A_259 = arith.constant 1 : index
      %get3A_260 = arith.constant 0 : index
      %get3A_261 = arith.constant 0 : index
      %get3A_262 = vector.load %arg5[%get3A_259, %get3A_260, %get3A_261] : memref<4x128x128xf32, #tpu.memory_space<vmem>>, vector<1x128x128xf32>
      %get3A_263 = vector.shape_cast %get3A_262 : vector<1x128x128xf32> to vector<128x128xf32>
      %mul3A_264 = vector.broadcast %get3A_258 : f32 to vector<128x128xf32>
      %mul3A_265 = arith.mulf %mul3A_264, %get3A_263 : vector<128x128xf32>
      %add3A_266 = arith.addf %mul3A_255, %mul3A_265 : vector<128x128xf32>
      %get3A_267 = arith.constant 1 : index
      %get3A_268 = arith.constant 2 : index
      %get3A_269 = memref.load %arg6[%get3A_267, %get3A_268] : memref<8x4xf32, #tpu.memory_space<smem>>
      %get3A_270 = arith.constant 2 : index
      %get3A_271 = arith.constant 0 : index
      %get3A_272 = arith.constant 0 : index
      %get3A_273 = vector.load %arg5[%get3A_270, %get3A_271, %get3A_272] : memref<4x128x128xf32, #tpu.memory_space<vmem>>, vector<1x128x128xf32>
      %get3A_274 = vector.shape_cast %get3A_273 : vector<1x128x128xf32> to vector<128x128xf32>
      %mul3A_275 = vector.broadcast %get3A_269 : f32 to vector<128x128xf32>
      %mul3A_276 = arith.mulf %mul3A_275, %get3A_274 : vector<128x128xf32>
      %add3A_277 = arith.addf %add3A_266, %mul3A_276 : vector<128x128xf32>
      %get3A_278 = arith.constant 1 : index
      %get3A_279 = arith.constant 3 : index
      %get3A_280 = memref.load %arg6[%get3A_278, %get3A_279] : memref<8x4xf32, #tpu.memory_space<smem>>
      %get3A_281 = arith.constant 3 : index
      %get3A_282 = arith.constant 0 : index
      %get3A_283 = arith.constant 0 : index
      %get3A_284 = vector.load %arg5[%get3A_281, %get3A_282, %get3A_283] : memref<4x128x128xf32, #tpu.memory_space<vmem>>, vector<1x128x128xf32>
      %get3A_285 = vector.shape_cast %get3A_284 : vector<1x128x128xf32> to vector<128x128xf32>
      %mul3A_286 = vector.broadcast %get3A_280 : f32 to vector<128x128xf32>
      %mul3A_287 = arith.mulf %mul3A_286, %get3A_285 : vector<128x128xf32>
      %add3A_288 = arith.addf %add3A_277, %mul3A_287 : vector<128x128xf32>
      %swap3A_289 = arith.constant 1 : index
      %swap3A_290 = arith.constant 0 : index
      %swap3A_291 = arith.constant 0 : index
      %swap3A_292 = vector.load %arg9[%swap3A_289, %swap3A_290, %swap3A_291] : memref<8x128x128xf32, #tpu.memory_space<vmem>>, vector<1x128x128xf32>
      %swap3A_293 = vector.shape_cast %swap3A_292 : vector<1x128x128xf32> to vector<128x128xf32>
      %swap3A_294 = vector.shape_cast %add3A_288 : vector<128x128xf32> to vector<1x128x128xf32>
      tpu.vector_store %arg9[%swap3A_289, %swap3A_290, %swap3A_291], %swap3A_294 {strides = array<i32>} : memref<8x128x128xf32, #tpu.memory_space<vmem>>, vector<1x128x128xf32>,
      %get3A_295 = arith.constant 2 : index
      %get3A_296 = arith.constant 0 : index
      %get3A_297 = memref.load %arg4[%get3A_295, %get3A_296] : memref<8x4xf32, #tpu.memory_space<smem>>
      %get3A_298 = arith.constant 0 : index
      %get3A_299 = arith.constant 0 : index
      %get3A_300 = arith.constant 0 : index
      %get3A_301 = vector.load %arg3[%get3A_298, %get3A_299, %get3A_300] : memref<4x128x128xf32, #tpu.memory_space<vmem>>, vector<1x128x128xf32>
      %get3A_302 = vector.shape_cast %get3A_301 : vector<1x128x128xf32> to vector<128x128xf32>
      %mul3A_303 = vector.broadcast %get3A_297 : f32 to vector<128x128xf32>
      %mul3A_304 = arith.mulf %mul3A_303, %get3A_302 : vector<128x128xf32>
      %get3A_305 = arith.constant 2 : index
      %get3A_306 = arith.constant 1 : index
      %get3A_307 = memref.load %arg4[%get3A_305, %get3A_306] : memref<8x4xf32, #tpu.memory_space<smem>>
      %get3A_308 = arith.constant 1 : index
      %get3A_309 = arith.constant 0 : index
      %get3A_310 = arith.constant 0 : index
      %get3A_311 = vector.load %arg3[%get3A_308, %get3A_309, %get3A_310] : memref<4x128x128xf32, #tpu.memory_space<vmem>>, vector<1x128x128xf32>
      %get3A_312 = vector.shape_cast %get3A_311 : vector<1x128x128xf32> to vector<128x128xf32>
      %mul3A_313 = vector.broadcast %get3A_307 : f32 to vector<128x128xf32>
      %mul3A_314 = arith.mulf %mul3A_313, %get3A_312 : vector<128x128xf32>
      %add3A_315 = arith.addf %mul3A_304, %mul3A_314 : vector<128x128xf32>
      %get3A_316 = arith.constant 2 : index
      %get3A_317 = arith.constant 2 : index
      %get3A_318 = memref.load %arg4[%get3A_316, %get3A_317] : memref<8x4xf32, #tpu.memory_space<smem>>
      %get3A_319 = arith.constant 2 : index
      %get3A_320 = arith.constant 0 : index
      %get3A_321 = arith.constant 0 : index
      %get3A_322 = vector.load %arg3[%get3A_319, %get3A_320, %get3A_321] : memref<4x128x128xf32, #tpu.memory_space<vmem>>, vector<1x128x128xf32>
      %get3A_323 = vector.shape_cast %get3A_322 : vector<1x128x128xf32> to vector<128x128xf32>
      %mul3A_324 = vector.broadcast %get3A_318 : f32 to vector<128x128xf32>
      %mul3A_325 = arith.mulf %mul3A_324, %get3A_323 : vector<128x128xf32>
      %add3A_326 = arith.addf %add3A_315, %mul3A_325 : vector<128x128xf32>
      %get3A_327 = arith.constant 2 : index
      %get3A_328 = arith.constant 3 : index
      %get3A_329 = memref.load %arg4[%get3A_327, %get3A_328] : memref<8x4xf32, #tpu.memory_space<smem>>
      %get3A_330 = arith.constant 3 : index
      %get3A_331 = arith.constant 0 : index
      %get3A_332 = arith.constant 0 : index
      %get3A_333 = vector.load %arg3[%get3A_330, %get3A_331, %get3A_332] : memref<4x128x128xf32, #tpu.memory_space<vmem>>, vector<1x128x128xf32>
      %get3A_334 = vector.shape_cast %get3A_333 : vector<1x128x128xf32> to vector<128x128xf32>
      %mul3A_335 = vector.broadcast %get3A_329 : f32 to vector<128x128xf32>
      %mul3A_336 = arith.mulf %mul3A_335, %get3A_334 : vector<128x128xf32>
      %add3A_337 = arith.addf %add3A_326, %mul3A_336 : vector<128x128xf32>
      %get3A_338 = arith.constant 0 : index
      %get3A_339 = arith.constant 0 : index
      %get3A_340 = vector.load %arg2[%get3A_338, %get3A_339] : memref<16x128xf32, #tpu.memory_space<vmem>>, vector<16x128xf32>
      %dot_general3A_341 = arith.constant dense<0.000000e+00> : vector<16x128xf32>
      %dot_general3A_342 = tpu.matmul %get3A_340, %add3A_337, %dot_general3A_341 {dimension_numbers = #tpu.dot_dimension_numbers<[1], [0], [0], [1], [0, 0, 1, 1], [], []>, transpose_lhs_hint = false} : vector<16x128xf32>, vector<128x128xf32>, vector<16x128xf32> -> vector<16x128xf32>
      %swap3A_343 = arith.constant 32 : index
      %swap3A_344 = arith.constant 0 : index
      %swap3A_345 = vector.load %arg8[%swap3A_343, %swap3A_344] : memref<128x128xf32, #tpu.memory_space<vmem>>, vector<16x128xf32>
      tpu.vector_store %arg8[%swap3A_343, %swap3A_344], %dot_general3A_342 {strides = array<i32>} : memref<128x128xf32, #tpu.memory_space<vmem>>, vector<16x128xf32>,
      %get3A_346 = arith.constant 2 : index
      %get3A_347 = arith.constant 0 : index
      %get3A_348 = memref.load %arg6[%get3A_346, %get3A_347] : memref<8x4xf32, #tpu.memory_space<smem>>
      %get3A_349 = arith.constant 0 : index
      %get3A_350 = arith.constant 0 : index
      %get3A_351 = arith.constant 0 : index
      %get3A_352 = vector.load %arg5[%get3A_349, %get3A_350, %get3A_351] : memref<4x128x128xf32, #tpu.memory_space<vmem>>, vector<1x128x128xf32>
      %get3A_353 = vector.shape_cast %get3A_352 : vector<1x128x128xf32> to vector<128x128xf32>
      %mul3A_354 = vector.broadcast %get3A_348 : f32 to vector<128x128xf32>
      %mul3A_355 = arith.mulf %mul3A_354, %get3A_353 : vector<128x128xf32>
      %get3A_356 = arith.constant 2 : index
      %get3A_357 = arith.constant 1 : index
      %get3A_358 = memref.load %arg6[%get3A_356, %get3A_357] : memref<8x4xf32, #tpu.memory_space<smem>>
      %get3A_359 = arith.constant 1 : index
      %get3A_360 = arith.constant 0 : index
      %get3A_361 = arith.constant 0 : index
      %get3A_362 = vector.load %arg5[%get3A_359, %get3A_360, %get3A_361] : memref<4x128x128xf32, #tpu.memory_space<vmem>>, vector<1x128x128xf32>
      %get3A_363 = vector.shape_cast %get3A_362 : vector<1x128x128xf32> to vector<128x128xf32>
      %mul3A_364 = vector.broadcast %get3A_358 : f32 to vector<128x128xf32>
      %mul3A_365 = arith.mulf %mul3A_364, %get3A_363 : vector<128x128xf32>
      %add3A_366 = arith.addf %mul3A_355, %mul3A_365 : vector<128x128xf32>
      %get3A_367 = arith.constant 2 : index
      %get3A_368 = arith.constant 2 : index
      %get3A_369 = memref.load %arg6[%get3A_367, %get3A_368] : memref<8x4xf32, #tpu.memory_space<smem>>
      %get3A_370 = arith.constant 2 : index
      %get3A_371 = arith.constant 0 : index
      %get3A_372 = arith.constant 0 : index
      %get3A_373 = vector.load %arg5[%get3A_370, %get3A_371, %get3A_372] : memref<4x128x128xf32, #tpu.memory_space<vmem>>, vector<1x128x128xf32>
      %get3A_374 = vector.shape_cast %get3A_373 : vector<1x128x128xf32> to vector<128x128xf32>
      %mul3A_375 = vector.broadcast %get3A_369 : f32 to vector<128x128xf32>
      %mul3A_376 = arith.mulf %mul3A_375, %get3A_374 : vector<128x128xf32>
      %add3A_377 = arith.addf %add3A_366, %mul3A_376 : vector<128x128xf32>
      %get3A_378 = arith.constant 2 : index
      %get3A_379 = arith.constant 3 : index
      %get3A_380 = memref.load %arg6[%get3A_378, %get3A_379] : memref<8x4xf32, #tpu.memory_space<smem>>
      %get3A_381 = arith.constant 3 : index
      %get3A_382 = arith.constant 0 : index
      %get3A_383 = arith.constant 0 : index
      %get3A_384 = vector.load %arg5[%get3A_381, %get3A_382, %get3A_383] : memref<4x128x128xf32, #tpu.memory_space<vmem>>, vector<1x128x128xf32>
      %get3A_385 = vector.shape_cast %get3A_384 : vector<1x128x128xf32> to vector<128x128xf32>
      %mul3A_386 = vector.broadcast %get3A_380 : f32 to vector<128x128xf32>
      %mul3A_387 = arith.mulf %mul3A_386, %get3A_385 : vector<128x128xf32>
      %add3A_388 = arith.addf %add3A_377, %mul3A_387 : vector<128x128xf32>
      %swap3A_389 = arith.constant 2 : index
      %swap3A_390 = arith.constant 0 : index
      %swap3A_391 = arith.constant 0 : index
      %swap3A_392 = vector.load %arg9[%swap3A_389, %swap3A_390, %swap3A_391] : memref<8x128x128xf32, #tpu.memory_space<vmem>>, vector<1x128x128xf32>
      %swap3A_393 = vector.shape_cast %swap3A_392 : vector<1x128x128xf32> to vector<128x128xf32>
      %swap3A_394 = vector.shape_cast %add3A_388 : vector<128x128xf32> to vector<1x128x128xf32>
      tpu.vector_store %arg9[%swap3A_389, %swap3A_390, %swap3A_391], %swap3A_394 {strides = array<i32>} : memref<8x128x128xf32, #tpu.memory_space<vmem>>, vector<1x128x128xf32>,
      %get3A_395 = arith.constant 3 : index
      %get3A_396 = arith.constant 0 : index
      %get3A_397 = memref.load %arg4[%get3A_395, %get3A_396] : memref<8x4xf32, #tpu.memory_space<smem>>
      %get3A_398 = arith.constant 0 : index
      %get3A_399 = arith.constant 0 : index
      %get3A_400 = arith.constant 0 : index
      %get3A_401 = vector.load %arg3[%get3A_398, %get3A_399, %get3A_400] : memref<4x128x128xf32, #tpu.memory_space<vmem>>, vector<1x128x128xf32>
      %get3A_402 = vector.shape_cast %get3A_401 : vector<1x128x128xf32> to vector<128x128xf32>
      %mul3A_403 = vector.broadcast %get3A_397 : f32 to vector<128x128xf32>
      %mul3A_404 = arith.mulf %mul3A_403, %get3A_402 : vector<128x128xf32>
      %get3A_405 = arith.constant 3 : index
      %get3A_406 = arith.constant 1 : index
      %get3A_407 = memref.load %arg4[%get3A_405, %get3A_406] : memref<8x4xf32, #tpu.memory_space<smem>>
      %get3A_408 = arith.constant 1 : index
      %get3A_409 = arith.constant 0 : index
      %get3A_410 = arith.constant 0 : index
      %get3A_411 = vector.load %arg3[%get3A_408, %get3A_409, %get3A_410] : memref<4x128x128xf32, #tpu.memory_space<vmem>>, vector<1x128x128xf32>
      %get3A_412 = vector.shape_cast %get3A_411 : vector<1x128x128xf32> to vector<128x128xf32>
      %mul3A_413 = vector.broadcast %get3A_407 : f32 to vector<128x128xf32>
      %mul3A_414 = arith.mulf %mul3A_413, %get3A_412 : vector<128x128xf32>
      %add3A_415 = arith.addf %mul3A_404, %mul3A_414 : vector<128x128xf32>
      %get3A_416 = arith.constant 3 : index
      %get3A_417 = arith.constant 2 : index
      %get3A_418 = memref.load %arg4[%get3A_416, %get3A_417] : memref<8x4xf32, #tpu.memory_space<smem>>
      %get3A_419 = arith.constant 2 : index
      %get3A_420 = arith.constant 0 : index
      %get3A_421 = arith.constant 0 : index
      %get3A_422 = vector.load %arg3[%get3A_419, %get3A_420, %get3A_421] : memref<4x128x128xf32, #tpu.memory_space<vmem>>, vector<1x128x128xf32>
      %get3A_423 = vector.shape_cast %get3A_422 : vector<1x128x128xf32> to vector<128x128xf32>
      %mul3A_424 = vector.broadcast %get3A_418 : f32 to vector<128x128xf32>
      %mul3A_425 = arith.mulf %mul3A_424, %get3A_423 : vector<128x128xf32>
      %add3A_426 = arith.addf %add3A_415, %mul3A_425 : vector<128x128xf32>
      %get3A_427 = arith.constant 3 : index
      %get3A_428 = arith.constant 3 : index
      %get3A_429 = memref.load %arg4[%get3A_427, %get3A_428] : memref<8x4xf32, #tpu.memory_space<smem>>
      %get3A_430 = arith.constant 3 : index
      %get3A_431 = arith.constant 0 : index
      %get3A_432 = arith.constant 0 : index
      %get3A_433 = vector.load %arg3[%get3A_430, %get3A_431, %get3A_432] : memref<4x128x128xf32, #tpu.memory_space<vmem>>, vector<1x128x128xf32>
      %get3A_434 = vector.shape_cast %get3A_433 : vector<1x128x128xf32> to vector<128x128xf32>
      %mul3A_435 = vector.broadcast %get3A_429 : f32 to vector<128x128xf32>
      %mul3A_436 = arith.mulf %mul3A_435, %get3A_434 : vector<128x128xf32>
      %add3A_437 = arith.addf %add3A_426, %mul3A_436 : vector<128x128xf32>
      %get3A_438 = arith.constant 0 : index
      %get3A_439 = arith.constant 0 : index
      %get3A_440 = vector.load %arg2[%get3A_438, %get3A_439] : memref<16x128xf32, #tpu.memory_space<vmem>>, vector<16x128xf32>
      %dot_general3A_441 = arith.constant dense<0.000000e+00> : vector<16x128xf32>
      %dot_general3A_442 = tpu.matmul %get3A_440, %add3A_437, %dot_general3A_441 {dimension_numbers = #tpu.dot_dimension_numbers<[1], [0], [0], [1], [0, 0, 1, 1], [], []>, transpose_lhs_hint = false} : vector<16x128xf32>, vector<128x128xf32>, vector<16x128xf32> -> vector<16x128xf32>
      %swap3A_443 = arith.constant 48 : index
      %swap3A_444 = arith.constant 0 : index
      %swap3A_445 = vector.load %arg8[%swap3A_443, %swap3A_444] : memref<128x128xf32, #tpu.memory_space<vmem>>, vector<16x128xf32>
      tpu.vector_store %arg8[%swap3A_443, %swap3A_444], %dot_general3A_442 {strides = array<i32>} : memref<128x128xf32, #tpu.memory_space<vmem>>, vector<16x128xf32>,
      %get3A_446 = arith.constant 3 : index
      %get3A_447 = arith.constant 0 : index
      %get3A_448 = memref.load %arg6[%get3A_446, %get3A_447] : memref<8x4xf32, #tpu.memory_space<smem>>
      %get3A_449 = arith.constant 0 : index
      %get3A_450 = arith.constant 0 : index
      %get3A_451 = arith.constant 0 : index
      %get3A_452 = vector.load %arg5[%get3A_449, %get3A_450, %get3A_451] : memref<4x128x128xf32, #tpu.memory_space<vmem>>, vector<1x128x128xf32>
      %get3A_453 = vector.shape_cast %get3A_452 : vector<1x128x128xf32> to vector<128x128xf32>
      %mul3A_454 = vector.broadcast %get3A_448 : f32 to vector<128x128xf32>
      %mul3A_455 = arith.mulf %mul3A_454, %get3A_453 : vector<128x128xf32>
      %get3A_456 = arith.constant 3 : index
      %get3A_457 = arith.constant 1 : index
      %get3A_458 = memref.load %arg6[%get3A_456, %get3A_457] : memref<8x4xf32, #tpu.memory_space<smem>>
      %get3A_459 = arith.constant 1 : index
      %get3A_460 = arith.constant 0 : index
      %get3A_461 = arith.constant 0 : index
      %get3A_462 = vector.load %arg5[%get3A_459, %get3A_460, %get3A_461] : memref<4x128x128xf32, #tpu.memory_space<vmem>>, vector<1x128x128xf32>
      %get3A_463 = vector.shape_cast %get3A_462 : vector<1x128x128xf32> to vector<128x128xf32>
      %mul3A_464 = vector.broadcast %get3A_458 : f32 to vector<128x128xf32>
      %mul3A_465 = arith.mulf %mul3A_464, %get3A_463 : vector<128x128xf32>
      %add3A_466 = arith.addf %mul3A_455, %mul3A_465 : vector<128x128xf32>
      %get3A_467 = arith.constant 3 : index
      %get3A_468 = arith.constant 2 : index
      %get3A_469 = memref.load %arg6[%get3A_467, %get3A_468] : memref<8x4xf32, #tpu.memory_space<smem>>
      %get3A_470 = arith.constant 2 : index
      %get3A_471 = arith.constant 0 : index
      %get3A_472 = arith.constant 0 : index
      %get3A_473 = vector.load %arg5[%get3A_470, %get3A_471, %get3A_472] : memref<4x128x128xf32, #tpu.memory_space<vmem>>, vector<1x128x128xf32>
      %get3A_474 = vector.shape_cast %get3A_473 : vector<1x128x128xf32> to vector<128x128xf32>
      %mul3A_475 = vector.broadcast %get3A_469 : f32 to vector<128x128xf32>
      %mul3A_476 = arith.mulf %mul3A_475, %get3A_474 : vector<128x128xf32>
      %add3A_477 = arith.addf %add3A_466, %mul3A_476 : vector<128x128xf32>
      %get3A_478 = arith.constant 3 : index
      %get3A_479 = arith.constant 3 : index
      %get3A_480 = memref.load %arg6[%get3A_478, %get3A_479] : memref<8x4xf32, #tpu.memory_space<smem>>
      %get3A_481 = arith.constant 3 : index
      %get3A_482 = arith.constant 0 : index
      %get3A_483 = arith.constant 0 : index
      %get3A_484 = vector.load %arg5[%get3A_481, %get3A_482, %get3A_483] : memref<4x128x128xf32, #tpu.memory_space<vmem>>, vector<1x128x128xf32>
      %get3A_485 = vector.shape_cast %get3A_484 : vector<1x128x128xf32> to vector<128x128xf32>
      %mul3A_486 = vector.broadcast %get3A_480 : f32 to vector<128x128xf32>
      %mul3A_487 = arith.mulf %mul3A_486, %get3A_485 : vector<128x128xf32>
      %add3A_488 = arith.addf %add3A_477, %mul3A_487 : vector<128x128xf32>
      %swap3A_489 = arith.constant 3 : index
      %swap3A_490 = arith.constant 0 : index
      %swap3A_491 = arith.constant 0 : index
      %swap3A_492 = vector.load %arg9[%swap3A_489, %swap3A_490, %swap3A_491] : memref<8x128x128xf32, #tpu.memory_space<vmem>>, vector<1x128x128xf32>
      %swap3A_493 = vector.shape_cast %swap3A_492 : vector<1x128x128xf32> to vector<128x128xf32>
      %swap3A_494 = vector.shape_cast %add3A_488 : vector<128x128xf32> to vector<1x128x128xf32>
      tpu.vector_store %arg9[%swap3A_489, %swap3A_490, %swap3A_491], %swap3A_494 {strides = array<i32>} : memref<8x128x128xf32, #tpu.memory_space<vmem>>, vector<1x128x128xf32>,
      %get3A_495 = arith.constant 4 : index
      %get3A_496 = arith.constant 0 : index
      %get3A_497 = memref.load %arg4[%get3A_495, %get3A_496] : memref<8x4xf32, #tpu.memory_space<smem>>
      %get3A_498 = arith.constant 0 : index
      %get3A_499 = arith.constant 0 : index
      %get3A_500 = arith.constant 0 : index
      %get3A_501 = vector.load %arg3[%get3A_498, %get3A_499, %get3A_500] : memref<4x128x128xf32, #tpu.memory_space<vmem>>, vector<1x128x128xf32>
      %get3A_502 = vector.shape_cast %get3A_501 : vector<1x128x128xf32> to vector<128x128xf32>
      %mul3A_503 = vector.broadcast %get3A_497 : f32 to vector<128x128xf32>
      %mul3A_504 = arith.mulf %mul3A_503, %get3A_502 : vector<128x128xf32>
      %get3A_505 = arith.constant 4 : index
      %get3A_506 = arith.constant 1 : index
      %get3A_507 = memref.load %arg4[%get3A_505, %get3A_506] : memref<8x4xf32, #tpu.memory_space<smem>>
      %get3A_508 = arith.constant 1 : index
      %get3A_509 = arith.constant 0 : index
      %get3A_510 = arith.constant 0 : index
      %get3A_511 = vector.load %arg3[%get3A_508, %get3A_509, %get3A_510] : memref<4x128x128xf32, #tpu.memory_space<vmem>>, vector<1x128x128xf32>
      %get3A_512 = vector.shape_cast %get3A_511 : vector<1x128x128xf32> to vector<128x128xf32>
      %mul3A_513 = vector.broadcast %get3A_507 : f32 to vector<128x128xf32>
      %mul3A_514 = arith.mulf %mul3A_513, %get3A_512 : vector<128x128xf32>
      %add3A_515 = arith.addf %mul3A_504, %mul3A_514 : vector<128x128xf32>
      %get3A_516 = arith.constant 4 : index
      %get3A_517 = arith.constant 2 : index
      %get3A_518 = memref.load %arg4[%get3A_516, %get3A_517] : memref<8x4xf32, #tpu.memory_space<smem>>
      %get3A_519 = arith.constant 2 : index
      %get3A_520 = arith.constant 0 : index
      %get3A_521 = arith.constant 0 : index
      %get3A_522 = vector.load %arg3[%get3A_519, %get3A_520, %get3A_521] : memref<4x128x128xf32, #tpu.memory_space<vmem>>, vector<1x128x128xf32>
      %get3A_523 = vector.shape_cast %get3A_522 : vector<1x128x128xf32> to vector<128x128xf32>
      %mul3A_524 = vector.broadcast %get3A_518 : f32 to vector<128x128xf32>
      %mul3A_525 = arith.mulf %mul3A_524, %get3A_523 : vector<128x128xf32>
      %add3A_526 = arith.addf %add3A_515, %mul3A_525 : vector<128x128xf32>
      %get3A_527 = arith.constant 4 : index
      %get3A_528 = arith.constant 3 : index
      %get3A_529 = memref.load %arg4[%get3A_527, %get3A_528] : memref<8x4xf32, #tpu.memory_space<smem>>
      %get3A_530 = arith.constant 3 : index
      %get3A_531 = arith.constant 0 : index
      %get3A_532 = arith.constant 0 : index
      %get3A_533 = vector.load %arg3[%get3A_530, %get3A_531, %get3A_532] : memref<4x128x128xf32, #tpu.memory_space<vmem>>, vector<1x128x128xf32>
      %get3A_534 = vector.shape_cast %get3A_533 : vector<1x128x128xf32> to vector<128x128xf32>
      %mul3A_535 = vector.broadcast %get3A_529 : f32 to vector<128x128xf32>
      %mul3A_536 = arith.mulf %mul3A_535, %get3A_534 : vector<128x128xf32>
      %add3A_537 = arith.addf %add3A_526, %mul3A_536 : vector<128x128xf32>
      %get3A_538 = arith.constant 0 : index
      %get3A_539 = arith.constant 0 : index
      %get3A_540 = vector.load %arg2[%get3A_538, %get3A_539] : memref<16x128xf32, #tpu.memory_space<vmem>>, vector<16x128xf32>
      %dot_general3A_541 = arith.constant dense<0.000000e+00> : vector<16x128xf32>
      %dot_general3A_542 = tpu.matmul %get3A_540, %add3A_537, %dot_general3A_541 {dimension_numbers = #tpu.dot_dimension_numbers<[1], [0], [0], [1], [0, 0, 1, 1], [], []>, transpose_lhs_hint = false} : vector<16x128xf32>, vector<128x128xf32>, vector<16x128xf32> -> vector<16x128xf32>
      %swap3A_543 = arith.constant 64 : index
      %swap3A_544 = arith.constant 0 : index
      %swap3A_545 = vector.load %arg8[%swap3A_543, %swap3A_544] : memref<128x128xf32, #tpu.memory_space<vmem>>, vector<16x128xf32>
      tpu.vector_store %arg8[%swap3A_543, %swap3A_544], %dot_general3A_542 {strides = array<i32>} : memref<128x128xf32, #tpu.memory_space<vmem>>, vector<16x128xf32>,
      %get3A_546 = arith.constant 4 : index
      %get3A_547 = arith.constant 0 : index
      %get3A_548 = memref.load %arg6[%get3A_546, %get3A_547] : memref<8x4xf32, #tpu.memory_space<smem>>
      %get3A_549 = arith.constant 0 : index
      %get3A_550 = arith.constant 0 : index
      %get3A_551 = arith.constant 0 : index
      %get3A_552 = vector.load %arg5[%get3A_549, %get3A_550, %get3A_551] : memref<4x128x128xf32, #tpu.memory_space<vmem>>, vector<1x128x128xf32>
      %get3A_553 = vector.shape_cast %get3A_552 : vector<1x128x128xf32> to vector<128x128xf32>
      %mul3A_554 = vector.broadcast %get3A_548 : f32 to vector<128x128xf32>
      %mul3A_555 = arith.mulf %mul3A_554, %get3A_553 : vector<128x128xf32>
      %get3A_556 = arith.constant 4 : index
      %get3A_557 = arith.constant 1 : index
      %get3A_558 = memref.load %arg6[%get3A_556, %get3A_557] : memref<8x4xf32, #tpu.memory_space<smem>>
      %get3A_559 = arith.constant 1 : index
      %get3A_560 = arith.constant 0 : index
      %get3A_561 = arith.constant 0 : index
      %get3A_562 = vector.load %arg5[%get3A_559, %get3A_560, %get3A_561] : memref<4x128x128xf32, #tpu.memory_space<vmem>>, vector<1x128x128xf32>
      %get3A_563 = vector.shape_cast %get3A_562 : vector<1x128x128xf32> to vector<128x128xf32>
      %mul3A_564 = vector.broadcast %get3A_558 : f32 to vector<128x128xf32>
      %mul3A_565 = arith.mulf %mul3A_564, %get3A_563 : vector<128x128xf32>
      %add3A_566 = arith.addf %mul3A_555, %mul3A_565 : vector<128x128xf32>
      %get3A_567 = arith.constant 4 : index
      %get3A_568 = arith.constant 2 : index
      %get3A_569 = memref.load %arg6[%get3A_567, %get3A_568] : memref<8x4xf32, #tpu.memory_space<smem>>
      %get3A_570 = arith.constant 2 : index
      %get3A_571 = arith.constant 0 : index
      %get3A_572 = arith.constant 0 : index
      %get3A_573 = vector.load %arg5[%get3A_570, %get3A_571, %get3A_572] : memref<4x128x128xf32, #tpu.memory_space<vmem>>, vector<1x128x128xf32>
      %get3A_574 = vector.shape_cast %get3A_573 : vector<1x128x128xf32> to vector<128x128xf32>
      %mul3A_575 = vector.broadcast %get3A_569 : f32 to vector<128x128xf32>
      %mul3A_576 = arith.mulf %mul3A_575, %get3A_574 : vector<128x128xf32>
      %add3A_577 = arith.addf %add3A_566, %mul3A_576 : vector<128x128xf32>
      %get3A_578 = arith.constant 4 : index
      %get3A_579 = arith.constant 3 : index
      %get3A_580 = memref.load %arg6[%get3A_578, %get3A_579] : memref<8x4xf32, #tpu.memory_space<smem>>
      %get3A_581 = arith.constant 3 : index
      %get3A_582 = arith.constant 0 : index
      %get3A_583 = arith.constant 0 : index
      %get3A_584 = vector.load %arg5[%get3A_581, %get3A_582, %get3A_583] : memref<4x128x128xf32, #tpu.memory_space<vmem>>, vector<1x128x128xf32>
      %get3A_585 = vector.shape_cast %get3A_584 : vector<1x128x128xf32> to vector<128x128xf32>
      %mul3A_586 = vector.broadcast %get3A_580 : f32 to vector<128x128xf32>
      %mul3A_587 = arith.mulf %mul3A_586, %get3A_585 : vector<128x128xf32>
      %add3A_588 = arith.addf %add3A_577, %mul3A_587 : vector<128x128xf32>
      %swap3A_589 = arith.constant 4 : index
      %swap3A_590 = arith.constant 0 : index
      %swap3A_591 = arith.constant 0 : index
      %swap3A_592 = vector.load %arg9[%swap3A_589, %swap3A_590, %swap3A_591] : memref<8x128x128xf32, #tpu.memory_space<vmem>>, vector<1x128x128xf32>
      %swap3A_593 = vector.shape_cast %swap3A_592 : vector<1x128x128xf32> to vector<128x128xf32>
      %swap3A_594 = vector.shape_cast %add3A_588 : vector<128x128xf32> to vector<1x128x128xf32>
      tpu.vector_store %arg9[%swap3A_589, %swap3A_590, %swap3A_591], %swap3A_594 {strides = array<i32>} : memref<8x128x128xf32, #tpu.memory_space<vmem>>, vector<1x128x128xf32>,
      %get3A_595 = arith.constant 5 : index
      %get3A_596 = arith.constant 0 : index
      %get3A_597 = memref.load %arg4[%get3A_595, %get3A_596] : memref<8x4xf32, #tpu.memory_space<smem>>
      %get3A_598 = arith.constant 0 : index
      %get3A_599 = arith.constant 0 : index
      %get3A_600 = arith.constant 0 : index
      %get3A_601 = vector.load %arg3[%get3A_598, %get3A_599, %get3A_600] : memref<4x128x128xf32, #tpu.memory_space<vmem>>, vector<1x128x128xf32>
      %get3A_602 = vector.shape_cast %get3A_601 : vector<1x128x128xf32> to vector<128x128xf32>
      %mul3A_603 = vector.broadcast %get3A_597 : f32 to vector<128x128xf32>
      %mul3A_604 = arith.mulf %mul3A_603, %get3A_602 : vector<128x128xf32>
      %get3A_605 = arith.constant 5 : index
      %get3A_606 = arith.constant 1 : index
      %get3A_607 = memref.load %arg4[%get3A_605, %get3A_606] : memref<8x4xf32, #tpu.memory_space<smem>>
      %get3A_608 = arith.constant 1 : index
      %get3A_609 = arith.constant 0 : index
      %get3A_610 = arith.constant 0 : index
      %get3A_611 = vector.load %arg3[%get3A_608, %get3A_609, %get3A_610] : memref<4x128x128xf32, #tpu.memory_space<vmem>>, vector<1x128x128xf32>
      %get3A_612 = vector.shape_cast %get3A_611 : vector<1x128x128xf32> to vector<128x128xf32>
      %mul3A_613 = vector.broadcast %get3A_607 : f32 to vector<128x128xf32>
      %mul3A_614 = arith.mulf %mul3A_613, %get3A_612 : vector<128x128xf32>
      %add3A_615 = arith.addf %mul3A_604, %mul3A_614 : vector<128x128xf32>
      %get3A_616 = arith.constant 5 : index
      %get3A_617 = arith.constant 2 : index
      %get3A_618 = memref.load %arg4[%get3A_616, %get3A_617] : memref<8x4xf32, #tpu.memory_space<smem>>
      %get3A_619 = arith.constant 2 : index
      %get3A_620 = arith.constant 0 : index
      %get3A_621 = arith.constant 0 : index
      %get3A_622 = vector.load %arg3[%get3A_619, %get3A_620, %get3A_621] : memref<4x128x128xf32, #tpu.memory_space<vmem>>, vector<1x128x128xf32>
      %get3A_623 = vector.shape_cast %get3A_622 : vector<1x128x128xf32> to vector<128x128xf32>
      %mul3A_624 = vector.broadcast %get3A_618 : f32 to vector<128x128xf32>
      %mul3A_625 = arith.mulf %mul3A_624, %get3A_623 : vector<128x128xf32>
      %add3A_626 = arith.addf %add3A_615, %mul3A_625 : vector<128x128xf32>
      %get3A_627 = arith.constant 5 : index
      %get3A_628 = arith.constant 3 : index
      %get3A_629 = memref.load %arg4[%get3A_627, %get3A_628] : memref<8x4xf32, #tpu.memory_space<smem>>
      %get3A_630 = arith.constant 3 : index
      %get3A_631 = arith.constant 0 : index
      %get3A_632 = arith.constant 0 : index
      %get3A_633 = vector.load %arg3[%get3A_630, %get3A_631, %get3A_632] : memref<4x128x128xf32, #tpu.memory_space<vmem>>, vector<1x128x128xf32>
      %get3A_634 = vector.shape_cast %get3A_633 : vector<1x128x128xf32> to vector<128x128xf32>
      %mul3A_635 = vector.broadcast %get3A_629 : f32 to vector<128x128xf32>
      %mul3A_636 = arith.mulf %mul3A_635, %get3A_634 : vector<128x128xf32>
      %add3A_637 = arith.addf %add3A_626, %mul3A_636 : vector<128x128xf32>
      %get3A_638 = arith.constant 0 : index
      %get3A_639 = arith.constant 0 : index
      %get3A_640 = vector.load %arg2[%get3A_638, %get3A_639] : memref<16x128xf32, #tpu.memory_space<vmem>>, vector<16x128xf32>
      %dot_general3A_641 = arith.constant dense<0.000000e+00> : vector<16x128xf32>
      %dot_general3A_642 = tpu.matmul %get3A_640, %add3A_637, %dot_general3A_641 {dimension_numbers = #tpu.dot_dimension_numbers<[1], [0], [0], [1], [0, 0, 1, 1], [], []>, transpose_lhs_hint = false} : vector<16x128xf32>, vector<128x128xf32>, vector<16x128xf32> -> vector<16x128xf32>
      %swap3A_643 = arith.constant 80 : index
      %swap3A_644 = arith.constant 0 : index
      %swap3A_645 = vector.load %arg8[%swap3A_643, %swap3A_644] : memref<128x128xf32, #tpu.memory_space<vmem>>, vector<16x128xf32>
      tpu.vector_store %arg8[%swap3A_643, %swap3A_644], %dot_general3A_642 {strides = array<i32>} : memref<128x128xf32, #tpu.memory_space<vmem>>, vector<16x128xf32>,
      %get3A_646 = arith.constant 5 : index
      %get3A_647 = arith.constant 0 : index
      %get3A_648 = memref.load %arg6[%get3A_646, %get3A_647] : memref<8x4xf32, #tpu.memory_space<smem>>
      %get3A_649 = arith.constant 0 : index
      %get3A_650 = arith.constant 0 : index
      %get3A_651 = arith.constant 0 : index
      %get3A_652 = vector.load %arg5[%get3A_649, %get3A_650, %get3A_651] : memref<4x128x128xf32, #tpu.memory_space<vmem>>, vector<1x128x128xf32>
      %get3A_653 = vector.shape_cast %get3A_652 : vector<1x128x128xf32> to vector<128x128xf32>
      %mul3A_654 = vector.broadcast %get3A_648 : f32 to vector<128x128xf32>
      %mul3A_655 = arith.mulf %mul3A_654, %get3A_653 : vector<128x128xf32>
      %get3A_656 = arith.constant 5 : index
      %get3A_657 = arith.constant 1 : index
      %get3A_658 = memref.load %arg6[%get3A_656, %get3A_657] : memref<8x4xf32, #tpu.memory_space<smem>>
      %get3A_659 = arith.constant 1 : index
      %get3A_660 = arith.constant 0 : index
      %get3A_661 = arith.constant 0 : index
      %get3A_662 = vector.load %arg5[%get3A_659, %get3A_660, %get3A_661] : memref<4x128x128xf32, #tpu.memory_space<vmem>>, vector<1x128x128xf32>
      %get3A_663 = vector.shape_cast %get3A_662 : vector<1x128x128xf32> to vector<128x128xf32>
      %mul3A_664 = vector.broadcast %get3A_658 : f32 to vector<128x128xf32>
      %mul3A_665 = arith.mulf %mul3A_664, %get3A_663 : vector<128x128xf32>
      %add3A_666 = arith.addf %mul3A_655, %mul3A_665 : vector<128x128xf32>
      %get3A_667 = arith.constant 5 : index
      %get3A_668 = arith.constant 2 : index
      %get3A_669 = memref.load %arg6[%get3A_667, %get3A_668] : memref<8x4xf32, #tpu.memory_space<smem>>
      %get3A_670 = arith.constant 2 : index
      %get3A_671 = arith.constant 0 : index
      %get3A_672 = arith.constant 0 : index
      %get3A_673 = vector.load %arg5[%get3A_670, %get3A_671, %get3A_672] : memref<4x128x128xf32, #tpu.memory_space<vmem>>, vector<1x128x128xf32>
      %get3A_674 = vector.shape_cast %get3A_673 : vector<1x128x128xf32> to vector<128x128xf32>
      %mul3A_675 = vector.broadcast %get3A_669 : f32 to vector<128x128xf32>
      %mul3A_676 = arith.mulf %mul3A_675, %get3A_674 : vector<128x128xf32>
      %add3A_677 = arith.addf %add3A_666, %mul3A_676 : vector<128x128xf32>
      %get3A_678 = arith.constant 5 : index
      %get3A_679 = arith.constant 3 : index
      %get3A_680 = memref.load %arg6[%get3A_678, %get3A_679] : memref<8x4xf32, #tpu.memory_space<smem>>
      %get3A_681 = arith.constant 3 : index
      %get3A_682 = arith.constant 0 : index
      %get3A_683 = arith.constant 0 : index
      %get3A_684 = vector.load %arg5[%get3A_681, %get3A_682, %get3A_683] : memref<4x128x128xf32, #tpu.memory_space<vmem>>, vector<1x128x128xf32>
      %get3A_685 = vector.shape_cast %get3A_684 : vector<1x128x128xf32> to vector<128x128xf32>
      %mul3A_686 = vector.broadcast %get3A_680 : f32 to vector<128x128xf32>
      %mul3A_687 = arith.mulf %mul3A_686, %get3A_685 : vector<128x128xf32>
      %add3A_688 = arith.addf %add3A_677, %mul3A_687 : vector<128x128xf32>
      %swap3A_689 = arith.constant 5 : index
      %swap3A_690 = arith.constant 0 : index
      %swap3A_691 = arith.constant 0 : index
      %swap3A_692 = vector.load %arg9[%swap3A_689, %swap3A_690, %swap3A_691] : memref<8x128x128xf32, #tpu.memory_space<vmem>>, vector<1x128x128xf32>
      %swap3A_693 = vector.shape_cast %swap3A_692 : vector<1x128x128xf32> to vector<128x128xf32>
      %swap3A_694 = vector.shape_cast %add3A_688 : vector<128x128xf32> to vector<1x128x128xf32>
      tpu.vector_store %arg9[%swap3A_689, %swap3A_690, %swap3A_691], %swap3A_694 {strides = array<i32>} : memref<8x128x128xf32, #tpu.memory_space<vmem>>, vector<1x128x128xf32>,
      %get3A_695 = arith.constant 6 : index
      %get3A_696 = arith.constant 0 : index
      %get3A_697 = memref.load %arg4[%get3A_695, %get3A_696] : memref<8x4xf32, #tpu.memory_space<smem>>
      %get3A_698 = arith.constant 0 : index
      %get3A_699 = arith.constant 0 : index
      %get3A_700 = arith.constant 0 : index
      %get3A_701 = vector.load %arg3[%get3A_698, %get3A_699, %get3A_700] : memref<4x128x128xf32, #tpu.memory_space<vmem>>, vector<1x128x128xf32>
      %get3A_702 = vector.shape_cast %get3A_701 : vector<1x128x128xf32> to vector<128x128xf32>
      %mul3A_703 = vector.broadcast %get3A_697 : f32 to vector<128x128xf32>
      %mul3A_704 = arith.mulf %mul3A_703, %get3A_702 : vector<128x128xf32>
      %get3A_705 = arith.constant 6 : index
      %get3A_706 = arith.constant 1 : index
      %get3A_707 = memref.load %arg4[%get3A_705, %get3A_706] : memref<8x4xf32, #tpu.memory_space<smem>>
      %get3A_708 = arith.constant 1 : index
      %get3A_709 = arith.constant 0 : index
      %get3A_710 = arith.constant 0 : index
      %get3A_711 = vector.load %arg3[%get3A_708, %get3A_709, %get3A_710] : memref<4x128x128xf32, #tpu.memory_space<vmem>>, vector<1x128x128xf32>
      %get3A_712 = vector.shape_cast %get3A_711 : vector<1x128x128xf32> to vector<128x128xf32>
      %mul3A_713 = vector.broadcast %get3A_707 : f32 to vector<128x128xf32>
      %mul3A_714 = arith.mulf %mul3A_713, %get3A_712 : vector<128x128xf32>
      %add3A_715 = arith.addf %mul3A_704, %mul3A_714 : vector<128x128xf32>
      %get3A_716 = arith.constant 6 : index
      %get3A_717 = arith.constant 2 : index
      %get3A_718 = memref.load %arg4[%get3A_716, %get3A_717] : memref<8x4xf32, #tpu.memory_space<smem>>
      %get3A_719 = arith.constant 2 : index
      %get3A_720 = arith.constant 0 : index
      %get3A_721 = arith.constant 0 : index
      %get3A_722 = vector.load %arg3[%get3A_719, %get3A_720, %get3A_721] : memref<4x128x128xf32, #tpu.memory_space<vmem>>, vector<1x128x128xf32>
      %get3A_723 = vector.shape_cast %get3A_722 : vector<1x128x128xf32> to vector<128x128xf32>
      %mul3A_724 = vector.broadcast %get3A_718 : f32 to vector<128x128xf32>
      %mul3A_725 = arith.mulf %mul3A_724, %get3A_723 : vector<128x128xf32>
      %add3A_726 = arith.addf %add3A_715, %mul3A_725 : vector<128x128xf32>
      %get3A_727 = arith.constant 6 : index
      %get3A_728 = arith.constant 3 : index
      %get3A_729 = memref.load %arg4[%get3A_727, %get3A_728] : memref<8x4xf32, #tpu.memory_space<smem>>
      %get3A_730 = arith.constant 3 : index
      %get3A_731 = arith.constant 0 : index
      %get3A_732 = arith.constant 0 : index
      %get3A_733 = vector.load %arg3[%get3A_730, %get3A_731, %get3A_732] : memref<4x128x128xf32, #tpu.memory_space<vmem>>, vector<1x128x128xf32>
      %get3A_734 = vector.shape_cast %get3A_733 : vector<1x128x128xf32> to vector<128x128xf32>
      %mul3A_735 = vector.broadcast %get3A_729 : f32 to vector<128x128xf32>
      %mul3A_736 = arith.mulf %mul3A_735, %get3A_734 : vector<128x128xf32>
      %add3A_737 = arith.addf %add3A_726, %mul3A_736 : vector<128x128xf32>
      %get3A_738 = arith.constant 0 : index
      %get3A_739 = arith.constant 0 : index
      %get3A_740 = vector.load %arg2[%get3A_738, %get3A_739] : memref<16x128xf32, #tpu.memory_space<vmem>>, vector<16x128xf32>
      %dot_general3A_741 = arith.constant dense<0.000000e+00> : vector<16x128xf32>
      %dot_general3A_742 = tpu.matmul %get3A_740, %add3A_737, %dot_general3A_741 {dimension_numbers = #tpu.dot_dimension_numbers<[1], [0], [0], [1], [0, 0, 1, 1], [], []>, transpose_lhs_hint = false} : vector<16x128xf32>, vector<128x128xf32>, vector<16x128xf32> -> vector<16x128xf32>
      %swap3A_743 = arith.constant 96 : index
      %swap3A_744 = arith.constant 0 : index
      %swap3A_745 = vector.load %arg8[%swap3A_743, %swap3A_744] : memref<128x128xf32, #tpu.memory_space<vmem>>, vector<16x128xf32>
      tpu.vector_store %arg8[%swap3A_743, %swap3A_744], %dot_general3A_742 {strides = array<i32>} : memref<128x128xf32, #tpu.memory_space<vmem>>, vector<16x128xf32>,
      %get3A_746 = arith.constant 6 : index
      %get3A_747 = arith.constant 0 : index
      %get3A_748 = memref.load %arg6[%get3A_746, %get3A_747] : memref<8x4xf32, #tpu.memory_space<smem>>
      %get3A_749 = arith.constant 0 : index
      %get3A_750 = arith.constant 0 : index
      %get3A_751 = arith.constant 0 : index
      %get3A_752 = vector.load %arg5[%get3A_749, %get3A_750, %get3A_751] : memref<4x128x128xf32, #tpu.memory_space<vmem>>, vector<1x128x128xf32>
      %get3A_753 = vector.shape_cast %get3A_752 : vector<1x128x128xf32> to vector<128x128xf32>
      %mul3A_754 = vector.broadcast %get3A_748 : f32 to vector<128x128xf32>
      %mul3A_755 = arith.mulf %mul3A_754, %get3A_753 : vector<128x128xf32>
      %get3A_756 = arith.constant 6 : index
      %get3A_757 = arith.constant 1 : index
      %get3A_758 = memref.load %arg6[%get3A_756, %get3A_757] : memref<8x4xf32, #tpu.memory_space<smem>>
      %get3A_759 = arith.constant 1 : index
      %get3A_760 = arith.constant 0 : index
      %get3A_761 = arith.constant 0 : index
      %get3A_762 = vector.load %arg5[%get3A_759, %get3A_760, %get3A_761] : memref<4x128x128xf32, #tpu.memory_space<vmem>>, vector<1x128x128xf32>
      %get3A_763 = vector.shape_cast %get3A_762 : vector<1x128x128xf32> to vector<128x128xf32>
      %mul3A_764 = vector.broadcast %get3A_758 : f32 to vector<128x128xf32>
      %mul3A_765 = arith.mulf %mul3A_764, %get3A_763 : vector<128x128xf32>
      %add3A_766 = arith.addf %mul3A_755, %mul3A_765 : vector<128x128xf32>
      %get3A_767 = arith.constant 6 : index
      %get3A_768 = arith.constant 2 : index
      %get3A_769 = memref.load %arg6[%get3A_767, %get3A_768] : memref<8x4xf32, #tpu.memory_space<smem>>
      %get3A_770 = arith.constant 2 : index
      %get3A_771 = arith.constant 0 : index
      %get3A_772 = arith.constant 0 : index
      %get3A_773 = vector.load %arg5[%get3A_770, %get3A_771, %get3A_772] : memref<4x128x128xf32, #tpu.memory_space<vmem>>, vector<1x128x128xf32>
      %get3A_774 = vector.shape_cast %get3A_773 : vector<1x128x128xf32> to vector<128x128xf32>
      %mul3A_775 = vector.broadcast %get3A_769 : f32 to vector<128x128xf32>
      %mul3A_776 = arith.mulf %mul3A_775, %get3A_774 : vector<128x128xf32>
      %add3A_777 = arith.addf %add3A_766, %mul3A_776 : vector<128x128xf32>
      %get3A_778 = arith.constant 6 : index
      %get3A_779 = arith.constant 3 : index
      %get3A_780 = memref.load %arg6[%get3A_778, %get3A_779] : memref<8x4xf32, #tpu.memory_space<smem>>
      %get3A_781 = arith.constant 3 : index
      %get3A_782 = arith.constant 0 : index
      %get3A_783 = arith.constant 0 : index
      %get3A_784 = vector.load %arg5[%get3A_781, %get3A_782, %get3A_783] : memref<4x128x128xf32, #tpu.memory_space<vmem>>, vector<1x128x128xf32>
      %get3A_785 = vector.shape_cast %get3A_784 : vector<1x128x128xf32> to vector<128x128xf32>
      %mul3A_786 = vector.broadcast %get3A_780 : f32 to vector<128x128xf32>
      %mul3A_787 = arith.mulf %mul3A_786, %get3A_785 : vector<128x128xf32>
      %add3A_788 = arith.addf %add3A_777, %mul3A_787 : vector<128x128xf32>
      %swap3A_789 = arith.constant 6 : index
      %swap3A_790 = arith.constant 0 : index
      %swap3A_791 = arith.constant 0 : index
      %swap3A_792 = vector.load %arg9[%swap3A_789, %swap3A_790, %swap3A_791] : memref<8x128x128xf32, #tpu.memory_space<vmem>>, vector<1x128x128xf32>
      %swap3A_793 = vector.shape_cast %swap3A_792 : vector<1x128x128xf32> to vector<128x128xf32>
      %swap3A_794 = vector.shape_cast %add3A_788 : vector<128x128xf32> to vector<1x128x128xf32>
      tpu.vector_store %arg9[%swap3A_789, %swap3A_790, %swap3A_791], %swap3A_794 {strides = array<i32>} : memref<8x128x128xf32, #tpu.memory_space<vmem>>, vector<1x128x128xf32>,
      %get3A_795 = arith.constant 7 : index
      %get3A_796 = arith.constant 0 : index
      %get3A_797 = memref.load %arg4[%get3A_795, %get3A_796] : memref<8x4xf32, #tpu.memory_space<smem>>
      %get3A_798 = arith.constant 0 : index
      %get3A_799 = arith.constant 0 : index
      %get3A_800 = arith.constant 0 : index
      %get3A_801 = vector.load %arg3[%get3A_798, %get3A_799, %get3A_800] : memref<4x128x128xf32, #tpu.memory_space<vmem>>, vector<1x128x128xf32>
      %get3A_802 = vector.shape_cast %get3A_801 : vector<1x128x128xf32> to vector<128x128xf32>
      %mul3A_803 = vector.broadcast %get3A_797 : f32 to vector<128x128xf32>
      %mul3A_804 = arith.mulf %mul3A_803, %get3A_802 : vector<128x128xf32>
      %get3A_805 = arith.constant 7 : index
      %get3A_806 = arith.constant 1 : index
      %get3A_807 = memref.load %arg4[%get3A_805, %get3A_806] : memref<8x4xf32, #tpu.memory_space<smem>>
      %get3A_808 = arith.constant 1 : index
      %get3A_809 = arith.constant 0 : index
      %get3A_810 = arith.constant 0 : index
      %get3A_811 = vector.load %arg3[%get3A_808, %get3A_809, %get3A_810] : memref<4x128x128xf32, #tpu.memory_space<vmem>>, vector<1x128x128xf32>
      %get3A_812 = vector.shape_cast %get3A_811 : vector<1x128x128xf32> to vector<128x128xf32>
      %mul3A_813 = vector.broadcast %get3A_807 : f32 to vector<128x128xf32>
      %mul3A_814 = arith.mulf %mul3A_813, %get3A_812 : vector<128x128xf32>
      %add3A_815 = arith.addf %mul3A_804, %mul3A_814 : vector<128x128xf32>
      %get3A_816 = arith.constant 7 : index
      %get3A_817 = arith.constant 2 : index
      %get3A_818 = memref.load %arg4[%get3A_816, %get3A_817] : memref<8x4xf32, #tpu.memory_space<smem>>
      %get3A_819 = arith.constant 2 : index
      %get3A_820 = arith.constant 0 : index
      %get3A_821 = arith.constant 0 : index
      %get3A_822 = vector.load %arg3[%get3A_819, %get3A_820, %get3A_821] : memref<4x128x128xf32, #tpu.memory_space<vmem>>, vector<1x128x128xf32>
      %get3A_823 = vector.shape_cast %get3A_822 : vector<1x128x128xf32> to vector<128x128xf32>
      %mul3A_824 = vector.broadcast %get3A_818 : f32 to vector<128x128xf32>
      %mul3A_825 = arith.mulf %mul3A_824, %get3A_823 : vector<128x128xf32>
      %add3A_826 = arith.addf %add3A_815, %mul3A_825 : vector<128x128xf32>
      %get3A_827 = arith.constant 7 : index
      %get3A_828 = arith.constant 3 : index
      %get3A_829 = memref.load %arg4[%get3A_827, %get3A_828] : memref<8x4xf32, #tpu.memory_space<smem>>
      %get3A_830 = arith.constant 3 : index
      %get3A_831 = arith.constant 0 : index
      %get3A_832 = arith.constant 0 : index
      %get3A_833 = vector.load %arg3[%get3A_830, %get3A_831, %get3A_832] : memref<4x128x128xf32, #tpu.memory_space<vmem>>, vector<1x128x128xf32>
      %get3A_834 = vector.shape_cast %get3A_833 : vector<1x128x128xf32> to vector<128x128xf32>
      %mul3A_835 = vector.broadcast %get3A_829 : f32 to vector<128x128xf32>
      %mul3A_836 = arith.mulf %mul3A_835, %get3A_834 : vector<128x128xf32>
      %add3A_837 = arith.addf %add3A_826, %mul3A_836 : vector<128x128xf32>
      %get3A_838 = arith.constant 0 : index
      %get3A_839 = arith.constant 0 : index
      %get3A_840 = vector.load %arg2[%get3A_838, %get3A_839] : memref<16x128xf32, #tpu.memory_space<vmem>>, vector<16x128xf32>
      %dot_general3A_841 = arith.constant dense<0.000000e+00> : vector<16x128xf32>
      %dot_general3A_842 = tpu.matmul %get3A_840, %add3A_837, %dot_general3A_841 {dimension_numbers = #tpu.dot_dimension_numbers<[1], [0], [0], [1], [0, 0, 1, 1], [], []>, transpose_lhs_hint = false} : vector<16x128xf32>, vector<128x128xf32>, vector<16x128xf32> -> vector<16x128xf32>
      %swap3A_843 = arith.constant 112 : index
      %swap3A_844 = arith.constant 0 : index
      %swap3A_845 = vector.load %arg8[%swap3A_843, %swap3A_844] : memref<128x128xf32, #tpu.memory_space<vmem>>, vector<16x128xf32>
      tpu.vector_store %arg8[%swap3A_843, %swap3A_844], %dot_general3A_842 {strides = array<i32>} : memref<128x128xf32, #tpu.memory_space<vmem>>, vector<16x128xf32>,
      %get3A_846 = arith.constant 7 : index
      %get3A_847 = arith.constant 0 : index
      %get3A_848 = memref.load %arg6[%get3A_846, %get3A_847] : memref<8x4xf32, #tpu.memory_space<smem>>
      %get3A_849 = arith.constant 0 : index
      %get3A_850 = arith.constant 0 : index
      %get3A_851 = arith.constant 0 : index
      %get3A_852 = vector.load %arg5[%get3A_849, %get3A_850, %get3A_851] : memref<4x128x128xf32, #tpu.memory_space<vmem>>, vector<1x128x128xf32>
      %get3A_853 = vector.shape_cast %get3A_852 : vector<1x128x128xf32> to vector<128x128xf32>
      %mul3A_854 = vector.broadcast %get3A_848 : f32 to vector<128x128xf32>
      %mul3A_855 = arith.mulf %mul3A_854, %get3A_853 : vector<128x128xf32>
      %get3A_856 = arith.constant 7 : index
      %get3A_857 = arith.constant 1 : index
      %get3A_858 = memref.load %arg6[%get3A_856, %get3A_857] : memref<8x4xf32, #tpu.memory_space<smem>>
      %get3A_859 = arith.constant 1 : index
      %get3A_860 = arith.constant 0 : index
      %get3A_861 = arith.constant 0 : index
      %get3A_862 = vector.load %arg5[%get3A_859, %get3A_860, %get3A_861] : memref<4x128x128xf32, #tpu.memory_space<vmem>>, vector<1x128x128xf32>
      %get3A_863 = vector.shape_cast %get3A_862 : vector<1x128x128xf32> to vector<128x128xf32>
      %mul3A_864 = vector.broadcast %get3A_858 : f32 to vector<128x128xf32>
      %mul3A_865 = arith.mulf %mul3A_864, %get3A_863 : vector<128x128xf32>
      %add3A_866 = arith.addf %mul3A_855, %mul3A_865 : vector<128x128xf32>
      %get3A_867 = arith.constant 7 : index
      %get3A_868 = arith.constant 2 : index
      %get3A_869 = memref.load %arg6[%get3A_867, %get3A_868] : memref<8x4xf32, #tpu.memory_space<smem>>
      %get3A_870 = arith.constant 2 : index
      %get3A_871 = arith.constant 0 : index
      %get3A_872 = arith.constant 0 : index
      %get3A_873 = vector.load %arg5[%get3A_870, %get3A_871, %get3A_872] : memref<4x128x128xf32, #tpu.memory_space<vmem>>, vector<1x128x128xf32>
      %get3A_874 = vector.shape_cast %get3A_873 : vector<1x128x128xf32> to vector<128x128xf32>
      %mul3A_875 = vector.broadcast %get3A_869 : f32 to vector<128x128xf32>
      %mul3A_876 = arith.mulf %mul3A_875, %get3A_874 : vector<128x128xf32>
      %add3A_877 = arith.addf %add3A_866, %mul3A_876 : vector<128x128xf32>
      %get3A_878 = arith.constant 7 : index
      %get3A_879 = arith.constant 3 : index
      %get3A_880 = memref.load %arg6[%get3A_878, %get3A_879] : memref<8x4xf32, #tpu.memory_space<smem>>
      %get3A_881 = arith.constant 3 : index
      %get3A_882 = arith.constant 0 : index
      %get3A_883 = arith.constant 0 : index
      %get3A_884 = vector.load %arg5[%get3A_881, %get3A_882, %get3A_883] : memref<4x128x128xf32, #tpu.memory_space<vmem>>, vector<1x128x128xf32>
      %get3A_885 = vector.shape_cast %get3A_884 : vector<1x128x128xf32> to vector<128x128xf32>
      %mul3A_886 = vector.broadcast %get3A_880 : f32 to vector<128x128xf32>
      %mul3A_887 = arith.mulf %mul3A_886, %get3A_885 : vector<128x128xf32>
      %add3A_888 = arith.addf %add3A_877, %mul3A_887 : vector<128x128xf32>
      %swap3A_889 = arith.constant 7 : index
      %swap3A_890 = arith.constant 0 : index
      %swap3A_891 = arith.constant 0 : index
      %swap3A_892 = vector.load %arg9[%swap3A_889, %swap3A_890, %swap3A_891] : memref<8x128x128xf32, #tpu.memory_space<vmem>>, vector<1x128x128xf32>
      %swap3A_893 = vector.shape_cast %swap3A_892 : vector<1x128x128xf32> to vector<128x128xf32>
      %swap3A_894 = vector.shape_cast %add3A_888 : vector<128x128xf32> to vector<1x128x128xf32>
      tpu.vector_store %arg9[%swap3A_889, %swap3A_890, %swap3A_891], %swap3A_894 {strides = array<i32>} : memref<8x128x128xf32, #tpu.memory_space<vmem>>, vector<1x128x128xf32>,
    } else {
    }
    %get3A = arith.constant 0 : index
    %get3A_2 = arith.constant 0 : index
    %get3A_3 = arith.constant 0 : index
    %get3A_4 = vector.load %arg1[%get3A, %get3A_2, %get3A_3] : memref<2x1000x128xf32, #tpu.memory_space<vmem>>, vector<1x1000x128xf32>
    %get3A_5 = vector.shape_cast %get3A_4 : vector<1x1000x128xf32> to vector<1000x128xf32>
    %get3A_6 = arith.constant 1 : index
    %get3A_7 = arith.constant 0 : index
    %get3A_8 = arith.constant 0 : index
    %get3A_9 = vector.load %arg1[%get3A_6, %get3A_7, %get3A_8] : memref<2x1000x128xf32, #tpu.memory_space<vmem>>, vector<1x1000x128xf32>
    %get3A_10 = vector.shape_cast %get3A_9 : vector<1x1000x128xf32> to vector<1000x128xf32>
    %add3A = arith.addf %get3A_5, %get3A_10 : vector<1000x128xf32>
    %get3A_11 = arith.constant 0 : index
    %get3A_12 = arith.constant 0 : index
    %get3A_13 = vector.load %arg8[%get3A_11, %get3A_12] : memref<128x128xf32, #tpu.memory_space<vmem>>, vector<128x128xf32>
    %dot_general3A = arith.constant dense<0.000000e+00> : vector<1000x128xf32>
    %dot_general3A_14 = tpu.matmul %add3A, %get3A_13, %dot_general3A {dimension_numbers = #tpu.dot_dimension_numbers<[1], [0], [0], [1], [0, 0, 1, 1], [], []>, transpose_lhs_hint = false} : vector<1000x128xf32>, vector<128x128xf32>, vector<1000x128xf32> -> vector<1000x128xf32>
    %max3A = arith.constant 0.000000e+00 : f32
    %max3A_15 = vector.broadcast %max3A : f32 to vector<1000x128xf32>
    %max3A_16 = arith.maximumf %dot_general3A_14, %max3A_15 : vector<1000x128xf32>
    %get3A_17 = arith.constant 0 : index
    %get3A_18 = arith.constant 0 : index
    %get3A_19 = arith.constant 0 : index
    %get3A_20 = vector.load %arg9[%get3A_17, %get3A_18, %get3A_19] : memref<8x128x128xf32, #tpu.memory_space<vmem>>, vector<1x128x128xf32>
    %get3A_21 = vector.shape_cast %get3A_20 : vector<1x128x128xf32> to vector<128x128xf32>
    %dot_general3A_22 = arith.constant dense<0.000000e+00> : vector<1000x128xf32>
    %dot_general3A_23 = tpu.matmul %max3A_16, %get3A_21, %dot_general3A_22 {dimension_numbers = #tpu.dot_dimension_numbers<[1], [0], [0], [1], [0, 0, 1, 1], [], []>, transpose_lhs_hint = false} : vector<1000x128xf32>, vector<128x128xf32>, vector<1000x128xf32> -> vector<1000x128xf32>
    %swap3A = arith.constant 0 : index
    %swap3A_24 = arith.constant 0 : index
    %swap3A_25 = vector.load %arg7[%swap3A, %swap3A_24] : memref<1000x1024xf32, #tpu.memory_space<vmem>>, vector<1000x128xf32>
    tpu.vector_store %arg7[%swap3A, %swap3A_24], %dot_general3A_23 {strides = array<i32>} : memref<1000x1024xf32, #tpu.memory_space<vmem>>, vector<1000x128xf32>,
    %get3A_26 = arith.constant 1 : index
    %get3A_27 = arith.constant 0 : index
    %get3A_28 = arith.constant 0 : index
    %get3A_29 = vector.load %arg9[%get3A_26, %get3A_27, %get3A_28] : memref<8x128x128xf32, #tpu.memory_space<vmem>>, vector<1x128x128xf32>
    %get3A_30 = vector.shape_cast %get3A_29 : vector<1x128x128xf32> to vector<128x128xf32>
    %dot_general3A_31 = arith.constant dense<0.000000e+00> : vector<1000x128xf32>
    %dot_general3A_32 = tpu.matmul %max3A_16, %get3A_30, %dot_general3A_31 {dimension_numbers = #tpu.dot_dimension_numbers<[1], [0], [0], [1], [0, 0, 1, 1], [], []>, transpose_lhs_hint = false} : vector<1000x128xf32>, vector<128x128xf32>, vector<1000x128xf32> -> vector<1000x128xf32>
    %swap3A_33 = arith.constant 0 : index
    %swap3A_34 = arith.constant 128 : index
    %swap3A_35 = vector.load %arg7[%swap3A_33, %swap3A_34] : memref<1000x1024xf32, #tpu.memory_space<vmem>>, vector<1000x128xf32>
    tpu.vector_store %arg7[%swap3A_33, %swap3A_34], %dot_general3A_32 {strides = array<i32>} : memref<1000x1024xf32, #tpu.memory_space<vmem>>, vector<1000x128xf32>,
    %get3A_36 = arith.constant 2 : index
    %get3A_37 = arith.constant 0 : index
    %get3A_38 = arith.constant 0 : index
    %get3A_39 = vector.load %arg9[%get3A_36, %get3A_37, %get3A_38] : memref<8x128x128xf32, #tpu.memory_space<vmem>>, vector<1x128x128xf32>
    %get3A_40 = vector.shape_cast %get3A_39 : vector<1x128x128xf32> to vector<128x128xf32>
    %dot_general3A_41 = arith.constant dense<0.000000e+00> : vector<1000x128xf32>
    %dot_general3A_42 = tpu.matmul %max3A_16, %get3A_40, %dot_general3A_41 {dimension_numbers = #tpu.dot_dimension_numbers<[1], [0], [0], [1], [0, 0, 1, 1], [], []>, transpose_lhs_hint = false} : vector<1000x128xf32>, vector<128x128xf32>, vector<1000x128xf32> -> vector<1000x128xf32>
    %swap3A_43 = arith.constant 0 : index
    %swap3A_44 = arith.constant 256 : index
    %swap3A_45 = vector.load %arg7[%swap3A_43, %swap3A_44] : memref<1000x1024xf32, #tpu.memory_space<vmem>>, vector<1000x128xf32>
    tpu.vector_store %arg7[%swap3A_43, %swap3A_44], %dot_general3A_42 {strides = array<i32>} : memref<1000x1024xf32, #tpu.memory_space<vmem>>, vector<1000x128xf32>,
    %get3A_46 = arith.constant 3 : index
    %get3A_47 = arith.constant 0 : index
    %get3A_48 = arith.constant 0 : index
    %get3A_49 = vector.load %arg9[%get3A_46, %get3A_47, %get3A_48] : memref<8x128x128xf32, #tpu.memory_space<vmem>>, vector<1x128x128xf32>
    %get3A_50 = vector.shape_cast %get3A_49 : vector<1x128x128xf32> to vector<128x128xf32>
    %dot_general3A_51 = arith.constant dense<0.000000e+00> : vector<1000x128xf32>
    %dot_general3A_52 = tpu.matmul %max3A_16, %get3A_50, %dot_general3A_51 {dimension_numbers = #tpu.dot_dimension_numbers<[1], [0], [0], [1], [0, 0, 1, 1], [], []>, transpose_lhs_hint = false} : vector<1000x128xf32>, vector<128x128xf32>, vector<1000x128xf32> -> vector<1000x128xf32>
    %swap3A_53 = arith.constant 0 : index
    %swap3A_54 = arith.constant 384 : index
    %swap3A_55 = vector.load %arg7[%swap3A_53, %swap3A_54] : memref<1000x1024xf32, #tpu.memory_space<vmem>>, vector<1000x128xf32>
    tpu.vector_store %arg7[%swap3A_53, %swap3A_54], %dot_general3A_52 {strides = array<i32>} : memref<1000x1024xf32, #tpu.memory_space<vmem>>, vector<1000x128xf32>,
    %get3A_56 = arith.constant 4 : index
    %get3A_57 = arith.constant 0 : index
    %get3A_58 = arith.constant 0 : index
    %get3A_59 = vector.load %arg9[%get3A_56, %get3A_57, %get3A_58] : memref<8x128x128xf32, #tpu.memory_space<vmem>>, vector<1x128x128xf32>
    %get3A_60 = vector.shape_cast %get3A_59 : vector<1x128x128xf32> to vector<128x128xf32>
    %dot_general3A_61 = arith.constant dense<0.000000e+00> : vector<1000x128xf32>
    %dot_general3A_62 = tpu.matmul %max3A_16, %get3A_60, %dot_general3A_61 {dimension_numbers = #tpu.dot_dimension_numbers<[1], [0], [0], [1], [0, 0, 1, 1], [], []>, transpose_lhs_hint = false} : vector<1000x128xf32>, vector<128x128xf32>, vector<1000x128xf32> -> vector<1000x128xf32>
    %swap3A_63 = arith.constant 0 : index
    %swap3A_64 = arith.constant 512 : index
    %swap3A_65 = vector.load %arg7[%swap3A_63, %swap3A_64] : memref<1000x1024xf32, #tpu.memory_space<vmem>>, vector<1000x128xf32>
    tpu.vector_store %arg7[%swap3A_63, %swap3A_64], %dot_general3A_62 {strides = array<i32>} : memref<1000x1024xf32, #tpu.memory_space<vmem>>, vector<1000x128xf32>,
    %get3A_66 = arith.constant 5 : index
    %get3A_67 = arith.constant 0 : index
    %get3A_68 = arith.constant 0 : index
    %get3A_69 = vector.load %arg9[%get3A_66, %get3A_67, %get3A_68] : memref<8x128x128xf32, #tpu.memory_space<vmem>>, vector<1x128x128xf32>
    %get3A_70 = vector.shape_cast %get3A_69 : vector<1x128x128xf32> to vector<128x128xf32>
    %dot_general3A_71 = arith.constant dense<0.000000e+00> : vector<1000x128xf32>
    %dot_general3A_72 = tpu.matmul %max3A_16, %get3A_70, %dot_general3A_71 {dimension_numbers = #tpu.dot_dimension_numbers<[1], [0], [0], [1], [0, 0, 1, 1], [], []>, transpose_lhs_hint = false} : vector<1000x128xf32>, vector<128x128xf32>, vector<1000x128xf32> -> vector<1000x128xf32>
    %swap3A_73 = arith.constant 0 : index
    %swap3A_74 = arith.constant 640 : index
    %swap3A_75 = vector.load %arg7[%swap3A_73, %swap3A_74] : memref<1000x1024xf32, #tpu.memory_space<vmem>>, vector<1000x128xf32>
    tpu.vector_store %arg7[%swap3A_73, %swap3A_74], %dot_general3A_72 {strides = array<i32>} : memref<1000x1024xf32, #tpu.memory_space<vmem>>, vector<1000x128xf32>,
    %get3A_76 = arith.constant 6 : index
    %get3A_77 = arith.constant 0 : index
    %get3A_78 = arith.constant 0 : index
    %get3A_79 = vector.load %arg9[%get3A_76, %get3A_77, %get3A_78] : memref<8x128x128xf32, #tpu.memory_space<vmem>>, vector<1x128x128xf32>
    %get3A_80 = vector.shape_cast %get3A_79 : vector<1x128x128xf32> to vector<128x128xf32>
    %dot_general3A_81 = arith.constant dense<0.000000e+00> : vector<1000x128xf32>
    %dot_general3A_82 = tpu.matmul %max3A_16, %get3A_80, %dot_general3A_81 {dimension_numbers = #tpu.dot_dimension_numbers<[1], [0], [0], [1], [0, 0, 1, 1], [], []>, transpose_lhs_hint = false} : vector<1000x128xf32>, vector<128x128xf32>, vector<1000x128xf32> -> vector<1000x128xf32>
    %swap3A_83 = arith.constant 0 : index
    %swap3A_84 = arith.constant 768 : index
    %swap3A_85 = vector.load %arg7[%swap3A_83, %swap3A_84] : memref<1000x1024xf32, #tpu.memory_space<vmem>>, vector<1000x128xf32>
    tpu.vector_store %arg7[%swap3A_83, %swap3A_84], %dot_general3A_82 {strides = array<i32>} : memref<1000x1024xf32, #tpu.memory_space<vmem>>, vector<1000x128xf32>,
    %get3A_86 = arith.constant 7 : index
    %get3A_87 = arith.constant 0 : index
    %get3A_88 = arith.constant 0 : index
    %get3A_89 = vector.load %arg9[%get3A_86, %get3A_87, %get3A_88] : memref<8x128x128xf32, #tpu.memory_space<vmem>>, vector<1x128x128xf32>
    %get3A_90 = vector.shape_cast %get3A_89 : vector<1x128x128xf32> to vector<128x128xf32>
    %dot_general3A_91 = arith.constant dense<0.000000e+00> : vector<1000x128xf32>
    %dot_general3A_92 = tpu.matmul %max3A_16, %get3A_90, %dot_general3A_91 {dimension_numbers = #tpu.dot_dimension_numbers<[1], [0], [0], [1], [0, 0, 1, 1], [], []>, transpose_lhs_hint = false} : vector<1000x128xf32>, vector<128x128xf32>, vector<1000x128xf32> -> vector<1000x128xf32>
    %swap3A_93 = arith.constant 0 : index
    %swap3A_94 = arith.constant 896 : index
    %swap3A_95 = vector.load %arg7[%swap3A_93, %swap3A_94] : memref<1000x1024xf32, #tpu.memory_space<vmem>>, vector<1000x128xf32>
    tpu.vector_store %arg7[%swap3A_93, %swap3A_94], %dot_general3A_92 {strides = array<i32>} : memref<1000x1024xf32, #tpu.memory_space<vmem>>, vector<1000x128xf32>,
    return
  }
  func.func @transform_0(%arg0: i32) -> (i32, i32, i32) {
    %c0_i32 = arith.constant 0 : i32
    %c0_i32_0 = arith.constant 0 : i32
    %c0_i32_1 = arith.constant 0 : i32
    return %c0_i32, %arg0, %c0_i32_0 : i32, i32, i32
  }
  func.func @transform_1(%arg0: i32) -> (i32, i32) {
    %c0_i32 = arith.constant 0 : i32
    %c0_i32_0 = arith.constant 0 : i32
    %c0_i32_1 = arith.constant 0 : i32
    return %c0_i32, %c0_i32_0 : i32, i32
  }
  func.func @transform_2(%arg0: i32) -> (i32, i32, i32) {
    %c0_i32 = arith.constant 0 : i32
    %c0_i32_0 = arith.constant 0 : i32
    %c0_i32_1 = arith.constant 0 : i32
    %c0_i32_2 = arith.constant 0 : i32
    return %c0_i32, %c0_i32_0, %c0_i32_1 : i32, i32, i32
  }
  func.func @transform_3(%arg0: i32) -> (i32, i32) {
    %c0_i32 = arith.constant 0 : i32
    %c0_i32_0 = arith.constant 0 : i32
    %c0_i32_1 = arith.constant 0 : i32
    return %c0_i32, %c0_i32_0 : i32, i32
  }
  func.func @transform_4(%arg0: i32) -> (i32, i32, i32) {
    %c0_i32 = arith.constant 0 : i32
    %c0_i32_0 = arith.constant 0 : i32
    %c0_i32_1 = arith.constant 0 : i32
    %c0_i32_2 = arith.constant 0 : i32
    return %c0_i32, %c0_i32_0, %c0_i32_1 : i32, i32, i32
  }
  func.func @transform_5(%arg0: i32) -> (i32, i32) {
    %c0_i32 = arith.constant 0 : i32
    %c0_i32_0 = arith.constant 0 : i32
    %c0_i32_1 = arith.constant 0 : i32
    return %c0_i32, %c0_i32_0 : i32, i32
  }
  func.func @transform_6(%arg0: i32) -> (i32, i32) {
    %c0_i32 = arith.constant 0 : i32
    %c0_i32_0 = arith.constant 0 : i32
    return %arg0, %c0_i32 : i32, i32
  }
}

module attributes {stable_mosaic.version = 14 : i64} {
  func.func @_final_body(%arg0: i32, %arg1: memref<2x1000x128xf32, #tpu.memory_space<vmem>>, %arg2: memref<8x128xf32, #tpu.memory_space<vmem>>, %arg3: memref<128x128xf32, #tpu.memory_space<vmem>>, %arg4: memref<1x128xf32, #tpu.memory_space<vmem>>, %arg5: memref<1x128xf32, #tpu.memory_space<vmem>>, %arg6: memref<8x128xf32, #tpu.memory_space<vmem>>) attributes {dimension_semantics = [#tpu.dimension_semantics<arbitrary>], iteration_bounds = array<i64: 10>, scalar_prefetch = 0 : i64, scratch_operands = 1 : i64, tpu.core_type = #tpu.core_type<tc>, window_params = [{transform_indices = @transform_0, window_bounds = array<i64: 2, 1000, 128>}, {pipeline_mode = #tpu.pipeline_mode<synchronous>, transform_indices = @transform_1, window_bounds = array<i64: 8, 128>}, {pipeline_mode = #tpu.pipeline_mode<synchronous>, transform_indices = @transform_2, window_bounds = array<i64: 128, 128>}, {pipeline_mode = #tpu.pipeline_mode<synchronous>, transform_indices = @transform_3, window_bounds = array<i64: 1, 128>}, {pipeline_mode = #tpu.pipeline_mode<synchronous>, transform_indices = @transform_4, window_bounds = array<i64: 1, 128>}]} {
    %eq3A = arith.constant 0 : i32
    %eq3A_0 = arith.cmpi eq, %arg0, %eq3A : i32
    %convert_element_type3A = arith.extui %eq3A_0 : i1 to i32
    %cond3A = arith.constant 0 : i32
    %cond3A_1 = arith.cmpi ne, %convert_element_type3A, %cond3A : i32
    scf.if %cond3A_1 {
      %broadcast_in_dim3A = arith.constant 0.000000e+00 : f32
      %broadcast_in_dim3A_25 = vector.broadcast %broadcast_in_dim3A : f32 to vector<8x128xf32>
      %swap3A_26 = arith.constant 0 : index
      %swap3A_27 = arith.constant 0 : index
      %swap3A_28 = vector.load %arg6[%swap3A_26, %swap3A_27] : memref<8x128xf32, #tpu.memory_space<vmem>>, vector<8x128xf32>
      tpu.vector_store %arg6[%swap3A_26, %swap3A_27], %broadcast_in_dim3A_25 {strides = array<i32>} : memref<8x128xf32, #tpu.memory_space<vmem>>, vector<8x128xf32>,
    } else {
    }
    %get3A = arith.constant 0 : index
    %get3A_2 = arith.constant 0 : index
    %get3A_3 = arith.constant 0 : index
    %get3A_4 = vector.load %arg1[%get3A, %get3A_2, %get3A_3] : memref<2x1000x128xf32, #tpu.memory_space<vmem>>, vector<1x1000x128xf32>
    %get3A_5 = vector.shape_cast %get3A_4 : vector<1x1000x128xf32> to vector<1000x128xf32>
    %get3A_6 = arith.constant 1 : index
    %get3A_7 = arith.constant 0 : index
    %get3A_8 = arith.constant 0 : index
    %get3A_9 = vector.load %arg1[%get3A_6, %get3A_7, %get3A_8] : memref<2x1000x128xf32, #tpu.memory_space<vmem>>, vector<1x1000x128xf32>
    %get3A_10 = vector.shape_cast %get3A_9 : vector<1x1000x128xf32> to vector<1000x128xf32>
    %add3A = arith.addf %get3A_5, %get3A_10 : vector<1000x128xf32>
    %max3A = arith.constant 0.000000e+00 : f32
    %max3A_11 = vector.broadcast %max3A : f32 to vector<1000x128xf32>
    %max3A_12 = arith.maximumf %add3A, %max3A_11 : vector<1000x128xf32>
    %reshape3A = vector.shape_cast %max3A_12 : vector<1000x128xf32> to vector<125x8x128xf32>
    %reduce_max3A = arith.constant dense<0xFF800000> : vector<8x128xf32>
    %reduce_max3A_13 = vector.multi_reduction <maximumf>, %reshape3A, %reduce_max3A [0] : vector<125x8x128xf32> to vector<8x128xf32>
    %get3A_14 = arith.constant 0 : index
    %get3A_15 = arith.constant 0 : index
    %get3A_16 = vector.load %arg6[%get3A_14, %get3A_15] : memref<8x128xf32, #tpu.memory_space<vmem>>, vector<8x128xf32>
    %max3A_17 = arith.maximumf %get3A_16, %reduce_max3A_13 : vector<8x128xf32>
    %swap3A = arith.constant 0 : index
    %swap3A_18 = arith.constant 0 : index
    %swap3A_19 = vector.load %arg6[%swap3A, %swap3A_18] : memref<8x128xf32, #tpu.memory_space<vmem>>, vector<8x128xf32>
    tpu.vector_store %arg6[%swap3A, %swap3A_18], %max3A_17 {strides = array<i32>} : memref<8x128xf32, #tpu.memory_space<vmem>>, vector<8x128xf32>,
    %eq3A_20 = arith.constant 9 : i32
    %eq3A_21 = arith.cmpi eq, %arg0, %eq3A_20 : i32
    %convert_element_type3A_22 = arith.extui %eq3A_21 : i1 to i32
    %cond3A_23 = arith.constant 0 : i32
    %cond3A_24 = arith.cmpi ne, %convert_element_type3A_22, %cond3A_23 : i32
    scf.if %cond3A_24 {
      %get3A_25 = arith.constant 0 : index
      %get3A_26 = arith.constant 0 : index
      %get3A_27 = vector.load %arg6[%get3A_25, %get3A_26] : memref<8x128xf32, #tpu.memory_space<vmem>>, vector<8x128xf32>
      %reduce_max3A_28 = arith.constant dense<0xFF800000> : vector<128xf32>
      %reduce_max3A_29 = vector.multi_reduction <maximumf>, %get3A_27, %reduce_max3A_28 [0] : vector<8x128xf32> to vector<128xf32>
      %broadcast_in_dim3A = vector.shape_cast %reduce_max3A_29 : vector<128xf32> to vector<1x128xf32>
      %get3A_30 = arith.constant 0 : index
      %get3A_31 = arith.constant 0 : index
      %get3A_32 = vector.load %arg2[%get3A_30, %get3A_31] : memref<8x128xf32, #tpu.memory_space<vmem>>, vector<8x128xf32>
      %reduce_sum3A = arith.constant dense<0.000000e+00> : vector<128xf32>
      %reduce_sum3A_33 = vector.multi_reduction <add>, %get3A_32, %reduce_sum3A [0] : vector<8x128xf32> to vector<128xf32>
      %broadcast_in_dim3A_34 = vector.shape_cast %reduce_sum3A_33 : vector<128xf32> to vector<1x128xf32>
      %dot_general3A = arith.constant dense<0.000000e+00> : vector<128x128xf32>
      %dot_general3A_35 = tpu.matmul %broadcast_in_dim3A, %broadcast_in_dim3A_34, %dot_general3A {dimension_numbers = #tpu.dot_dimension_numbers<[0], [0], [1], [1], [0, 1, 1, 1], [], []>, transpose_lhs_hint = false} : vector<1x128xf32>, vector<1x128xf32>, vector<128x128xf32> -> vector<128x128xf32>
      %mul3A = arith.constant 0.0883883461 : f32
      %mul3A_36 = vector.broadcast %mul3A : f32 to vector<128x128xf32>
      %mul3A_37 = arith.mulf %dot_general3A_35, %mul3A_36 : vector<128x128xf32>
      %reduce_max3A_38 = arith.constant dense<0xFF800000> : vector<128xf32>
      %reduce_max3A_39 = vector.multi_reduction <maximumf>, %mul3A_37, %reduce_max3A_38 [1] : vector<128x128xf32> to vector<128xf32>
      %broadcast_in_dim3A_40 = vector.shape_cast %reduce_max3A_39 : vector<128xf32> to vector<128x1xf32>
      %sub3A = vector.broadcast %broadcast_in_dim3A_40 : vector<128x1xf32> to vector<128x128xf32>
      %sub3A_41 = arith.subf %mul3A_37, %sub3A : vector<128x128xf32>
      %exp3A = math.exp %sub3A_41 : vector<128x128xf32>
      %reduce_sum3A_42 = arith.constant dense<0.000000e+00> : vector<128xf32>
      %reduce_sum3A_43 = vector.multi_reduction <add>, %exp3A, %reduce_sum3A_42 [1] : vector<128x128xf32> to vector<128xf32>
      %broadcast_in_dim3A_44 = vector.shape_cast %reduce_sum3A_43 : vector<128xf32> to vector<128x1xf32>
      %div3A = vector.broadcast %broadcast_in_dim3A_44 : vector<128x1xf32> to vector<128x128xf32>
      %div3A_45 = arith.divf %exp3A, %div3A : vector<128x128xf32>
      %dot_general3A_46 = arith.constant dense<0.000000e+00> : vector<128x1xf32>
      %dot_general3A_47 = tpu.matmul %div3A_45, %broadcast_in_dim3A_34, %dot_general3A_46 {dimension_numbers = #tpu.dot_dimension_numbers<[1], [1], [0], [0], [0, 0, 1, 0], [], []>, transpose_lhs_hint = false} : vector<128x128xf32>, vector<1x128xf32>, vector<128x1xf32> -> vector<128x1xf32>
      %get3A_48 = arith.constant 0 : index
      %get3A_49 = arith.constant 0 : index
      %get3A_50 = vector.load %arg3[%get3A_48, %get3A_49] : memref<128x128xf32, #tpu.memory_space<vmem>>, vector<128x128xf32>
      %dot_general3A_51 = arith.constant dense<0.000000e+00> : vector<1x128xf32>
      %dot_general3A_52 = tpu.matmul %broadcast_in_dim3A, %get3A_50, %dot_general3A_51 {dimension_numbers = #tpu.dot_dimension_numbers<[1], [0], [0], [1], [0, 0, 1, 1], [], []>, transpose_lhs_hint = false} : vector<1x128xf32>, vector<128x128xf32>, vector<1x128xf32> -> vector<1x128xf32>
      %get3A_53 = arith.constant 0 : index
      %get3A_54 = arith.constant 0 : index
      %get3A_55 = vector.load %arg3[%get3A_53, %get3A_54] : memref<128x128xf32, #tpu.memory_space<vmem>>, vector<128x128xf32>
      %dot_general3A_56 = arith.constant dense<0.000000e+00> : vector<1x128xf32>
      %dot_general3A_57 = tpu.matmul %dot_general3A_47, %get3A_55, %dot_general3A_56 {dimension_numbers = #tpu.dot_dimension_numbers<[0], [0], [1], [1], [0, 1, 1, 1], [], []>, transpose_lhs_hint = false} : vector<128x1xf32>, vector<128x128xf32>, vector<1x128xf32> -> vector<1x128xf32>
      %add3A_58 = arith.addf %dot_general3A_52, %dot_general3A_57 : vector<1x128xf32>
      %get3A_59 = arith.constant 0 : index
      %get3A_60 = arith.constant 0 : index
      %get3A_61 = vector.load %arg4[%get3A_59, %get3A_60] : memref<1x128xf32, #tpu.memory_space<vmem>>, vector<1x128xf32>
      %add3A_62 = arith.addf %add3A_58, %get3A_61 : vector<1x128xf32>
      %swap3A_63 = arith.constant 0 : index
      %swap3A_64 = arith.constant 0 : index
      %swap3A_65 = vector.load %arg5[%swap3A_63, %swap3A_64] : memref<1x128xf32, #tpu.memory_space<vmem>>, vector<1x128xf32>
      tpu.vector_store %arg5[%swap3A_63, %swap3A_64], %add3A_62 {strides = array<i32>} : memref<1x128xf32, #tpu.memory_space<vmem>>, vector<1x128xf32>,
    } else {
    }
    return
  }
  func.func @transform_0(%arg0: i32) -> (i32, i32, i32) {
    %c0_i32 = arith.constant 0 : i32
    %c0_i32_0 = arith.constant 0 : i32
    %c0_i32_1 = arith.constant 0 : i32
    return %c0_i32, %arg0, %c0_i32_0 : i32, i32, i32
  }
  func.func @transform_1(%arg0: i32) -> (i32, i32) {
    %c0_i32 = arith.constant 0 : i32
    %c0_i32_0 = arith.constant 0 : i32
    %c0_i32_1 = arith.constant 0 : i32
    return %c0_i32, %c0_i32_0 : i32, i32
  }
  func.func @transform_2(%arg0: i32) -> (i32, i32) {
    %c0_i32 = arith.constant 0 : i32
    %c0_i32_0 = arith.constant 0 : i32
    %c0_i32_1 = arith.constant 0 : i32
    return %c0_i32, %c0_i32_0 : i32, i32
  }
  func.func @transform_3(%arg0: i32) -> (i32, i32) {
    %c0_i32 = arith.constant 0 : i32
    %c0_i32_0 = arith.constant 0 : i32
    %c0_i32_1 = arith.constant 0 : i32
    return %c0_i32, %c0_i32_0 : i32, i32
  }
  func.func @transform_4(%arg0: i32) -> (i32, i32) {
    %c0_i32 = arith.constant 0 : i32
    %c0_i32_0 = arith.constant 0 : i32
    %c0_i32_1 = arith.constant 0 : i32
    return %c0_i32, %c0_i32_0 : i32, i32
  }
}

</mosaic_0001>

<sc_bundles>
// kernel: kernel.6.cloned.1.call-start
scs
__scs_entry_jumppad:
0x0: {  	(pc) =	sbr.rel $0x88, $3  }
0x1: {  	(tag) =	ssettag $0x0;
	lr =	simm.s32 $0x1  }
0x2: {  	[smem:$0x3F95] =	sst lr;
	_ =	strace $0xD0000000  }
0x3: {  	_ = 	snop  }
0x4: {  	_ = 	snop  }
0x5: {  	_ = 	snop  }
0x6: {  	_ = 	snop  }
0x7: {  	_ = 	snop  }
__scs_overlays_trampoline_lowered:
0x8: {  	[smem:$0x3FA4] =	sst s0  }
0x9: {  	[smem:$0x3FA5] =	sst s1  }
0xa: {  	[smem:$0x3FA6] =	sst s2  }
0xb: {  	[smem:$0x3FA7] =	sst s3  }
0xc: {  	[smem:$0x3FA8] =	sst s4  }
0xd: {  	[smem:$0x3FA9] =	sst s5  }
0xe: {  	[smem:$0x3FAA] =	sst s6  }
0xf: {  	[smem:$0x3FAB] =	sst s7  }
0x10: {  	[smem:$0x3FAC] =	sst s8  }
0x11: {  	[smem:$0x3FAD] =	sst s9;
	s0 =	simm.s32 @!p0 $0x0  }
0x12: {  	s1 =	sld [smem:$0x3F93];
	s0 =	simm.s32 @p0 $0x1  }
0x13: {  	[smem:$0x3FAE] =	sst s0;
	s0 =	simm.s32 @!p1 $0x0  }
0x14: {  	s2 =	sld [smem:$0x3F92];
	s0 =	simm.s32 @p1 $0x1  }
0x15: {  	[smem:$0x3FAF] =	sst s0;
	s0 =	simm.s32 @!p2 $0x0  }
0x16: {  	s3 =	sld [smem:$0x3FDB];
	s0 =	simm.s32 @p2 $0x1  }
0x17: {  	s4 =	simm.s32 $0x1BF5;
	[smem:$0x3FB1] =	sst s0  }
0x18: {  	s0 =	sld [smem:$0x3F94];
	_ =	swait.ge [sflag:s4], $0x0  }
0x19: {  	s7 =	sld [smem:$0x3F95]  }
0x1a: {  	s8 =	sadd.s32 $0xFFFFE003, lr  }
0x1b: {  	s9 =	sadd.s32 $0xFFFFFEF7, lr;
	s5 =	simm.s32 $0xFFFFFFFF;
	p2 =	slt.u32 s8, $0xFFFFF086  }
0x1c: {  	p1 =	slt.u32 s9, $0xF7A;
	s5 =	simm.s32 @!p2 $0x0  }
0x1d: {  	s5 =	simm.s32 @p1 $0x1;
	p0 =	seq.s32 s7, s2  }
0x1e: {  	s7 =	smul.u32 @!p0 $0xF7A, s2;
	p2 =	seq.s32 @!p0 s5, $0x0  }
0x1f: {  	s9 =	smul.u32 $0xF7A, s1;
	s8 =	simm.s32 @!p0 $0x1BF5;
	p2 =	por !p2, p0  }
0x20: {  	[sflag:s8] =	ssyncset.s32 @!p0 $0xFFFFF086;
	s6 =	sadd.s32 @!p0 s3, s7;
	s7 =	simm.s32 @!p0 $0x108  }
0x21: {  	s3 =	sadd.s32 s3, s9;
	s6 =	sadd.s32 @!p0 $0x88, s6;
	s7 =	simm.s32 @p2 $0x1082  }
0x22: {  	[simem:s7], [sflag:s8] =	dma.local @!p0 [hbm:s6], $0xF7A  }
0x23: {  	s9 =	sor.u32 $0xD0000000, s2;
	s6 =	simm.s32 $0x108;
	_ =	swait.ge @!p0 [sflag:s8], $0x0  }
0x24: {  	s3 =	sadd.s32 $0x88, s3;
	s6 =	simm.s32 @!p1 $0x1082;
	[sflag:s4] =	ssyncset.s32 $0xFFFFF086  }
0x25: {  	[simem:s6], [sflag:s4] =	dma.local [hbm:s3], $0xF7A  }
0x26: {  	[smem:$0x3F95] =	sst s1;
	(tag) =	ssettag s2;
	_ =	strace s9  }
0x27: {  	s1 =	sld [smem:$0x3FA5]  }
0x28: {  	s2 =	sld [smem:$0x3FA6]  }
0x29: {  	s4 =	sld [smem:$0x3FA8]  }
0x2a: {  	p0 =	seq.s32 s5, $0x0;
	s5 =	sld [smem:$0x3FA9]  }
0x2b: {  	s6 =	sld [smem:$0x3FAA]  }
0x2c: {  	s7 =	sld [smem:$0x3FAB]  }
0x2d: {  	s3 =	simm.s32 $0x108;
	s8 =	sld [smem:$0x3FAC]  }
0x2e: {  	s3 =	simm.s32 @!p0 $0x1082;
	s9 =	sld [smem:$0x3FAD]  }
0x2f: {  	lr =	sadd.s32 s0, s3;
	s0 =	sld [smem:$0x3FA4]  }
0x30: {  	s3 =	sld [smem:$0x3FA7]  }
0x31: {  	[smem:$0x3FB0] =	sst s10  }
0x32: {  	s10 =	sld [smem:$0x3FAE];
	_ =	sdelay $0x3  }
0x33: {  	p0 =	seq.s32 s10, $0x1;
	s10 =	sld [smem:$0x3FB0];
	_ =	sdelay $0x3  }
0x34: {  	[smem:$0x3FB0] =	sst s10  }
0x35: {  	s10 =	sld [smem:$0x3FAF];
	_ =	sdelay $0x3  }
0x36: {  	p1 =	seq.s32 s10, $0x1;
	s10 =	sld [smem:$0x3FB0];
	_ =	sdelay $0x3  }
0x37: {  	[smem:$0x3FB0] =	sst s10  }
0x38: {  	s10 =	sld [smem:$0x3FB1]  }
0x39: {  	_ = 	snop;
	(pc) =	sbr.ind lr, $3  }
0x3a: {  	_ = 	snop  }
0x3b: {  	_ = 	snop  }
0x3c: {  	p2 =	seq.s32 s10, $0x1;
	s10 =	sld [smem:$0x3FB0]  }
0x3d: {  	_ =	shalt  }
0x3e: {  	_ =	shalt  }
0x3f: {  	_ =	shalt  }
0x40: {  	_ =	shalt  }
0x41: {  	_ =	shalt  }
0x42: {  	_ =	shalt  }
0x43: {  	_ =	shalt  }
0x44: {  	_ =	shalt  }
0x45: {  	_ =	shalt  }
0x46: {  	_ =	shalt  }
0x47: {  	_ =	shalt  }
0x48: {  	_ =	shalt  }
0x49: {  	_ =	shalt  }
0x4a: {  	_ =	shalt  }
0x4b: {  	_ =	shalt  }
0x4c: {  	_ =	shalt  }
0x4d: {  	_ =	shalt  }
0x4e: {  	_ =	shalt  }
0x4f: {  	_ =	shalt  }
0x50: {  	_ =	shalt  }
0x51: {  	_ =	shalt  }
0x52: {  	_ =	shalt  }
0x53: {  	_ =	shalt  }
0x54: {  	_ =	shalt  }
0x55: {  	_ =	shalt  }
0x56: {  	_ =	shalt  }
0x57: {  	_ =	shalt  }
0x58: {  	_ =	shalt  }
0x59: {  	_ =	shalt  }
0x5a: {  	_ =	shalt  }
0x5b: {  	_ =	shalt  }
0x5c: {  	_ =	shalt  }
0x5d: {  	_ =	shalt  }
0x5e: {  	_ =	shalt  }
0x5f: {  	_ =	shalt  }
0x60: {  	_ =	shalt  }
0x61: {  	_ =	shalt  }
0x62: {  	_ =	shalt  }
0x63: {  	_ =	shalt  }
0x64: {  	_ =	shalt  }
0x65: {  	_ =	shalt  }
0x66: {  	_ =	shalt  }
0x67: {  	_ =	shalt  }
0x68: {  	_ =	shalt  }
0x69: {  	_ =	shalt  }
0x6a: {  	_ =	shalt  }
0x6b: {  	_ =	shalt  }
0x6c: {  	_ =	shalt  }
0x6d: {  	_ =	shalt  }
0x6e: {  	_ =	shalt  }
0x6f: {  	_ =	shalt  }
0x70: {  	_ =	shalt  }
0x71: {  	_ =	shalt  }
0x72: {  	_ =	shalt  }
0x73: {  	_ =	shalt  }
0x74: {  	_ =	shalt  }
0x75: {  	_ =	shalt  }
0x76: {  	_ =	shalt  }
0x77: {  	_ =	shalt  }
0x78: {  	_ =	shalt  }
0x79: {  	_ =	shalt  }
0x7a: {  	_ =	shalt  }
0x7b: {  	_ =	shalt  }
0x7c: {  	_ =	shalt  }
0x7d: {  	_ =	shalt  }
0x7e: {  	_ =	shalt  }
0x7f: {  	_ =	shalt  }
0x80: {  	_ =	shalt  }
0x81: {  	_ =	shalt  }
0x82: {  	_ =	shalt  }
0x83: {  	_ =	shalt  }
0x84: {  	_ =	shalt  }
0x85: {  	_ =	shalt  }
0x86: {  	_ =	shalt  }
0x87: {  	_ =	shalt  }
.Lfunc_end0:
.L_simem_size_0:
called_computation_lowered:
.L_overlay_start_0:
0x88: {  	s2 =	sld [smem:$0x3FD9]  }
0x89: {  	s3 =	sld [smem:$0x3FFE];
	_ =	sdelay $0x1  }
0x8a: {  	s1 =	srdreg.scid  }
0x8b: {  	s0 =	sand.u32 $0x1, s1  }
0x8c: {  	s17 =	sshll.u32 s0, $0xA;
	s2 =	sadd.s32 s3, s2  }
0x8d: {  	s2 =	sadd.s32 s2, s17  }
0x8e: {  	[smem:$0x3FBC] =	sst s2  }
0x8f: {  	_ = 	snop  }
0x90: {  	s2 =	sld [smem:$0x3FC9];
	(tm) =	ssettm $0x1  }
0x91: {  	s18 =	sld [smem:$0x3FFB];
	_ =	sdelay $0x3  }
0x92: {  	_ =	strace s18  }
0x93: {  	s3 =	sld [smem:$0x3FFC];
	_ =	sdelay $0x3  }
0x94: {  	_ =	strace s3  }
0x95: {  	s3 =	sld [smem:$0x3FFD];
	_ =	sdelay $0x3  }
0x96: {  	_ =	strace s3  }
0x97: {  	_ =	strace $0x8FFFFFFF  }
0x98: {  	s19 =	sld [smem:$0x3FDB];
	_ =	sdelay $0x1  }
0x99: {  	s4 =	simm.s32 $_scs_section_size  }
0x9a: {  	s5 =	simm.s32 $_size__tile_overlayer_lowered;
	s6 =	simm.s32 $_tile_overlayer_lowered  }
0x9b: {  	s22 =	simm.s32 $0x1BFF;
	s21 =	sshll.u32 s6, $0x1;
	s3 =	sadd.s32 s4, s19  }
0x9c: {  	s7 =	simm.s32 $0x0;
	s20 =	sshll.u32 s5, $0x1;
	s5 =	sadd.s32 s21, s3  }
0x9d: {  	[timem:s7], [sflag:s22] =	dma.local [hbm:s5], s20  }
0x9e: {  	_ =	swait.ge [sflag:s22], s20  }
0x9f: {  	s4 =	ssub.s32 $0x0, s20;
	[sflag:s22] =	ssyncset.done $0x0  }
0xa0: {  	[sflag:s22] =	ssyncadd.s32 s4;
	_ =	sdelay $0x1  }
0xa1: {  	s23 =	simm.s32 $0x1B8B  }
0xa2: {  	_ =	swait.ge [sflag:s23], $0x1  }
0xa3: {  	[sflag:s23] =	ssyncset.done $0x0  }
0xa4: {  	s25 =	simm.s32 $0x1B8E;
	s24 =	sld [smem:$0x3FFE];
	[sflag:s23] =	ssyncadd.s32 $0xFFFFFFFF  }
0xa5: {  	s26 =	simm.s32 $execute0_lowered;
	[smem:$0x3FD2] =	sst s25  }
0xa6: {  	s5 =	sshll.u32 s26, $0x1;
	_ =	strace $0x80000046;
	[dreg:$0x1] =	wrdreg $0xFFFFFFFF  }
0xa7: {  	s28 =	simm.s32 $_size_execute0_lowered;
	s3 =	sadd.s32 s3, s5;
	[dreg:$0x0] =	wrdreg $0x0  }
0xa8: {  	s5 =	sshll.u32 s28, $0x1;
	[dreg:$0x2] =	wrdreg s3  }
0xa9: {  	[dreg:$0x3] =	wrdreg s5  }
0xaa: {  	[dreg:$0x4] =	wrdreg $0xC0  }
0xab: {  	_ =	task [dreg:s7], $0x5FFFF  }
0xac: {  	[dreg:$0x1] =	wrdreg $0xFFFFFFFF  }
0xad: {  	[dreg:$0x0] =	wrdreg $0x60  }
0xae: {  	[dreg:$0x2] =	wrdreg s24  }
0xaf: {  	[dreg:$0x3] =	wrdreg s2  }
0xb0: {  	[dreg:$0x4] =	wrdreg $0x77000  }
0xb1: {  	[dreg:$0x5] =	wrdreg $0x9  }
0xb2: {  	_ =	task.clear_ibuf [dreg:s7], $0x6FFFF;
	_ =	strace $0x90000046  }
0xb3: {  	s29 =	simm.s32 $0x9;
	_ =	strace $0x80000048  }
0xb4: {  	_ =	swait.ge [sflag:s29], $0x1  }
0xb5: {  	[sflag:s29] =	ssyncadd.s32 $0xFFFFFFFF  }
0xb6: {  	_ =	strace $0x90000048  }
0xb7: {  	_ =	sfence  }
0xb8: {  	s30 =	sld [smem:$0x0];
	_ =	sdelay $0x2  }
0xb9: {  	s31 =	sshll.u32 s1, $0xD;
	s1 =	sshrl.u32 s1, $0x2  }
0xba: {  	s3 =	sand.u32 $0x4000, s31;
	s1 =	sadd.s32 s1, s30  }
0xbb: {  	s0 =	sor.u32 s3, s0;
	s1 =	sshll.u32 s1, $0x11  }
0xbc: {  	s0 =	sor.u32 s1, s0  }
0xbd: {  	s0 =	sadd.s32 $0x8F2B, s0  }
0xbe: {  	[sflag:s0] =	ssyncadd.remote.s32 $0x1  }
0xbf: {  	_ =	sfence.sel $0xFFFF  }
0xc0: {  	[dreg:$0x0] =	wrdreg $0xFFFFFFFF;
	(pc) =	sbr.abs _section_cstart, $3  }
0xc1: {  	[dreg:$0x1] =	wrdreg $0xFFFFFFFF  }
0xc2: {  	_ =	task.clear_ibuf [dreg:s7], $0x2FFFF;
	_ =	strace $0x9FFFFFFF  }
0xc3: {  	(tm) =	ssettm $0x7FFFFFFF  }
tec
execute0_lowered:
.L_overlay_start_1:
0x0: {  	(tag) =	ssettag $0x1  }
0x1: {  	s5 =	rddreg [dreg:$0x0]  }
0x2: {  	s1 =	srdreg.scid;
	s2 =	rddreg [dreg:$0x1]  }
0x3: {  	s0 =	stileid.u32;
	s3 =	rddreg [dreg:$0x2];
	s4 =	simm.s32 $0x0  }
0x4: {  	s12 =	simm.s32 $0x4F00;
	s15 =	simm.s32 $0x80;
	s16 =	simm.s32 $0x7680  }
0x5: {  	s17 =	simm.s32 $0x20;
	s18 =	simm.s32 $0x10;
	s19 =	simm.s32 $0x0  }
0x6: {  	s6 =	sand.u32 $0x1, s1;
	s29 =	sshll.u32 s0, $0x1;
	s8 =	smul.u32 $0x27100, s0  }
0x7: {  	[smem:$0x7FF] =	sst s4;
	s9 =	smul.u32 $0x13880, s0;
	s13 =	sshll.u32 s0, $0x6  }
0x8: {  	s1 =	sor.u32 s6, s29;
	s10 =	sshll.u32 s6, $0x7;
	s6 =	ssub.s32 $0x2, s6  }
0x9: {  	s13 =	sor.u32 $0x1C01, s13;
	s7 =	smul.u32 $0x4F0, s1;
	s1 =	rddreg [dreg:$0x3]  }
0xa: {  	_ =	strace $0x80000047;
	s8 =	sor.u32 s10, s8;
	s30 =	sshrl.u32 s9, $0x3  }
0xb: {  	s31 =	sshrl.u32 s6, $0x1;
	s14 =	sadd.s32 s9, s3;
	s8 =	sshrl.u32 s8, $0x3  }
0xc: {  	s10 =	sadd.s32 s30, s5;
	s11 =	ssub.s32 s6, s31;
	s14 =	sshrl.u32 s14, $0x3  }
0xd: {  	s7 =	sadd.s32 s7, s5;
	s8 =	sadd.s32 s8, s5;
	s9 =	smax.u32 s11, $0x1  }
0xe: {  	s11 =	simm.s32 $0x2780;
	s5 =	sadd.s32 $0x1000, s7;
	s6 =	sadd.s32 $0xAE00, s7  }
0xf: {  	s7 =	sadd.s32 $0x14C00, s10;
	s8 =	sadd.s32 $0x3BE00, s8;
	s10 =	simm.s32 $0x1  }
.LBB2_1:
0x10: {  	[tilespmem:s4], [sflag:$0x1] =	stream.linear.gather [hbm4b:s5+s4], $0x2780, $0x38;
	[tilespmem:$0x1AF80] =	vst v63  }
0x11: {  	_ =	swait.ge [sflag:s10], $0x2780  }
0x12: {  	[sflag:s10] =	ssyncset.done $0x0  }
0x13: {  	[sflag:s10] =	ssyncadd.s32 $0xFFFFD880  }
0x14: {  	[tilespmem:s11], [sflag:$0x1] =	stream.linear.gather [hbm4b:s6+s4], $0x2780, $0x38;
	[tilespmem:$0x1AF80] =	vst v63  }
0x15: {  	_ =	swait.ge [sflag:s10], $0x2780  }
0x16: {  	[sflag:s10] =	ssyncset.done $0x0  }
0x17: {  	[sflag:s10] =	ssyncadd.s32 $0xFFFFD880  }
0x18: {  	[tilespmem:s12], [sflag:$0x1] =	stream.linear.gather [hbm4b:s2+s4], $0x2780, $0x38;
	[tilespmem:$0x1AF80] =	vst v63  }
0x19: {  	_ =	swait.ge [sflag:s10], $0x2780  }
0x1a: {  	[sflag:s10] =	ssyncset.done $0x0  }
0x1b: {  	[sflag:s10] =	ssyncadd.s32 $0xFFFFD880  }
0x1c: {  	[spmem:s14], [sflag:s13] =	dma.local [hbm:s7], $0x2710  }
0x1d: {  	_ =	swait.ge [sflag:s10], $0x2710  }
0x1e: {  	[sflag:s10] =	ssyncset.done $0x0  }
0x1f: {  	[sflag:s10] =	ssyncadd.s32 $0xFFFFD8F0  }
0x20: {  	s20 =	simm.s32 $0x0;
	[bflag:$0x0] =	sbarrier.arrive $0xFFFF  }
.LBB2_2:
0x21: {  	s21 =	sshra.s32 s20, $0x2  }
0x22: {  	v0 =	vld [tilespmem:s21+$0x0];
	_ =	sdelay $0x4  }
0x23: {  	v1 =	vshra.s32 v0, $0x11;
	_ =	sdelay $0x4  }
0x24: {  	v1 =	vld.idx.msk [tilespmem:v1+s12+$0x0], $0xffff;
	_ =	sdelay $0x2  }
0x25: {  	v0 =	vshll.u32 v0, $0x4  }
0x26: {  	v0 =	vand.u32 $0x1FFFF0, v0  }
0x27: {  	v0 =	vadd.s32 v1, v0  }
0x28: {  	[tilespmem:$0x7680] =	vst v0  }
0x29: {  	v0 =	vld [tilespmem:s21+$0x10];
	_ =	sdelay $0x4  }
0x2a: {  	v57 =	vshra.s32 v0, $0x11;
	_ =	sdelay $0x4  }
0x2b: {  	v1 =	vld.idx.msk [tilespmem:v57+s12+$0x0], $0xffff;
	_ =	sdelay $0x2  }
0x2c: {  	v0 =	vshll.u32 v0, $0x4  }
0x2d: {  	v0 =	vand.u32 $0x1FFFF0, v0  }
0x2e: {  	v0 =	vadd.s32 v1, v0  }
0x2f: {  	[tilespmem:$0x7690] =	vst v0  }
0x30: {  	v0 =	vld [tilespmem:s21+$0x20];
	_ =	sdelay $0x4  }
0x31: {  	v58 =	vshra.s32 v0, $0x11;
	_ =	sdelay $0x4  }
0x32: {  	v1 =	vld.idx.msk [tilespmem:v58+s12+$0x0], $0xffff;
	_ =	sdelay $0x2  }
0x33: {  	v0 =	vshll.u32 v0, $0x4  }
0x34: {  	v0 =	vand.u32 $0x1FFFF0, v0  }
0x35: {  	v0 =	vadd.s32 v1, v0  }
0x36: {  	[tilespmem:$0x76A0] =	vst v0  }
0x37: {  	v0 =	vld [tilespmem:s21+$0x30];
	_ =	sdelay $0x4  }
0x38: {  	v59 =	vshra.s32 v0, $0x11;
	_ =	sdelay $0x4  }
0x39: {  	v1 =	vld.idx.msk [tilespmem:v59+s12+$0x0], $0xffff;
	_ =	sdelay $0x2  }
0x3a: {  	v0 =	vshll.u32 v0, $0x4  }
0x3b: {  	v0 =	vand.u32 $0x1FFFF0, v0  }
0x3c: {  	v0 =	vadd.s32 v1, v0  }
0x3d: {  	[tilespmem:$0x76B0] =	vst v0  }
0x3e: {  	v0 =	vld [tilespmem:s21+$0x40];
	_ =	sdelay $0x4  }
0x3f: {  	v60 =	vshra.s32 v0, $0x11;
	_ =	sdelay $0x4  }
0x40: {  	v1 =	vld.idx.msk [tilespmem:v60+s12+$0x0], $0xffff;
	_ =	sdelay $0x2  }
0x41: {  	v0 =	vshll.u32 v0, $0x4  }
0x42: {  	v0 =	vand.u32 $0x1FFFF0, v0  }
0x43: {  	v0 =	vadd.s32 v1, v0  }
0x44: {  	[tilespmem:$0x76C0] =	vst v0  }
0x45: {  	v0 =	vld [tilespmem:s21+$0x50];
	_ =	sdelay $0x4  }
0x46: {  	v61 =	vshra.s32 v0, $0x11;
	_ =	sdelay $0x4  }
0x47: {  	v1 =	vld.idx.msk [tilespmem:v61+s12+$0x0], $0xffff;
	_ =	sdelay $0x2  }
0x48: {  	v0 =	vshll.u32 v0, $0x4  }
0x49: {  	v0 =	vand.u32 $0x1FFFF0, v0  }
0x4a: {  	v0 =	vadd.s32 v1, v0  }
0x4b: {  	[tilespmem:$0x76D0] =	vst v0  }
0x4c: {  	v0 =	vld [tilespmem:s21+$0x60];
	_ =	sdelay $0x4  }
0x4d: {  	v62 =	vshra.s32 v0, $0x11;
	_ =	sdelay $0x4  }
0x4e: {  	v1 =	vld.idx.msk [tilespmem:v62+s12+$0x0], $0xffff;
	_ =	sdelay $0x2  }
0x4f: {  	v0 =	vshll.u32 v0, $0x4  }
0x50: {  	v0 =	vand.u32 $0x1FFFF0, v0  }
0x51: {  	v0 =	vadd.s32 v1, v0  }
0x52: {  	[tilespmem:$0x76E0] =	vst v0  }
0x53: {  	v0 =	vld [tilespmem:s21+$0x70];
	_ =	sdelay $0x4  }
0x54: {  	v63 =	vshra.s32 v0, $0x11;
	_ =	sdelay $0x4  }
0x55: {  	v1 =	vld.idx.msk [tilespmem:v63+s12+$0x0], $0xffff;
	_ =	sdelay $0x2  }
0x56: {  	v0 =	vshll.u32 v0, $0x4  }
0x57: {  	v0 =	vand.u32 $0x1FFFF0, v0  }
0x58: {  	p0 =	sne.s32 s20, $0x9C00;
	v0 =	vadd.s32 v1, v0  }
.Ltmp0:
0x59: {  	s21 =	sadd.s32 $0x2780, s21;
	[tilespmem:$0x76F0] =	vst v0;
	(pc) =	sbr.rel @p0 .LBB2_2-.Ltmp0, $4  }
0x5a: {  	[spmem:s3] =	stream.indirect.scatter.add.f32 [tilespmem:s21], [sflag:$0x1], $0x1, s16, s15, $0xb8;
	[tilespmem:$0x1AF80] =	vst v63  }
0x5b: {  	_ =	swait.ge [sflag:s10], $0x80  }
0x5c: {  	[sflag:s10] =	ssyncset.done $0x0  }
0x5d: {  	s20 =	sadd.s32 $0x200, s20;
	[sflag:s10] =	ssyncadd.s32 $0xFFFFFF80  }
0x5e: {  	s19 =	sadd.s32 $0x1, s19  }
0x5f: {  	p0 =	sne.s32 s19, s9  }
.Ltmp1:
0x60: {  	[bflag:$0x0] =	sbarrier.arrive $0xFFFF;
	(pc) =	sbr.rel @p0 .LBB2_1-.Ltmp1, $4  }
0x61: {  	[hbm:s8@s17], [sflag:s13] =	dma.strided [spmem:s14@s18], $0x2710, s10, $0x10   }
0x62: {  	_ =	swait.ge [sflag:s10], $0x2710  }
0x63: {  	[sflag:s10] =	ssyncset.done $0x0  }
0x64: {  	[sflag:s10] =	ssyncadd.s32 $0xFFFFD8F0  }
0x65: {  	_ =	sfence.sel $0x180000  }
0x66: {  	[bflag:$0x0] =	sbarrier.arrive $0xFFFF  }
0x67: {  	p0 =	sne.s32 s0, $0x0;
	_ =	strace $0x90000047  }
0x68: {  	s0 =	sadd.s32 @!p0 $0x100000, s1;
	[bflag:$0x2] =	sbarrier.arrive $0xFFFF  }
0x69: {  	[sflag:s0] =	ssyncadd.tile.s32 @!p0 $0x1;
	_ =	shalt  }
.Lfunc_end2:
_tile_overlayer_lowered:
.L_overlay_start_2:
0x6a: {  	(tag) =	ssettag $0x2  }
0x6b: {  	s0 =	rddreg [dreg:$0x0];
	s2 =	stileid.u32  }
0x6c: {  	s1 =	rddreg [dreg:$0x1];
	p0 =	sne.s32 s2, $0x0  }
0x6d: {  	s3 =	rddreg [dreg:$0x2];
	[bflag:$0x3] =	sbarrier.arrive $0xFFFF;
	s2 =	simm.s32 @!p0 $0x1C01  }
0x6e: {  	[timem:s3], [sflag:s2] =	dma.local @!p0 [hbm:s0], s1  }
0x6f: {  	s0 =	simm.s32 @!p0 $0x1  }
0x70: {  	_ =	swait.ge @!p0 [sflag:s0], s1  }
0x71: {  	s1 =	ssub.s32 @!p0 $0x0, s1;
	[sflag:s0] =	ssyncset.done @!p0 $0x0  }
0x72: {  	[sflag:s0] =	ssyncadd.s32 @!p0 s1  }
0x73: {  	[bflag:$0x3] =	sbarrier.arrive $0xFFFF  }
0x74: {  	_ =	shalt  }

// kernel: kernel.9.cloned.1.call-start
scs
__scs_entry_jumppad:
0x0: {  	(pc) =	sbr.rel $0x88, $3  }
0x1: {  	(tag) =	ssettag $0x0;
	lr =	simm.s32 $0x1  }
0x2: {  	[smem:$0x3F95] =	sst lr;
	_ =	strace $0xD0000000  }
0x3: {  	_ = 	snop  }
0x4: {  	_ = 	snop  }
0x5: {  	_ = 	snop  }
0x6: {  	_ = 	snop  }
0x7: {  	_ = 	snop  }
__scs_overlays_trampoline_lowered:
0x8: {  	[smem:$0x3FA4] =	sst s0  }
0x9: {  	[smem:$0x3FA5] =	sst s1  }
0xa: {  	[smem:$0x3FA6] =	sst s2  }
0xb: {  	[smem:$0x3FA7] =	sst s3  }
0xc: {  	[smem:$0x3FA8] =	sst s4  }
0xd: {  	[smem:$0x3FA9] =	sst s5  }
0xe: {  	[smem:$0x3FAA] =	sst s6  }
0xf: {  	[smem:$0x3FAB] =	sst s7  }
0x10: {  	[smem:$0x3FAC] =	sst s8  }
0x11: {  	[smem:$0x3FAD] =	sst s9;
	s0 =	simm.s32 @!p0 $0x0  }
0x12: {  	s1 =	sld [smem:$0x3F93];
	s0 =	simm.s32 @p0 $0x1  }
0x13: {  	[smem:$0x3FAE] =	sst s0;
	s0 =	simm.s32 @!p1 $0x0  }
0x14: {  	s2 =	sld [smem:$0x3F92];
	s0 =	simm.s32 @p1 $0x1  }
0x15: {  	[smem:$0x3FAF] =	sst s0;
	s0 =	simm.s32 @!p2 $0x0  }
0x16: {  	s3 =	sld [smem:$0x3FDB];
	s0 =	simm.s32 @p2 $0x1  }
0x17: {  	s4 =	simm.s32 $0x1BF5;
	[smem:$0x3FB1] =	sst s0  }
0x18: {  	s0 =	sld [smem:$0x3F94];
	_ =	swait.ge [sflag:s4], $0x0  }
0x19: {  	s7 =	sld [smem:$0x3F95]  }
0x1a: {  	s8 =	sadd.s32 $0xFFFFE003, lr  }
0x1b: {  	s9 =	sadd.s32 $0xFFFFFEF7, lr;
	s5 =	simm.s32 $0xFFFFFFFF;
	p2 =	slt.u32 s8, $0xFFFFF086  }
0x1c: {  	p1 =	slt.u32 s9, $0xF7A;
	s5 =	simm.s32 @!p2 $0x0  }
0x1d: {  	s5 =	simm.s32 @p1 $0x1;
	p0 =	seq.s32 s7, s2  }
0x1e: {  	s7 =	smul.u32 @!p0 $0xF7A, s2;
	p2 =	seq.s32 @!p0 s5, $0x0  }
0x1f: {  	s9 =	smul.u32 $0xF7A, s1;
	s8 =	simm.s32 @!p0 $0x1BF5;
	p2 =	por !p2, p0  }
0x20: {  	[sflag:s8] =	ssyncset.s32 @!p0 $0xFFFFF086;
	s6 =	sadd.s32 @!p0 s3, s7;
	s7 =	simm.s32 @!p0 $0x108  }
0x21: {  	s3 =	sadd.s32 s3, s9;
	s6 =	sadd.s32 @!p0 $0x88, s6;
	s7 =	simm.s32 @p2 $0x1082  }
0x22: {  	[simem:s7], [sflag:s8] =	dma.local @!p0 [hbm:s6], $0xF7A  }
0x23: {  	s9 =	sor.u32 $0xD0000000, s2;
	s6 =	simm.s32 $0x108;
	_ =	swait.ge @!p0 [sflag:s8], $0x0  }
0x24: {  	s3 =	sadd.s32 $0x88, s3;
	s6 =	simm.s32 @!p1 $0x1082;
	[sflag:s4] =	ssyncset.s32 $0xFFFFF086  }
0x25: {  	[simem:s6], [sflag:s4] =	dma.local [hbm:s3], $0xF7A  }
0x26: {  	[smem:$0x3F95] =	sst s1;
	(tag) =	ssettag s2;
	_ =	strace s9  }
0x27: {  	s1 =	sld [smem:$0x3FA5]  }
0x28: {  	s2 =	sld [smem:$0x3FA6]  }
0x29: {  	s4 =	sld [smem:$0x3FA8]  }
0x2a: {  	p0 =	seq.s32 s5, $0x0;
	s5 =	sld [smem:$0x3FA9]  }
0x2b: {  	s6 =	sld [smem:$0x3FAA]  }
0x2c: {  	s7 =	sld [smem:$0x3FAB]  }
0x2d: {  	s3 =	simm.s32 $0x108;
	s8 =	sld [smem:$0x3FAC]  }
0x2e: {  	s3 =	simm.s32 @!p0 $0x1082;
	s9 =	sld [smem:$0x3FAD]  }
0x2f: {  	lr =	sadd.s32 s0, s3;
	s0 =	sld [smem:$0x3FA4]  }
0x30: {  	s3 =	sld [smem:$0x3FA7]  }
0x31: {  	[smem:$0x3FB0] =	sst s10  }
0x32: {  	s10 =	sld [smem:$0x3FAE];
	_ =	sdelay $0x3  }
0x33: {  	p0 =	seq.s32 s10, $0x1;
	s10 =	sld [smem:$0x3FB0];
	_ =	sdelay $0x3  }
0x34: {  	[smem:$0x3FB0] =	sst s10  }
0x35: {  	s10 =	sld [smem:$0x3FAF];
	_ =	sdelay $0x3  }
0x36: {  	p1 =	seq.s32 s10, $0x1;
	s10 =	sld [smem:$0x3FB0];
	_ =	sdelay $0x3  }
0x37: {  	[smem:$0x3FB0] =	sst s10  }
0x38: {  	s10 =	sld [smem:$0x3FB1]  }
0x39: {  	_ = 	snop;
	(pc) =	sbr.ind lr, $3  }
0x3a: {  	_ = 	snop  }
0x3b: {  	_ = 	snop  }
0x3c: {  	p2 =	seq.s32 s10, $0x1;
	s10 =	sld [smem:$0x3FB0]  }
0x3d: {  	_ =	shalt  }
0x3e: {  	_ =	shalt  }
0x3f: {  	_ =	shalt  }
0x40: {  	_ =	shalt  }
0x41: {  	_ =	shalt  }
0x42: {  	_ =	shalt  }
0x43: {  	_ =	shalt  }
0x44: {  	_ =	shalt  }
0x45: {  	_ =	shalt  }
0x46: {  	_ =	shalt  }
0x47: {  	_ =	shalt  }
0x48: {  	_ =	shalt  }
0x49: {  	_ =	shalt  }
0x4a: {  	_ =	shalt  }
0x4b: {  	_ =	shalt  }
0x4c: {  	_ =	shalt  }
0x4d: {  	_ =	shalt  }
0x4e: {  	_ =	shalt  }
0x4f: {  	_ =	shalt  }
0x50: {  	_ =	shalt  }
0x51: {  	_ =	shalt  }
0x52: {  	_ =	shalt  }
0x53: {  	_ =	shalt  }
0x54: {  	_ =	shalt  }
0x55: {  	_ =	shalt  }
0x56: {  	_ =	shalt  }
0x57: {  	_ =	shalt  }
0x58: {  	_ =	shalt  }
0x59: {  	_ =	shalt  }
0x5a: {  	_ =	shalt  }
0x5b: {  	_ =	shalt  }
0x5c: {  	_ =	shalt  }
0x5d: {  	_ =	shalt  }
0x5e: {  	_ =	shalt  }
0x5f: {  	_ =	shalt  }
0x60: {  	_ =	shalt  }
0x61: {  	_ =	shalt  }
0x62: {  	_ =	shalt  }
0x63: {  	_ =	shalt  }
0x64: {  	_ =	shalt  }
0x65: {  	_ =	shalt  }
0x66: {  	_ =	shalt  }
0x67: {  	_ =	shalt  }
0x68: {  	_ =	shalt  }
0x69: {  	_ =	shalt  }
0x6a: {  	_ =	shalt  }
0x6b: {  	_ =	shalt  }
0x6c: {  	_ =	shalt  }
0x6d: {  	_ =	shalt  }
0x6e: {  	_ =	shalt  }
0x6f: {  	_ =	shalt  }
0x70: {  	_ =	shalt  }
0x71: {  	_ =	shalt  }
0x72: {  	_ =	shalt  }
0x73: {  	_ =	shalt  }
0x74: {  	_ =	shalt  }
0x75: {  	_ =	shalt  }
0x76: {  	_ =	shalt  }
0x77: {  	_ =	shalt  }
0x78: {  	_ =	shalt  }
0x79: {  	_ =	shalt  }
0x7a: {  	_ =	shalt  }
0x7b: {  	_ =	shalt  }
0x7c: {  	_ =	shalt  }
0x7d: {  	_ =	shalt  }
0x7e: {  	_ =	shalt  }
0x7f: {  	_ =	shalt  }
0x80: {  	_ =	shalt  }
0x81: {  	_ =	shalt  }
0x82: {  	_ =	shalt  }
0x83: {  	_ =	shalt  }
0x84: {  	_ =	shalt  }
0x85: {  	_ =	shalt  }
0x86: {  	_ =	shalt  }
0x87: {  	_ =	shalt  }
.Lfunc_end0:
.L_simem_size_0:
called_computation.1_lowered:
.L_overlay_start_0:
0x88: {  	s2 =	sld [smem:$0x3FD9]  }
0x89: {  	s3 =	sld [smem:$0x3FFE];
	_ =	sdelay $0x1  }
0x8a: {  	s1 =	srdreg.scid  }
0x8b: {  	s0 =	sand.u32 $0x1, s1  }
0x8c: {  	s16 =	sshll.u32 s0, $0xA;
	s2 =	sadd.s32 s3, s2  }
0x8d: {  	s2 =	sadd.s32 s2, s16  }
0x8e: {  	[smem:$0x3FBC] =	sst s2  }
0x8f: {  	_ = 	snop  }
0x90: {  	(tm) =	ssettm $0x1  }
0x91: {  	s17 =	sld [smem:$0x3FFB];
	_ =	sdelay $0x3  }
0x92: {  	_ =	strace s17  }
0x93: {  	s2 =	sld [smem:$0x3FFC];
	_ =	sdelay $0x3  }
0x94: {  	_ =	strace s2  }
0x95: {  	s2 =	sld [smem:$0x3FFD];
	_ =	sdelay $0x3  }
0x96: {  	_ =	strace s2  }
0x97: {  	_ =	strace $0x8FFFFFFF  }
0x98: {  	s18 =	sld [smem:$0x3FDB];
	_ =	sdelay $0x1  }
0x99: {  	s19 =	simm.s32 $_scs_section_size  }
0x9a: {  	s4 =	simm.s32 $_size__tile_overlayer_lowered;
	s5 =	simm.s32 $_tile_overlayer_lowered  }
0x9b: {  	s22 =	simm.s32 $0x1BFF;
	s21 =	sshll.u32 s5, $0x1;
	s2 =	sadd.s32 s19, s18  }
0x9c: {  	s6 =	simm.s32 $0x0;
	s20 =	sshll.u32 s4, $0x1;
	s4 =	sadd.s32 s21, s2  }
0x9d: {  	[timem:s6], [sflag:s22] =	dma.local [hbm:s4], s20  }
0x9e: {  	_ =	swait.ge [sflag:s22], s20  }
0x9f: {  	s3 =	ssub.s32 $0x0, s20;
	[sflag:s22] =	ssyncset.done $0x0  }
0xa0: {  	[sflag:s22] =	ssyncadd.s32 s3;
	_ =	sdelay $0x1  }
0xa1: {  	s23 =	simm.s32 $0x1B8B  }
0xa2: {  	_ =	swait.ge [sflag:s23], $0x1  }
0xa3: {  	[sflag:s23] =	ssyncset.done $0x0  }
0xa4: {  	s25 =	simm.s32 $0x1B8E;
	s24 =	sld [smem:$0x3FFE];
	[sflag:s23] =	ssyncadd.s32 $0xFFFFFFFF  }
0xa5: {  	s26 =	simm.s32 $execute0_lowered;
	[smem:$0x3FD2] =	sst s25  }
0xa6: {  	s4 =	sshll.u32 s26, $0x1;
	_ =	strace $0x80000049;
	[dreg:$0x1] =	wrdreg $0xFFFFFFFF  }
0xa7: {  	s28 =	simm.s32 $_size_execute0_lowered;
	s2 =	sadd.s32 s2, s4;
	[dreg:$0x0] =	wrdreg $0x0  }
0xa8: {  	s4 =	sshll.u32 s28, $0x1;
	[dreg:$0x2] =	wrdreg s2  }
0xa9: {  	[dreg:$0x3] =	wrdreg s4  }
0xaa: {  	[dreg:$0x4] =	wrdreg $0xC0  }
0xab: {  	_ =	task [dreg:s6], $0x5FFFF  }
0xac: {  	[dreg:$0x1] =	wrdreg $0xFFFFFFFF  }
0xad: {  	[dreg:$0x0] =	wrdreg $0x60  }
0xae: {  	[dreg:$0x2] =	wrdreg s24  }
0xaf: {  	[dreg:$0x3] =	wrdreg $0x6F000  }
0xb0: {  	[dreg:$0x4] =	wrdreg $0x9  }
0xb1: {  	_ =	task.clear_ibuf [dreg:s6], $0x5FFFF;
	_ =	strace $0x90000049  }
0xb2: {  	s29 =	simm.s32 $0x9;
	_ =	strace $0x8000004B  }
0xb3: {  	_ =	swait.ge [sflag:s29], $0x1  }
0xb4: {  	[sflag:s29] =	ssyncadd.s32 $0xFFFFFFFF  }
0xb5: {  	_ =	strace $0x9000004B  }
0xb6: {  	_ =	sfence  }
0xb7: {  	s30 =	sld [smem:$0x0];
	_ =	sdelay $0x2  }
0xb8: {  	s31 =	sshll.u32 s1, $0xD;
	s1 =	sshrl.u32 s1, $0x2  }
0xb9: {  	s3 =	sand.u32 $0x4000, s31;
	s1 =	sadd.s32 s1, s30  }
0xba: {  	s0 =	sor.u32 s3, s0;
	s1 =	sshll.u32 s1, $0x11  }
0xbb: {  	s0 =	sor.u32 s1, s0  }
0xbc: {  	s0 =	sadd.s32 $0x8F2B, s0  }
0xbd: {  	[sflag:s0] =	ssyncadd.remote.s32 $0x1  }
0xbe: {  	_ =	sfence.sel $0xFFFF  }
0xbf: {  	[dreg:$0x0] =	wrdreg $0xFFFFFFFF;
	(pc) =	sbr.abs _section_cstart, $3  }
0xc0: {  	[dreg:$0x1] =	wrdreg $0xFFFFFFFF  }
0xc1: {  	_ =	task.clear_ibuf [dreg:s6], $0x2FFFF;
	_ =	strace $0x9FFFFFFF  }
0xc2: {  	(tm) =	ssettm $0x7FFFFFFF  }
0xc3: {  	_ =	shalt  }
tec
execute0_lowered:
.L_overlay_start_1:
0x0: {  	(tag) =	ssettag $0x1  }
0x1: {  	s1 =	srdreg.scid;
	s5 =	rddreg [dreg:$0x0]  }
0x2: {  	s0 =	stileid.u32;
	s2 =	rddreg [dreg:$0x1];
	s3 =	simm.s32 $0x0  }
0x3: {  	s14 =	simm.s32 $0x4F00;
	s15 =	simm.s32 $0x5700;
	s16 =	simm.s32 $0x1  }
0x4: {  	s17 =	simm.s32 $0x5F00;
	s18 =	simm.s32 $0x2;
	s19 =	simm.s32 $0x6700  }
0x5: {  	s20 =	simm.s32 $0x0;
	s6 =	sand.u32 $0x1, s1;
	s1 =	rddreg [dreg:$0x2]  }
0x6: {  	s28 =	sshll.u32 s0, $0x1;
	[smem:$0x7FF] =	sst s3;
	s7 =	smul.u32 $0x13800, s0  }
0x7: {  	s29 =	smul.u32 $0x4E000, s0;
	s31 =	sshll.u32 s0, $0x6;
	s4 =	sor.u32 s6, s28  }
0x8: {  	_ =	strace $0x8000004A;
	s8 =	smul.u32 $0x138800, s6;
	s6 =	ssub.s32 $0x2, s6  }
0x9: {  	s4 =	smul.u32 $0x4F0, s4;
	s10 =	sshrl.u32 s7, $0x3;
	s11 =	sshrl.u32 s6, $0x1  }
0xa: {  	s30 =	sshrl.u32 s29, $0x2;
	s7 =	sadd.s32 s7, s8;
	s10 =	sadd.s32 s10, s5  }
0xb: {  	s11 =	ssub.s32 s6, s11;
	s13 =	sadd.s32 s30, s2;
	s9 =	sadd.s32 s4, s5  }
0xc: {  	s4 =	sadd.s32 $0x14D400, s5;
	s7 =	sshrl.u32 s7, $0x3;
	s13 =	sshrl.u32 s13, $0x3  }
0xd: {  	s12 =	sadd.s32 s7, s5;
	s5 =	sadd.s32 $0x1000, s9;
	s6 =	sadd.s32 $0xAE00, s9  }
0xe: {  	s7 =	sadd.s32 $0x14C00, s10;
	s9 =	smax.u32 s11, $0x1;
	s10 =	simm.s32 $0x3  }
0xf: {  	vm0 =	vmmov $0xffff;
	s11 =	simm.s32 $0x2780;
	s8 =	sadd.s32 $0x3BE00, s12;
	s12 =	sor.u32 $0x1C03, s31  }
.LBB2_1:
0x10: {  	[tilespmem:s3], [sflag:$0x3] =	stream.linear.gather [hbm4b:s5+s3], $0x2780, $0x38;
	[tilespmem:$0x1A780] =	vst v63  }
0x11: {  	_ =	swait.ge [sflag:s10], $0x2780  }
0x12: {  	[sflag:s10] =	ssyncset.done $0x0  }
0x13: {  	[sflag:s10] =	ssyncadd.s32 $0xFFFFD880  }
0x14: {  	[tilespmem:s11], [sflag:$0x3] =	stream.linear.gather [hbm4b:s6+s3], $0x2780, $0x38;
	[tilespmem:$0x1A780] =	vst v63  }
0x15: {  	_ =	swait.ge [sflag:s10], $0x2780  }
0x16: {  	[sflag:s10] =	ssyncset.done $0x0  }
0x17: {  	[sflag:s10] =	ssyncadd.s32 $0xFFFFD880  }
0x18: {  	[spmem:s13], [sflag:s12] =	dma.local [hbm:s7], $0x2800  }
0x19: {  	_ =	swait.ge [sflag:s10], $0x2800  }
0x1a: {  	[sflag:s10] =	ssyncset.done $0x0  }
0x1b: {  	[sflag:s10] =	ssyncadd.s32 $0xFFFFD800  }
0x1c: {  	[bflag:$0x0] =	sbarrier.arrive $0xFFFF  }
0x1d: {  	v0 =	vld [tilespmem:$0x0];
	_ =	sdelay $0x4  }
0x1e: {  	v1 =	vshra.s32 v0, $0xE  }
0x1f: {  	v0 =	vand.u32 $0x7, v0;
	v1 =	vand.u32 $0xFFFFFFF8, v1  }
0x20: {  	v0 =	vor.u32 v0, v1;
	_ =	sdelay $0x3  }
0x21: {  	s21 =	simm.s32 $0x10;
	s22 =	simm.s32 $0x2790;
	s23 =	simm.s32 $0x0  }
0x22: {  	[tilespmem:s14], [sflag:$0x1] =	stream.indirect_vreg.gather [hbm4b:s4+s3], $0x80, v0, vm0, $0xb8;
	[tilespmem:$0x1A780] =	vst v63  }
.LBB2_2:
0x23: {  	v0 =	vld [tilespmem:s21+$0x0];
	_ =	sdelay $0x4  }
0x24: {  	v1 =	vshra.s32 v0, $0xE  }
0x25: {  	v0 =	vand.u32 $0x7, v0;
	v1 =	vand.u32 $0xFFFFFFF8, v1  }
0x26: {  	v0 =	vor.u32 v0, v1;
	_ =	sdelay $0x4  }
0x27: {  	[tilespmem:s15], [sflag:$0x2] =	stream.indirect_vreg.gather [hbm4b:s4+s3], $0x80, v0, vm0, $0xb8;
	[tilespmem:$0x1A780] =	vst v63  }
0x28: {  	_ =	swait.ge [sflag:s16], $0x800  }
0x29: {  	[sflag:s16] =	ssyncset.done $0x0  }
0x2a: {  	[sflag:s16] =	ssyncadd.s32 $0xFFFFF800  }
0x2b: {  	v1 =	vld [tilespmem:s22+$0xFFFFFFF0]  }
0x2c: {  	v0 =	vld [tilespmem:s21+$0xFFFFFFF0]  }
0x2d: {  	v2 =	vld [tilespmem:$0x4F00]  }
0x2e: {  	v3 =	vld [tilespmem:$0x4F10]  }
0x2f: {  	v4 =	vld [tilespmem:$0x4F20]  }
0x30: {  	v6 =	vld [tilespmem:$0x4F30];
	v5 =	vbroadcast v1, $0x0  }
0x31: {  	v7 =	vld [tilespmem:$0x4F40]  }
0x32: {  	v8 =	vld [tilespmem:$0x4F50];
	v2 =	vmul.f32 v2, v5  }
0x33: {  	v9 =	vld [tilespmem:$0x4F60];
	v3 =	vmul.f32 v3, v5  }
0x34: {  	v59 =	vld [tilespmem:$0x4F70];
	v58 =	vmul.f32 v4, v5;
	[tilespmem:$0x5F00] =	vst v2  }
0x35: {  	v61 =	vld [tilespmem:$0x4F80];
	v60 =	vmul.f32 v6, v5;
	[tilespmem:$0x5F10] =	vst v3  }
0x36: {  	v63 =	vld [tilespmem:$0x4F90];
	v62 =	vmul.f32 v7, v5;
	[tilespmem:$0x5F20] =	vst v58  }
0x37: {  	v13 =	vld [tilespmem:$0x4FA0];
	v12 =	vmul.f32 v8, v5;
	[tilespmem:$0x5F30] =	vst v60  }
0x38: {  	v10 =	vld [tilespmem:$0x4FB0];
	v15 =	vbroadcast v1, $0x1;
	v14 =	vmul.f32 v9, v5;
	[tilespmem:$0x5F40] =	vst v62  }
0x39: {  	v16 =	vmul.f32 v59, v5;
	[tilespmem:$0x5F50] =	vst v12  }
0x3a: {  	v17 =	vmul.f32 v61, v15;
	[tilespmem:$0x5F60] =	vst v14  }
0x3b: {  	v18 =	vmul.f32 v63, v15;
	[tilespmem:$0x5F70] =	vst v16  }
0x3c: {  	v19 =	vmul.f32 v13, v15;
	[tilespmem:$0x5F80] =	vst v17  }
0x3d: {  	v20 =	vmul.f32 v10, v15;
	[tilespmem:$0x5F90] =	vst v18  }
0x3e: {  	[tilespmem:$0x5FA0] =	vst v19  }
0x3f: {  	[tilespmem:$0x5FB0] =	vst v20  }
0x40: {  	v2 =	vld [tilespmem:$0x4FC0]  }
0x41: {  	v21 =	vld [tilespmem:$0x4FD0]  }
0x42: {  	v22 =	vld [tilespmem:$0x4FE0]  }
0x43: {  	v23 =	vld [tilespmem:$0x4FF0]  }
0x44: {  	v24 =	vld [tilespmem:$0x5000]  }
0x45: {  	v25 =	vld [tilespmem:$0x5010];
	v2 =	vmul.f32 v2, v15  }
0x46: {  	v26 =	vld [tilespmem:$0x5020];
	v3 =	vmul.f32 v21, v15  }
0x47: {  	v28 =	vbroadcast v1, $0x2;
	v29 =	vld [tilespmem:$0x5030];
	v27 =	vmul.f32 v22, v15;
	[tilespmem:$0x5FC0] =	vst v2  }
0x48: {  	v31 =	vld [tilespmem:$0x5040];
	v30 =	vmul.f32 v23, v15;
	[tilespmem:$0x5FD0] =	vst v3  }
0x49: {  	v33 =	vld [tilespmem:$0x5050];
	v32 =	vmul.f32 v24, v28;
	[tilespmem:$0x5FE0] =	vst v27  }
0x4a: {  	v35 =	vld [tilespmem:$0x5060];
	v34 =	vmul.f32 v25, v28;
	[tilespmem:$0x5FF0] =	vst v30  }
0x4b: {  	v37 =	vld [tilespmem:$0x5070];
	v36 =	vmul.f32 v26, v28;
	[tilespmem:$0x6000] =	vst v32  }
0x4c: {  	v39 =	vld [tilespmem:$0x5080];
	v38 =	vmul.f32 v29, v28;
	[tilespmem:$0x6010] =	vst v34  }
0x4d: {  	v41 =	vld [tilespmem:$0x5090];
	v40 =	vmul.f32 v31, v28;
	[tilespmem:$0x6020] =	vst v36  }
0x4e: {  	v43 =	vld [tilespmem:$0x50A0];
	v42 =	vmul.f32 v33, v28;
	[tilespmem:$0x6030] =	vst v38  }
0x4f: {  	v45 =	vbroadcast v1, $0x3;
	v46 =	vld [tilespmem:$0x50B0];
	v44 =	vmul.f32 v35, v28;
	[tilespmem:$0x6040] =	vst v40  }
0x50: {  	v48 =	vld [tilespmem:$0x50C0];
	v47 =	vmul.f32 v37, v28;
	[tilespmem:$0x6050] =	vst v42  }
0x51: {  	v50 =	vld [tilespmem:$0x50D0];
	v49 =	vmul.f32 v39, v45;
	[tilespmem:$0x6060] =	vst v44  }
0x52: {  	v52 =	vld [tilespmem:$0x50E0];
	v51 =	vmul.f32 v41, v45;
	[tilespmem:$0x6070] =	vst v47  }
0x53: {  	v54 =	vld [tilespmem:$0x50F0];
	v53 =	vmul.f32 v43, v45;
	[tilespmem:$0x6080] =	vst v49  }
0x54: {  	v56 =	vld [tilespmem:$0x5100];
	v55 =	vmul.f32 v46, v45;
	[tilespmem:$0x6090] =	vst v51  }
0x55: {  	v58 =	vld [tilespmem:$0x5110];
	v57 =	vmul.f32 v48, v45;
	[tilespmem:$0x60A0] =	vst v53  }
0x56: {  	v60 =	vld [tilespmem:$0x5120];
	v59 =	vmul.f32 v50, v45;
	[tilespmem:$0x60B0] =	vst v55  }
0x57: {  	v62 =	vbroadcast v1, $0x4;
	v63 =	vld [tilespmem:$0x5130];
	v61 =	vmul.f32 v52, v45;
	[tilespmem:$0x60C0] =	vst v57  }
0x58: {  	v13 =	vld [tilespmem:$0x5140];
	v12 =	vmul.f32 v54, v45;
	[tilespmem:$0x60D0] =	vst v59  }
0x59: {  	v17 =	vld [tilespmem:$0x5160];
	v14 =	vmul.f32 v56, v62;
	[tilespmem:$0x60E0] =	vst v61  }
0x5a: {  	v19 =	vld [tilespmem:$0x5170];
	v16 =	vmul.f32 v58, v62;
	[tilespmem:$0x60F0] =	vst v12  }
0x5b: {  	v15 =	vld [tilespmem:$0x5150];
	v18 =	vmul.f32 v60, v62;
	[tilespmem:$0x6100] =	vst v14  }
0x5c: {  	v20 =	vmul.f32 v63, v62;
	v21 =	vld [tilespmem:$0x5180];
	[tilespmem:$0x6110] =	vst v16  }
0x5d: {  	v22 =	vmul.f32 v13, v62;
	v23 =	vld [tilespmem:$0x5190];
	[tilespmem:$0x6120] =	vst v18  }
0x5e: {  	v25 =	vld [tilespmem:$0x51A0];
	v26 =	vmul.f32 v17, v62;
	[tilespmem:$0x6130] =	vst v20  }
0x5f: {  	v28 =	vld [tilespmem:$0x51B0];
	v29 =	vmul.f32 v19, v62;
	[tilespmem:$0x6140] =	vst v22;
	v27 =	vbroadcast v1, $0x5  }
0x60: {  	v45 =	vld [tilespmem:$0x5230];
	[tilespmem:$0x6160] =	vst v26;
	v24 =	vmul.f32 v15, v62  }
0x61: {  	v30 =	vld [tilespmem:$0x51C0];
	[tilespmem:$0x6170] =	vst v29;
	v31 =	vmul.f32 v21, v27  }
0x62: {  	v32 =	vld [tilespmem:$0x51D0];
	v33 =	vmul.f32 v23, v27;
	[tilespmem:$0x6150] =	vst v24  }
0x63: {  	v34 =	vld [tilespmem:$0x51E0];
	v44 =	vbroadcast v1, $0x6;
	v35 =	vmul.f32 v25, v27;
	[tilespmem:$0x6180] =	vst v31  }
0x64: {  	v36 =	vld [tilespmem:$0x51F0];
	v37 =	vmul.f32 v28, v27;
	[tilespmem:$0x6190] =	vst v33  }
0x65: {  	v38 =	vld [tilespmem:$0x5200];
	v54 =	vmul.f32 v45, v44;
	[tilespmem:$0x61A0] =	vst v35  }
0x66: {  	v40 =	vld [tilespmem:$0x5210];
	v39 =	vmul.f32 v30, v27;
	[tilespmem:$0x61B0] =	vst v37  }
0x67: {  	v42 =	vld [tilespmem:$0x5220];
	v41 =	vmul.f32 v32, v27;
	[tilespmem:$0x6230] =	vst v54  }
0x68: {  	v47 =	vld [tilespmem:$0x5240];
	v43 =	vmul.f32 v34, v27;
	[tilespmem:$0x61C0] =	vst v39  }
0x69: {  	v49 =	vld [tilespmem:$0x5250];
	v46 =	vmul.f32 v36, v27;
	[tilespmem:$0x61D0] =	vst v41  }
0x6a: {  	v51 =	vld [tilespmem:$0x5260];
	v48 =	vmul.f32 v38, v44;
	[tilespmem:$0x61E0] =	vst v43  }
0x6b: {  	v53 =	vld [tilespmem:$0x5270];
	v50 =	vmul.f32 v40, v44;
	[tilespmem:$0x61F0] =	vst v46  }
0x6c: {  	v55 =	vld [tilespmem:$0x5280];
	v52 =	vmul.f32 v42, v44;
	[tilespmem:$0x6200] =	vst v48  }
0x6d: {  	v57 =	vld [tilespmem:$0x5290];
	v56 =	vmul.f32 v47, v44;
	[tilespmem:$0x6210] =	vst v50  }
0x6e: {  	v59 =	vld [tilespmem:$0x52A0];
	v58 =	vmul.f32 v49, v44;
	[tilespmem:$0x6220] =	vst v52  }
0x6f: {  	v61 =	vbroadcast v1, $0x7;
	v12 =	vld [tilespmem:$0x52C0];
	v60 =	vmul.f32 v51, v44;
	[tilespmem:$0x6240] =	vst v56  }
0x70: {  	v14 =	vld [tilespmem:$0x52D0];
	v63 =	vmul.f32 v53, v44;
	[tilespmem:$0x6250] =	vst v58  }
0x71: {  	v16 =	vld [tilespmem:$0x52E0];
	v13 =	vmul.f32 v55, v61;
	[tilespmem:$0x6260] =	vst v60  }
0x72: {  	v18 =	vld [tilespmem:$0x52F0];
	v15 =	vmul.f32 v57, v61;
	[tilespmem:$0x6270] =	vst v63  }
0x73: {  	v20 =	vld [tilespmem:$0x5300];
	v17 =	vmul.f32 v59, v61;
	[tilespmem:$0x6280] =	vst v13  }
0x74: {  	v22 =	vld [tilespmem:$0x5310];
	v21 =	vmul.f32 v12, v61;
	[tilespmem:$0x6290] =	vst v15  }
0x75: {  	v29 =	vld [tilespmem:$0x5340];
	v23 =	vmul.f32 v14, v61;
	[tilespmem:$0x62A0] =	vst v17  }
0x76: {  	v26 =	vbroadcast v1, $0x8;
	v62 =	vld [tilespmem:$0x52B0];
	v25 =	vmul.f32 v16, v61;
	[tilespmem:$0x62C0] =	vst v21  }
0x77: {  	v24 =	vld [tilespmem:$0x5320];
	v28 =	vmul.f32 v18, v61;
	[tilespmem:$0x62D0] =	vst v23  }
0x78: {  	v27 =	vld [tilespmem:$0x5330];
	v30 =	vmul.f32 v20, v26;
	[tilespmem:$0x62E0] =	vst v25  }
0x79: {  	v31 =	vld [tilespmem:$0x5350];
	v32 =	vmul.f32 v22, v26;
	[tilespmem:$0x62F0] =	vst v28  }
0x7a: {  	v33 =	vld [tilespmem:$0x5360];
	v38 =	vmul.f32 v29, v26;
	[tilespmem:$0x6300] =	vst v30  }
0x7b: {  	v35 =	vld [tilespmem:$0x5370];
	[tilespmem:$0x6310] =	vst v32;
	v19 =	vmul.f32 v62, v61  }
0x7c: {  	v37 =	vld [tilespmem:$0x5380];
	[tilespmem:$0x6340] =	vst v38;
	v34 =	vmul.f32 v24, v26  }
0x7d: {  	v44 =	vld [tilespmem:$0x53B0];
	[tilespmem:$0x62B0] =	vst v19;
	v36 =	vmul.f32 v27, v26  }
0x7e: {  	v54 =	vld [tilespmem:$0x5400];
	v40 =	vmul.f32 v31, v26;
	[tilespmem:$0x6320] =	vst v34  }
0x7f: {  	v39 =	vld [tilespmem:$0x5390];
	v43 =	vbroadcast v1, $0x9;
	v42 =	vmul.f32 v33, v26;
	[tilespmem:$0x6330] =	vst v36  }
0x80: {  	v41 =	vld [tilespmem:$0x53A0];
	v45 =	vmul.f32 v35, v26;
	[tilespmem:$0x6350] =	vst v40  }
0x81: {  	v46 =	vld [tilespmem:$0x53C0];
	v60 =	vbroadcast v1, $0xA;
	v47 =	vmul.f32 v37, v43;
	[tilespmem:$0x6360] =	vst v42  }
0x82: {  	v48 =	vld [tilespmem:$0x53D0];
	v53 =	vmul.f32 v44, v43;
	[tilespmem:$0x6370] =	vst v45  }
0x83: {  	v50 =	vld [tilespmem:$0x53E0];
	v12 =	vmul.f32 v54, v60;
	[tilespmem:$0x6380] =	vst v47  }
0x84: {  	v52 =	vld [tilespmem:$0x53F0];
	v49 =	vmul.f32 v39, v43;
	[tilespmem:$0x63B0] =	vst v53  }
0x85: {  	v56 =	vld [tilespmem:$0x5410];
	v51 =	vmul.f32 v41, v43;
	[tilespmem:$0x6400] =	vst v12  }
0x86: {  	v58 =	vld [tilespmem:$0x5420];
	v55 =	vmul.f32 v46, v43;
	[tilespmem:$0x6390] =	vst v49  }
0x87: {  	v63 =	vld [tilespmem:$0x5440];
	v57 =	vmul.f32 v48, v43;
	[tilespmem:$0x63A0] =	vst v51  }
0x88: {  	v13 =	vld [tilespmem:$0x5450];
	v59 =	vmul.f32 v50, v43;
	[tilespmem:$0x63C0] =	vst v55  }
0x89: {  	v15 =	vld [tilespmem:$0x5460];
	v62 =	vmul.f32 v52, v43;
	[tilespmem:$0x63D0] =	vst v57  }
0x8a: {  	v17 =	vld [tilespmem:$0x5470];
	v14 =	vmul.f32 v56, v60;
	[tilespmem:$0x63E0] =	vst v59  }
0x8b: {  	v21 =	vld [tilespmem:$0x5490];
	v16 =	vmul.f32 v58, v60;
	[tilespmem:$0x63F0] =	vst v62  }
0x8c: {  	v23 =	vld [tilespmem:$0x54A0];
	v20 =	vmul.f32 v63, v60;
	[tilespmem:$0x6410] =	vst v14  }
0x8d: {  	v28 =	vld [tilespmem:$0x54C0];
	v22 =	vmul.f32 v13, v60;
	[tilespmem:$0x6420] =	vst v16  }
0x8e: {  	v25 =	vbroadcast v1, $0xB;
	v30 =	vld [tilespmem:$0x54D0];
	v24 =	vmul.f32 v15, v60;
	[tilespmem:$0x6440] =	vst v20  }
0x8f: {  	v32 =	vld [tilespmem:$0x54E0];
	v27 =	vmul.f32 v17, v60;
	[tilespmem:$0x6450] =	vst v22  }
0x90: {  	v61 =	vld [tilespmem:$0x5430];
	v31 =	vmul.f32 v21, v25;
	[tilespmem:$0x6460] =	vst v24  }
0x91: {  	v38 =	vld [tilespmem:$0x5510];
	v33 =	vmul.f32 v23, v25;
	[tilespmem:$0x6470] =	vst v27  }
0x92: {  	v19 =	vld [tilespmem:$0x5480];
	v37 =	vmul.f32 v28, v25;
	[tilespmem:$0x6490] =	vst v31  }
0x93: {  	v26 =	vld [tilespmem:$0x54B0];
	v39 =	vmul.f32 v30, v25;
	[tilespmem:$0x64A0] =	vst v33  }
0x94: {  	v34 =	vld [tilespmem:$0x54F0];
	v41 =	vmul.f32 v32, v25;
	v42 =	vbroadcast v1, $0xC;
	[tilespmem:$0x64C0] =	vst v37  }
0x95: {  	v36 =	vld [tilespmem:$0x5500];
	v18 =	vmul.f32 v61, v60;
	[tilespmem:$0x64D0] =	vst v39  }
0x96: {  	v40 =	vld [tilespmem:$0x5520];
	[tilespmem:$0x64E0] =	vst v41;
	v48 =	vmul.f32 v38, v42  }
0x97: {  	v43 =	vld [tilespmem:$0x5530];
	[tilespmem:$0x6430] =	vst v18;
	v29 =	vmul.f32 v19, v25  }
0x98: {  	v45 =	vld [tilespmem:$0x5540];
	v35 =	vmul.f32 v26, v25;
	[tilespmem:$0x6510] =	vst v48  }
0x99: {  	v47 =	vld [tilespmem:$0x5550];
	[tilespmem:$0x6480] =	vst v29;
	v44 =	vmul.f32 v34, v25  }
0x9a: {  	v53 =	vld [tilespmem:$0x5580];
	[tilespmem:$0x64B0] =	vst v35;
	v46 =	vmul.f32 v36, v42  }
0x9b: {  	v12 =	vld [tilespmem:$0x55D0];
	v50 =	vmul.f32 v40, v42;
	[tilespmem:$0x64F0] =	vst v44  }
0x9c: {  	v60 =	vld [tilespmem:$0x55B0];
	v52 =	vmul.f32 v43, v42;
	[tilespmem:$0x6500] =	vst v46  }
0x9d: {  	v49 =	vld [tilespmem:$0x5560];
	v59 =	vbroadcast v1, $0xD;
	v54 =	vmul.f32 v45, v42;
	[tilespmem:$0x6520] =	vst v50  }
0x9e: {  	v51 =	vld [tilespmem:$0x5570];
	v56 =	vmul.f32 v47, v42;
	[tilespmem:$0x6530] =	vst v52  }
0x9f: {  	v55 =	vld [tilespmem:$0x5590];
	v63 =	vmul.f32 v53, v59;
	[tilespmem:$0x6540] =	vst v54  }
0xa0: {  	v57 =	vld [tilespmem:$0x55A0];
	v21 =	vmul.f32 v12, v59;
	[tilespmem:$0x6550] =	vst v56  }
0xa1: {  	v62 =	vld [tilespmem:$0x55C0];
	v17 =	vmul.f32 v60, v59;
	[tilespmem:$0x6580] =	vst v63  }
0xa2: {  	v14 =	vld [tilespmem:$0x55E0];
	v58 =	vmul.f32 v49, v42;
	[tilespmem:$0x65D0] =	vst v21  }
0xa3: {  	v16 =	vld [tilespmem:$0x55F0];
	v61 =	vmul.f32 v51, v42;
	[tilespmem:$0x65B0] =	vst v17  }
0xa4: {  	v20 =	vld [tilespmem:$0x5610];
	v13 =	vmul.f32 v55, v59;
	[tilespmem:$0x6560] =	vst v58  }
0xa5: {  	v22 =	vld [tilespmem:$0x5620];
	v15 =	vmul.f32 v57, v59;
	[tilespmem:$0x6570] =	vst v61  }
0xa6: {  	v27 =	vld [tilespmem:$0x5640];
	v19 =	vmul.f32 v62, v59;
	[tilespmem:$0x6590] =	vst v13  }
0xa7: {  	v24 =	vbroadcast v1, $0xE;
	v31 =	vld [tilespmem:$0x5660];
	v23 =	vmul.f32 v14, v59;
	[tilespmem:$0x65A0] =	vst v15  }
0xa8: {  	v33 =	vld [tilespmem:$0x5670];
	v26 =	vmul.f32 v16, v59;
	[tilespmem:$0x65C0] =	vst v19  }
0xa9: {  	v37 =	vld [tilespmem:$0x5690];
	v30 =	vmul.f32 v20, v24;
	[tilespmem:$0x65E0] =	vst v23  }
0xaa: {  	v39 =	vld [tilespmem:$0x56A0];
	v32 =	vmul.f32 v22, v24;
	[tilespmem:$0x65F0] =	vst v26  }
0xab: {  	v41 =	vld [tilespmem:$0x56B0];
	v36 =	vmul.f32 v27, v24;
	[tilespmem:$0x6610] =	vst v30  }
0xac: {  	v1 =	vbroadcast v1, $0xF;
	v18 =	vld [tilespmem:$0x5600];
	v40 =	vmul.f32 v31, v24;
	[tilespmem:$0x6620] =	vst v32  }
0xad: {  	v25 =	vld [tilespmem:$0x5630];
	v42 =	vmul.f32 v33, v24;
	[tilespmem:$0x6640] =	vst v36  }
0xae: {  	v29 =	vld [tilespmem:$0x5650];
	v46 =	vmul.f32 v37, v1;
	[tilespmem:$0x6660] =	vst v40  }
0xaf: {  	v35 =	vld [tilespmem:$0x5680];
	v48 =	vmul.f32 v39, v1;
	[tilespmem:$0x6670] =	vst v42  }
0xb0: {  	v43 =	vld [tilespmem:$0x56C0];
	v50 =	vmul.f32 v41, v1;
	[tilespmem:$0x6690] =	vst v46  }
0xb1: {  	v45 =	vld [tilespmem:$0x56D0];
	v28 =	vmul.f32 v18, v24;
	[tilespmem:$0x66A0] =	vst v48  }
0xb2: {  	v47 =	vld [tilespmem:$0x56E0];
	[tilespmem:$0x66B0] =	vst v50;
	v34 =	vmul.f32 v25, v24  }
0xb3: {  	v49 =	vld [tilespmem:$0x56F0];
	[tilespmem:$0x6600] =	vst v28;
	v38 =	vmul.f32 v29, v24  }
0xb4: {  	v44 =	vmul.f32 v35, v1;
	[tilespmem:$0x6630] =	vst v34  }
0xb5: {  	v0 =	vshrl.u32 v0, $0x3;
	v51 =	vmul.f32 v43, v1;
	[tilespmem:$0x6650] =	vst v38  }
0xb6: {  	v0 =	vand.u32 $0x3FFF, v0;
	v52 =	vmul.f32 v45, v1;
	[tilespmem:$0x6680] =	vst v44  }
0xb7: {  	v53 =	vmul.f32 v47, v1;
	[tilespmem:$0x66C0] =	vst v51  }
0xb8: {  	[tilespmem:$0x66D0] =	vst v52;
	v1 =	vmul.f32 v49, v1  }
0xb9: {  	[tilespmem:$0x66E0] =	vst v53  }
0xba: {  	[tilespmem:$0x66F0] =	vst v1  }
0xbb: {  	[spmem:s2] =	stream.indirect_vreg.scatter.add.f32 [tilespmem:s17], [sflag:$0x3], $0x80, v0, vm0, $0xb8;
	[tilespmem:$0x1A780] =	vst v63  }
0xbc: {  	_ =	swait.ge [sflag:s10], $0x800  }
0xbd: {  	[sflag:s10] =	ssyncset.done $0x0  }
0xbe: {  	s24 =	smin.u32 s23, $0x2740;
	[sflag:s10] =	ssyncadd.s32 $0xFFFFF800  }
0xbf: {  	v54 =	vld [tilespmem:s24+$0x20];
	_ =	sdelay $0x4  }
0xc0: {  	v55 =	vshra.s32 v54, $0xE  }
0xc1: {  	v0 =	vand.u32 $0x7, v54;
	v1 =	vand.u32 $0xFFFFFFF8, v55  }
0xc2: {  	v0 =	vor.u32 v0, v1;
	_ =	sdelay $0x4  }
0xc3: {  	[tilespmem:s14], [sflag:$0x1] =	stream.indirect_vreg.gather [hbm4b:s4+s3], $0x80, v0, vm0, $0xb8;
	[tilespmem:$0x1A780] =	vst v63  }
0xc4: {  	_ =	swait.ge [sflag:s18], $0x800  }
0xc5: {  	[sflag:s18] =	ssyncset.done $0x0  }
0xc6: {  	[sflag:s18] =	ssyncadd.s32 $0xFFFFF800  }
0xc7: {  	v1 =	vld [tilespmem:s22+$0x0]  }
0xc8: {  	v0 =	vld [tilespmem:s21+$0x0]  }
0xc9: {  	v56 =	vld [tilespmem:$0x5700]  }
0xca: {  	v57 =	vld [tilespmem:$0x5710]  }
0xcb: {  	v58 =	vld [tilespmem:$0x5720]  }
0xcc: {  	v60 =	vld [tilespmem:$0x5730];
	v59 =	vbroadcast v1, $0x0  }
0xcd: {  	v61 =	vld [tilespmem:$0x5740]  }
0xce: {  	v62 =	vld [tilespmem:$0x5750];
	v2 =	vmul.f32 v56, v59  }
0xcf: {  	v63 =	vld [tilespmem:$0x5760];
	v3 =	vmul.f32 v57, v59  }
0xd0: {  	v13 =	vld [tilespmem:$0x5770];
	v12 =	vmul.f32 v58, v59;
	[tilespmem:$0x6700] =	vst v2  }
0xd1: {  	v15 =	vld [tilespmem:$0x5780];
	v14 =	vmul.f32 v60, v59;
	[tilespmem:$0x6710] =	vst v3  }
0xd2: {  	v17 =	vld [tilespmem:$0x5790];
	v16 =	vmul.f32 v61, v59;
	[tilespmem:$0x6720] =	vst v12  }
0xd3: {  	v19 =	vld [tilespmem:$0x57A0];
	v18 =	vmul.f32 v62, v59;
	[tilespmem:$0x6730] =	vst v14  }
0xd4: {  	v22 =	vld [tilespmem:$0x57B0];
	v21 =	vbroadcast v1, $0x1;
	v20 =	vmul.f32 v63, v59;
	[tilespmem:$0x6740] =	vst v16  }
0xd5: {  	v24 =	vld [tilespmem:$0x57C0];
	v23 =	vmul.f32 v13, v59;
	[tilespmem:$0x6750] =	vst v18  }
0xd6: {  	v26 =	vld [tilespmem:$0x57D0];
	v25 =	vmul.f32 v15, v21;
	[tilespmem:$0x6760] =	vst v20  }
0xd7: {  	v28 =	vld [tilespmem:$0x57E0];
	v27 =	vmul.f32 v17, v21;
	[tilespmem:$0x6770] =	vst v23  }
0xd8: {  	v30 =	vld [tilespmem:$0x57F0];
	v29 =	vmul.f32 v19, v21;
	[tilespmem:$0x6780] =	vst v25  }
0xd9: {  	v32 =	vld [tilespmem:$0x5800];
	v31 =	vmul.f32 v22, v21;
	[tilespmem:$0x6790] =	vst v27  }
0xda: {  	v34 =	vld [tilespmem:$0x5810];
	v33 =	vmul.f32 v24, v21;
	[tilespmem:$0x67A0] =	vst v29  }
0xdb: {  	v36 =	vld [tilespmem:$0x5820];
	v35 =	vmul.f32 v26, v21;
	[tilespmem:$0x67B0] =	vst v31  }
0xdc: {  	v39 =	vld [tilespmem:$0x5830];
	v38 =	vbroadcast v1, $0x2;
	v37 =	vmul.f32 v28, v21;
	[tilespmem:$0x67C0] =	vst v33  }
0xdd: {  	v41 =	vld [tilespmem:$0x5840];
	v40 =	vmul.f32 v30, v21;
	[tilespmem:$0x67D0] =	vst v35  }
0xde: {  	v43 =	vld [tilespmem:$0x5850];
	v42 =	vmul.f32 v32, v38;
	[tilespmem:$0x67E0] =	vst v37  }
0xdf: {  	v45 =	vld [tilespmem:$0x5860];
	v44 =	vmul.f32 v34, v38;
	[tilespmem:$0x67F0] =	vst v40  }
0xe0: {  	v47 =	vld [tilespmem:$0x5870];
	v46 =	vmul.f32 v36, v38;
	[tilespmem:$0x6800] =	vst v42  }
0xe1: {  	v49 =	vld [tilespmem:$0x5880];
	v48 =	vmul.f32 v39, v38;
	[tilespmem:$0x6810] =	vst v44  }
0xe2: {  	v51 =	vld [tilespmem:$0x5890];
	v50 =	vmul.f32 v41, v38;
	[tilespmem:$0x6820] =	vst v46  }
0xe3: {  	v53 =	vld [tilespmem:$0x58A0];
	v52 =	vmul.f32 v43, v38;
	[tilespmem:$0x6830] =	vst v48  }
0xe4: {  	v55 =	vbroadcast v1, $0x3;
	v54 =	vmul.f32 v45, v38;
	v56 =	vld [tilespmem:$0x58B0];
	[tilespmem:$0x6840] =	vst v50  }
0xe5: {  	v57 =	vmul.f32 v47, v38;
	v58 =	vld [tilespmem:$0x58C0];
	[tilespmem:$0x6850] =	vst v52  }
0xe6: {  	v59 =	vmul.f32 v49, v55;
	v60 =	vld [tilespmem:$0x58D0];
	[tilespmem:$0x6860] =	vst v54  }
0xe7: {  	v61 =	vmul.f32 v51, v55;
	v62 =	vld [tilespmem:$0x58E0];
	[tilespmem:$0x6870] =	vst v57  }
0xe8: {  	v63 =	vmul.f32 v53, v55;
	v21 =	vld [tilespmem:$0x5930];
	[tilespmem:$0x6880] =	vst v59  }
0xe9: {  	v38 =	vld [tilespmem:$0x59B0];
	[tilespmem:$0x6890] =	vst v61;
	v13 =	vmul.f32 v56, v55  }
0xea: {  	v12 =	vld [tilespmem:$0x58F0];
	[tilespmem:$0x68A0] =	vst v63;
	v15 =	vmul.f32 v58, v55  }
0xeb: {  	v14 =	vld [tilespmem:$0x5900];
	v20 =	vbroadcast v1, $0x4;
	v17 =	vmul.f32 v60, v55;
	[tilespmem:$0x68B0] =	vst v13  }
0xec: {  	v16 =	vld [tilespmem:$0x5910];
	v37 =	vbroadcast v1, $0x5;
	v19 =	vmul.f32 v62, v55;
	[tilespmem:$0x68C0] =	vst v15  }
0xed: {  	v18 =	vld [tilespmem:$0x5920];
	v30 =	vmul.f32 v21, v20;
	[tilespmem:$0x68D0] =	vst v17  }
0xee: {  	v23 =	vld [tilespmem:$0x5940];
	v47 =	vmul.f32 v38, v37;
	[tilespmem:$0x68E0] =	vst v19  }
0xef: {  	v25 =	vld [tilespmem:$0x5950];
	v22 =	vmul.f32 v12, v55;
	[tilespmem:$0x6930] =	vst v30  }
0xf0: {  	v27 =	vld [tilespmem:$0x5960];
	v24 =	vmul.f32 v14, v20;
	[tilespmem:$0x69B0] =	vst v47  }
0xf1: {  	v29 =	vld [tilespmem:$0x5970];
	v26 =	vmul.f32 v16, v20;
	[tilespmem:$0x68F0] =	vst v22  }
0xf2: {  	v31 =	vld [tilespmem:$0x5980];
	v28 =	vmul.f32 v18, v20;
	[tilespmem:$0x6900] =	vst v24  }
0xf3: {  	v33 =	vld [tilespmem:$0x5990];
	v32 =	vmul.f32 v23, v20;
	[tilespmem:$0x6910] =	vst v26  }
0xf4: {  	v35 =	vld [tilespmem:$0x59A0];
	v34 =	vmul.f32 v25, v20;
	[tilespmem:$0x6920] =	vst v28  }
0xf5: {  	v40 =	vld [tilespmem:$0x59C0];
	v36 =	vmul.f32 v27, v20;
	[tilespmem:$0x6940] =	vst v32  }
0xf6: {  	v42 =	vld [tilespmem:$0x59D0];
	v39 =	vmul.f32 v29, v20;
	[tilespmem:$0x6950] =	vst v34  }
0xf7: {  	v44 =	vld [tilespmem:$0x59E0];
	v41 =	vmul.f32 v31, v37;
	[tilespmem:$0x6960] =	vst v36  }
0xf8: {  	v46 =	vld [tilespmem:$0x59F0];
	v43 =	vmul.f32 v33, v37;
	[tilespmem:$0x6970] =	vst v39  }
0xf9: {  	v48 =	vld [tilespmem:$0x5A00];
	v45 =	vmul.f32 v35, v37;
	[tilespmem:$0x6980] =	vst v41  }
0xfa: {  	v50 =	vld [tilespmem:$0x5A10];
	v49 =	vmul.f32 v40, v37;
	[tilespmem:$0x6990] =	vst v43  }
0xfb: {  	v52 =	vld [tilespmem:$0x5A20];
	v51 =	vmul.f32 v42, v37;
	[tilespmem:$0x69A0] =	vst v45  }
0xfc: {  	v54 =	vbroadcast v1, $0x6;
	v57 =	vld [tilespmem:$0x5A40];
	v53 =	vmul.f32 v44, v37;
	[tilespmem:$0x69C0] =	vst v49  }
0xfd: {  	v59 =	vld [tilespmem:$0x5A50];
	v56 =	vmul.f32 v46, v37;
	[tilespmem:$0x69D0] =	vst v51  }
0xfe: {  	v61 =	vld [tilespmem:$0x5A60];
	v58 =	vmul.f32 v48, v54;
	[tilespmem:$0x69E0] =	vst v53  }
0xff: {  	v63 =	vld [tilespmem:$0x5A70];
	v60 =	vmul.f32 v50, v54;
	[tilespmem:$0x69F0] =	vst v56  }
0x100: {  	v55 =	vld [tilespmem:$0x5A30];
	v62 =	vmul.f32 v52, v54;
	[tilespmem:$0x6A00] =	vst v58  }
0x101: {  	v13 =	vld [tilespmem:$0x5A80];
	v14 =	vmul.f32 v57, v54;
	[tilespmem:$0x6A10] =	vst v60  }
0x102: {  	v15 =	vld [tilespmem:$0x5A90];
	v16 =	vmul.f32 v59, v54;
	[tilespmem:$0x6A20] =	vst v62  }
0x103: {  	v17 =	vld [tilespmem:$0x5AA0];
	v18 =	vmul.f32 v61, v54;
	[tilespmem:$0x6A40] =	vst v14  }
0x104: {  	v19 =	vbroadcast v1, $0x7;
	v20 =	vld [tilespmem:$0x5AB0];
	v21 =	vmul.f32 v63, v54;
	[tilespmem:$0x6A50] =	vst v16  }
0x105: {  	v30 =	vld [tilespmem:$0x5B00];
	[tilespmem:$0x6A60] =	vst v18;
	v12 =	vmul.f32 v55, v54  }
0x106: {  	v37 =	vld [tilespmem:$0x5B30];
	[tilespmem:$0x6A70] =	vst v21;
	v23 =	vmul.f32 v13, v19  }
0x107: {  	v47 =	vld [tilespmem:$0x5B80];
	v25 =	vmul.f32 v15, v19;
	[tilespmem:$0x6A30] =	vst v12  }
0x108: {  	v22 =	vld [tilespmem:$0x5AC0];
	v36 =	vbroadcast v1, $0x8;
	v27 =	vmul.f32 v17, v19;
	[tilespmem:$0x6A80] =	vst v23  }
0x109: {  	v24 =	vld [tilespmem:$0x5AD0];
	v29 =	vmul.f32 v20, v19;
	[tilespmem:$0x6A90] =	vst v25  }
0x10a: {  	v26 =	vld [tilespmem:$0x5AE0];
	v53 =	vbroadcast v1, $0x9;
	v40 =	vmul.f32 v30, v36;
	[tilespmem:$0x6AA0] =	vst v27  }
0x10b: {  	v28 =	vld [tilespmem:$0x5AF0];
	v46 =	vmul.f32 v37, v36;
	[tilespmem:$0x6AB0] =	vst v29  }
0x10c: {  	v32 =	vld [tilespmem:$0x5B10];
	v57 =	vmul.f32 v47, v53;
	[tilespmem:$0x6B00] =	vst v40  }
0x10d: {  	v34 =	vld [tilespmem:$0x5B20];
	v31 =	vmul.f32 v22, v19;
	[tilespmem:$0x6B30] =	vst v46  }
0x10e: {  	v39 =	vld [tilespmem:$0x5B40];
	v33 =	vmul.f32 v24, v19;
	[tilespmem:$0x6B80] =	vst v57  }
0x10f: {  	v41 =	vld [tilespmem:$0x5B50];
	v35 =	vmul.f32 v26, v19;
	[tilespmem:$0x6AC0] =	vst v31  }
0x110: {  	v43 =	vld [tilespmem:$0x5B60];
	v38 =	vmul.f32 v28, v19;
	[tilespmem:$0x6AD0] =	vst v33  }
0x111: {  	v45 =	vld [tilespmem:$0x5B70];
	v42 =	vmul.f32 v32, v36;
	[tilespmem:$0x6AE0] =	vst v35  }
0x112: {  	v49 =	vld [tilespmem:$0x5B90];
	v44 =	vmul.f32 v34, v36;
	[tilespmem:$0x6AF0] =	vst v38  }
0x113: {  	v51 =	vld [tilespmem:$0x5BA0];
	v48 =	vmul.f32 v39, v36;
	[tilespmem:$0x6B10] =	vst v42  }
0x114: {  	v56 =	vld [tilespmem:$0x5BC0];
	v50 =	vmul.f32 v41, v36;
	[tilespmem:$0x6B20] =	vst v44  }
0x115: {  	v58 =	vld [tilespmem:$0x5BD0];
	v52 =	vmul.f32 v43, v36;
	[tilespmem:$0x6B40] =	vst v48  }
0x116: {  	v60 =	vld [tilespmem:$0x5BE0];
	v55 =	vmul.f32 v45, v36;
	[tilespmem:$0x6B50] =	vst v50  }
0x117: {  	v62 =	vld [tilespmem:$0x5BF0];
	v59 =	vmul.f32 v49, v53;
	[tilespmem:$0x6B60] =	vst v52  }
0x118: {  	v14 =	vld [tilespmem:$0x5C10];
	v61 =	vmul.f32 v51, v53;
	[tilespmem:$0x6B70] =	vst v55  }
0x119: {  	v16 =	vld [tilespmem:$0x5C20];
	v13 =	vmul.f32 v56, v53;
	[tilespmem:$0x6B90] =	vst v59  }
0x11a: {  	v21 =	vld [tilespmem:$0x5C40];
	v15 =	vmul.f32 v58, v53;
	[tilespmem:$0x6BA0] =	vst v61  }
0x11b: {  	v18 =	vbroadcast v1, $0xA;
	v54 =	vld [tilespmem:$0x5BB0];
	v17 =	vmul.f32 v60, v53;
	[tilespmem:$0x6BC0] =	vst v13  }
0x11c: {  	v12 =	vld [tilespmem:$0x5C00];
	v20 =	vmul.f32 v62, v53;
	[tilespmem:$0x6BD0] =	vst v15  }
0x11d: {  	v19 =	vld [tilespmem:$0x5C30];
	v24 =	vmul.f32 v14, v18;
	[tilespmem:$0x6BE0] =	vst v17  }
0x11e: {  	v23 =	vld [tilespmem:$0x5C50];
	v26 =	vmul.f32 v16, v18;
	[tilespmem:$0x6BF0] =	vst v20  }
0x11f: {  	v25 =	vld [tilespmem:$0x5C60];
	v30 =	vmul.f32 v21, v18;
	[tilespmem:$0x6C10] =	vst v24  }
0x120: {  	v27 =	vld [tilespmem:$0x5C70];
	[tilespmem:$0x6C20] =	vst v26;
	v63 =	vmul.f32 v54, v53  }
0x121: {  	v29 =	vld [tilespmem:$0x5C80];
	[tilespmem:$0x6C40] =	vst v30;
	v22 =	vmul.f32 v12, v18  }
0x122: {  	v36 =	vld [tilespmem:$0x5CB0];
	[tilespmem:$0x6BB0] =	vst v63;
	v28 =	vmul.f32 v19, v18  }
0x123: {  	v40 =	vld [tilespmem:$0x5CD0];
	v32 =	vmul.f32 v23, v18;
	[tilespmem:$0x6C00] =	vst v22  }
0x124: {  	v46 =	vld [tilespmem:$0x5D00];
	v35 =	vbroadcast v1, $0xB;
	v34 =	vmul.f32 v25, v18;
	[tilespmem:$0x6C30] =	vst v28  }
0x125: {  	v57 =	vld [tilespmem:$0x5D50];
	v37 =	vmul.f32 v27, v18;
	[tilespmem:$0x6C50] =	vst v32  }
0x126: {  	v31 =	vld [tilespmem:$0x5C90];
	v39 =	vmul.f32 v29, v35;
	[tilespmem:$0x6C60] =	vst v34  }
0x127: {  	v33 =	vld [tilespmem:$0x5CA0];
	v52 =	vbroadcast v1, $0xC;
	v45 =	vmul.f32 v36, v35;
	[tilespmem:$0x6C70] =	vst v37  }
0x128: {  	v38 =	vld [tilespmem:$0x5CC0];
	v49 =	vmul.f32 v40, v35;
	[tilespmem:$0x6C80] =	vst v39  }
0x129: {  	v42 =	vld [tilespmem:$0x5CE0];
	v56 =	vmul.f32 v46, v52;
	[tilespmem:$0x6CB0] =	vst v45  }
0x12a: {  	v44 =	vld [tilespmem:$0x5CF0];
	v14 =	vmul.f32 v57, v52;
	[tilespmem:$0x6CD0] =	vst v49  }
0x12b: {  	v48 =	vld [tilespmem:$0x5D10];
	v41 =	vmul.f32 v31, v35;
	[tilespmem:$0x6D00] =	vst v56  }
0x12c: {  	v50 =	vld [tilespmem:$0x5D20];
	v43 =	vmul.f32 v33, v35;
	[tilespmem:$0x6D50] =	vst v14  }
0x12d: {  	v55 =	vld [tilespmem:$0x5D40];
	v47 =	vmul.f32 v38, v35;
	[tilespmem:$0x6C90] =	vst v41  }
0x12e: {  	v59 =	vld [tilespmem:$0x5D60];
	v51 =	vmul.f32 v42, v35;
	[tilespmem:$0x6CA0] =	vst v43  }
0x12f: {  	v61 =	vld [tilespmem:$0x5D70];
	v54 =	vmul.f32 v44, v35;
	[tilespmem:$0x6CC0] =	vst v47  }
0x130: {  	v13 =	vld [tilespmem:$0x5D90];
	v58 =	vmul.f32 v48, v52;
	[tilespmem:$0x6CE0] =	vst v51  }
0x131: {  	v15 =	vld [tilespmem:$0x5DA0];
	v60 =	vmul.f32 v50, v52;
	[tilespmem:$0x6CF0] =	vst v54  }
0x132: {  	v20 =	vld [tilespmem:$0x5DC0];
	v12 =	vmul.f32 v55, v52;
	[tilespmem:$0x6D10] =	vst v58  }
0x133: {  	v17 =	vbroadcast v1, $0xD;
	v24 =	vld [tilespmem:$0x5DE0];
	v16 =	vmul.f32 v59, v52;
	[tilespmem:$0x6D20] =	vst v60  }
0x134: {  	v26 =	vld [tilespmem:$0x5DF0];
	v19 =	vmul.f32 v61, v52;
	[tilespmem:$0x6D40] =	vst v12  }
0x135: {  	v53 =	vld [tilespmem:$0x5D30];
	v23 =	vmul.f32 v13, v17;
	[tilespmem:$0x6D60] =	vst v16  }
0x136: {  	v30 =	vld [tilespmem:$0x5E10];
	v25 =	vmul.f32 v15, v17;
	[tilespmem:$0x6D70] =	vst v19  }
0x137: {  	v63 =	vld [tilespmem:$0x5D80];
	v29 =	vmul.f32 v20, v17;
	[tilespmem:$0x6D90] =	vst v23  }
0x138: {  	v18 =	vld [tilespmem:$0x5DB0];
	v33 =	vmul.f32 v24, v17;
	[tilespmem:$0x6DA0] =	vst v25  }
0x139: {  	v57 =	vld [tilespmem:$0x5EE0];
	v34 =	vbroadcast v1, $0xE;
	v36 =	vmul.f32 v26, v17;
	[tilespmem:$0x6DC0] =	vst v29  }
0x13a: {  	v22 =	vld [tilespmem:$0x5DD0];
	v62 =	vmul.f32 v53, v52;
	[tilespmem:$0x6DE0] =	vst v33  }
0x13b: {  	v28 =	vld [tilespmem:$0x5E00];
	[tilespmem:$0x6DF0] =	vst v36;
	v40 =	vmul.f32 v30, v34  }
0x13c: {  	v32 =	vld [tilespmem:$0x5E20];
	v1 =	vbroadcast v1, $0xF;
	[tilespmem:$0x6D30] =	vst v62;
	v21 =	vmul.f32 v63, v17  }
0x13d: {  	v35 =	vld [tilespmem:$0x5E30];
	v27 =	vmul.f32 v18, v17;
	[tilespmem:$0x6E10] =	vst v40  }
0x13e: {  	v37 =	vld [tilespmem:$0x5E40];
	v63 =	vmul.f32 v57, v1;
	[tilespmem:$0x6D80] =	vst v21  }
0x13f: {  	v39 =	vld [tilespmem:$0x5E50];
	[tilespmem:$0x6DB0] =	vst v27;
	v31 =	vmul.f32 v22, v17  }
0x140: {  	v45 =	vld [tilespmem:$0x5E80];
	v38 =	vmul.f32 v28, v34;
	[tilespmem:$0x6EE0] =	vst v63  }
0x141: {  	v49 =	vld [tilespmem:$0x5EA0];
	v42 =	vmul.f32 v32, v34;
	[tilespmem:$0x6DD0] =	vst v31  }
0x142: {  	v55 =	vld [tilespmem:$0x5ED0];
	v44 =	vmul.f32 v35, v34;
	[tilespmem:$0x6E00] =	vst v38  }
0x143: {  	v53 =	vld [tilespmem:$0x5EC0];
	v46 =	vmul.f32 v37, v34;
	[tilespmem:$0x6E20] =	vst v42  }
0x144: {  	v41 =	vld [tilespmem:$0x5E60];
	v48 =	vmul.f32 v39, v34;
	[tilespmem:$0x6E30] =	vst v44  }
0x145: {  	v43 =	vld [tilespmem:$0x5E70];
	v54 =	vmul.f32 v45, v1;
	[tilespmem:$0x6E40] =	vst v46  }
0x146: {  	v47 =	vld [tilespmem:$0x5E90];
	v58 =	vmul.f32 v49, v1;
	[tilespmem:$0x6E50] =	vst v48  }
0x147: {  	v51 =	vld [tilespmem:$0x5EB0];
	v62 =	vmul.f32 v55, v1;
	[tilespmem:$0x6E80] =	vst v54  }
0x148: {  	v59 =	vld [tilespmem:$0x5EF0];
	v61 =	vmul.f32 v53, v1;
	[tilespmem:$0x6EA0] =	vst v58  }
0x149: {  	v50 =	vmul.f32 v41, v34;
	[tilespmem:$0x6ED0] =	vst v62  }
0x14a: {  	v0 =	vshrl.u32 v0, $0x3;
	v52 =	vmul.f32 v43, v34;
	[tilespmem:$0x6EC0] =	vst v61  }
0x14b: {  	v0 =	vand.u32 $0x3FFF, v0;
	v56 =	vmul.f32 v47, v1;
	[tilespmem:$0x6E60] =	vst v50  }
0x14c: {  	v60 =	vmul.f32 v51, v1;
	[tilespmem:$0x6E70] =	vst v52  }
0x14d: {  	v1 =	vmul.f32 v59, v1;
	[tilespmem:$0x6E90] =	vst v56  }
0x14e: {  	p0 =	sne.s32 s23, $0x2760;
	[tilespmem:$0x6EB0] =	vst v60  }
.Ltmp0:
0x14f: {  	[tilespmem:$0x6EF0] =	vst v1;
	(pc) =	sbr.rel @p0 .LBB2_2-.Ltmp0, $4  }
0x150: {  	[spmem:s2] =	stream.indirect_vreg.scatter.add.f32 [tilespmem:s19], [sflag:$0x3], $0x80, v0, vm0, $0xb8;
	[tilespmem:$0x1A780] =	vst v63  }
0x151: {  	_ =	swait.ge [sflag:s10], $0x800  }
0x152: {  	s23 =	sadd.s32 $0x20, s23;
	[sflag:s10] =	ssyncset.done $0x0  }
0x153: {  	s21 =	sadd.s32 $0x20, s21;
	s22 =	sadd.s32 $0x20, s22;
	[sflag:s10] =	ssyncadd.s32 $0xFFFFF800  }
0x154: {  	_ =	swait.ge [sflag:s16], $0x800  }
0x155: {  	s20 =	sadd.s32 $0x1, s20;
	[sflag:s16] =	ssyncset.done $0x0  }
0x156: {  	p0 =	sne.s32 s20, s9;
	[sflag:s16] =	ssyncadd.s32 $0xFFFFF800  }
.Ltmp1:
0x157: {  	[bflag:$0x0] =	sbarrier.arrive $0xFFFF;
	(pc) =	sbr.rel @p0 .LBB2_1-.Ltmp1, $4  }
0x158: {  	[hbm:s8], [sflag:s12] =	dma.local [spmem:s13], $0x2800  }
0x159: {  	_ =	swait.ge [sflag:s10], $0x2800  }
0x15a: {  	[sflag:s10] =	ssyncset.done $0x0  }
0x15b: {  	[sflag:s10] =	ssyncadd.s32 $0xFFFFD800  }
0x15c: {  	_ =	sfence.sel $0x180000  }
0x15d: {  	[bflag:$0x0] =	sbarrier.arrive $0xFFFF  }
0x15e: {  	p0 =	sne.s32 s0, $0x0;
	_ =	strace $0x9000004A  }
0x15f: {  	s0 =	sadd.s32 @!p0 $0x100000, s1;
	[bflag:$0x2] =	sbarrier.arrive $0xFFFF  }
0x160: {  	[sflag:s0] =	ssyncadd.tile.s32 @!p0 $0x1;
	_ =	shalt  }
.Lfunc_end2:
_tile_overlayer_lowered:
.L_overlay_start_2:
0x161: {  	(tag) =	ssettag $0x2  }
0x162: {  	s0 =	rddreg [dreg:$0x0];
	s2 =	stileid.u32  }
0x163: {  	s1 =	rddreg [dreg:$0x1];
	p0 =	sne.s32 s2, $0x0  }
0x164: {  	s3 =	rddreg [dreg:$0x2];
	[bflag:$0x3] =	sbarrier.arrive $0xFFFF;
	s2 =	simm.s32 @!p0 $0x1C03  }
0x165: {  	[timem:s3], [sflag:s2] =	dma.local @!p0 [hbm:s0], s1  }
0x166: {  	s0 =	simm.s32 @!p0 $0x3  }
0x167: {  	_ =	swait.ge @!p0 [sflag:s0], s1  }
0x168: {  	s1 =	ssub.s32 @!p0 $0x0, s1;
	[sflag:s0] =	ssyncset.done @!p0 $0x0  }
0x169: {  	[sflag:s0] =	ssyncadd.s32 @!p0 s1  }
0x16a: {  	[bflag:$0x3] =	sbarrier.arrive $0xFFFF  }
0x16b: {  	_ =	shalt  }

</sc_bundles>
